<compile_context>
chip_gen: v7x
topology: tpu7x:2x2x1
jax: 0.10.2.dev20260603
libtpu: 0.0.44.dev20260713+nightly
codegen_flags: <defaults>
</compile_context>

<pallas_src>
import functools

import jax
import jax.numpy as jnp
import numpy as np
from jax import lax
from jax.experimental import pallas as pl
from jax.experimental.pallas import tpu as pltpu
from jax.experimental.pallas import tpu_sc as plsc

N_NODES = 10000
N_EDGES = 320000
D = 128
DH = D // 2

NC = 2
NS = 16
NW = NC * NS
CHUNK = 80

NSLICE = 5
SLICE_E = N_EDGES // NSLICE
EPW_S = SLICE_E // NW
NCHUNKS_S = EPW_S // CHUNK
EBLK = 2560
CBLKS = SLICE_E // EBLK

_DN = (((1,), (1,)), ((), ()))

_PIDX = np.arange(D).reshape(D // 32, 2, 16)
PERM_LO = _PIDX[:, 0, :].ravel()
PERM_HI = _PIDX[:, 1, :].ravel()


def _node_proj_body(nf_ref, ws_ref, wd_ref, b1_ref, ts_ref, td_ref):
    nf = nf_ref[...]
    ts_ref[...] = lax.dot_general(nf, ws_ref[...], _DN, preferred_element_type=jnp.float32)
    td_ref[...] = (
        lax.dot_general(nf, wd_ref[...], _DN, preferred_element_type=jnp.float32)
        + b1_ref[...]
    )


def _node_proj(node_feats, W_src, W_dst, b1):
    nblk = 2000
    grid = (N_NODES // nblk,)
    whole = lambda i: (0, 0)
    return pl.pallas_call(
        _node_proj_body,
        grid=grid,
        in_specs=[
            pl.BlockSpec((nblk, D), lambda i: (i, 0)),
            pl.BlockSpec((D, D), whole),
            pl.BlockSpec((D, D), whole),
            pl.BlockSpec((1, D), whole),
        ],
        out_specs=[
            pl.BlockSpec((nblk, D), lambda i: (i, 0)),
            pl.BlockSpec((nblk, D), lambda i: (i, 0)),
        ],
        out_shape=[
            jax.ShapeDtypeStruct((N_NODES, D), jnp.float32),
            jax.ShapeDtypeStruct((N_NODES, D), jnp.float32),
        ],
    )(node_feats, W_src, W_dst, b1)


def _rne_bf16_bits(s_bits):
    return lax.shift_right_logical(
        s_bits + jnp.int32(0x7FFF)
        + lax.bitwise_and(lax.shift_right_logical(s_bits, 16), jnp.int32(1)),
        16)


def _gather_sum_body(sbase, ts_hbm, td_hbm, src_hbm, dst_hbm, out_hbm,
                     idx_sa, idx_da, rows_s, rows_d, rows_o, sem_s, sem_d):
    wid = lax.axis_index("s") * NC + lax.axis_index("c")
    wbase = wid * EPW_S

    pltpu.sync_copy(src_hbm.at[pl.ds(sbase + wbase, EPW_S)], idx_sa)
    pltpu.sync_copy(dst_hbm.at[pl.ds(sbase + wbase, EPW_S)], idx_da)

    def issue(c, b):
        off = pl.multiple_of(c * CHUNK, 8)
        pltpu.async_copy(ts_hbm.at[idx_sa.at[pl.ds(off, CHUNK)]], rows_s[b], sem_s[b])
        pltpu.async_copy(td_hbm.at[idx_da.at[pl.ds(off, CHUNK)]], rows_d[b], sem_d[b])

    def process(c, b):
        off = pl.multiple_of(c * CHUNK, 8)
        pltpu.make_async_copy(
            ts_hbm.at[idx_sa.at[pl.ds(off, CHUNK)]], rows_s[b], sem_s[b]).wait()
        pltpu.make_async_copy(
            td_hbm.at[idx_da.at[pl.ds(off, CHUNK)]], rows_d[b], sem_d[b]).wait()

        def add_body(e, acc):
            for j in range(D // 32):
                lo = (e, pl.ds(j * 32, 16))
                hi = (e, pl.ds(j * 32 + 16, 16))
                s_lo = lax.bitcast_convert_type(
                    rows_s[b][lo] + rows_d[b][lo], jnp.int32)
                s_hi = lax.bitcast_convert_type(
                    rows_s[b][hi] + rows_d[b][hi], jnp.int32)
                rows_o[b][e, pl.ds(j * 16, 16)] = lax.bitwise_or(
                    _rne_bf16_bits(s_lo),
                    lax.shift_left(_rne_bf16_bits(s_hi), 16))
            return acc

        lax.fori_loop(0, CHUNK, add_body, 0)
        pltpu.sync_copy(rows_o[b], out_hbm.at[pl.ds(wbase + c * CHUNK, CHUNK)])

    issue(0, 0)

    def pair_body(p, carry):
        for b in range(2):
            c = 2 * p + b
            nxt = c + 1

            @pl.when(nxt < NCHUNKS_S)
            def _():
                issue(nxt, 1 - b)

            @pl.when(c < NCHUNKS_S)
            def _():
                process(c, b)
        return carry

    lax.fori_loop(0, (NCHUNKS_S + 1) // 2, pair_body, 0)


def _gather_sum(t_src, t_dst, src, dst, sbase):
    mesh = plsc.VectorSubcoreMesh(
        core_axis_name="c", subcore_axis_name="s", num_cores=NC, num_subcores=NS
    )
    fn = pl.kernel(
        functools.partial(_gather_sum_body, sbase),
        out_type=jax.ShapeDtypeStruct((SLICE_E, DH), jnp.int32),
        mesh=mesh,
        scratch_types=[
            pltpu.VMEM((EPW_S,), jnp.int32),
            pltpu.VMEM((EPW_S,), jnp.int32),
            [pltpu.VMEM((CHUNK, D), jnp.float32) for _ in range(2)],
            [pltpu.VMEM((CHUNK, D), jnp.float32) for _ in range(2)],
            [pltpu.VMEM((CHUNK, DH), jnp.int32) for _ in range(2)],
            [pltpu.SemaphoreType.DMA for _ in range(2)],
            [pltpu.SemaphoreType.DMA for _ in range(2)],
        ],
    )
    return fn(t_src, t_dst, src, dst)


def _edge_mlp_compute(ef_ref, g_ref, we_ref, wo_ref, bo_ref, out_ref):
    ef = ef_ref[...]
    me = lax.dot_general(ef, we_ref[...], _DN, preferred_element_type=jnp.float32)
    g_bits = g_ref[...]
    g_l = lax.bitcast_convert_type(lax.shift_left(g_bits, 16), jnp.float32)
    g_h = lax.bitcast_convert_type(
        lax.bitwise_and(g_bits, jnp.int32(-65536)), jnp.float32)
    g_cat = jnp.concatenate([g_l, g_h], axis=1)
    h = jnp.maximum(me + g_cat, 0.0)
    out = lax.dot_general(h, wo_ref[...], _DN, preferred_element_type=jnp.float32)
    out_ref[...] = out + bo_ref[...]


def _edge_mlp_body(ef_ref, g_ref, we_ref, wo_ref, bo_ref, out_ref):
    _edge_mlp_compute(ef_ref, g_ref, we_ref, wo_ref, bo_ref, out_ref)


def _edge_mlp_body_acc(ef_ref, g_ref, we_ref, wo_ref, bo_ref, acc_ref, out_ref):
    del acc_ref
    _edge_mlp_compute(ef_ref, g_ref, we_ref, wo_ref, bo_ref, out_ref)


def _edge_mlp_slice(edge_feats, g, W_ecat, Wo_cat, b_out, s, acc):
    whole = lambda i: (0, 0)
    in_specs = [
        pl.BlockSpec((EBLK, D), lambda i, s=s: (s * CBLKS + i, 0)),
        pl.BlockSpec((EBLK, DH), lambda i: (i, 0)),
        pl.BlockSpec((D, D), whole),
        pl.BlockSpec((D, D), whole),
        pl.BlockSpec((1, D), whole),
    ]
    args = [edge_feats, g, W_ecat, Wo_cat, b_out]
    kwargs = {}
    if acc is None:
        body = _edge_mlp_body
    else:
        body = _edge_mlp_body_acc
        in_specs.append(pl.BlockSpec((8, D), whole))
        args.append(acc)
        kwargs["input_output_aliases"] = {5: 0}
    return pl.pallas_call(
        body,
        grid=(CBLKS,),
        in_specs=in_specs,
        out_specs=pl.BlockSpec((EBLK, D), lambda i, s=s: (s * CBLKS + i, 0)),
        out_shape=jax.ShapeDtypeStruct((N_EDGES, D), jnp.float32),
        compiler_params=pltpu.CompilerParams(
            dimension_semantics=("arbitrary",),
        ),
        **kwargs,
    )(*args)


def kernel(edge_feats, node_feats, edge_index, W_edge, W_src, W_dst, b1, W_out, b_out):
    src = edge_index[0].astype(jnp.int32)
    dst = edge_index[1].astype(jnp.int32)
    t_src, t_dst = _node_proj(node_feats, W_src, W_dst, b1.reshape(1, D))
    W_ecat = jnp.concatenate([W_edge[PERM_LO], W_edge[PERM_HI]], axis=0)
    Wo_cat = jnp.concatenate([W_out[:, PERM_LO], W_out[:, PERM_HI]], axis=1)
    bo = b_out.reshape(1, D)
    gs = [_gather_sum(t_src, t_dst, src, dst, s * SLICE_E) for s in range(NSLICE)]
    out = _edge_mlp_slice(edge_feats, gs[0], W_ecat, Wo_cat, bo, 0, None)
    for s in range(1, NSLICE):
        out = _edge_mlp_slice(edge_feats, gs[s], W_ecat, Wo_cat, bo, s, out)
    return out

# --- scband reference (transcript-rebuilt; emitter-appended) ---
"""Pipeline reference for scband-mesh-graph-edge-mlpsum-16844861735261 (READ-ONLY COPY).

The authoritative reference and input builder live on the scoring server;
editing this copy changes nothing except your own understanding.
"""

import jax, jax.numpy as jnp
import numpy as np

N_NODES = 10000
N_EDGES = 320000
D = 128
HIDDEN = 128
OUT = 128

def setup_inputs(seed: int = 0) -> dict:
    key = jax.random.key(seed)
    ks = jax.random.split(key, 10)
    edge_feats = jax.random.normal(ks[0], (N_EDGES, D), dtype=jnp.float32)
    node_feats = jax.random.normal(ks[1], (N_NODES, D), dtype=jnp.float32)
    edge_index = jax.random.randint(ks[2], (2, N_EDGES), 0, N_NODES, dtype=jnp.int64)
    # parameters (glorot-ish scaling like nn.Linear defaults)
    lim1 = 1.0 / np.sqrt(3 * D)
    W_edge = jax.random.uniform(ks[3], (HIDDEN, D), minval=-lim1, maxval=lim1, dtype=jnp.float32)
    W_src = jax.random.uniform(ks[4], (HIDDEN, D), minval=-lim1, maxval=lim1, dtype=jnp.float32)
    W_dst = jax.random.uniform(ks[5], (HIDDEN, D), minval=-lim1, maxval=lim1, dtype=jnp.float32)
    b1 = jax.random.uniform(ks[6], (HIDDEN,), minval=-lim1, maxval=lim1, dtype=jnp.float32)
    lim2 = 1.0 / np.sqrt(HIDDEN)
    W_out = jax.random.uniform(ks[7], (OUT, HIDDEN), minval=-lim2, maxval=lim2, dtype=jnp.float32)
    b_out = jax.random.uniform(ks[8], (OUT,), minval=-lim2, maxval=lim2, dtype=jnp.float32)
    return {
        "edge_feats": edge_feats,
        "node_feats": node_feats,
        "edge_index": edge_index,
        "W_edge": W_edge,
        "W_src": W_src,
        "W_dst": W_dst,
        "b1": b1,
        "W_out": W_out,
        "b_out": b_out,
    }

def reference(edge_feats, node_feats, edge_index, W_edge, W_src, W_dst, b1, W_out, b_out):
    # separate linear projections; bias only on the dst projection (added once to the sum)
    mlp_edge = edge_feats @ W_edge.T
    mlp_src = node_feats @ W_src.T
    mlp_dst = node_feats @ W_dst.T + b1
    src = edge_index[0]
    dst = edge_index[1]
    # sum_efeat: per-edge gather of source/destination node projections + edge projection
    mlp_sum = mlp_edge + jnp.take(mlp_src, src, axis=0) + jnp.take(mlp_dst, dst, axis=0)
    # self.model = Sequential(ReLU, Linear(hidden, output)) for hidden_layers=1, no final layer norm
    h = jax.nn.relu(mlp_sum)
    out = h @ W_out.T + b_out
    return out

if __name__ == "__main__":
    import jax
    _d = setup_inputs()
    print(jax.jit(kernel)(*tuple(_d.values())))

</pallas_src>

<mosaic_0001>
#map = affine_map<(d0, d1) -> (0, 0)>
#map1 = affine_map<(d0, d1) -> (0)>
module attributes {stable_mosaic.version = 14 : i64} {
  func.func @_gather_sum_body(%arg0: i32, %arg1: i32, %arg2: memref<10000x128xf32, #tpu.memory_space<hbm>>, %arg3: memref<10000x128xf32, #tpu.memory_space<hbm>>, %arg4: memref<320000xi32, #tpu.memory_space<hbm>>, %arg5: memref<320000xi32, #tpu.memory_space<hbm>>, %arg6: memref<64000x64xi32, #tpu.memory_space<hbm>>, %arg7: memref<2000xi32, #tpu.memory_space<vmem>>, %arg8: memref<2000xi32, #tpu.memory_space<vmem>>, %arg9: memref<80x128xf32, #tpu.memory_space<vmem>>, %arg10: memref<80x128xf32, #tpu.memory_space<vmem>>, %arg11: memref<80x128xf32, #tpu.memory_space<vmem>>, %arg12: memref<80x128xf32, #tpu.memory_space<vmem>>, %arg13: memref<80x64xi32, #tpu.memory_space<vmem>>, %arg14: memref<80x64xi32, #tpu.memory_space<vmem>>, %arg15: memref<!tpu.dma_semaphore, #tpu.memory_space<semaphore_mem>>, %arg16: memref<!tpu.dma_semaphore, #tpu.memory_space<semaphore_mem>>, %arg17: memref<!tpu.dma_semaphore, #tpu.memory_space<semaphore_mem>>, %arg18: memref<!tpu.dma_semaphore, #tpu.memory_space<semaphore_mem>>) attributes {dimension_semantics = [#tpu.dimension_semantics<core_parallel>, #tpu.dimension_semantics<subcore_parallel>], iteration_bounds = array<i64: 2, 16>, scalar_prefetch = 0 : i64, scratch_operands = 12 : i64, tpu.core_type = #tpu.core_type<sc_vector_subcore>, window_params = [{transform_indices = #map}, {transform_indices = #map}, {transform_indices = #map1}, {transform_indices = #map1}, {transform_indices = #map}]} {
    %mul3A = arith.constant 2 : i32
    %mul3A_0 = arith.muli %arg1, %mul3A : i32
    %add3A = arith.addi %mul3A_0, %arg0 : i32
    %mul3A_1 = arith.constant 2000 : i32
    %mul3A_2 = arith.muli %add3A, %mul3A_1 : i32
    %add3A_3 = arith.constant 128000 : i32
    %add3A_4 = arith.addi %add3A_3, %mul3A_2 : i32
    "tpu.region"() ({
      %run_scoped3A = tpu.sem_alloc : memref<!tpu.dma_semaphore, #tpu.memory_space<semaphore_mem>>
      %dma_start3A_20 = tpu.memref_slice %arg4[%add3A_4] : memref<320000xi32, #tpu.memory_space<hbm>> -> memref<2000xi32, #tpu.memory_space<hbm>>
      %dma_start3A_21 = tpu.memref_slice %arg4[%add3A_4] : memref<320000xi32, #tpu.memory_space<hbm>> -> memref<2000xi32, #tpu.memory_space<hbm>>
      tpu.enqueue_dma source(%dma_start3A_21 : memref<2000xi32, #tpu.memory_space<hbm>>) target(%arg7 : memref<2000xi32, #tpu.memory_space<vmem>>) target_semaphore(%run_scoped3A : memref<!tpu.dma_semaphore, #tpu.memory_space<semaphore_mem>>)
      %dma_wait3A = tpu.memref_slice %arg4[%add3A_4] : memref<320000xi32, #tpu.memory_space<hbm>> -> memref<2000xi32, #tpu.memory_space<hbm>>
      %dma_wait3A_22 = tpu.memref_slice %arg4[%add3A_4] : memref<320000xi32, #tpu.memory_space<hbm>> -> memref<2000xi32, #tpu.memory_space<hbm>>
      tpu.wait_dma2 semaphore(%run_scoped3A : memref<!tpu.dma_semaphore, #tpu.memory_space<semaphore_mem>>) src(%dma_wait3A_22 : memref<2000xi32, #tpu.memory_space<hbm>>) dst(%arg7 : memref<2000xi32, #tpu.memory_space<vmem>>)
      tpu.yield
    }) : () -> ()
    %add3A_5 = arith.constant 128000 : i32
    %add3A_6 = arith.addi %add3A_5, %mul3A_2 : i32
    "tpu.region"() ({
      %run_scoped3A = tpu.sem_alloc : memref<!tpu.dma_semaphore, #tpu.memory_space<semaphore_mem>>
      %dma_start3A_20 = tpu.memref_slice %arg5[%add3A_6] : memref<320000xi32, #tpu.memory_space<hbm>> -> memref<2000xi32, #tpu.memory_space<hbm>>
      %dma_start3A_21 = tpu.memref_slice %arg5[%add3A_6] : memref<320000xi32, #tpu.memory_space<hbm>> -> memref<2000xi32, #tpu.memory_space<hbm>>
      tpu.enqueue_dma source(%dma_start3A_21 : memref<2000xi32, #tpu.memory_space<hbm>>) target(%arg8 : memref<2000xi32, #tpu.memory_space<vmem>>) target_semaphore(%run_scoped3A : memref<!tpu.dma_semaphore, #tpu.memory_space<semaphore_mem>>)
      %dma_wait3A = tpu.memref_slice %arg5[%add3A_6] : memref<320000xi32, #tpu.memory_space<hbm>> -> memref<2000xi32, #tpu.memory_space<hbm>>
      %dma_wait3A_22 = tpu.memref_slice %arg5[%add3A_6] : memref<320000xi32, #tpu.memory_space<hbm>> -> memref<2000xi32, #tpu.memory_space<hbm>>
      tpu.wait_dma2 semaphore(%run_scoped3A : memref<!tpu.dma_semaphore, #tpu.memory_space<semaphore_mem>>) src(%dma_wait3A_22 : memref<2000xi32, #tpu.memory_space<hbm>>) dst(%arg8 : memref<2000xi32, #tpu.memory_space<vmem>>)
      tpu.yield
    }) : () -> ()
    %multiple_of3A = arith.constant 0 : i32
    %multiple_of3A_7 = tpu.assume_multiple %multiple_of3A, 8 : i32
    %dma_start3A = tpu.memref_slice %arg7[%multiple_of3A_7] : memref<2000xi32, #tpu.memory_space<vmem>> -> memref<80xi32, #tpu.memory_space<vmem>>
    %dma_start3A_8 = arith.constant 0 : i32
    %dma_start3A_9 = arith.constant 0 : i32
    %dma_start3A_10 = tpu.memref_slice %arg2[%dma_start3A_8, %dma_start3A_9] : memref<10000x128xf32, #tpu.memory_space<hbm>> -> memref<10000x128xf32, #tpu.memory_space<hbm>>
    tpu.enqueue_indirect_dma source(%dma_start3A_10 : memref<10000x128xf32, #tpu.memory_space<hbm>>) target(%arg9 : memref<80x128xf32, #tpu.memory_space<vmem>>) offsets(%dma_start3A : memref<80xi32, #tpu.memory_space<vmem>>) semaphore(%arg15 : memref<!tpu.dma_semaphore, #tpu.memory_space<semaphore_mem>>)
    %dma_start3A_11 = tpu.memref_slice %arg8[%multiple_of3A_7] : memref<2000xi32, #tpu.memory_space<vmem>> -> memref<80xi32, #tpu.memory_space<vmem>>
    %dma_start3A_12 = arith.constant 0 : i32
    %dma_start3A_13 = arith.constant 0 : i32
    %dma_start3A_14 = tpu.memref_slice %arg3[%dma_start3A_12, %dma_start3A_13] : memref<10000x128xf32, #tpu.memory_space<hbm>> -> memref<10000x128xf32, #tpu.memory_space<hbm>>
    tpu.enqueue_indirect_dma source(%dma_start3A_14 : memref<10000x128xf32, #tpu.memory_space<hbm>>) target(%arg11 : memref<80x128xf32, #tpu.memory_space<vmem>>) offsets(%dma_start3A_11 : memref<80xi32, #tpu.memory_space<vmem>>) semaphore(%arg17 : memref<!tpu.dma_semaphore, #tpu.memory_space<semaphore_mem>>)
    %scan3A = arith.constant 0 : i32
    %scan3A_15 = arith.constant 0 : i32
    %scan3A_16 = arith.constant 13 : i32
    %scan3A_17 = arith.addi %scan3A_15, %scan3A_16 : i32
    %scan3A_18 = arith.constant 1 : i32
    scf.for %scan3A_20 = %scan3A_15 to %scan3A_17 step %scan3A_18  : i32 {
      %mul3A_21 = arith.constant 2 : i32
      %mul3A_22 = arith.muli %mul3A_21, %scan3A_20 : i32
      %add3A_23 = arith.constant 0 : i32
      %add3A_24 = arith.addi %mul3A_22, %add3A_23 : i32
      %add3A_25 = arith.constant 1 : i32
      %add3A_26 = arith.addi %add3A_24, %add3A_25 : i32
      %lt3A = arith.constant 25 : i32
      %lt3A_27 = arith.cmpi slt, %add3A_26, %lt3A : i32
      %convert_element_type3A = arith.extui %lt3A_27 : i1 to i32
      %cond3A = arith.constant 0 : i32
      %cond3A_28 = arith.cmpi ne, %convert_element_type3A, %cond3A : i32
      scf.if %cond3A_28 {
        %mul3A_50 = arith.constant 80 : i32
        %mul3A_51 = arith.muli %add3A_26, %mul3A_50 : i32
        %multiple_of3A_52 = tpu.assume_multiple %mul3A_51, 8 : i32
        %dma_start3A_53 = tpu.memref_slice %arg7[%multiple_of3A_52] : memref<2000xi32, #tpu.memory_space<vmem>> -> memref<80xi32, #tpu.memory_space<vmem>>
        %dma_start3A_54 = arith.constant 0 : i32
        %dma_start3A_55 = arith.constant 0 : i32
        %dma_start3A_56 = tpu.memref_slice %arg2[%dma_start3A_54, %dma_start3A_55] : memref<10000x128xf32, #tpu.memory_space<hbm>> -> memref<10000x128xf32, #tpu.memory_space<hbm>>
        tpu.enqueue_indirect_dma source(%dma_start3A_56 : memref<10000x128xf32, #tpu.memory_space<hbm>>) target(%arg10 : memref<80x128xf32, #tpu.memory_space<vmem>>) offsets(%dma_start3A_53 : memref<80xi32, #tpu.memory_space<vmem>>) semaphore(%arg16 : memref<!tpu.dma_semaphore, #tpu.memory_space<semaphore_mem>>)
        %dma_start3A_57 = tpu.memref_slice %arg8[%multiple_of3A_52] : memref<2000xi32, #tpu.memory_space<vmem>> -> memref<80xi32, #tpu.memory_space<vmem>>
        %dma_start3A_58 = arith.constant 0 : i32
        %dma_start3A_59 = arith.constant 0 : i32
        %dma_start3A_60 = tpu.memref_slice %arg3[%dma_start3A_58, %dma_start3A_59] : memref<10000x128xf32, #tpu.memory_space<hbm>> -> memref<10000x128xf32, #tpu.memory_space<hbm>>
        tpu.enqueue_indirect_dma source(%dma_start3A_60 : memref<10000x128xf32, #tpu.memory_space<hbm>>) target(%arg12 : memref<80x128xf32, #tpu.memory_space<vmem>>) offsets(%dma_start3A_57 : memref<80xi32, #tpu.memory_space<vmem>>) semaphore(%arg18 : memref<!tpu.dma_semaphore, #tpu.memory_space<semaphore_mem>>)
      } else {
      }
      %lt3A_29 = arith.constant 25 : i32
      %lt3A_30 = arith.cmpi slt, %add3A_24, %lt3A_29 : i32
      %convert_element_type3A_31 = arith.extui %lt3A_30 : i1 to i32
      %cond3A_32 = arith.constant 0 : i32
      %cond3A_33 = arith.cmpi ne, %convert_element_type3A_31, %cond3A_32 : i32
      scf.if %cond3A_33 {
        %mul3A_50 = arith.constant 80 : i32
        %mul3A_51 = arith.muli %add3A_24, %mul3A_50 : i32
        %multiple_of3A_52 = tpu.assume_multiple %mul3A_51, 8 : i32
        %dma_wait3A = tpu.memref_slice %arg7[%multiple_of3A_52] : memref<2000xi32, #tpu.memory_space<vmem>> -> memref<80xi32, #tpu.memory_space<vmem>>
        %dma_wait3A_53 = arith.constant 0 : i32
        %dma_wait3A_54 = arith.constant 0 : i32
        %dma_wait3A_55 = tpu.memref_slice %arg2[%dma_wait3A_53, %dma_wait3A_54] : memref<10000x128xf32, #tpu.memory_space<hbm>> -> memref<10000x128xf32, #tpu.memory_space<hbm>>
        tpu.wait_indirect_dma semaphore(%arg15 : memref<!tpu.dma_semaphore, #tpu.memory_space<semaphore_mem>>) src(%dma_wait3A_55 : memref<10000x128xf32, #tpu.memory_space<hbm>>) dst(%arg9 : memref<80x128xf32, #tpu.memory_space<vmem>>)
        %dma_wait3A_56 = tpu.memref_slice %arg8[%multiple_of3A_52] : memref<2000xi32, #tpu.memory_space<vmem>> -> memref<80xi32, #tpu.memory_space<vmem>>
        %dma_wait3A_57 = arith.constant 0 : i32
        %dma_wait3A_58 = arith.constant 0 : i32
        %dma_wait3A_59 = tpu.memref_slice %arg3[%dma_wait3A_57, %dma_wait3A_58] : memref<10000x128xf32, #tpu.memory_space<hbm>> -> memref<10000x128xf32, #tpu.memory_space<hbm>>
        tpu.wait_indirect_dma semaphore(%arg17 : memref<!tpu.dma_semaphore, #tpu.memory_space<semaphore_mem>>) src(%dma_wait3A_59 : memref<10000x128xf32, #tpu.memory_space<hbm>>) dst(%arg11 : memref<80x128xf32, #tpu.memory_space<vmem>>)
        %scan3A_60 = arith.constant 0 : i32
        %scan3A_61 = arith.constant 0 : i32
        %scan3A_62 = arith.constant 80 : i32
        %scan3A_63 = arith.addi %scan3A_61, %scan3A_62 : i32
        %scan3A_64 = arith.constant 1 : i32
        scf.for %scan3A_69 = %scan3A_61 to %scan3A_63 step %scan3A_64  : i32 {
          %get3A = arith.index_cast %scan3A_69 : i32 to index
          %get3A_70 = arith.constant 0 : index
          %get3A_71 = tpu.vector_load %arg9[%get3A, %get3A_70] {strides = array<i32>} : memref<80x128xf32, #tpu.memory_space<vmem>>, vector<1x16xf32>,
          %get3A_72 = vector.shape_cast %get3A_71 : vector<1x16xf32> to vector<16xf32>
          %get3A_73 = arith.index_cast %scan3A_69 : i32 to index
          %get3A_74 = arith.constant 0 : index
          %get3A_75 = tpu.vector_load %arg11[%get3A_73, %get3A_74] {strides = array<i32>} : memref<80x128xf32, #tpu.memory_space<vmem>>, vector<1x16xf32>,
          %get3A_76 = vector.shape_cast %get3A_75 : vector<1x16xf32> to vector<16xf32>
          %add3A_77 = arith.addf %get3A_72, %get3A_76 : vector<16xf32>
          %bitcast_convert_type3A = tpu.bitcast %add3A_77 : vector<16xf32> -> vector<16xi32>
          %get3A_78 = arith.index_cast %scan3A_69 : i32 to index
          %get3A_79 = arith.constant 16 : index
          %get3A_80 = tpu.vector_load %arg9[%get3A_78, %get3A_79] {strides = array<i32>} : memref<80x128xf32, #tpu.memory_space<vmem>>, vector<1x16xf32>,
          %get3A_81 = vector.shape_cast %get3A_80 : vector<1x16xf32> to vector<16xf32>
          %get3A_82 = arith.index_cast %scan3A_69 : i32 to index
          %get3A_83 = arith.constant 16 : index
          %get3A_84 = tpu.vector_load %arg11[%get3A_82, %get3A_83] {strides = array<i32>} : memref<80x128xf32, #tpu.memory_space<vmem>>, vector<1x16xf32>,
          %get3A_85 = vector.shape_cast %get3A_84 : vector<1x16xf32> to vector<16xf32>
          %add3A_86 = arith.addf %get3A_81, %get3A_85 : vector<16xf32>
          %bitcast_convert_type3A_87 = tpu.bitcast %add3A_86 : vector<16xf32> -> vector<16xi32>
          %add3A_88 = arith.constant 32767 : i32
          %add3A_89 = vector.broadcast %add3A_88 : i32 to vector<16xi32>
          %add3A_90 = arith.addi %bitcast_convert_type3A, %add3A_89 : vector<16xi32>
          %shift_right_logical3A = arith.constant 16 : i32
          %shift_right_logical3A_91 = vector.broadcast %shift_right_logical3A : i32 to vector<16xi32>
          %shift_right_logical3A_92 = arith.shrui %bitcast_convert_type3A, %shift_right_logical3A_91 : vector<16xi32>
          %and3A = arith.constant 1 : i32
          %and3A_93 = vector.broadcast %and3A : i32 to vector<16xi32>
          %and3A_94 = arith.andi %shift_right_logical3A_92, %and3A_93 : vector<16xi32>
          %add3A_95 = arith.addi %add3A_90, %and3A_94 : vector<16xi32>
          %shift_right_logical3A_96 = arith.constant 16 : i32
          %shift_right_logical3A_97 = vector.broadcast %shift_right_logical3A_96 : i32 to vector<16xi32>
          %shift_right_logical3A_98 = arith.shrui %add3A_95, %shift_right_logical3A_97 : vector<16xi32>
          %add3A_99 = arith.constant 32767 : i32
          %add3A_100 = vector.broadcast %add3A_99 : i32 to vector<16xi32>
          %add3A_101 = arith.addi %bitcast_convert_type3A_87, %add3A_100 : vector<16xi32>
          %shift_right_logical3A_102 = arith.constant 16 : i32
          %shift_right_logical3A_103 = vector.broadcast %shift_right_logical3A_102 : i32 to vector<16xi32>
          %shift_right_logical3A_104 = arith.shrui %bitcast_convert_type3A_87, %shift_right_logical3A_103 : vector<16xi32>
          %and3A_105 = arith.constant 1 : i32
          %and3A_106 = vector.broadcast %and3A_105 : i32 to vector<16xi32>
          %and3A_107 = arith.andi %shift_right_logical3A_104, %and3A_106 : vector<16xi32>
          %add3A_108 = arith.addi %add3A_101, %and3A_107 : vector<16xi32>
          %shift_right_logical3A_109 = arith.constant 16 : i32
          %shift_right_logical3A_110 = vector.broadcast %shift_right_logical3A_109 : i32 to vector<16xi32>
          %shift_right_logical3A_111 = arith.shrui %add3A_108, %shift_right_logical3A_110 : vector<16xi32>
          %shift_left3A = arith.constant 16 : i32
          %shift_left3A_112 = vector.broadcast %shift_left3A : i32 to vector<16xi32>
          %shift_left3A_113 = arith.shli %shift_right_logical3A_111, %shift_left3A_112 : vector<16xi32>
          %or3A = arith.ori %shift_right_logical3A_98, %shift_left3A_113 : vector<16xi32>
          %swap3A = arith.index_cast %scan3A_69 : i32 to index
          %swap3A_114 = arith.constant 0 : index
          %swap3A_115 = tpu.vector_load %arg13[%swap3A, %swap3A_114] {strides = array<i32>} : memref<80x64xi32, #tpu.memory_space<vmem>>, vector<1x16xi32>,
          %swap3A_116 = vector.shape_cast %swap3A_115 : vector<1x16xi32> to vector<16xi32>
          %swap3A_117 = vector.shape_cast %or3A : vector<16xi32> to vector<1x16xi32>
          tpu.vector_store %arg13[%swap3A, %swap3A_114], %swap3A_117 {strides = array<i32>} : memref<80x64xi32, #tpu.memory_space<vmem>>, vector<1x16xi32>,
          %get3A_118 = arith.index_cast %scan3A_69 : i32 to index
          %get3A_119 = arith.constant 32 : index
          %get3A_120 = tpu.vector_load %arg9[%get3A_118, %get3A_119] {strides = array<i32>} : memref<80x128xf32, #tpu.memory_space<vmem>>, vector<1x16xf32>,
          %get3A_121 = vector.shape_cast %get3A_120 : vector<1x16xf32> to vector<16xf32>
          %get3A_122 = arith.index_cast %scan3A_69 : i32 to index
          %get3A_123 = arith.constant 32 : index
          %get3A_124 = tpu.vector_load %arg11[%get3A_122, %get3A_123] {strides = array<i32>} : memref<80x128xf32, #tpu.memory_space<vmem>>, vector<1x16xf32>,
          %get3A_125 = vector.shape_cast %get3A_124 : vector<1x16xf32> to vector<16xf32>
          %add3A_126 = arith.addf %get3A_121, %get3A_125 : vector<16xf32>
          %bitcast_convert_type3A_127 = tpu.bitcast %add3A_126 : vector<16xf32> -> vector<16xi32>
          %get3A_128 = arith.index_cast %scan3A_69 : i32 to index
          %get3A_129 = arith.constant 48 : index
          %get3A_130 = tpu.vector_load %arg9[%get3A_128, %get3A_129] {strides = array<i32>} : memref<80x128xf32, #tpu.memory_space<vmem>>, vector<1x16xf32>,
          %get3A_131 = vector.shape_cast %get3A_130 : vector<1x16xf32> to vector<16xf32>
          %get3A_132 = arith.index_cast %scan3A_69 : i32 to index
          %get3A_133 = arith.constant 48 : index
          %get3A_134 = tpu.vector_load %arg11[%get3A_132, %get3A_133] {strides = array<i32>} : memref<80x128xf32, #tpu.memory_space<vmem>>, vector<1x16xf32>,
          %get3A_135 = vector.shape_cast %get3A_134 : vector<1x16xf32> to vector<16xf32>
          %add3A_136 = arith.addf %get3A_131, %get3A_135 : vector<16xf32>
          %bitcast_convert_type3A_137 = tpu.bitcast %add3A_136 : vector<16xf32> -> vector<16xi32>
          %add3A_138 = arith.constant 32767 : i32
          %add3A_139 = vector.broadcast %add3A_138 : i32 to vector<16xi32>
          %add3A_140 = arith.addi %bitcast_convert_type3A_127, %add3A_139 : vector<16xi32>
          %shift_right_logical3A_141 = arith.constant 16 : i32
          %shift_right_logical3A_142 = vector.broadcast %shift_right_logical3A_141 : i32 to vector<16xi32>
          %shift_right_logical3A_143 = arith.shrui %bitcast_convert_type3A_127, %shift_right_logical3A_142 : vector<16xi32>
          %and3A_144 = arith.constant 1 : i32
          %and3A_145 = vector.broadcast %and3A_144 : i32 to vector<16xi32>
          %and3A_146 = arith.andi %shift_right_logical3A_143, %and3A_145 : vector<16xi32>
          %add3A_147 = arith.addi %add3A_140, %and3A_146 : vector<16xi32>
          %shift_right_logical3A_148 = arith.constant 16 : i32
          %shift_right_logical3A_149 = vector.broadcast %shift_right_logical3A_148 : i32 to vector<16xi32>
          %shift_right_logical3A_150 = arith.shrui %add3A_147, %shift_right_logical3A_149 : vector<16xi32>
          %add3A_151 = arith.constant 32767 : i32
          %add3A_152 = vector.broadcast %add3A_151 : i32 to vector<16xi32>
          %add3A_153 = arith.addi %bitcast_convert_type3A_137, %add3A_152 : vector<16xi32>
          %shift_right_logical3A_154 = arith.constant 16 : i32
          %shift_right_logical3A_155 = vector.broadcast %shift_right_logical3A_154 : i32 to vector<16xi32>
          %shift_right_logical3A_156 = arith.shrui %bitcast_convert_type3A_137, %shift_right_logical3A_155 : vector<16xi32>
          %and3A_157 = arith.constant 1 : i32
          %and3A_158 = vector.broadcast %and3A_157 : i32 to vector<16xi32>
          %and3A_159 = arith.andi %shift_right_logical3A_156, %and3A_158 : vector<16xi32>
          %add3A_160 = arith.addi %add3A_153, %and3A_159 : vector<16xi32>
          %shift_right_logical3A_161 = arith.constant 16 : i32
          %shift_right_logical3A_162 = vector.broadcast %shift_right_logical3A_161 : i32 to vector<16xi32>
          %shift_right_logical3A_163 = arith.shrui %add3A_160, %shift_right_logical3A_162 : vector<16xi32>
          %shift_left3A_164 = arith.constant 16 : i32
          %shift_left3A_165 = vector.broadcast %shift_left3A_164 : i32 to vector<16xi32>
          %shift_left3A_166 = arith.shli %shift_right_logical3A_163, %shift_left3A_165 : vector<16xi32>
          %or3A_167 = arith.ori %shift_right_logical3A_150, %shift_left3A_166 : vector<16xi32>
          %swap3A_168 = arith.index_cast %scan3A_69 : i32 to index
          %swap3A_169 = arith.constant 16 : index
          %swap3A_170 = tpu.vector_load %arg13[%swap3A_168, %swap3A_169] {strides = array<i32>} : memref<80x64xi32, #tpu.memory_space<vmem>>, vector<1x16xi32>,
          %swap3A_171 = vector.shape_cast %swap3A_170 : vector<1x16xi32> to vector<16xi32>
          %swap3A_172 = vector.shape_cast %or3A_167 : vector<16xi32> to vector<1x16xi32>
          tpu.vector_store %arg13[%swap3A_168, %swap3A_169], %swap3A_172 {strides = array<i32>} : memref<80x64xi32, #tpu.memory_space<vmem>>, vector<1x16xi32>,
          %get3A_173 = arith.index_cast %scan3A_69 : i32 to index
          %get3A_174 = arith.constant 64 : index
          %get3A_175 = tpu.vector_load %arg9[%get3A_173, %get3A_174] {strides = array<i32>} : memref<80x128xf32, #tpu.memory_space<vmem>>, vector<1x16xf32>,
          %get3A_176 = vector.shape_cast %get3A_175 : vector<1x16xf32> to vector<16xf32>
          %get3A_177 = arith.index_cast %scan3A_69 : i32 to index
          %get3A_178 = arith.constant 64 : index
          %get3A_179 = tpu.vector_load %arg11[%get3A_177, %get3A_178] {strides = array<i32>} : memref<80x128xf32, #tpu.memory_space<vmem>>, vector<1x16xf32>,
          %get3A_180 = vector.shape_cast %get3A_179 : vector<1x16xf32> to vector<16xf32>
          %add3A_181 = arith.addf %get3A_176, %get3A_180 : vector<16xf32>
          %bitcast_convert_type3A_182 = tpu.bitcast %add3A_181 : vector<16xf32> -> vector<16xi32>
          %get3A_183 = arith.index_cast %scan3A_69 : i32 to index
          %get3A_184 = arith.constant 80 : index
          %get3A_185 = tpu.vector_load %arg9[%get3A_183, %get3A_184] {strides = array<i32>} : memref<80x128xf32, #tpu.memory_space<vmem>>, vector<1x16xf32>,
          %get3A_186 = vector.shape_cast %get3A_185 : vector<1x16xf32> to vector<16xf32>
          %get3A_187 = arith.index_cast %scan3A_69 : i32 to index
          %get3A_188 = arith.constant 80 : index
          %get3A_189 = tpu.vector_load %arg11[%get3A_187, %get3A_188] {strides = array<i32>} : memref<80x128xf32, #tpu.memory_space<vmem>>, vector<1x16xf32>,
          %get3A_190 = vector.shape_cast %get3A_189 : vector<1x16xf32> to vector<16xf32>
          %add3A_191 = arith.addf %get3A_186, %get3A_190 : vector<16xf32>
          %bitcast_convert_type3A_192 = tpu.bitcast %add3A_191 : vector<16xf32> -> vector<16xi32>
          %add3A_193 = arith.constant 32767 : i32
          %add3A_194 = vector.broadcast %add3A_193 : i32 to vector<16xi32>
          %add3A_195 = arith.addi %bitcast_convert_type3A_182, %add3A_194 : vector<16xi32>
          %shift_right_logical3A_196 = arith.constant 16 : i32
          %shift_right_logical3A_197 = vector.broadcast %shift_right_logical3A_196 : i32 to vector<16xi32>
          %shift_right_logical3A_198 = arith.shrui %bitcast_convert_type3A_182, %shift_right_logical3A_197 : vector<16xi32>
          %and3A_199 = arith.constant 1 : i32
          %and3A_200 = vector.broadcast %and3A_199 : i32 to vector<16xi32>
          %and3A_201 = arith.andi %shift_right_logical3A_198, %and3A_200 : vector<16xi32>
          %add3A_202 = arith.addi %add3A_195, %and3A_201 : vector<16xi32>
          %shift_right_logical3A_203 = arith.constant 16 : i32
          %shift_right_logical3A_204 = vector.broadcast %shift_right_logical3A_203 : i32 to vector<16xi32>
          %shift_right_logical3A_205 = arith.shrui %add3A_202, %shift_right_logical3A_204 : vector<16xi32>
          %add3A_206 = arith.constant 32767 : i32
          %add3A_207 = vector.broadcast %add3A_206 : i32 to vector<16xi32>
          %add3A_208 = arith.addi %bitcast_convert_type3A_192, %add3A_207 : vector<16xi32>
          %shift_right_logical3A_209 = arith.constant 16 : i32
          %shift_right_logical3A_210 = vector.broadcast %shift_right_logical3A_209 : i32 to vector<16xi32>
          %shift_right_logical3A_211 = arith.shrui %bitcast_convert_type3A_192, %shift_right_logical3A_210 : vector<16xi32>
          %and3A_212 = arith.constant 1 : i32
          %and3A_213 = vector.broadcast %and3A_212 : i32 to vector<16xi32>
          %and3A_214 = arith.andi %shift_right_logical3A_211, %and3A_213 : vector<16xi32>
          %add3A_215 = arith.addi %add3A_208, %and3A_214 : vector<16xi32>
          %shift_right_logical3A_216 = arith.constant 16 : i32
          %shift_right_logical3A_217 = vector.broadcast %shift_right_logical3A_216 : i32 to vector<16xi32>
          %shift_right_logical3A_218 = arith.shrui %add3A_215, %shift_right_logical3A_217 : vector<16xi32>
          %shift_left3A_219 = arith.constant 16 : i32
          %shift_left3A_220 = vector.broadcast %shift_left3A_219 : i32 to vector<16xi32>
          %shift_left3A_221 = arith.shli %shift_right_logical3A_218, %shift_left3A_220 : vector<16xi32>
          %or3A_222 = arith.ori %shift_right_logical3A_205, %shift_left3A_221 : vector<16xi32>
          %swap3A_223 = arith.index_cast %scan3A_69 : i32 to index
          %swap3A_224 = arith.constant 32 : index
          %swap3A_225 = tpu.vector_load %arg13[%swap3A_223, %swap3A_224] {strides = array<i32>} : memref<80x64xi32, #tpu.memory_space<vmem>>, vector<1x16xi32>,
          %swap3A_226 = vector.shape_cast %swap3A_225 : vector<1x16xi32> to vector<16xi32>
          %swap3A_227 = vector.shape_cast %or3A_222 : vector<16xi32> to vector<1x16xi32>
          tpu.vector_store %arg13[%swap3A_223, %swap3A_224], %swap3A_227 {strides = array<i32>} : memref<80x64xi32, #tpu.memory_space<vmem>>, vector<1x16xi32>,
          %get3A_228 = arith.index_cast %scan3A_69 : i32 to index
          %get3A_229 = arith.constant 96 : index
          %get3A_230 = tpu.vector_load %arg9[%get3A_228, %get3A_229] {strides = array<i32>} : memref<80x128xf32, #tpu.memory_space<vmem>>, vector<1x16xf32>,
          %get3A_231 = vector.shape_cast %get3A_230 : vector<1x16xf32> to vector<16xf32>
          %get3A_232 = arith.index_cast %scan3A_69 : i32 to index
          %get3A_233 = arith.constant 96 : index
          %get3A_234 = tpu.vector_load %arg11[%get3A_232, %get3A_233] {strides = array<i32>} : memref<80x128xf32, #tpu.memory_space<vmem>>, vector<1x16xf32>,
          %get3A_235 = vector.shape_cast %get3A_234 : vector<1x16xf32> to vector<16xf32>
          %add3A_236 = arith.addf %get3A_231, %get3A_235 : vector<16xf32>
          %bitcast_convert_type3A_237 = tpu.bitcast %add3A_236 : vector<16xf32> -> vector<16xi32>
          %get3A_238 = arith.index_cast %scan3A_69 : i32 to index
          %get3A_239 = arith.constant 112 : index
          %get3A_240 = tpu.vector_load %arg9[%get3A_238, %get3A_239] {strides = array<i32>} : memref<80x128xf32, #tpu.memory_space<vmem>>, vector<1x16xf32>,
          %get3A_241 = vector.shape_cast %get3A_240 : vector<1x16xf32> to vector<16xf32>
          %get3A_242 = arith.index_cast %scan3A_69 : i32 to index
          %get3A_243 = arith.constant 112 : index
          %get3A_244 = tpu.vector_load %arg11[%get3A_242, %get3A_243] {strides = array<i32>} : memref<80x128xf32, #tpu.memory_space<vmem>>, vector<1x16xf32>,
          %get3A_245 = vector.shape_cast %get3A_244 : vector<1x16xf32> to vector<16xf32>
          %add3A_246 = arith.addf %get3A_241, %get3A_245 : vector<16xf32>
          %bitcast_convert_type3A_247 = tpu.bitcast %add3A_246 : vector<16xf32> -> vector<16xi32>
          %add3A_248 = arith.constant 32767 : i32
          %add3A_249 = vector.broadcast %add3A_248 : i32 to vector<16xi32>
          %add3A_250 = arith.addi %bitcast_convert_type3A_237, %add3A_249 : vector<16xi32>
          %shift_right_logical3A_251 = arith.constant 16 : i32
          %shift_right_logical3A_252 = vector.broadcast %shift_right_logical3A_251 : i32 to vector<16xi32>
          %shift_right_logical3A_253 = arith.shrui %bitcast_convert_type3A_237, %shift_right_logical3A_252 : vector<16xi32>
          %and3A_254 = arith.constant 1 : i32
          %and3A_255 = vector.broadcast %and3A_254 : i32 to vector<16xi32>
          %and3A_256 = arith.andi %shift_right_logical3A_253, %and3A_255 : vector<16xi32>
          %add3A_257 = arith.addi %add3A_250, %and3A_256 : vector<16xi32>
          %shift_right_logical3A_258 = arith.constant 16 : i32
          %shift_right_logical3A_259 = vector.broadcast %shift_right_logical3A_258 : i32 to vector<16xi32>
          %shift_right_logical3A_260 = arith.shrui %add3A_257, %shift_right_logical3A_259 : vector<16xi32>
          %add3A_261 = arith.constant 32767 : i32
          %add3A_262 = vector.broadcast %add3A_261 : i32 to vector<16xi32>
          %add3A_263 = arith.addi %bitcast_convert_type3A_247, %add3A_262 : vector<16xi32>
          %shift_right_logical3A_264 = arith.constant 16 : i32
          %shift_right_logical3A_265 = vector.broadcast %shift_right_logical3A_264 : i32 to vector<16xi32>
          %shift_right_logical3A_266 = arith.shrui %bitcast_convert_type3A_247, %shift_right_logical3A_265 : vector<16xi32>
          %and3A_267 = arith.constant 1 : i32
          %and3A_268 = vector.broadcast %and3A_267 : i32 to vector<16xi32>
          %and3A_269 = arith.andi %shift_right_logical3A_266, %and3A_268 : vector<16xi32>
          %add3A_270 = arith.addi %add3A_263, %and3A_269 : vector<16xi32>
          %shift_right_logical3A_271 = arith.constant 16 : i32
          %shift_right_logical3A_272 = vector.broadcast %shift_right_logical3A_271 : i32 to vector<16xi32>
          %shift_right_logical3A_273 = arith.shrui %add3A_270, %shift_right_logical3A_272 : vector<16xi32>
          %shift_left3A_274 = arith.constant 16 : i32
          %shift_left3A_275 = vector.broadcast %shift_left3A_274 : i32 to vector<16xi32>
          %shift_left3A_276 = arith.shli %shift_right_logical3A_273, %shift_left3A_275 : vector<16xi32>
          %or3A_277 = arith.ori %shift_right_logical3A_260, %shift_left3A_276 : vector<16xi32>
          %swap3A_278 = arith.index_cast %scan3A_69 : i32 to index
          %swap3A_279 = arith.constant 48 : index
          %swap3A_280 = tpu.vector_load %arg13[%swap3A_278, %swap3A_279] {strides = array<i32>} : memref<80x64xi32, #tpu.memory_space<vmem>>, vector<1x16xi32>,
          %swap3A_281 = vector.shape_cast %swap3A_280 : vector<1x16xi32> to vector<16xi32>
          %swap3A_282 = vector.shape_cast %or3A_277 : vector<16xi32> to vector<1x16xi32>
          tpu.vector_store %arg13[%swap3A_278, %swap3A_279], %swap3A_282 {strides = array<i32>} : memref<80x64xi32, #tpu.memory_space<vmem>>, vector<1x16xi32>,
        }
        %scan3A_65 = arith.constant 80 : i32
        %mul3A_66 = arith.constant 80 : i32
        %mul3A_67 = arith.muli %add3A_24, %mul3A_66 : i32
        %add3A_68 = arith.addi %mul3A_2, %mul3A_67 : i32
        "tpu.region"() ({
          %run_scoped3A = tpu.sem_alloc : memref<!tpu.dma_semaphore, #tpu.memory_space<semaphore_mem>>
          %dma_start3A_69 = arith.constant 0 : i32
          %dma_start3A_70 = tpu.memref_slice %arg6[%add3A_68, %dma_start3A_69] : memref<64000x64xi32, #tpu.memory_space<hbm>> -> memref<80x64xi32, #tpu.memory_space<hbm>>
          %dma_start3A_71 = arith.constant 0 : i32
          %dma_start3A_72 = tpu.memref_slice %arg6[%add3A_68, %dma_start3A_71] : memref<64000x64xi32, #tpu.memory_space<hbm>> -> memref<80x64xi32, #tpu.memory_space<hbm>>
          tpu.enqueue_dma source(%arg13 : memref<80x64xi32, #tpu.memory_space<vmem>>) target(%dma_start3A_72 : memref<80x64xi32, #tpu.memory_space<hbm>>) target_semaphore(%run_scoped3A : memref<!tpu.dma_semaphore, #tpu.memory_space<semaphore_mem>>)
          %dma_wait3A_73 = arith.constant 0 : i32
          %dma_wait3A_74 = tpu.memref_slice %arg6[%add3A_68, %dma_wait3A_73] : memref<64000x64xi32, #tpu.memory_space<hbm>> -> memref<80x64xi32, #tpu.memory_space<hbm>>
          %dma_wait3A_75 = arith.constant 0 : i32
          %dma_wait3A_76 = tpu.memref_slice %arg6[%add3A_68, %dma_wait3A_75] : memref<64000x64xi32, #tpu.memory_space<hbm>> -> memref<80x64xi32, #tpu.memory_space<hbm>>
          tpu.wait_dma2 semaphore(%run_scoped3A : memref<!tpu.dma_semaphore, #tpu.memory_space<semaphore_mem>>) src(%arg13 : memref<80x64xi32, #tpu.memory_space<vmem>>) dst(%dma_wait3A_76 : memref<80x64xi32, #tpu.memory_space<hbm>>)
          tpu.yield
        }) : () -> ()
      } else {
      }
      %mul3A_34 = arith.constant 2 : i32
      %mul3A_35 = arith.muli %mul3A_34, %scan3A_20 : i32
      %add3A_36 = arith.constant 1 : i32
      %add3A_37 = arith.addi %mul3A_35, %add3A_36 : i32
      %add3A_38 = arith.constant 1 : i32
      %add3A_39 = arith.addi %add3A_37, %add3A_38 : i32
      %lt3A_40 = arith.constant 25 : i32
      %lt3A_41 = arith.cmpi slt, %add3A_39, %lt3A_40 : i32
      %convert_element_type3A_42 = arith.extui %lt3A_41 : i1 to i32
      %cond3A_43 = arith.constant 0 : i32
      %cond3A_44 = arith.cmpi ne, %convert_element_type3A_42, %cond3A_43 : i32
      scf.if %cond3A_44 {
        %mul3A_50 = arith.constant 80 : i32
        %mul3A_51 = arith.muli %add3A_39, %mul3A_50 : i32
        %multiple_of3A_52 = tpu.assume_multiple %mul3A_51, 8 : i32
        %dma_start3A_53 = tpu.memref_slice %arg7[%multiple_of3A_52] : memref<2000xi32, #tpu.memory_space<vmem>> -> memref<80xi32, #tpu.memory_space<vmem>>
        %dma_start3A_54 = arith.constant 0 : i32
        %dma_start3A_55 = arith.constant 0 : i32
        %dma_start3A_56 = tpu.memref_slice %arg2[%dma_start3A_54, %dma_start3A_55] : memref<10000x128xf32, #tpu.memory_space<hbm>> -> memref<10000x128xf32, #tpu.memory_space<hbm>>
        tpu.enqueue_indirect_dma source(%dma_start3A_56 : memref<10000x128xf32, #tpu.memory_space<hbm>>) target(%arg9 : memref<80x128xf32, #tpu.memory_space<vmem>>) offsets(%dma_start3A_53 : memref<80xi32, #tpu.memory_space<vmem>>) semaphore(%arg15 : memref<!tpu.dma_semaphore, #tpu.memory_space<semaphore_mem>>)
        %dma_start3A_57 = tpu.memref_slice %arg8[%multiple_of3A_52] : memref<2000xi32, #tpu.memory_space<vmem>> -> memref<80xi32, #tpu.memory_space<vmem>>
        %dma_start3A_58 = arith.constant 0 : i32
        %dma_start3A_59 = arith.constant 0 : i32
        %dma_start3A_60 = tpu.memref_slice %arg3[%dma_start3A_58, %dma_start3A_59] : memref<10000x128xf32, #tpu.memory_space<hbm>> -> memref<10000x128xf32, #tpu.memory_space<hbm>>
        tpu.enqueue_indirect_dma source(%dma_start3A_60 : memref<10000x128xf32, #tpu.memory_space<hbm>>) target(%arg11 : memref<80x128xf32, #tpu.memory_space<vmem>>) offsets(%dma_start3A_57 : memref<80xi32, #tpu.memory_space<vmem>>) semaphore(%arg17 : memref<!tpu.dma_semaphore, #tpu.memory_space<semaphore_mem>>)
      } else {
      }
      %lt3A_45 = arith.constant 25 : i32
      %lt3A_46 = arith.cmpi slt, %add3A_37, %lt3A_45 : i32
      %convert_element_type3A_47 = arith.extui %lt3A_46 : i1 to i32
      %cond3A_48 = arith.constant 0 : i32
      %cond3A_49 = arith.cmpi ne, %convert_element_type3A_47, %cond3A_48 : i32
      scf.if %cond3A_49 {
        %mul3A_50 = arith.constant 80 : i32
        %mul3A_51 = arith.muli %add3A_37, %mul3A_50 : i32
        %multiple_of3A_52 = tpu.assume_multiple %mul3A_51, 8 : i32
        %dma_wait3A = tpu.memref_slice %arg7[%multiple_of3A_52] : memref<2000xi32, #tpu.memory_space<vmem>> -> memref<80xi32, #tpu.memory_space<vmem>>
        %dma_wait3A_53 = arith.constant 0 : i32
        %dma_wait3A_54 = arith.constant 0 : i32
        %dma_wait3A_55 = tpu.memref_slice %arg2[%dma_wait3A_53, %dma_wait3A_54] : memref<10000x128xf32, #tpu.memory_space<hbm>> -> memref<10000x128xf32, #tpu.memory_space<hbm>>
        tpu.wait_indirect_dma semaphore(%arg16 : memref<!tpu.dma_semaphore, #tpu.memory_space<semaphore_mem>>) src(%dma_wait3A_55 : memref<10000x128xf32, #tpu.memory_space<hbm>>) dst(%arg10 : memref<80x128xf32, #tpu.memory_space<vmem>>)
        %dma_wait3A_56 = tpu.memref_slice %arg8[%multiple_of3A_52] : memref<2000xi32, #tpu.memory_space<vmem>> -> memref<80xi32, #tpu.memory_space<vmem>>
        %dma_wait3A_57 = arith.constant 0 : i32
        %dma_wait3A_58 = arith.constant 0 : i32
        %dma_wait3A_59 = tpu.memref_slice %arg3[%dma_wait3A_57, %dma_wait3A_58] : memref<10000x128xf32, #tpu.memory_space<hbm>> -> memref<10000x128xf32, #tpu.memory_space<hbm>>
        tpu.wait_indirect_dma semaphore(%arg18 : memref<!tpu.dma_semaphore, #tpu.memory_space<semaphore_mem>>) src(%dma_wait3A_59 : memref<10000x128xf32, #tpu.memory_space<hbm>>) dst(%arg12 : memref<80x128xf32, #tpu.memory_space<vmem>>)
        %scan3A_60 = arith.constant 0 : i32
        %scan3A_61 = arith.constant 0 : i32
        %scan3A_62 = arith.constant 80 : i32
        %scan3A_63 = arith.addi %scan3A_61, %scan3A_62 : i32
        %scan3A_64 = arith.constant 1 : i32
        scf.for %scan3A_69 = %scan3A_61 to %scan3A_63 step %scan3A_64  : i32 {
          %get3A = arith.index_cast %scan3A_69 : i32 to index
          %get3A_70 = arith.constant 0 : index
          %get3A_71 = tpu.vector_load %arg10[%get3A, %get3A_70] {strides = array<i32>} : memref<80x128xf32, #tpu.memory_space<vmem>>, vector<1x16xf32>,
          %get3A_72 = vector.shape_cast %get3A_71 : vector<1x16xf32> to vector<16xf32>
          %get3A_73 = arith.index_cast %scan3A_69 : i32 to index
          %get3A_74 = arith.constant 0 : index
          %get3A_75 = tpu.vector_load %arg12[%get3A_73, %get3A_74] {strides = array<i32>} : memref<80x128xf32, #tpu.memory_space<vmem>>, vector<1x16xf32>,
          %get3A_76 = vector.shape_cast %get3A_75 : vector<1x16xf32> to vector<16xf32>
          %add3A_77 = arith.addf %get3A_72, %get3A_76 : vector<16xf32>
          %bitcast_convert_type3A = tpu.bitcast %add3A_77 : vector<16xf32> -> vector<16xi32>
          %get3A_78 = arith.index_cast %scan3A_69 : i32 to index
          %get3A_79 = arith.constant 16 : index
          %get3A_80 = tpu.vector_load %arg10[%get3A_78, %get3A_79] {strides = array<i32>} : memref<80x128xf32, #tpu.memory_space<vmem>>, vector<1x16xf32>,
          %get3A_81 = vector.shape_cast %get3A_80 : vector<1x16xf32> to vector<16xf32>
          %get3A_82 = arith.index_cast %scan3A_69 : i32 to index
          %get3A_83 = arith.constant 16 : index
          %get3A_84 = tpu.vector_load %arg12[%get3A_82, %get3A_83] {strides = array<i32>} : memref<80x128xf32, #tpu.memory_space<vmem>>, vector<1x16xf32>,
          %get3A_85 = vector.shape_cast %get3A_84 : vector<1x16xf32> to vector<16xf32>
          %add3A_86 = arith.addf %get3A_81, %get3A_85 : vector<16xf32>
          %bitcast_convert_type3A_87 = tpu.bitcast %add3A_86 : vector<16xf32> -> vector<16xi32>
          %add3A_88 = arith.constant 32767 : i32
          %add3A_89 = vector.broadcast %add3A_88 : i32 to vector<16xi32>
          %add3A_90 = arith.addi %bitcast_convert_type3A, %add3A_89 : vector<16xi32>
          %shift_right_logical3A = arith.constant 16 : i32
          %shift_right_logical3A_91 = vector.broadcast %shift_right_logical3A : i32 to vector<16xi32>
          %shift_right_logical3A_92 = arith.shrui %bitcast_convert_type3A, %shift_right_logical3A_91 : vector<16xi32>
          %and3A = arith.constant 1 : i32
          %and3A_93 = vector.broadcast %and3A : i32 to vector<16xi32>
          %and3A_94 = arith.andi %shift_right_logical3A_92, %and3A_93 : vector<16xi32>
          %add3A_95 = arith.addi %add3A_90, %and3A_94 : vector<16xi32>
          %shift_right_logical3A_96 = arith.constant 16 : i32
          %shift_right_logical3A_97 = vector.broadcast %shift_right_logical3A_96 : i32 to vector<16xi32>
          %shift_right_logical3A_98 = arith.shrui %add3A_95, %shift_right_logical3A_97 : vector<16xi32>
          %add3A_99 = arith.constant 32767 : i32
          %add3A_100 = vector.broadcast %add3A_99 : i32 to vector<16xi32>
          %add3A_101 = arith.addi %bitcast_convert_type3A_87, %add3A_100 : vector<16xi32>
          %shift_right_logical3A_102 = arith.constant 16 : i32
          %shift_right_logical3A_103 = vector.broadcast %shift_right_logical3A_102 : i32 to vector<16xi32>
          %shift_right_logical3A_104 = arith.shrui %bitcast_convert_type3A_87, %shift_right_logical3A_103 : vector<16xi32>
          %and3A_105 = arith.constant 1 : i32
          %and3A_106 = vector.broadcast %and3A_105 : i32 to vector<16xi32>
          %and3A_107 = arith.andi %shift_right_logical3A_104, %and3A_106 : vector<16xi32>
          %add3A_108 = arith.addi %add3A_101, %and3A_107 : vector<16xi32>
          %shift_right_logical3A_109 = arith.constant 16 : i32
          %shift_right_logical3A_110 = vector.broadcast %shift_right_logical3A_109 : i32 to vector<16xi32>
          %shift_right_logical3A_111 = arith.shrui %add3A_108, %shift_right_logical3A_110 : vector<16xi32>
          %shift_left3A = arith.constant 16 : i32
          %shift_left3A_112 = vector.broadcast %shift_left3A : i32 to vector<16xi32>
          %shift_left3A_113 = arith.shli %shift_right_logical3A_111, %shift_left3A_112 : vector<16xi32>
          %or3A = arith.ori %shift_right_logical3A_98, %shift_left3A_113 : vector<16xi32>
          %swap3A = arith.index_cast %scan3A_69 : i32 to index
          %swap3A_114 = arith.constant 0 : index
          %swap3A_115 = tpu.vector_load %arg14[%swap3A, %swap3A_114] {strides = array<i32>} : memref<80x64xi32, #tpu.memory_space<vmem>>, vector<1x16xi32>,
          %swap3A_116 = vector.shape_cast %swap3A_115 : vector<1x16xi32> to vector<16xi32>
          %swap3A_117 = vector.shape_cast %or3A : vector<16xi32> to vector<1x16xi32>
          tpu.vector_store %arg14[%swap3A, %swap3A_114], %swap3A_117 {strides = array<i32>} : memref<80x64xi32, #tpu.memory_space<vmem>>, vector<1x16xi32>,
          %get3A_118 = arith.index_cast %scan3A_69 : i32 to index
          %get3A_119 = arith.constant 32 : index
          %get3A_120 = tpu.vector_load %arg10[%get3A_118, %get3A_119] {strides = array<i32>} : memref<80x128xf32, #tpu.memory_space<vmem>>, vector<1x16xf32>,
          %get3A_121 = vector.shape_cast %get3A_120 : vector<1x16xf32> to vector<16xf32>
          %get3A_122 = arith.index_cast %scan3A_69 : i32 to index
          %get3A_123 = arith.constant 32 : index
          %get3A_124 = tpu.vector_load %arg12[%get3A_122, %get3A_123] {strides = array<i32>} : memref<80x128xf32, #tpu.memory_space<vmem>>, vector<1x16xf32>,
          %get3A_125 = vector.shape_cast %get3A_124 : vector<1x16xf32> to vector<16xf32>
          %add3A_126 = arith.addf %get3A_121, %get3A_125 : vector<16xf32>
          %bitcast_convert_type3A_127 = tpu.bitcast %add3A_126 : vector<16xf32> -> vector<16xi32>
          %get3A_128 = arith.index_cast %scan3A_69 : i32 to index
          %get3A_129 = arith.constant 48 : index
          %get3A_130 = tpu.vector_load %arg10[%get3A_128, %get3A_129] {strides = array<i32>} : memref<80x128xf32, #tpu.memory_space<vmem>>, vector<1x16xf32>,
          %get3A_131 = vector.shape_cast %get3A_130 : vector<1x16xf32> to vector<16xf32>
          %get3A_132 = arith.index_cast %scan3A_69 : i32 to index
          %get3A_133 = arith.constant 48 : index
          %get3A_134 = tpu.vector_load %arg12[%get3A_132, %get3A_133] {strides = array<i32>} : memref<80x128xf32, #tpu.memory_space<vmem>>, vector<1x16xf32>,
          %get3A_135 = vector.shape_cast %get3A_134 : vector<1x16xf32> to vector<16xf32>
          %add3A_136 = arith.addf %get3A_131, %get3A_135 : vector<16xf32>
          %bitcast_convert_type3A_137 = tpu.bitcast %add3A_136 : vector<16xf32> -> vector<16xi32>
          %add3A_138 = arith.constant 32767 : i32
          %add3A_139 = vector.broadcast %add3A_138 : i32 to vector<16xi32>
          %add3A_140 = arith.addi %bitcast_convert_type3A_127, %add3A_139 : vector<16xi32>
          %shift_right_logical3A_141 = arith.constant 16 : i32
          %shift_right_logical3A_142 = vector.broadcast %shift_right_logical3A_141 : i32 to vector<16xi32>
          %shift_right_logical3A_143 = arith.shrui %bitcast_convert_type3A_127, %shift_right_logical3A_142 : vector<16xi32>
          %and3A_144 = arith.constant 1 : i32
          %and3A_145 = vector.broadcast %and3A_144 : i32 to vector<16xi32>
          %and3A_146 = arith.andi %shift_right_logical3A_143, %and3A_145 : vector<16xi32>
          %add3A_147 = arith.addi %add3A_140, %and3A_146 : vector<16xi32>
          %shift_right_logical3A_148 = arith.constant 16 : i32
          %shift_right_logical3A_149 = vector.broadcast %shift_right_logical3A_148 : i32 to vector<16xi32>
          %shift_right_logical3A_150 = arith.shrui %add3A_147, %shift_right_logical3A_149 : vector<16xi32>
          %add3A_151 = arith.constant 32767 : i32
          %add3A_152 = vector.broadcast %add3A_151 : i32 to vector<16xi32>
          %add3A_153 = arith.addi %bitcast_convert_type3A_137, %add3A_152 : vector<16xi32>
          %shift_right_logical3A_154 = arith.constant 16 : i32
          %shift_right_logical3A_155 = vector.broadcast %shift_right_logical3A_154 : i32 to vector<16xi32>
          %shift_right_logical3A_156 = arith.shrui %bitcast_convert_type3A_137, %shift_right_logical3A_155 : vector<16xi32>
          %and3A_157 = arith.constant 1 : i32
          %and3A_158 = vector.broadcast %and3A_157 : i32 to vector<16xi32>
          %and3A_159 = arith.andi %shift_right_logical3A_156, %and3A_158 : vector<16xi32>
          %add3A_160 = arith.addi %add3A_153, %and3A_159 : vector<16xi32>
          %shift_right_logical3A_161 = arith.constant 16 : i32
          %shift_right_logical3A_162 = vector.broadcast %shift_right_logical3A_161 : i32 to vector<16xi32>
          %shift_right_logical3A_163 = arith.shrui %add3A_160, %shift_right_logical3A_162 : vector<16xi32>
          %shift_left3A_164 = arith.constant 16 : i32
          %shift_left3A_165 = vector.broadcast %shift_left3A_164 : i32 to vector<16xi32>
          %shift_left3A_166 = arith.shli %shift_right_logical3A_163, %shift_left3A_165 : vector<16xi32>
          %or3A_167 = arith.ori %shift_right_logical3A_150, %shift_left3A_166 : vector<16xi32>
          %swap3A_168 = arith.index_cast %scan3A_69 : i32 to index
          %swap3A_169 = arith.constant 16 : index
          %swap3A_170 = tpu.vector_load %arg14[%swap3A_168, %swap3A_169] {strides = array<i32>} : memref<80x64xi32, #tpu.memory_space<vmem>>, vector<1x16xi32>,
          %swap3A_171 = vector.shape_cast %swap3A_170 : vector<1x16xi32> to vector<16xi32>
          %swap3A_172 = vector.shape_cast %or3A_167 : vector<16xi32> to vector<1x16xi32>
          tpu.vector_store %arg14[%swap3A_168, %swap3A_169], %swap3A_172 {strides = array<i32>} : memref<80x64xi32, #tpu.memory_space<vmem>>, vector<1x16xi32>,
          %get3A_173 = arith.index_cast %scan3A_69 : i32 to index
          %get3A_174 = arith.constant 64 : index
          %get3A_175 = tpu.vector_load %arg10[%get3A_173, %get3A_174] {strides = array<i32>} : memref<80x128xf32, #tpu.memory_space<vmem>>, vector<1x16xf32>,
          %get3A_176 = vector.shape_cast %get3A_175 : vector<1x16xf32> to vector<16xf32>
          %get3A_177 = arith.index_cast %scan3A_69 : i32 to index
          %get3A_178 = arith.constant 64 : index
          %get3A_179 = tpu.vector_load %arg12[%get3A_177, %get3A_178] {strides = array<i32>} : memref<80x128xf32, #tpu.memory_space<vmem>>, vector<1x16xf32>,
          %get3A_180 = vector.shape_cast %get3A_179 : vector<1x16xf32> to vector<16xf32>
          %add3A_181 = arith.addf %get3A_176, %get3A_180 : vector<16xf32>
          %bitcast_convert_type3A_182 = tpu.bitcast %add3A_181 : vector<16xf32> -> vector<16xi32>
          %get3A_183 = arith.index_cast %scan3A_69 : i32 to index
          %get3A_184 = arith.constant 80 : index
          %get3A_185 = tpu.vector_load %arg10[%get3A_183, %get3A_184] {strides = array<i32>} : memref<80x128xf32, #tpu.memory_space<vmem>>, vector<1x16xf32>,
          %get3A_186 = vector.shape_cast %get3A_185 : vector<1x16xf32> to vector<16xf32>
          %get3A_187 = arith.index_cast %scan3A_69 : i32 to index
          %get3A_188 = arith.constant 80 : index
          %get3A_189 = tpu.vector_load %arg12[%get3A_187, %get3A_188] {strides = array<i32>} : memref<80x128xf32, #tpu.memory_space<vmem>>, vector<1x16xf32>,
          %get3A_190 = vector.shape_cast %get3A_189 : vector<1x16xf32> to vector<16xf32>
          %add3A_191 = arith.addf %get3A_186, %get3A_190 : vector<16xf32>
          %bitcast_convert_type3A_192 = tpu.bitcast %add3A_191 : vector<16xf32> -> vector<16xi32>
          %add3A_193 = arith.constant 32767 : i32
          %add3A_194 = vector.broadcast %add3A_193 : i32 to vector<16xi32>
          %add3A_195 = arith.addi %bitcast_convert_type3A_182, %add3A_194 : vector<16xi32>
          %shift_right_logical3A_196 = arith.constant 16 : i32
          %shift_right_logical3A_197 = vector.broadcast %shift_right_logical3A_196 : i32 to vector<16xi32>
          %shift_right_logical3A_198 = arith.shrui %bitcast_convert_type3A_182, %shift_right_logical3A_197 : vector<16xi32>
          %and3A_199 = arith.constant 1 : i32
          %and3A_200 = vector.broadcast %and3A_199 : i32 to vector<16xi32>
          %and3A_201 = arith.andi %shift_right_logical3A_198, %and3A_200 : vector<16xi32>
          %add3A_202 = arith.addi %add3A_195, %and3A_201 : vector<16xi32>
          %shift_right_logical3A_203 = arith.constant 16 : i32
          %shift_right_logical3A_204 = vector.broadcast %shift_right_logical3A_203 : i32 to vector<16xi32>
          %shift_right_logical3A_205 = arith.shrui %add3A_202, %shift_right_logical3A_204 : vector<16xi32>
          %add3A_206 = arith.constant 32767 : i32
          %add3A_207 = vector.broadcast %add3A_206 : i32 to vector<16xi32>
          %add3A_208 = arith.addi %bitcast_convert_type3A_192, %add3A_207 : vector<16xi32>
          %shift_right_logical3A_209 = arith.constant 16 : i32
          %shift_right_logical3A_210 = vector.broadcast %shift_right_logical3A_209 : i32 to vector<16xi32>
          %shift_right_logical3A_211 = arith.shrui %bitcast_convert_type3A_192, %shift_right_logical3A_210 : vector<16xi32>
          %and3A_212 = arith.constant 1 : i32
          %and3A_213 = vector.broadcast %and3A_212 : i32 to vector<16xi32>
          %and3A_214 = arith.andi %shift_right_logical3A_211, %and3A_213 : vector<16xi32>
          %add3A_215 = arith.addi %add3A_208, %and3A_214 : vector<16xi32>
          %shift_right_logical3A_216 = arith.constant 16 : i32
          %shift_right_logical3A_217 = vector.broadcast %shift_right_logical3A_216 : i32 to vector<16xi32>
          %shift_right_logical3A_218 = arith.shrui %add3A_215, %shift_right_logical3A_217 : vector<16xi32>
          %shift_left3A_219 = arith.constant 16 : i32
          %shift_left3A_220 = vector.broadcast %shift_left3A_219 : i32 to vector<16xi32>
          %shift_left3A_221 = arith.shli %shift_right_logical3A_218, %shift_left3A_220 : vector<16xi32>
          %or3A_222 = arith.ori %shift_right_logical3A_205, %shift_left3A_221 : vector<16xi32>
          %swap3A_223 = arith.index_cast %scan3A_69 : i32 to index
          %swap3A_224 = arith.constant 32 : index
          %swap3A_225 = tpu.vector_load %arg14[%swap3A_223, %swap3A_224] {strides = array<i32>} : memref<80x64xi32, #tpu.memory_space<vmem>>, vector<1x16xi32>,
          %swap3A_226 = vector.shape_cast %swap3A_225 : vector<1x16xi32> to vector<16xi32>
          %swap3A_227 = vector.shape_cast %or3A_222 : vector<16xi32> to vector<1x16xi32>
          tpu.vector_store %arg14[%swap3A_223, %swap3A_224], %swap3A_227 {strides = array<i32>} : memref<80x64xi32, #tpu.memory_space<vmem>>, vector<1x16xi32>,
          %get3A_228 = arith.index_cast %scan3A_69 : i32 to index
          %get3A_229 = arith.constant 96 : index
          %get3A_230 = tpu.vector_load %arg10[%get3A_228, %get3A_229] {strides = array<i32>} : memref<80x128xf32, #tpu.memory_space<vmem>>, vector<1x16xf32>,
          %get3A_231 = vector.shape_cast %get3A_230 : vector<1x16xf32> to vector<16xf32>
          %get3A_232 = arith.index_cast %scan3A_69 : i32 to index
          %get3A_233 = arith.constant 96 : index
          %get3A_234 = tpu.vector_load %arg12[%get3A_232, %get3A_233] {strides = array<i32>} : memref<80x128xf32, #tpu.memory_space<vmem>>, vector<1x16xf32>,
          %get3A_235 = vector.shape_cast %get3A_234 : vector<1x16xf32> to vector<16xf32>
          %add3A_236 = arith.addf %get3A_231, %get3A_235 : vector<16xf32>
          %bitcast_convert_type3A_237 = tpu.bitcast %add3A_236 : vector<16xf32> -> vector<16xi32>
          %get3A_238 = arith.index_cast %scan3A_69 : i32 to index
          %get3A_239 = arith.constant 112 : index
          %get3A_240 = tpu.vector_load %arg10[%get3A_238, %get3A_239] {strides = array<i32>} : memref<80x128xf32, #tpu.memory_space<vmem>>, vector<1x16xf32>,
          %get3A_241 = vector.shape_cast %get3A_240 : vector<1x16xf32> to vector<16xf32>
          %get3A_242 = arith.index_cast %scan3A_69 : i32 to index
          %get3A_243 = arith.constant 112 : index
          %get3A_244 = tpu.vector_load %arg12[%get3A_242, %get3A_243] {strides = array<i32>} : memref<80x128xf32, #tpu.memory_space<vmem>>, vector<1x16xf32>,
          %get3A_245 = vector.shape_cast %get3A_244 : vector<1x16xf32> to vector<16xf32>
          %add3A_246 = arith.addf %get3A_241, %get3A_245 : vector<16xf32>
          %bitcast_convert_type3A_247 = tpu.bitcast %add3A_246 : vector<16xf32> -> vector<16xi32>
          %add3A_248 = arith.constant 32767 : i32
          %add3A_249 = vector.broadcast %add3A_248 : i32 to vector<16xi32>
          %add3A_250 = arith.addi %bitcast_convert_type3A_237, %add3A_249 : vector<16xi32>
          %shift_right_logical3A_251 = arith.constant 16 : i32
          %shift_right_logical3A_252 = vector.broadcast %shift_right_logical3A_251 : i32 to vector<16xi32>
          %shift_right_logical3A_253 = arith.shrui %bitcast_convert_type3A_237, %shift_right_logical3A_252 : vector<16xi32>
          %and3A_254 = arith.constant 1 : i32
          %and3A_255 = vector.broadcast %and3A_254 : i32 to vector<16xi32>
          %and3A_256 = arith.andi %shift_right_logical3A_253, %and3A_255 : vector<16xi32>
          %add3A_257 = arith.addi %add3A_250, %and3A_256 : vector<16xi32>
          %shift_right_logical3A_258 = arith.constant 16 : i32
          %shift_right_logical3A_259 = vector.broadcast %shift_right_logical3A_258 : i32 to vector<16xi32>
          %shift_right_logical3A_260 = arith.shrui %add3A_257, %shift_right_logical3A_259 : vector<16xi32>
          %add3A_261 = arith.constant 32767 : i32
          %add3A_262 = vector.broadcast %add3A_261 : i32 to vector<16xi32>
          %add3A_263 = arith.addi %bitcast_convert_type3A_247, %add3A_262 : vector<16xi32>
          %shift_right_logical3A_264 = arith.constant 16 : i32
          %shift_right_logical3A_265 = vector.broadcast %shift_right_logical3A_264 : i32 to vector<16xi32>
          %shift_right_logical3A_266 = arith.shrui %bitcast_convert_type3A_247, %shift_right_logical3A_265 : vector<16xi32>
          %and3A_267 = arith.constant 1 : i32
          %and3A_268 = vector.broadcast %and3A_267 : i32 to vector<16xi32>
          %and3A_269 = arith.andi %shift_right_logical3A_266, %and3A_268 : vector<16xi32>
          %add3A_270 = arith.addi %add3A_263, %and3A_269 : vector<16xi32>
          %shift_right_logical3A_271 = arith.constant 16 : i32
          %shift_right_logical3A_272 = vector.broadcast %shift_right_logical3A_271 : i32 to vector<16xi32>
          %shift_right_logical3A_273 = arith.shrui %add3A_270, %shift_right_logical3A_272 : vector<16xi32>
          %shift_left3A_274 = arith.constant 16 : i32
          %shift_left3A_275 = vector.broadcast %shift_left3A_274 : i32 to vector<16xi32>
          %shift_left3A_276 = arith.shli %shift_right_logical3A_273, %shift_left3A_275 : vector<16xi32>
          %or3A_277 = arith.ori %shift_right_logical3A_260, %shift_left3A_276 : vector<16xi32>
          %swap3A_278 = arith.index_cast %scan3A_69 : i32 to index
          %swap3A_279 = arith.constant 48 : index
          %swap3A_280 = tpu.vector_load %arg14[%swap3A_278, %swap3A_279] {strides = array<i32>} : memref<80x64xi32, #tpu.memory_space<vmem>>, vector<1x16xi32>,
          %swap3A_281 = vector.shape_cast %swap3A_280 : vector<1x16xi32> to vector<16xi32>
          %swap3A_282 = vector.shape_cast %or3A_277 : vector<16xi32> to vector<1x16xi32>
          tpu.vector_store %arg14[%swap3A_278, %swap3A_279], %swap3A_282 {strides = array<i32>} : memref<80x64xi32, #tpu.memory_space<vmem>>, vector<1x16xi32>,
        }
        %scan3A_65 = arith.constant 80 : i32
        %mul3A_66 = arith.constant 80 : i32
        %mul3A_67 = arith.muli %add3A_37, %mul3A_66 : i32
        %add3A_68 = arith.addi %mul3A_2, %mul3A_67 : i32
        "tpu.region"() ({
          %run_scoped3A = tpu.sem_alloc : memref<!tpu.dma_semaphore, #tpu.memory_space<semaphore_mem>>
          %dma_start3A_69 = arith.constant 0 : i32
          %dma_start3A_70 = tpu.memref_slice %arg6[%add3A_68, %dma_start3A_69] : memref<64000x64xi32, #tpu.memory_space<hbm>> -> memref<80x64xi32, #tpu.memory_space<hbm>>
          %dma_start3A_71 = arith.constant 0 : i32
          %dma_start3A_72 = tpu.memref_slice %arg6[%add3A_68, %dma_start3A_71] : memref<64000x64xi32, #tpu.memory_space<hbm>> -> memref<80x64xi32, #tpu.memory_space<hbm>>
          tpu.enqueue_dma source(%arg14 : memref<80x64xi32, #tpu.memory_space<vmem>>) target(%dma_start3A_72 : memref<80x64xi32, #tpu.memory_space<hbm>>) target_semaphore(%run_scoped3A : memref<!tpu.dma_semaphore, #tpu.memory_space<semaphore_mem>>)
          %dma_wait3A_73 = arith.constant 0 : i32
          %dma_wait3A_74 = tpu.memref_slice %arg6[%add3A_68, %dma_wait3A_73] : memref<64000x64xi32, #tpu.memory_space<hbm>> -> memref<80x64xi32, #tpu.memory_space<hbm>>
          %dma_wait3A_75 = arith.constant 0 : i32
          %dma_wait3A_76 = tpu.memref_slice %arg6[%add3A_68, %dma_wait3A_75] : memref<64000x64xi32, #tpu.memory_space<hbm>> -> memref<80x64xi32, #tpu.memory_space<hbm>>
          tpu.wait_dma2 semaphore(%run_scoped3A : memref<!tpu.dma_semaphore, #tpu.memory_space<semaphore_mem>>) src(%arg14 : memref<80x64xi32, #tpu.memory_space<vmem>>) dst(%dma_wait3A_76 : memref<80x64xi32, #tpu.memory_space<hbm>>)
          tpu.yield
        }) : () -> ()
      } else {
      }
    }
    %scan3A_19 = arith.constant 13 : i32
    return
  }
}

#map = affine_map<(d0, d1) -> (0, 0)>
#map1 = affine_map<(d0, d1) -> (0)>
module attributes {stable_mosaic.version = 14 : i64} {
  func.func @_gather_sum_body(%arg0: i32, %arg1: i32, %arg2: memref<10000x128xf32, #tpu.memory_space<hbm>>, %arg3: memref<10000x128xf32, #tpu.memory_space<hbm>>, %arg4: memref<320000xi32, #tpu.memory_space<hbm>>, %arg5: memref<320000xi32, #tpu.memory_space<hbm>>, %arg6: memref<64000x64xi32, #tpu.memory_space<hbm>>, %arg7: memref<2000xi32, #tpu.memory_space<vmem>>, %arg8: memref<2000xi32, #tpu.memory_space<vmem>>, %arg9: memref<80x128xf32, #tpu.memory_space<vmem>>, %arg10: memref<80x128xf32, #tpu.memory_space<vmem>>, %arg11: memref<80x128xf32, #tpu.memory_space<vmem>>, %arg12: memref<80x128xf32, #tpu.memory_space<vmem>>, %arg13: memref<80x64xi32, #tpu.memory_space<vmem>>, %arg14: memref<80x64xi32, #tpu.memory_space<vmem>>, %arg15: memref<!tpu.dma_semaphore, #tpu.memory_space<semaphore_mem>>, %arg16: memref<!tpu.dma_semaphore, #tpu.memory_space<semaphore_mem>>, %arg17: memref<!tpu.dma_semaphore, #tpu.memory_space<semaphore_mem>>, %arg18: memref<!tpu.dma_semaphore, #tpu.memory_space<semaphore_mem>>) attributes {dimension_semantics = [#tpu.dimension_semantics<core_parallel>, #tpu.dimension_semantics<subcore_parallel>], iteration_bounds = array<i64: 2, 16>, scalar_prefetch = 0 : i64, scratch_operands = 12 : i64, tpu.core_type = #tpu.core_type<sc_vector_subcore>, window_params = [{transform_indices = #map}, {transform_indices = #map}, {transform_indices = #map1}, {transform_indices = #map1}, {transform_indices = #map}]} {
    %mul3A = arith.constant 2 : i32
    %mul3A_0 = arith.muli %arg1, %mul3A : i32
    %add3A = arith.addi %mul3A_0, %arg0 : i32
    %mul3A_1 = arith.constant 2000 : i32
    %mul3A_2 = arith.muli %add3A, %mul3A_1 : i32
    %add3A_3 = arith.constant 192000 : i32
    %add3A_4 = arith.addi %add3A_3, %mul3A_2 : i32
    "tpu.region"() ({
      %run_scoped3A = tpu.sem_alloc : memref<!tpu.dma_semaphore, #tpu.memory_space<semaphore_mem>>
      %dma_start3A_20 = tpu.memref_slice %arg4[%add3A_4] : memref<320000xi32, #tpu.memory_space<hbm>> -> memref<2000xi32, #tpu.memory_space<hbm>>
      %dma_start3A_21 = tpu.memref_slice %arg4[%add3A_4] : memref<320000xi32, #tpu.memory_space<hbm>> -> memref<2000xi32, #tpu.memory_space<hbm>>
      tpu.enqueue_dma source(%dma_start3A_21 : memref<2000xi32, #tpu.memory_space<hbm>>) target(%arg7 : memref<2000xi32, #tpu.memory_space<vmem>>) target_semaphore(%run_scoped3A : memref<!tpu.dma_semaphore, #tpu.memory_space<semaphore_mem>>)
      %dma_wait3A = tpu.memref_slice %arg4[%add3A_4] : memref<320000xi32, #tpu.memory_space<hbm>> -> memref<2000xi32, #tpu.memory_space<hbm>>
      %dma_wait3A_22 = tpu.memref_slice %arg4[%add3A_4] : memref<320000xi32, #tpu.memory_space<hbm>> -> memref<2000xi32, #tpu.memory_space<hbm>>
      tpu.wait_dma2 semaphore(%run_scoped3A : memref<!tpu.dma_semaphore, #tpu.memory_space<semaphore_mem>>) src(%dma_wait3A_22 : memref<2000xi32, #tpu.memory_space<hbm>>) dst(%arg7 : memref<2000xi32, #tpu.memory_space<vmem>>)
      tpu.yield
    }) : () -> ()
    %add3A_5 = arith.constant 192000 : i32
    %add3A_6 = arith.addi %add3A_5, %mul3A_2 : i32
    "tpu.region"() ({
      %run_scoped3A = tpu.sem_alloc : memref<!tpu.dma_semaphore, #tpu.memory_space<semaphore_mem>>
      %dma_start3A_20 = tpu.memref_slice %arg5[%add3A_6] : memref<320000xi32, #tpu.memory_space<hbm>> -> memref<2000xi32, #tpu.memory_space<hbm>>
      %dma_start3A_21 = tpu.memref_slice %arg5[%add3A_6] : memref<320000xi32, #tpu.memory_space<hbm>> -> memref<2000xi32, #tpu.memory_space<hbm>>
      tpu.enqueue_dma source(%dma_start3A_21 : memref<2000xi32, #tpu.memory_space<hbm>>) target(%arg8 : memref<2000xi32, #tpu.memory_space<vmem>>) target_semaphore(%run_scoped3A : memref<!tpu.dma_semaphore, #tpu.memory_space<semaphore_mem>>)
      %dma_wait3A = tpu.memref_slice %arg5[%add3A_6] : memref<320000xi32, #tpu.memory_space<hbm>> -> memref<2000xi32, #tpu.memory_space<hbm>>
      %dma_wait3A_22 = tpu.memref_slice %arg5[%add3A_6] : memref<320000xi32, #tpu.memory_space<hbm>> -> memref<2000xi32, #tpu.memory_space<hbm>>
      tpu.wait_dma2 semaphore(%run_scoped3A : memref<!tpu.dma_semaphore, #tpu.memory_space<semaphore_mem>>) src(%dma_wait3A_22 : memref<2000xi32, #tpu.memory_space<hbm>>) dst(%arg8 : memref<2000xi32, #tpu.memory_space<vmem>>)
      tpu.yield
    }) : () -> ()
    %multiple_of3A = arith.constant 0 : i32
    %multiple_of3A_7 = tpu.assume_multiple %multiple_of3A, 8 : i32
    %dma_start3A = tpu.memref_slice %arg7[%multiple_of3A_7] : memref<2000xi32, #tpu.memory_space<vmem>> -> memref<80xi32, #tpu.memory_space<vmem>>
    %dma_start3A_8 = arith.constant 0 : i32
    %dma_start3A_9 = arith.constant 0 : i32
    %dma_start3A_10 = tpu.memref_slice %arg2[%dma_start3A_8, %dma_start3A_9] : memref<10000x128xf32, #tpu.memory_space<hbm>> -> memref<10000x128xf32, #tpu.memory_space<hbm>>
    tpu.enqueue_indirect_dma source(%dma_start3A_10 : memref<10000x128xf32, #tpu.memory_space<hbm>>) target(%arg9 : memref<80x128xf32, #tpu.memory_space<vmem>>) offsets(%dma_start3A : memref<80xi32, #tpu.memory_space<vmem>>) semaphore(%arg15 : memref<!tpu.dma_semaphore, #tpu.memory_space<semaphore_mem>>)
    %dma_start3A_11 = tpu.memref_slice %arg8[%multiple_of3A_7] : memref<2000xi32, #tpu.memory_space<vmem>> -> memref<80xi32, #tpu.memory_space<vmem>>
    %dma_start3A_12 = arith.constant 0 : i32
    %dma_start3A_13 = arith.constant 0 : i32
    %dma_start3A_14 = tpu.memref_slice %arg3[%dma_start3A_12, %dma_start3A_13] : memref<10000x128xf32, #tpu.memory_space<hbm>> -> memref<10000x128xf32, #tpu.memory_space<hbm>>
    tpu.enqueue_indirect_dma source(%dma_start3A_14 : memref<10000x128xf32, #tpu.memory_space<hbm>>) target(%arg11 : memref<80x128xf32, #tpu.memory_space<vmem>>) offsets(%dma_start3A_11 : memref<80xi32, #tpu.memory_space<vmem>>) semaphore(%arg17 : memref<!tpu.dma_semaphore, #tpu.memory_space<semaphore_mem>>)
    %scan3A = arith.constant 0 : i32
    %scan3A_15 = arith.constant 0 : i32
    %scan3A_16 = arith.constant 13 : i32
    %scan3A_17 = arith.addi %scan3A_15, %scan3A_16 : i32
    %scan3A_18 = arith.constant 1 : i32
    scf.for %scan3A_20 = %scan3A_15 to %scan3A_17 step %scan3A_18  : i32 {
      %mul3A_21 = arith.constant 2 : i32
      %mul3A_22 = arith.muli %mul3A_21, %scan3A_20 : i32
      %add3A_23 = arith.constant 0 : i32
      %add3A_24 = arith.addi %mul3A_22, %add3A_23 : i32
      %add3A_25 = arith.constant 1 : i32
      %add3A_26 = arith.addi %add3A_24, %add3A_25 : i32
      %lt3A = arith.constant 25 : i32
      %lt3A_27 = arith.cmpi slt, %add3A_26, %lt3A : i32
      %convert_element_type3A = arith.extui %lt3A_27 : i1 to i32
      %cond3A = arith.constant 0 : i32
      %cond3A_28 = arith.cmpi ne, %convert_element_type3A, %cond3A : i32
      scf.if %cond3A_28 {
        %mul3A_50 = arith.constant 80 : i32
        %mul3A_51 = arith.muli %add3A_26, %mul3A_50 : i32
        %multiple_of3A_52 = tpu.assume_multiple %mul3A_51, 8 : i32
        %dma_start3A_53 = tpu.memref_slice %arg7[%multiple_of3A_52] : memref<2000xi32, #tpu.memory_space<vmem>> -> memref<80xi32, #tpu.memory_space<vmem>>
        %dma_start3A_54 = arith.constant 0 : i32
        %dma_start3A_55 = arith.constant 0 : i32
        %dma_start3A_56 = tpu.memref_slice %arg2[%dma_start3A_54, %dma_start3A_55] : memref<10000x128xf32, #tpu.memory_space<hbm>> -> memref<10000x128xf32, #tpu.memory_space<hbm>>
        tpu.enqueue_indirect_dma source(%dma_start3A_56 : memref<10000x128xf32, #tpu.memory_space<hbm>>) target(%arg10 : memref<80x128xf32, #tpu.memory_space<vmem>>) offsets(%dma_start3A_53 : memref<80xi32, #tpu.memory_space<vmem>>) semaphore(%arg16 : memref<!tpu.dma_semaphore, #tpu.memory_space<semaphore_mem>>)
        %dma_start3A_57 = tpu.memref_slice %arg8[%multiple_of3A_52] : memref<2000xi32, #tpu.memory_space<vmem>> -> memref<80xi32, #tpu.memory_space<vmem>>
        %dma_start3A_58 = arith.constant 0 : i32
        %dma_start3A_59 = arith.constant 0 : i32
        %dma_start3A_60 = tpu.memref_slice %arg3[%dma_start3A_58, %dma_start3A_59] : memref<10000x128xf32, #tpu.memory_space<hbm>> -> memref<10000x128xf32, #tpu.memory_space<hbm>>
        tpu.enqueue_indirect_dma source(%dma_start3A_60 : memref<10000x128xf32, #tpu.memory_space<hbm>>) target(%arg12 : memref<80x128xf32, #tpu.memory_space<vmem>>) offsets(%dma_start3A_57 : memref<80xi32, #tpu.memory_space<vmem>>) semaphore(%arg18 : memref<!tpu.dma_semaphore, #tpu.memory_space<semaphore_mem>>)
      } else {
      }
      %lt3A_29 = arith.constant 25 : i32
      %lt3A_30 = arith.cmpi slt, %add3A_24, %lt3A_29 : i32
      %convert_element_type3A_31 = arith.extui %lt3A_30 : i1 to i32
      %cond3A_32 = arith.constant 0 : i32
      %cond3A_33 = arith.cmpi ne, %convert_element_type3A_31, %cond3A_32 : i32
      scf.if %cond3A_33 {
        %mul3A_50 = arith.constant 80 : i32
        %mul3A_51 = arith.muli %add3A_24, %mul3A_50 : i32
        %multiple_of3A_52 = tpu.assume_multiple %mul3A_51, 8 : i32
        %dma_wait3A = tpu.memref_slice %arg7[%multiple_of3A_52] : memref<2000xi32, #tpu.memory_space<vmem>> -> memref<80xi32, #tpu.memory_space<vmem>>
        %dma_wait3A_53 = arith.constant 0 : i32
        %dma_wait3A_54 = arith.constant 0 : i32
        %dma_wait3A_55 = tpu.memref_slice %arg2[%dma_wait3A_53, %dma_wait3A_54] : memref<10000x128xf32, #tpu.memory_space<hbm>> -> memref<10000x128xf32, #tpu.memory_space<hbm>>
        tpu.wait_indirect_dma semaphore(%arg15 : memref<!tpu.dma_semaphore, #tpu.memory_space<semaphore_mem>>) src(%dma_wait3A_55 : memref<10000x128xf32, #tpu.memory_space<hbm>>) dst(%arg9 : memref<80x128xf32, #tpu.memory_space<vmem>>)
        %dma_wait3A_56 = tpu.memref_slice %arg8[%multiple_of3A_52] : memref<2000xi32, #tpu.memory_space<vmem>> -> memref<80xi32, #tpu.memory_space<vmem>>
        %dma_wait3A_57 = arith.constant 0 : i32
        %dma_wait3A_58 = arith.constant 0 : i32
        %dma_wait3A_59 = tpu.memref_slice %arg3[%dma_wait3A_57, %dma_wait3A_58] : memref<10000x128xf32, #tpu.memory_space<hbm>> -> memref<10000x128xf32, #tpu.memory_space<hbm>>
        tpu.wait_indirect_dma semaphore(%arg17 : memref<!tpu.dma_semaphore, #tpu.memory_space<semaphore_mem>>) src(%dma_wait3A_59 : memref<10000x128xf32, #tpu.memory_space<hbm>>) dst(%arg11 : memref<80x128xf32, #tpu.memory_space<vmem>>)
        %scan3A_60 = arith.constant 0 : i32
        %scan3A_61 = arith.constant 0 : i32
        %scan3A_62 = arith.constant 80 : i32
        %scan3A_63 = arith.addi %scan3A_61, %scan3A_62 : i32
        %scan3A_64 = arith.constant 1 : i32
        scf.for %scan3A_69 = %scan3A_61 to %scan3A_63 step %scan3A_64  : i32 {
          %get3A = arith.index_cast %scan3A_69 : i32 to index
          %get3A_70 = arith.constant 0 : index
          %get3A_71 = tpu.vector_load %arg9[%get3A, %get3A_70] {strides = array<i32>} : memref<80x128xf32, #tpu.memory_space<vmem>>, vector<1x16xf32>,
          %get3A_72 = vector.shape_cast %get3A_71 : vector<1x16xf32> to vector<16xf32>
          %get3A_73 = arith.index_cast %scan3A_69 : i32 to index
          %get3A_74 = arith.constant 0 : index
          %get3A_75 = tpu.vector_load %arg11[%get3A_73, %get3A_74] {strides = array<i32>} : memref<80x128xf32, #tpu.memory_space<vmem>>, vector<1x16xf32>,
          %get3A_76 = vector.shape_cast %get3A_75 : vector<1x16xf32> to vector<16xf32>
          %add3A_77 = arith.addf %get3A_72, %get3A_76 : vector<16xf32>
          %bitcast_convert_type3A = tpu.bitcast %add3A_77 : vector<16xf32> -> vector<16xi32>
          %get3A_78 = arith.index_cast %scan3A_69 : i32 to index
          %get3A_79 = arith.constant 16 : index
          %get3A_80 = tpu.vector_load %arg9[%get3A_78, %get3A_79] {strides = array<i32>} : memref<80x128xf32, #tpu.memory_space<vmem>>, vector<1x16xf32>,
          %get3A_81 = vector.shape_cast %get3A_80 : vector<1x16xf32> to vector<16xf32>
          %get3A_82 = arith.index_cast %scan3A_69 : i32 to index
          %get3A_83 = arith.constant 16 : index
          %get3A_84 = tpu.vector_load %arg11[%get3A_82, %get3A_83] {strides = array<i32>} : memref<80x128xf32, #tpu.memory_space<vmem>>, vector<1x16xf32>,
          %get3A_85 = vector.shape_cast %get3A_84 : vector<1x16xf32> to vector<16xf32>
          %add3A_86 = arith.addf %get3A_81, %get3A_85 : vector<16xf32>
          %bitcast_convert_type3A_87 = tpu.bitcast %add3A_86 : vector<16xf32> -> vector<16xi32>
          %add3A_88 = arith.constant 32767 : i32
          %add3A_89 = vector.broadcast %add3A_88 : i32 to vector<16xi32>
          %add3A_90 = arith.addi %bitcast_convert_type3A, %add3A_89 : vector<16xi32>
          %shift_right_logical3A = arith.constant 16 : i32
          %shift_right_logical3A_91 = vector.broadcast %shift_right_logical3A : i32 to vector<16xi32>
          %shift_right_logical3A_92 = arith.shrui %bitcast_convert_type3A, %shift_right_logical3A_91 : vector<16xi32>
          %and3A = arith.constant 1 : i32
          %and3A_93 = vector.broadcast %and3A : i32 to vector<16xi32>
          %and3A_94 = arith.andi %shift_right_logical3A_92, %and3A_93 : vector<16xi32>
          %add3A_95 = arith.addi %add3A_90, %and3A_94 : vector<16xi32>
          %shift_right_logical3A_96 = arith.constant 16 : i32
          %shift_right_logical3A_97 = vector.broadcast %shift_right_logical3A_96 : i32 to vector<16xi32>
          %shift_right_logical3A_98 = arith.shrui %add3A_95, %shift_right_logical3A_97 : vector<16xi32>
          %add3A_99 = arith.constant 32767 : i32
          %add3A_100 = vector.broadcast %add3A_99 : i32 to vector<16xi32>
          %add3A_101 = arith.addi %bitcast_convert_type3A_87, %add3A_100 : vector<16xi32>
          %shift_right_logical3A_102 = arith.constant 16 : i32
          %shift_right_logical3A_103 = vector.broadcast %shift_right_logical3A_102 : i32 to vector<16xi32>
          %shift_right_logical3A_104 = arith.shrui %bitcast_convert_type3A_87, %shift_right_logical3A_103 : vector<16xi32>
          %and3A_105 = arith.constant 1 : i32
          %and3A_106 = vector.broadcast %and3A_105 : i32 to vector<16xi32>
          %and3A_107 = arith.andi %shift_right_logical3A_104, %and3A_106 : vector<16xi32>
          %add3A_108 = arith.addi %add3A_101, %and3A_107 : vector<16xi32>
          %shift_right_logical3A_109 = arith.constant 16 : i32
          %shift_right_logical3A_110 = vector.broadcast %shift_right_logical3A_109 : i32 to vector<16xi32>
          %shift_right_logical3A_111 = arith.shrui %add3A_108, %shift_right_logical3A_110 : vector<16xi32>
          %shift_left3A = arith.constant 16 : i32
          %shift_left3A_112 = vector.broadcast %shift_left3A : i32 to vector<16xi32>
          %shift_left3A_113 = arith.shli %shift_right_logical3A_111, %shift_left3A_112 : vector<16xi32>
          %or3A = arith.ori %shift_right_logical3A_98, %shift_left3A_113 : vector<16xi32>
          %swap3A = arith.index_cast %scan3A_69 : i32 to index
          %swap3A_114 = arith.constant 0 : index
          %swap3A_115 = tpu.vector_load %arg13[%swap3A, %swap3A_114] {strides = array<i32>} : memref<80x64xi32, #tpu.memory_space<vmem>>, vector<1x16xi32>,
          %swap3A_116 = vector.shape_cast %swap3A_115 : vector<1x16xi32> to vector<16xi32>
          %swap3A_117 = vector.shape_cast %or3A : vector<16xi32> to vector<1x16xi32>
          tpu.vector_store %arg13[%swap3A, %swap3A_114], %swap3A_117 {strides = array<i32>} : memref<80x64xi32, #tpu.memory_space<vmem>>, vector<1x16xi32>,
          %get3A_118 = arith.index_cast %scan3A_69 : i32 to index
          %get3A_119 = arith.constant 32 : index
          %get3A_120 = tpu.vector_load %arg9[%get3A_118, %get3A_119] {strides = array<i32>} : memref<80x128xf32, #tpu.memory_space<vmem>>, vector<1x16xf32>,
          %get3A_121 = vector.shape_cast %get3A_120 : vector<1x16xf32> to vector<16xf32>
          %get3A_122 = arith.index_cast %scan3A_69 : i32 to index
          %get3A_123 = arith.constant 32 : index
          %get3A_124 = tpu.vector_load %arg11[%get3A_122, %get3A_123] {strides = array<i32>} : memref<80x128xf32, #tpu.memory_space<vmem>>, vector<1x16xf32>,
          %get3A_125 = vector.shape_cast %get3A_124 : vector<1x16xf32> to vector<16xf32>
          %add3A_126 = arith.addf %get3A_121, %get3A_125 : vector<16xf32>
          %bitcast_convert_type3A_127 = tpu.bitcast %add3A_126 : vector<16xf32> -> vector<16xi32>
          %get3A_128 = arith.index_cast %scan3A_69 : i32 to index
          %get3A_129 = arith.constant 48 : index
          %get3A_130 = tpu.vector_load %arg9[%get3A_128, %get3A_129] {strides = array<i32>} : memref<80x128xf32, #tpu.memory_space<vmem>>, vector<1x16xf32>,
          %get3A_131 = vector.shape_cast %get3A_130 : vector<1x16xf32> to vector<16xf32>
          %get3A_132 = arith.index_cast %scan3A_69 : i32 to index
          %get3A_133 = arith.constant 48 : index
          %get3A_134 = tpu.vector_load %arg11[%get3A_132, %get3A_133] {strides = array<i32>} : memref<80x128xf32, #tpu.memory_space<vmem>>, vector<1x16xf32>,
          %get3A_135 = vector.shape_cast %get3A_134 : vector<1x16xf32> to vector<16xf32>
          %add3A_136 = arith.addf %get3A_131, %get3A_135 : vector<16xf32>
          %bitcast_convert_type3A_137 = tpu.bitcast %add3A_136 : vector<16xf32> -> vector<16xi32>
          %add3A_138 = arith.constant 32767 : i32
          %add3A_139 = vector.broadcast %add3A_138 : i32 to vector<16xi32>
          %add3A_140 = arith.addi %bitcast_convert_type3A_127, %add3A_139 : vector<16xi32>
          %shift_right_logical3A_141 = arith.constant 16 : i32
          %shift_right_logical3A_142 = vector.broadcast %shift_right_logical3A_141 : i32 to vector<16xi32>
          %shift_right_logical3A_143 = arith.shrui %bitcast_convert_type3A_127, %shift_right_logical3A_142 : vector<16xi32>
          %and3A_144 = arith.constant 1 : i32
          %and3A_145 = vector.broadcast %and3A_144 : i32 to vector<16xi32>
          %and3A_146 = arith.andi %shift_right_logical3A_143, %and3A_145 : vector<16xi32>
          %add3A_147 = arith.addi %add3A_140, %and3A_146 : vector<16xi32>
          %shift_right_logical3A_148 = arith.constant 16 : i32
          %shift_right_logical3A_149 = vector.broadcast %shift_right_logical3A_148 : i32 to vector<16xi32>
          %shift_right_logical3A_150 = arith.shrui %add3A_147, %shift_right_logical3A_149 : vector<16xi32>
          %add3A_151 = arith.constant 32767 : i32
          %add3A_152 = vector.broadcast %add3A_151 : i32 to vector<16xi32>
          %add3A_153 = arith.addi %bitcast_convert_type3A_137, %add3A_152 : vector<16xi32>
          %shift_right_logical3A_154 = arith.constant 16 : i32
          %shift_right_logical3A_155 = vector.broadcast %shift_right_logical3A_154 : i32 to vector<16xi32>
          %shift_right_logical3A_156 = arith.shrui %bitcast_convert_type3A_137, %shift_right_logical3A_155 : vector<16xi32>
          %and3A_157 = arith.constant 1 : i32
          %and3A_158 = vector.broadcast %and3A_157 : i32 to vector<16xi32>
          %and3A_159 = arith.andi %shift_right_logical3A_156, %and3A_158 : vector<16xi32>
          %add3A_160 = arith.addi %add3A_153, %and3A_159 : vector<16xi32>
          %shift_right_logical3A_161 = arith.constant 16 : i32
          %shift_right_logical3A_162 = vector.broadcast %shift_right_logical3A_161 : i32 to vector<16xi32>
          %shift_right_logical3A_163 = arith.shrui %add3A_160, %shift_right_logical3A_162 : vector<16xi32>
          %shift_left3A_164 = arith.constant 16 : i32
          %shift_left3A_165 = vector.broadcast %shift_left3A_164 : i32 to vector<16xi32>
          %shift_left3A_166 = arith.shli %shift_right_logical3A_163, %shift_left3A_165 : vector<16xi32>
          %or3A_167 = arith.ori %shift_right_logical3A_150, %shift_left3A_166 : vector<16xi32>
          %swap3A_168 = arith.index_cast %scan3A_69 : i32 to index
          %swap3A_169 = arith.constant 16 : index
          %swap3A_170 = tpu.vector_load %arg13[%swap3A_168, %swap3A_169] {strides = array<i32>} : memref<80x64xi32, #tpu.memory_space<vmem>>, vector<1x16xi32>,
          %swap3A_171 = vector.shape_cast %swap3A_170 : vector<1x16xi32> to vector<16xi32>
          %swap3A_172 = vector.shape_cast %or3A_167 : vector<16xi32> to vector<1x16xi32>
          tpu.vector_store %arg13[%swap3A_168, %swap3A_169], %swap3A_172 {strides = array<i32>} : memref<80x64xi32, #tpu.memory_space<vmem>>, vector<1x16xi32>,
          %get3A_173 = arith.index_cast %scan3A_69 : i32 to index
          %get3A_174 = arith.constant 64 : index
          %get3A_175 = tpu.vector_load %arg9[%get3A_173, %get3A_174] {strides = array<i32>} : memref<80x128xf32, #tpu.memory_space<vmem>>, vector<1x16xf32>,
          %get3A_176 = vector.shape_cast %get3A_175 : vector<1x16xf32> to vector<16xf32>
          %get3A_177 = arith.index_cast %scan3A_69 : i32 to index
          %get3A_178 = arith.constant 64 : index
          %get3A_179 = tpu.vector_load %arg11[%get3A_177, %get3A_178] {strides = array<i32>} : memref<80x128xf32, #tpu.memory_space<vmem>>, vector<1x16xf32>,
          %get3A_180 = vector.shape_cast %get3A_179 : vector<1x16xf32> to vector<16xf32>
          %add3A_181 = arith.addf %get3A_176, %get3A_180 : vector<16xf32>
          %bitcast_convert_type3A_182 = tpu.bitcast %add3A_181 : vector<16xf32> -> vector<16xi32>
          %get3A_183 = arith.index_cast %scan3A_69 : i32 to index
          %get3A_184 = arith.constant 80 : index
          %get3A_185 = tpu.vector_load %arg9[%get3A_183, %get3A_184] {strides = array<i32>} : memref<80x128xf32, #tpu.memory_space<vmem>>, vector<1x16xf32>,
          %get3A_186 = vector.shape_cast %get3A_185 : vector<1x16xf32> to vector<16xf32>
          %get3A_187 = arith.index_cast %scan3A_69 : i32 to index
          %get3A_188 = arith.constant 80 : index
          %get3A_189 = tpu.vector_load %arg11[%get3A_187, %get3A_188] {strides = array<i32>} : memref<80x128xf32, #tpu.memory_space<vmem>>, vector<1x16xf32>,
          %get3A_190 = vector.shape_cast %get3A_189 : vector<1x16xf32> to vector<16xf32>
          %add3A_191 = arith.addf %get3A_186, %get3A_190 : vector<16xf32>
          %bitcast_convert_type3A_192 = tpu.bitcast %add3A_191 : vector<16xf32> -> vector<16xi32>
          %add3A_193 = arith.constant 32767 : i32
          %add3A_194 = vector.broadcast %add3A_193 : i32 to vector<16xi32>
          %add3A_195 = arith.addi %bitcast_convert_type3A_182, %add3A_194 : vector<16xi32>
          %shift_right_logical3A_196 = arith.constant 16 : i32
          %shift_right_logical3A_197 = vector.broadcast %shift_right_logical3A_196 : i32 to vector<16xi32>
          %shift_right_logical3A_198 = arith.shrui %bitcast_convert_type3A_182, %shift_right_logical3A_197 : vector<16xi32>
          %and3A_199 = arith.constant 1 : i32
          %and3A_200 = vector.broadcast %and3A_199 : i32 to vector<16xi32>
          %and3A_201 = arith.andi %shift_right_logical3A_198, %and3A_200 : vector<16xi32>
          %add3A_202 = arith.addi %add3A_195, %and3A_201 : vector<16xi32>
          %shift_right_logical3A_203 = arith.constant 16 : i32
          %shift_right_logical3A_204 = vector.broadcast %shift_right_logical3A_203 : i32 to vector<16xi32>
          %shift_right_logical3A_205 = arith.shrui %add3A_202, %shift_right_logical3A_204 : vector<16xi32>
          %add3A_206 = arith.constant 32767 : i32
          %add3A_207 = vector.broadcast %add3A_206 : i32 to vector<16xi32>
          %add3A_208 = arith.addi %bitcast_convert_type3A_192, %add3A_207 : vector<16xi32>
          %shift_right_logical3A_209 = arith.constant 16 : i32
          %shift_right_logical3A_210 = vector.broadcast %shift_right_logical3A_209 : i32 to vector<16xi32>
          %shift_right_logical3A_211 = arith.shrui %bitcast_convert_type3A_192, %shift_right_logical3A_210 : vector<16xi32>
          %and3A_212 = arith.constant 1 : i32
          %and3A_213 = vector.broadcast %and3A_212 : i32 to vector<16xi32>
          %and3A_214 = arith.andi %shift_right_logical3A_211, %and3A_213 : vector<16xi32>
          %add3A_215 = arith.addi %add3A_208, %and3A_214 : vector<16xi32>
          %shift_right_logical3A_216 = arith.constant 16 : i32
          %shift_right_logical3A_217 = vector.broadcast %shift_right_logical3A_216 : i32 to vector<16xi32>
          %shift_right_logical3A_218 = arith.shrui %add3A_215, %shift_right_logical3A_217 : vector<16xi32>
          %shift_left3A_219 = arith.constant 16 : i32
          %shift_left3A_220 = vector.broadcast %shift_left3A_219 : i32 to vector<16xi32>
          %shift_left3A_221 = arith.shli %shift_right_logical3A_218, %shift_left3A_220 : vector<16xi32>
          %or3A_222 = arith.ori %shift_right_logical3A_205, %shift_left3A_221 : vector<16xi32>
          %swap3A_223 = arith.index_cast %scan3A_69 : i32 to index
          %swap3A_224 = arith.constant 32 : index
          %swap3A_225 = tpu.vector_load %arg13[%swap3A_223, %swap3A_224] {strides = array<i32>} : memref<80x64xi32, #tpu.memory_space<vmem>>, vector<1x16xi32>,
          %swap3A_226 = vector.shape_cast %swap3A_225 : vector<1x16xi32> to vector<16xi32>
          %swap3A_227 = vector.shape_cast %or3A_222 : vector<16xi32> to vector<1x16xi32>
          tpu.vector_store %arg13[%swap3A_223, %swap3A_224], %swap3A_227 {strides = array<i32>} : memref<80x64xi32, #tpu.memory_space<vmem>>, vector<1x16xi32>,
          %get3A_228 = arith.index_cast %scan3A_69 : i32 to index
          %get3A_229 = arith.constant 96 : index
          %get3A_230 = tpu.vector_load %arg9[%get3A_228, %get3A_229] {strides = array<i32>} : memref<80x128xf32, #tpu.memory_space<vmem>>, vector<1x16xf32>,
          %get3A_231 = vector.shape_cast %get3A_230 : vector<1x16xf32> to vector<16xf32>
          %get3A_232 = arith.index_cast %scan3A_69 : i32 to index
          %get3A_233 = arith.constant 96 : index
          %get3A_234 = tpu.vector_load %arg11[%get3A_232, %get3A_233] {strides = array<i32>} : memref<80x128xf32, #tpu.memory_space<vmem>>, vector<1x16xf32>,
          %get3A_235 = vector.shape_cast %get3A_234 : vector<1x16xf32> to vector<16xf32>
          %add3A_236 = arith.addf %get3A_231, %get3A_235 : vector<16xf32>
          %bitcast_convert_type3A_237 = tpu.bitcast %add3A_236 : vector<16xf32> -> vector<16xi32>
          %get3A_238 = arith.index_cast %scan3A_69 : i32 to index
          %get3A_239 = arith.constant 112 : index
          %get3A_240 = tpu.vector_load %arg9[%get3A_238, %get3A_239] {strides = array<i32>} : memref<80x128xf32, #tpu.memory_space<vmem>>, vector<1x16xf32>,
          %get3A_241 = vector.shape_cast %get3A_240 : vector<1x16xf32> to vector<16xf32>
          %get3A_242 = arith.index_cast %scan3A_69 : i32 to index
          %get3A_243 = arith.constant 112 : index
          %get3A_244 = tpu.vector_load %arg11[%get3A_242, %get3A_243] {strides = array<i32>} : memref<80x128xf32, #tpu.memory_space<vmem>>, vector<1x16xf32>,
          %get3A_245 = vector.shape_cast %get3A_244 : vector<1x16xf32> to vector<16xf32>
          %add3A_246 = arith.addf %get3A_241, %get3A_245 : vector<16xf32>
          %bitcast_convert_type3A_247 = tpu.bitcast %add3A_246 : vector<16xf32> -> vector<16xi32>
          %add3A_248 = arith.constant 32767 : i32
          %add3A_249 = vector.broadcast %add3A_248 : i32 to vector<16xi32>
          %add3A_250 = arith.addi %bitcast_convert_type3A_237, %add3A_249 : vector<16xi32>
          %shift_right_logical3A_251 = arith.constant 16 : i32
          %shift_right_logical3A_252 = vector.broadcast %shift_right_logical3A_251 : i32 to vector<16xi32>
          %shift_right_logical3A_253 = arith.shrui %bitcast_convert_type3A_237, %shift_right_logical3A_252 : vector<16xi32>
          %and3A_254 = arith.constant 1 : i32
          %and3A_255 = vector.broadcast %and3A_254 : i32 to vector<16xi32>
          %and3A_256 = arith.andi %shift_right_logical3A_253, %and3A_255 : vector<16xi32>
          %add3A_257 = arith.addi %add3A_250, %and3A_256 : vector<16xi32>
          %shift_right_logical3A_258 = arith.constant 16 : i32
          %shift_right_logical3A_259 = vector.broadcast %shift_right_logical3A_258 : i32 to vector<16xi32>
          %shift_right_logical3A_260 = arith.shrui %add3A_257, %shift_right_logical3A_259 : vector<16xi32>
          %add3A_261 = arith.constant 32767 : i32
          %add3A_262 = vector.broadcast %add3A_261 : i32 to vector<16xi32>
          %add3A_263 = arith.addi %bitcast_convert_type3A_247, %add3A_262 : vector<16xi32>
          %shift_right_logical3A_264 = arith.constant 16 : i32
          %shift_right_logical3A_265 = vector.broadcast %shift_right_logical3A_264 : i32 to vector<16xi32>
          %shift_right_logical3A_266 = arith.shrui %bitcast_convert_type3A_247, %shift_right_logical3A_265 : vector<16xi32>
          %and3A_267 = arith.constant 1 : i32
          %and3A_268 = vector.broadcast %and3A_267 : i32 to vector<16xi32>
          %and3A_269 = arith.andi %shift_right_logical3A_266, %and3A_268 : vector<16xi32>
          %add3A_270 = arith.addi %add3A_263, %and3A_269 : vector<16xi32>
          %shift_right_logical3A_271 = arith.constant 16 : i32
          %shift_right_logical3A_272 = vector.broadcast %shift_right_logical3A_271 : i32 to vector<16xi32>
          %shift_right_logical3A_273 = arith.shrui %add3A_270, %shift_right_logical3A_272 : vector<16xi32>
          %shift_left3A_274 = arith.constant 16 : i32
          %shift_left3A_275 = vector.broadcast %shift_left3A_274 : i32 to vector<16xi32>
          %shift_left3A_276 = arith.shli %shift_right_logical3A_273, %shift_left3A_275 : vector<16xi32>
          %or3A_277 = arith.ori %shift_right_logical3A_260, %shift_left3A_276 : vector<16xi32>
          %swap3A_278 = arith.index_cast %scan3A_69 : i32 to index
          %swap3A_279 = arith.constant 48 : index
          %swap3A_280 = tpu.vector_load %arg13[%swap3A_278, %swap3A_279] {strides = array<i32>} : memref<80x64xi32, #tpu.memory_space<vmem>>, vector<1x16xi32>,
          %swap3A_281 = vector.shape_cast %swap3A_280 : vector<1x16xi32> to vector<16xi32>
          %swap3A_282 = vector.shape_cast %or3A_277 : vector<16xi32> to vector<1x16xi32>
          tpu.vector_store %arg13[%swap3A_278, %swap3A_279], %swap3A_282 {strides = array<i32>} : memref<80x64xi32, #tpu.memory_space<vmem>>, vector<1x16xi32>,
        }
        %scan3A_65 = arith.constant 80 : i32
        %mul3A_66 = arith.constant 80 : i32
        %mul3A_67 = arith.muli %add3A_24, %mul3A_66 : i32
        %add3A_68 = arith.addi %mul3A_2, %mul3A_67 : i32
        "tpu.region"() ({
          %run_scoped3A = tpu.sem_alloc : memref<!tpu.dma_semaphore, #tpu.memory_space<semaphore_mem>>
          %dma_start3A_69 = arith.constant 0 : i32
          %dma_start3A_70 = tpu.memref_slice %arg6[%add3A_68, %dma_start3A_69] : memref<64000x64xi32, #tpu.memory_space<hbm>> -> memref<80x64xi32, #tpu.memory_space<hbm>>
          %dma_start3A_71 = arith.constant 0 : i32
          %dma_start3A_72 = tpu.memref_slice %arg6[%add3A_68, %dma_start3A_71] : memref<64000x64xi32, #tpu.memory_space<hbm>> -> memref<80x64xi32, #tpu.memory_space<hbm>>
          tpu.enqueue_dma source(%arg13 : memref<80x64xi32, #tpu.memory_space<vmem>>) target(%dma_start3A_72 : memref<80x64xi32, #tpu.memory_space<hbm>>) target_semaphore(%run_scoped3A : memref<!tpu.dma_semaphore, #tpu.memory_space<semaphore_mem>>)
          %dma_wait3A_73 = arith.constant 0 : i32
          %dma_wait3A_74 = tpu.memref_slice %arg6[%add3A_68, %dma_wait3A_73] : memref<64000x64xi32, #tpu.memory_space<hbm>> -> memref<80x64xi32, #tpu.memory_space<hbm>>
          %dma_wait3A_75 = arith.constant 0 : i32
          %dma_wait3A_76 = tpu.memref_slice %arg6[%add3A_68, %dma_wait3A_75] : memref<64000x64xi32, #tpu.memory_space<hbm>> -> memref<80x64xi32, #tpu.memory_space<hbm>>
          tpu.wait_dma2 semaphore(%run_scoped3A : memref<!tpu.dma_semaphore, #tpu.memory_space<semaphore_mem>>) src(%arg13 : memref<80x64xi32, #tpu.memory_space<vmem>>) dst(%dma_wait3A_76 : memref<80x64xi32, #tpu.memory_space<hbm>>)
          tpu.yield
        }) : () -> ()
      } else {
      }
      %mul3A_34 = arith.constant 2 : i32
      %mul3A_35 = arith.muli %mul3A_34, %scan3A_20 : i32
      %add3A_36 = arith.constant 1 : i32
      %add3A_37 = arith.addi %mul3A_35, %add3A_36 : i32
      %add3A_38 = arith.constant 1 : i32
      %add3A_39 = arith.addi %add3A_37, %add3A_38 : i32
      %lt3A_40 = arith.constant 25 : i32
      %lt3A_41 = arith.cmpi slt, %add3A_39, %lt3A_40 : i32
      %convert_element_type3A_42 = arith.extui %lt3A_41 : i1 to i32
      %cond3A_43 = arith.constant 0 : i32
      %cond3A_44 = arith.cmpi ne, %convert_element_type3A_42, %cond3A_43 : i32
      scf.if %cond3A_44 {
        %mul3A_50 = arith.constant 80 : i32
        %mul3A_51 = arith.muli %add3A_39, %mul3A_50 : i32
        %multiple_of3A_52 = tpu.assume_multiple %mul3A_51, 8 : i32
        %dma_start3A_53 = tpu.memref_slice %arg7[%multiple_of3A_52] : memref<2000xi32, #tpu.memory_space<vmem>> -> memref<80xi32, #tpu.memory_space<vmem>>
        %dma_start3A_54 = arith.constant 0 : i32
        %dma_start3A_55 = arith.constant 0 : i32
        %dma_start3A_56 = tpu.memref_slice %arg2[%dma_start3A_54, %dma_start3A_55] : memref<10000x128xf32, #tpu.memory_space<hbm>> -> memref<10000x128xf32, #tpu.memory_space<hbm>>
        tpu.enqueue_indirect_dma source(%dma_start3A_56 : memref<10000x128xf32, #tpu.memory_space<hbm>>) target(%arg9 : memref<80x128xf32, #tpu.memory_space<vmem>>) offsets(%dma_start3A_53 : memref<80xi32, #tpu.memory_space<vmem>>) semaphore(%arg15 : memref<!tpu.dma_semaphore, #tpu.memory_space<semaphore_mem>>)
        %dma_start3A_57 = tpu.memref_slice %arg8[%multiple_of3A_52] : memref<2000xi32, #tpu.memory_space<vmem>> -> memref<80xi32, #tpu.memory_space<vmem>>
        %dma_start3A_58 = arith.constant 0 : i32
        %dma_start3A_59 = arith.constant 0 : i32
        %dma_start3A_60 = tpu.memref_slice %arg3[%dma_start3A_58, %dma_start3A_59] : memref<10000x128xf32, #tpu.memory_space<hbm>> -> memref<10000x128xf32, #tpu.memory_space<hbm>>
        tpu.enqueue_indirect_dma source(%dma_start3A_60 : memref<10000x128xf32, #tpu.memory_space<hbm>>) target(%arg11 : memref<80x128xf32, #tpu.memory_space<vmem>>) offsets(%dma_start3A_57 : memref<80xi32, #tpu.memory_space<vmem>>) semaphore(%arg17 : memref<!tpu.dma_semaphore, #tpu.memory_space<semaphore_mem>>)
      } else {
      }
      %lt3A_45 = arith.constant 25 : i32
      %lt3A_46 = arith.cmpi slt, %add3A_37, %lt3A_45 : i32
      %convert_element_type3A_47 = arith.extui %lt3A_46 : i1 to i32
      %cond3A_48 = arith.constant 0 : i32
      %cond3A_49 = arith.cmpi ne, %convert_element_type3A_47, %cond3A_48 : i32
      scf.if %cond3A_49 {
        %mul3A_50 = arith.constant 80 : i32
        %mul3A_51 = arith.muli %add3A_37, %mul3A_50 : i32
        %multiple_of3A_52 = tpu.assume_multiple %mul3A_51, 8 : i32
        %dma_wait3A = tpu.memref_slice %arg7[%multiple_of3A_52] : memref<2000xi32, #tpu.memory_space<vmem>> -> memref<80xi32, #tpu.memory_space<vmem>>
        %dma_wait3A_53 = arith.constant 0 : i32
        %dma_wait3A_54 = arith.constant 0 : i32
        %dma_wait3A_55 = tpu.memref_slice %arg2[%dma_wait3A_53, %dma_wait3A_54] : memref<10000x128xf32, #tpu.memory_space<hbm>> -> memref<10000x128xf32, #tpu.memory_space<hbm>>
        tpu.wait_indirect_dma semaphore(%arg16 : memref<!tpu.dma_semaphore, #tpu.memory_space<semaphore_mem>>) src(%dma_wait3A_55 : memref<10000x128xf32, #tpu.memory_space<hbm>>) dst(%arg10 : memref<80x128xf32, #tpu.memory_space<vmem>>)
        %dma_wait3A_56 = tpu.memref_slice %arg8[%multiple_of3A_52] : memref<2000xi32, #tpu.memory_space<vmem>> -> memref<80xi32, #tpu.memory_space<vmem>>
        %dma_wait3A_57 = arith.constant 0 : i32
        %dma_wait3A_58 = arith.constant 0 : i32
        %dma_wait3A_59 = tpu.memref_slice %arg3[%dma_wait3A_57, %dma_wait3A_58] : memref<10000x128xf32, #tpu.memory_space<hbm>> -> memref<10000x128xf32, #tpu.memory_space<hbm>>
        tpu.wait_indirect_dma semaphore(%arg18 : memref<!tpu.dma_semaphore, #tpu.memory_space<semaphore_mem>>) src(%dma_wait3A_59 : memref<10000x128xf32, #tpu.memory_space<hbm>>) dst(%arg12 : memref<80x128xf32, #tpu.memory_space<vmem>>)
        %scan3A_60 = arith.constant 0 : i32
        %scan3A_61 = arith.constant 0 : i32
        %scan3A_62 = arith.constant 80 : i32
        %scan3A_63 = arith.addi %scan3A_61, %scan3A_62 : i32
        %scan3A_64 = arith.constant 1 : i32
        scf.for %scan3A_69 = %scan3A_61 to %scan3A_63 step %scan3A_64  : i32 {
          %get3A = arith.index_cast %scan3A_69 : i32 to index
          %get3A_70 = arith.constant 0 : index
          %get3A_71 = tpu.vector_load %arg10[%get3A, %get3A_70] {strides = array<i32>} : memref<80x128xf32, #tpu.memory_space<vmem>>, vector<1x16xf32>,
          %get3A_72 = vector.shape_cast %get3A_71 : vector<1x16xf32> to vector<16xf32>
          %get3A_73 = arith.index_cast %scan3A_69 : i32 to index
          %get3A_74 = arith.constant 0 : index
          %get3A_75 = tpu.vector_load %arg12[%get3A_73, %get3A_74] {strides = array<i32>} : memref<80x128xf32, #tpu.memory_space<vmem>>, vector<1x16xf32>,
          %get3A_76 = vector.shape_cast %get3A_75 : vector<1x16xf32> to vector<16xf32>
          %add3A_77 = arith.addf %get3A_72, %get3A_76 : vector<16xf32>
          %bitcast_convert_type3A = tpu.bitcast %add3A_77 : vector<16xf32> -> vector<16xi32>
          %get3A_78 = arith.index_cast %scan3A_69 : i32 to index
          %get3A_79 = arith.constant 16 : index
          %get3A_80 = tpu.vector_load %arg10[%get3A_78, %get3A_79] {strides = array<i32>} : memref<80x128xf32, #tpu.memory_space<vmem>>, vector<1x16xf32>,
          %get3A_81 = vector.shape_cast %get3A_80 : vector<1x16xf32> to vector<16xf32>
          %get3A_82 = arith.index_cast %scan3A_69 : i32 to index
          %get3A_83 = arith.constant 16 : index
          %get3A_84 = tpu.vector_load %arg12[%get3A_82, %get3A_83] {strides = array<i32>} : memref<80x128xf32, #tpu.memory_space<vmem>>, vector<1x16xf32>,
          %get3A_85 = vector.shape_cast %get3A_84 : vector<1x16xf32> to vector<16xf32>
          %add3A_86 = arith.addf %get3A_81, %get3A_85 : vector<16xf32>
          %bitcast_convert_type3A_87 = tpu.bitcast %add3A_86 : vector<16xf32> -> vector<16xi32>
          %add3A_88 = arith.constant 32767 : i32
          %add3A_89 = vector.broadcast %add3A_88 : i32 to vector<16xi32>
          %add3A_90 = arith.addi %bitcast_convert_type3A, %add3A_89 : vector<16xi32>
          %shift_right_logical3A = arith.constant 16 : i32
          %shift_right_logical3A_91 = vector.broadcast %shift_right_logical3A : i32 to vector<16xi32>
          %shift_right_logical3A_92 = arith.shrui %bitcast_convert_type3A, %shift_right_logical3A_91 : vector<16xi32>
          %and3A = arith.constant 1 : i32
          %and3A_93 = vector.broadcast %and3A : i32 to vector<16xi32>
          %and3A_94 = arith.andi %shift_right_logical3A_92, %and3A_93 : vector<16xi32>
          %add3A_95 = arith.addi %add3A_90, %and3A_94 : vector<16xi32>
          %shift_right_logical3A_96 = arith.constant 16 : i32
          %shift_right_logical3A_97 = vector.broadcast %shift_right_logical3A_96 : i32 to vector<16xi32>
          %shift_right_logical3A_98 = arith.shrui %add3A_95, %shift_right_logical3A_97 : vector<16xi32>
          %add3A_99 = arith.constant 32767 : i32
          %add3A_100 = vector.broadcast %add3A_99 : i32 to vector<16xi32>
          %add3A_101 = arith.addi %bitcast_convert_type3A_87, %add3A_100 : vector<16xi32>
          %shift_right_logical3A_102 = arith.constant 16 : i32
          %shift_right_logical3A_103 = vector.broadcast %shift_right_logical3A_102 : i32 to vector<16xi32>
          %shift_right_logical3A_104 = arith.shrui %bitcast_convert_type3A_87, %shift_right_logical3A_103 : vector<16xi32>
          %and3A_105 = arith.constant 1 : i32
          %and3A_106 = vector.broadcast %and3A_105 : i32 to vector<16xi32>
          %and3A_107 = arith.andi %shift_right_logical3A_104, %and3A_106 : vector<16xi32>
          %add3A_108 = arith.addi %add3A_101, %and3A_107 : vector<16xi32>
          %shift_right_logical3A_109 = arith.constant 16 : i32
          %shift_right_logical3A_110 = vector.broadcast %shift_right_logical3A_109 : i32 to vector<16xi32>
          %shift_right_logical3A_111 = arith.shrui %add3A_108, %shift_right_logical3A_110 : vector<16xi32>
          %shift_left3A = arith.constant 16 : i32
          %shift_left3A_112 = vector.broadcast %shift_left3A : i32 to vector<16xi32>
          %shift_left3A_113 = arith.shli %shift_right_logical3A_111, %shift_left3A_112 : vector<16xi32>
          %or3A = arith.ori %shift_right_logical3A_98, %shift_left3A_113 : vector<16xi32>
          %swap3A = arith.index_cast %scan3A_69 : i32 to index
          %swap3A_114 = arith.constant 0 : index
          %swap3A_115 = tpu.vector_load %arg14[%swap3A, %swap3A_114] {strides = array<i32>} : memref<80x64xi32, #tpu.memory_space<vmem>>, vector<1x16xi32>,
          %swap3A_116 = vector.shape_cast %swap3A_115 : vector<1x16xi32> to vector<16xi32>
          %swap3A_117 = vector.shape_cast %or3A : vector<16xi32> to vector<1x16xi32>
          tpu.vector_store %arg14[%swap3A, %swap3A_114], %swap3A_117 {strides = array<i32>} : memref<80x64xi32, #tpu.memory_space<vmem>>, vector<1x16xi32>,
          %get3A_118 = arith.index_cast %scan3A_69 : i32 to index
          %get3A_119 = arith.constant 32 : index
          %get3A_120 = tpu.vector_load %arg10[%get3A_118, %get3A_119] {strides = array<i32>} : memref<80x128xf32, #tpu.memory_space<vmem>>, vector<1x16xf32>,
          %get3A_121 = vector.shape_cast %get3A_120 : vector<1x16xf32> to vector<16xf32>
          %get3A_122 = arith.index_cast %scan3A_69 : i32 to index
          %get3A_123 = arith.constant 32 : index
          %get3A_124 = tpu.vector_load %arg12[%get3A_122, %get3A_123] {strides = array<i32>} : memref<80x128xf32, #tpu.memory_space<vmem>>, vector<1x16xf32>,
          %get3A_125 = vector.shape_cast %get3A_124 : vector<1x16xf32> to vector<16xf32>
          %add3A_126 = arith.addf %get3A_121, %get3A_125 : vector<16xf32>
          %bitcast_convert_type3A_127 = tpu.bitcast %add3A_126 : vector<16xf32> -> vector<16xi32>
          %get3A_128 = arith.index_cast %scan3A_69 : i32 to index
          %get3A_129 = arith.constant 48 : index
          %get3A_130 = tpu.vector_load %arg10[%get3A_128, %get3A_129] {strides = array<i32>} : memref<80x128xf32, #tpu.memory_space<vmem>>, vector<1x16xf32>,
          %get3A_131 = vector.shape_cast %get3A_130 : vector<1x16xf32> to vector<16xf32>
          %get3A_132 = arith.index_cast %scan3A_69 : i32 to index
          %get3A_133 = arith.constant 48 : index
          %get3A_134 = tpu.vector_load %arg12[%get3A_132, %get3A_133] {strides = array<i32>} : memref<80x128xf32, #tpu.memory_space<vmem>>, vector<1x16xf32>,
          %get3A_135 = vector.shape_cast %get3A_134 : vector<1x16xf32> to vector<16xf32>
          %add3A_136 = arith.addf %get3A_131, %get3A_135 : vector<16xf32>
          %bitcast_convert_type3A_137 = tpu.bitcast %add3A_136 : vector<16xf32> -> vector<16xi32>
          %add3A_138 = arith.constant 32767 : i32
          %add3A_139 = vector.broadcast %add3A_138 : i32 to vector<16xi32>
          %add3A_140 = arith.addi %bitcast_convert_type3A_127, %add3A_139 : vector<16xi32>
          %shift_right_logical3A_141 = arith.constant 16 : i32
          %shift_right_logical3A_142 = vector.broadcast %shift_right_logical3A_141 : i32 to vector<16xi32>
          %shift_right_logical3A_143 = arith.shrui %bitcast_convert_type3A_127, %shift_right_logical3A_142 : vector<16xi32>
          %and3A_144 = arith.constant 1 : i32
          %and3A_145 = vector.broadcast %and3A_144 : i32 to vector<16xi32>
          %and3A_146 = arith.andi %shift_right_logical3A_143, %and3A_145 : vector<16xi32>
          %add3A_147 = arith.addi %add3A_140, %and3A_146 : vector<16xi32>
          %shift_right_logical3A_148 = arith.constant 16 : i32
          %shift_right_logical3A_149 = vector.broadcast %shift_right_logical3A_148 : i32 to vector<16xi32>
          %shift_right_logical3A_150 = arith.shrui %add3A_147, %shift_right_logical3A_149 : vector<16xi32>
          %add3A_151 = arith.constant 32767 : i32
          %add3A_152 = vector.broadcast %add3A_151 : i32 to vector<16xi32>
          %add3A_153 = arith.addi %bitcast_convert_type3A_137, %add3A_152 : vector<16xi32>
          %shift_right_logical3A_154 = arith.constant 16 : i32
          %shift_right_logical3A_155 = vector.broadcast %shift_right_logical3A_154 : i32 to vector<16xi32>
          %shift_right_logical3A_156 = arith.shrui %bitcast_convert_type3A_137, %shift_right_logical3A_155 : vector<16xi32>
          %and3A_157 = arith.constant 1 : i32
          %and3A_158 = vector.broadcast %and3A_157 : i32 to vector<16xi32>
          %and3A_159 = arith.andi %shift_right_logical3A_156, %and3A_158 : vector<16xi32>
          %add3A_160 = arith.addi %add3A_153, %and3A_159 : vector<16xi32>
          %shift_right_logical3A_161 = arith.constant 16 : i32
          %shift_right_logical3A_162 = vector.broadcast %shift_right_logical3A_161 : i32 to vector<16xi32>
          %shift_right_logical3A_163 = arith.shrui %add3A_160, %shift_right_logical3A_162 : vector<16xi32>
          %shift_left3A_164 = arith.constant 16 : i32
          %shift_left3A_165 = vector.broadcast %shift_left3A_164 : i32 to vector<16xi32>
          %shift_left3A_166 = arith.shli %shift_right_logical3A_163, %shift_left3A_165 : vector<16xi32>
          %or3A_167 = arith.ori %shift_right_logical3A_150, %shift_left3A_166 : vector<16xi32>
          %swap3A_168 = arith.index_cast %scan3A_69 : i32 to index
          %swap3A_169 = arith.constant 16 : index
          %swap3A_170 = tpu.vector_load %arg14[%swap3A_168, %swap3A_169] {strides = array<i32>} : memref<80x64xi32, #tpu.memory_space<vmem>>, vector<1x16xi32>,
          %swap3A_171 = vector.shape_cast %swap3A_170 : vector<1x16xi32> to vector<16xi32>
          %swap3A_172 = vector.shape_cast %or3A_167 : vector<16xi32> to vector<1x16xi32>
          tpu.vector_store %arg14[%swap3A_168, %swap3A_169], %swap3A_172 {strides = array<i32>} : memref<80x64xi32, #tpu.memory_space<vmem>>, vector<1x16xi32>,
          %get3A_173 = arith.index_cast %scan3A_69 : i32 to index
          %get3A_174 = arith.constant 64 : index
          %get3A_175 = tpu.vector_load %arg10[%get3A_173, %get3A_174] {strides = array<i32>} : memref<80x128xf32, #tpu.memory_space<vmem>>, vector<1x16xf32>,
          %get3A_176 = vector.shape_cast %get3A_175 : vector<1x16xf32> to vector<16xf32>
          %get3A_177 = arith.index_cast %scan3A_69 : i32 to index
          %get3A_178 = arith.constant 64 : index
          %get3A_179 = tpu.vector_load %arg12[%get3A_177, %get3A_178] {strides = array<i32>} : memref<80x128xf32, #tpu.memory_space<vmem>>, vector<1x16xf32>,
          %get3A_180 = vector.shape_cast %get3A_179 : vector<1x16xf32> to vector<16xf32>
          %add3A_181 = arith.addf %get3A_176, %get3A_180 : vector<16xf32>
          %bitcast_convert_type3A_182 = tpu.bitcast %add3A_181 : vector<16xf32> -> vector<16xi32>
          %get3A_183 = arith.index_cast %scan3A_69 : i32 to index
          %get3A_184 = arith.constant 80 : index
          %get3A_185 = tpu.vector_load %arg10[%get3A_183, %get3A_184] {strides = array<i32>} : memref<80x128xf32, #tpu.memory_space<vmem>>, vector<1x16xf32>,
          %get3A_186 = vector.shape_cast %get3A_185 : vector<1x16xf32> to vector<16xf32>
          %get3A_187 = arith.index_cast %scan3A_69 : i32 to index
          %get3A_188 = arith.constant 80 : index
          %get3A_189 = tpu.vector_load %arg12[%get3A_187, %get3A_188] {strides = array<i32>} : memref<80x128xf32, #tpu.memory_space<vmem>>, vector<1x16xf32>,
          %get3A_190 = vector.shape_cast %get3A_189 : vector<1x16xf32> to vector<16xf32>
          %add3A_191 = arith.addf %get3A_186, %get3A_190 : vector<16xf32>
          %bitcast_convert_type3A_192 = tpu.bitcast %add3A_191 : vector<16xf32> -> vector<16xi32>
          %add3A_193 = arith.constant 32767 : i32
          %add3A_194 = vector.broadcast %add3A_193 : i32 to vector<16xi32>
          %add3A_195 = arith.addi %bitcast_convert_type3A_182, %add3A_194 : vector<16xi32>
          %shift_right_logical3A_196 = arith.constant 16 : i32
          %shift_right_logical3A_197 = vector.broadcast %shift_right_logical3A_196 : i32 to vector<16xi32>
          %shift_right_logical3A_198 = arith.shrui %bitcast_convert_type3A_182, %shift_right_logical3A_197 : vector<16xi32>
          %and3A_199 = arith.constant 1 : i32
          %and3A_200 = vector.broadcast %and3A_199 : i32 to vector<16xi32>
          %and3A_201 = arith.andi %shift_right_logical3A_198, %and3A_200 : vector<16xi32>
          %add3A_202 = arith.addi %add3A_195, %and3A_201 : vector<16xi32>
          %shift_right_logical3A_203 = arith.constant 16 : i32
          %shift_right_logical3A_204 = vector.broadcast %shift_right_logical3A_203 : i32 to vector<16xi32>
          %shift_right_logical3A_205 = arith.shrui %add3A_202, %shift_right_logical3A_204 : vector<16xi32>
          %add3A_206 = arith.constant 32767 : i32
          %add3A_207 = vector.broadcast %add3A_206 : i32 to vector<16xi32>
          %add3A_208 = arith.addi %bitcast_convert_type3A_192, %add3A_207 : vector<16xi32>
          %shift_right_logical3A_209 = arith.constant 16 : i32
          %shift_right_logical3A_210 = vector.broadcast %shift_right_logical3A_209 : i32 to vector<16xi32>
          %shift_right_logical3A_211 = arith.shrui %bitcast_convert_type3A_192, %shift_right_logical3A_210 : vector<16xi32>
          %and3A_212 = arith.constant 1 : i32
          %and3A_213 = vector.broadcast %and3A_212 : i32 to vector<16xi32>
          %and3A_214 = arith.andi %shift_right_logical3A_211, %and3A_213 : vector<16xi32>
          %add3A_215 = arith.addi %add3A_208, %and3A_214 : vector<16xi32>
          %shift_right_logical3A_216 = arith.constant 16 : i32
          %shift_right_logical3A_217 = vector.broadcast %shift_right_logical3A_216 : i32 to vector<16xi32>
          %shift_right_logical3A_218 = arith.shrui %add3A_215, %shift_right_logical3A_217 : vector<16xi32>
          %shift_left3A_219 = arith.constant 16 : i32
          %shift_left3A_220 = vector.broadcast %shift_left3A_219 : i32 to vector<16xi32>
          %shift_left3A_221 = arith.shli %shift_right_logical3A_218, %shift_left3A_220 : vector<16xi32>
          %or3A_222 = arith.ori %shift_right_logical3A_205, %shift_left3A_221 : vector<16xi32>
          %swap3A_223 = arith.index_cast %scan3A_69 : i32 to index
          %swap3A_224 = arith.constant 32 : index
          %swap3A_225 = tpu.vector_load %arg14[%swap3A_223, %swap3A_224] {strides = array<i32>} : memref<80x64xi32, #tpu.memory_space<vmem>>, vector<1x16xi32>,
          %swap3A_226 = vector.shape_cast %swap3A_225 : vector<1x16xi32> to vector<16xi32>
          %swap3A_227 = vector.shape_cast %or3A_222 : vector<16xi32> to vector<1x16xi32>
          tpu.vector_store %arg14[%swap3A_223, %swap3A_224], %swap3A_227 {strides = array<i32>} : memref<80x64xi32, #tpu.memory_space<vmem>>, vector<1x16xi32>,
          %get3A_228 = arith.index_cast %scan3A_69 : i32 to index
          %get3A_229 = arith.constant 96 : index
          %get3A_230 = tpu.vector_load %arg10[%get3A_228, %get3A_229] {strides = array<i32>} : memref<80x128xf32, #tpu.memory_space<vmem>>, vector<1x16xf32>,
          %get3A_231 = vector.shape_cast %get3A_230 : vector<1x16xf32> to vector<16xf32>
          %get3A_232 = arith.index_cast %scan3A_69 : i32 to index
          %get3A_233 = arith.constant 96 : index
          %get3A_234 = tpu.vector_load %arg12[%get3A_232, %get3A_233] {strides = array<i32>} : memref<80x128xf32, #tpu.memory_space<vmem>>, vector<1x16xf32>,
          %get3A_235 = vector.shape_cast %get3A_234 : vector<1x16xf32> to vector<16xf32>
          %add3A_236 = arith.addf %get3A_231, %get3A_235 : vector<16xf32>
          %bitcast_convert_type3A_237 = tpu.bitcast %add3A_236 : vector<16xf32> -> vector<16xi32>
          %get3A_238 = arith.index_cast %scan3A_69 : i32 to index
          %get3A_239 = arith.constant 112 : index
          %get3A_240 = tpu.vector_load %arg10[%get3A_238, %get3A_239] {strides = array<i32>} : memref<80x128xf32, #tpu.memory_space<vmem>>, vector<1x16xf32>,
          %get3A_241 = vector.shape_cast %get3A_240 : vector<1x16xf32> to vector<16xf32>
          %get3A_242 = arith.index_cast %scan3A_69 : i32 to index
          %get3A_243 = arith.constant 112 : index
          %get3A_244 = tpu.vector_load %arg12[%get3A_242, %get3A_243] {strides = array<i32>} : memref<80x128xf32, #tpu.memory_space<vmem>>, vector<1x16xf32>,
          %get3A_245 = vector.shape_cast %get3A_244 : vector<1x16xf32> to vector<16xf32>
          %add3A_246 = arith.addf %get3A_241, %get3A_245 : vector<16xf32>
          %bitcast_convert_type3A_247 = tpu.bitcast %add3A_246 : vector<16xf32> -> vector<16xi32>
          %add3A_248 = arith.constant 32767 : i32
          %add3A_249 = vector.broadcast %add3A_248 : i32 to vector<16xi32>
          %add3A_250 = arith.addi %bitcast_convert_type3A_237, %add3A_249 : vector<16xi32>
          %shift_right_logical3A_251 = arith.constant 16 : i32
          %shift_right_logical3A_252 = vector.broadcast %shift_right_logical3A_251 : i32 to vector<16xi32>
          %shift_right_logical3A_253 = arith.shrui %bitcast_convert_type3A_237, %shift_right_logical3A_252 : vector<16xi32>
          %and3A_254 = arith.constant 1 : i32
          %and3A_255 = vector.broadcast %and3A_254 : i32 to vector<16xi32>
          %and3A_256 = arith.andi %shift_right_logical3A_253, %and3A_255 : vector<16xi32>
          %add3A_257 = arith.addi %add3A_250, %and3A_256 : vector<16xi32>
          %shift_right_logical3A_258 = arith.constant 16 : i32
          %shift_right_logical3A_259 = vector.broadcast %shift_right_logical3A_258 : i32 to vector<16xi32>
          %shift_right_logical3A_260 = arith.shrui %add3A_257, %shift_right_logical3A_259 : vector<16xi32>
          %add3A_261 = arith.constant 32767 : i32
          %add3A_262 = vector.broadcast %add3A_261 : i32 to vector<16xi32>
          %add3A_263 = arith.addi %bitcast_convert_type3A_247, %add3A_262 : vector<16xi32>
          %shift_right_logical3A_264 = arith.constant 16 : i32
          %shift_right_logical3A_265 = vector.broadcast %shift_right_logical3A_264 : i32 to vector<16xi32>
          %shift_right_logical3A_266 = arith.shrui %bitcast_convert_type3A_247, %shift_right_logical3A_265 : vector<16xi32>
          %and3A_267 = arith.constant 1 : i32
          %and3A_268 = vector.broadcast %and3A_267 : i32 to vector<16xi32>
          %and3A_269 = arith.andi %shift_right_logical3A_266, %and3A_268 : vector<16xi32>
          %add3A_270 = arith.addi %add3A_263, %and3A_269 : vector<16xi32>
          %shift_right_logical3A_271 = arith.constant 16 : i32
          %shift_right_logical3A_272 = vector.broadcast %shift_right_logical3A_271 : i32 to vector<16xi32>
          %shift_right_logical3A_273 = arith.shrui %add3A_270, %shift_right_logical3A_272 : vector<16xi32>
          %shift_left3A_274 = arith.constant 16 : i32
          %shift_left3A_275 = vector.broadcast %shift_left3A_274 : i32 to vector<16xi32>
          %shift_left3A_276 = arith.shli %shift_right_logical3A_273, %shift_left3A_275 : vector<16xi32>
          %or3A_277 = arith.ori %shift_right_logical3A_260, %shift_left3A_276 : vector<16xi32>
          %swap3A_278 = arith.index_cast %scan3A_69 : i32 to index
          %swap3A_279 = arith.constant 48 : index
          %swap3A_280 = tpu.vector_load %arg14[%swap3A_278, %swap3A_279] {strides = array<i32>} : memref<80x64xi32, #tpu.memory_space<vmem>>, vector<1x16xi32>,
          %swap3A_281 = vector.shape_cast %swap3A_280 : vector<1x16xi32> to vector<16xi32>
          %swap3A_282 = vector.shape_cast %or3A_277 : vector<16xi32> to vector<1x16xi32>
          tpu.vector_store %arg14[%swap3A_278, %swap3A_279], %swap3A_282 {strides = array<i32>} : memref<80x64xi32, #tpu.memory_space<vmem>>, vector<1x16xi32>,
        }
        %scan3A_65 = arith.constant 80 : i32
        %mul3A_66 = arith.constant 80 : i32
        %mul3A_67 = arith.muli %add3A_37, %mul3A_66 : i32
        %add3A_68 = arith.addi %mul3A_2, %mul3A_67 : i32
        "tpu.region"() ({
          %run_scoped3A = tpu.sem_alloc : memref<!tpu.dma_semaphore, #tpu.memory_space<semaphore_mem>>
          %dma_start3A_69 = arith.constant 0 : i32
          %dma_start3A_70 = tpu.memref_slice %arg6[%add3A_68, %dma_start3A_69] : memref<64000x64xi32, #tpu.memory_space<hbm>> -> memref<80x64xi32, #tpu.memory_space<hbm>>
          %dma_start3A_71 = arith.constant 0 : i32
          %dma_start3A_72 = tpu.memref_slice %arg6[%add3A_68, %dma_start3A_71] : memref<64000x64xi32, #tpu.memory_space<hbm>> -> memref<80x64xi32, #tpu.memory_space<hbm>>
          tpu.enqueue_dma source(%arg14 : memref<80x64xi32, #tpu.memory_space<vmem>>) target(%dma_start3A_72 : memref<80x64xi32, #tpu.memory_space<hbm>>) target_semaphore(%run_scoped3A : memref<!tpu.dma_semaphore, #tpu.memory_space<semaphore_mem>>)
          %dma_wait3A_73 = arith.constant 0 : i32
          %dma_wait3A_74 = tpu.memref_slice %arg6[%add3A_68, %dma_wait3A_73] : memref<64000x64xi32, #tpu.memory_space<hbm>> -> memref<80x64xi32, #tpu.memory_space<hbm>>
          %dma_wait3A_75 = arith.constant 0 : i32
          %dma_wait3A_76 = tpu.memref_slice %arg6[%add3A_68, %dma_wait3A_75] : memref<64000x64xi32, #tpu.memory_space<hbm>> -> memref<80x64xi32, #tpu.memory_space<hbm>>
          tpu.wait_dma2 semaphore(%run_scoped3A : memref<!tpu.dma_semaphore, #tpu.memory_space<semaphore_mem>>) src(%arg14 : memref<80x64xi32, #tpu.memory_space<vmem>>) dst(%dma_wait3A_76 : memref<80x64xi32, #tpu.memory_space<hbm>>)
          tpu.yield
        }) : () -> ()
      } else {
      }
    }
    %scan3A_19 = arith.constant 13 : i32
    return
  }
}

#map = affine_map<(d0, d1) -> (0, 0)>
#map1 = affine_map<(d0, d1) -> (0)>
module attributes {stable_mosaic.version = 14 : i64} {
  func.func @_gather_sum_body(%arg0: i32, %arg1: i32, %arg2: memref<10000x128xf32, #tpu.memory_space<hbm>>, %arg3: memref<10000x128xf32, #tpu.memory_space<hbm>>, %arg4: memref<320000xi32, #tpu.memory_space<hbm>>, %arg5: memref<320000xi32, #tpu.memory_space<hbm>>, %arg6: memref<64000x64xi32, #tpu.memory_space<hbm>>, %arg7: memref<2000xi32, #tpu.memory_space<vmem>>, %arg8: memref<2000xi32, #tpu.memory_space<vmem>>, %arg9: memref<80x128xf32, #tpu.memory_space<vmem>>, %arg10: memref<80x128xf32, #tpu.memory_space<vmem>>, %arg11: memref<80x128xf32, #tpu.memory_space<vmem>>, %arg12: memref<80x128xf32, #tpu.memory_space<vmem>>, %arg13: memref<80x64xi32, #tpu.memory_space<vmem>>, %arg14: memref<80x64xi32, #tpu.memory_space<vmem>>, %arg15: memref<!tpu.dma_semaphore, #tpu.memory_space<semaphore_mem>>, %arg16: memref<!tpu.dma_semaphore, #tpu.memory_space<semaphore_mem>>, %arg17: memref<!tpu.dma_semaphore, #tpu.memory_space<semaphore_mem>>, %arg18: memref<!tpu.dma_semaphore, #tpu.memory_space<semaphore_mem>>) attributes {dimension_semantics = [#tpu.dimension_semantics<core_parallel>, #tpu.dimension_semantics<subcore_parallel>], iteration_bounds = array<i64: 2, 16>, scalar_prefetch = 0 : i64, scratch_operands = 12 : i64, tpu.core_type = #tpu.core_type<sc_vector_subcore>, window_params = [{transform_indices = #map}, {transform_indices = #map}, {transform_indices = #map1}, {transform_indices = #map1}, {transform_indices = #map}]} {
    %mul3A = arith.constant 2 : i32
    %mul3A_0 = arith.muli %arg1, %mul3A : i32
    %add3A = arith.addi %mul3A_0, %arg0 : i32
    %mul3A_1 = arith.constant 2000 : i32
    %mul3A_2 = arith.muli %add3A, %mul3A_1 : i32
    %add3A_3 = arith.constant 64000 : i32
    %add3A_4 = arith.addi %add3A_3, %mul3A_2 : i32
    "tpu.region"() ({
      %run_scoped3A = tpu.sem_alloc : memref<!tpu.dma_semaphore, #tpu.memory_space<semaphore_mem>>
      %dma_start3A_20 = tpu.memref_slice %arg4[%add3A_4] : memref<320000xi32, #tpu.memory_space<hbm>> -> memref<2000xi32, #tpu.memory_space<hbm>>
      %dma_start3A_21 = tpu.memref_slice %arg4[%add3A_4] : memref<320000xi32, #tpu.memory_space<hbm>> -> memref<2000xi32, #tpu.memory_space<hbm>>
      tpu.enqueue_dma source(%dma_start3A_21 : memref<2000xi32, #tpu.memory_space<hbm>>) target(%arg7 : memref<2000xi32, #tpu.memory_space<vmem>>) target_semaphore(%run_scoped3A : memref<!tpu.dma_semaphore, #tpu.memory_space<semaphore_mem>>)
      %dma_wait3A = tpu.memref_slice %arg4[%add3A_4] : memref<320000xi32, #tpu.memory_space<hbm>> -> memref<2000xi32, #tpu.memory_space<hbm>>
      %dma_wait3A_22 = tpu.memref_slice %arg4[%add3A_4] : memref<320000xi32, #tpu.memory_space<hbm>> -> memref<2000xi32, #tpu.memory_space<hbm>>
      tpu.wait_dma2 semaphore(%run_scoped3A : memref<!tpu.dma_semaphore, #tpu.memory_space<semaphore_mem>>) src(%dma_wait3A_22 : memref<2000xi32, #tpu.memory_space<hbm>>) dst(%arg7 : memref<2000xi32, #tpu.memory_space<vmem>>)
      tpu.yield
    }) : () -> ()
    %add3A_5 = arith.constant 64000 : i32
    %add3A_6 = arith.addi %add3A_5, %mul3A_2 : i32
    "tpu.region"() ({
      %run_scoped3A = tpu.sem_alloc : memref<!tpu.dma_semaphore, #tpu.memory_space<semaphore_mem>>
      %dma_start3A_20 = tpu.memref_slice %arg5[%add3A_6] : memref<320000xi32, #tpu.memory_space<hbm>> -> memref<2000xi32, #tpu.memory_space<hbm>>
      %dma_start3A_21 = tpu.memref_slice %arg5[%add3A_6] : memref<320000xi32, #tpu.memory_space<hbm>> -> memref<2000xi32, #tpu.memory_space<hbm>>
      tpu.enqueue_dma source(%dma_start3A_21 : memref<2000xi32, #tpu.memory_space<hbm>>) target(%arg8 : memref<2000xi32, #tpu.memory_space<vmem>>) target_semaphore(%run_scoped3A : memref<!tpu.dma_semaphore, #tpu.memory_space<semaphore_mem>>)
      %dma_wait3A = tpu.memref_slice %arg5[%add3A_6] : memref<320000xi32, #tpu.memory_space<hbm>> -> memref<2000xi32, #tpu.memory_space<hbm>>
      %dma_wait3A_22 = tpu.memref_slice %arg5[%add3A_6] : memref<320000xi32, #tpu.memory_space<hbm>> -> memref<2000xi32, #tpu.memory_space<hbm>>
      tpu.wait_dma2 semaphore(%run_scoped3A : memref<!tpu.dma_semaphore, #tpu.memory_space<semaphore_mem>>) src(%dma_wait3A_22 : memref<2000xi32, #tpu.memory_space<hbm>>) dst(%arg8 : memref<2000xi32, #tpu.memory_space<vmem>>)
      tpu.yield
    }) : () -> ()
    %multiple_of3A = arith.constant 0 : i32
    %multiple_of3A_7 = tpu.assume_multiple %multiple_of3A, 8 : i32
    %dma_start3A = tpu.memref_slice %arg7[%multiple_of3A_7] : memref<2000xi32, #tpu.memory_space<vmem>> -> memref<80xi32, #tpu.memory_space<vmem>>
    %dma_start3A_8 = arith.constant 0 : i32
    %dma_start3A_9 = arith.constant 0 : i32
    %dma_start3A_10 = tpu.memref_slice %arg2[%dma_start3A_8, %dma_start3A_9] : memref<10000x128xf32, #tpu.memory_space<hbm>> -> memref<10000x128xf32, #tpu.memory_space<hbm>>
    tpu.enqueue_indirect_dma source(%dma_start3A_10 : memref<10000x128xf32, #tpu.memory_space<hbm>>) target(%arg9 : memref<80x128xf32, #tpu.memory_space<vmem>>) offsets(%dma_start3A : memref<80xi32, #tpu.memory_space<vmem>>) semaphore(%arg15 : memref<!tpu.dma_semaphore, #tpu.memory_space<semaphore_mem>>)
    %dma_start3A_11 = tpu.memref_slice %arg8[%multiple_of3A_7] : memref<2000xi32, #tpu.memory_space<vmem>> -> memref<80xi32, #tpu.memory_space<vmem>>
    %dma_start3A_12 = arith.constant 0 : i32
    %dma_start3A_13 = arith.constant 0 : i32
    %dma_start3A_14 = tpu.memref_slice %arg3[%dma_start3A_12, %dma_start3A_13] : memref<10000x128xf32, #tpu.memory_space<hbm>> -> memref<10000x128xf32, #tpu.memory_space<hbm>>
    tpu.enqueue_indirect_dma source(%dma_start3A_14 : memref<10000x128xf32, #tpu.memory_space<hbm>>) target(%arg11 : memref<80x128xf32, #tpu.memory_space<vmem>>) offsets(%dma_start3A_11 : memref<80xi32, #tpu.memory_space<vmem>>) semaphore(%arg17 : memref<!tpu.dma_semaphore, #tpu.memory_space<semaphore_mem>>)
    %scan3A = arith.constant 0 : i32
    %scan3A_15 = arith.constant 0 : i32
    %scan3A_16 = arith.constant 13 : i32
    %scan3A_17 = arith.addi %scan3A_15, %scan3A_16 : i32
    %scan3A_18 = arith.constant 1 : i32
    scf.for %scan3A_20 = %scan3A_15 to %scan3A_17 step %scan3A_18  : i32 {
      %mul3A_21 = arith.constant 2 : i32
      %mul3A_22 = arith.muli %mul3A_21, %scan3A_20 : i32
      %add3A_23 = arith.constant 0 : i32
      %add3A_24 = arith.addi %mul3A_22, %add3A_23 : i32
      %add3A_25 = arith.constant 1 : i32
      %add3A_26 = arith.addi %add3A_24, %add3A_25 : i32
      %lt3A = arith.constant 25 : i32
      %lt3A_27 = arith.cmpi slt, %add3A_26, %lt3A : i32
      %convert_element_type3A = arith.extui %lt3A_27 : i1 to i32
      %cond3A = arith.constant 0 : i32
      %cond3A_28 = arith.cmpi ne, %convert_element_type3A, %cond3A : i32
      scf.if %cond3A_28 {
        %mul3A_50 = arith.constant 80 : i32
        %mul3A_51 = arith.muli %add3A_26, %mul3A_50 : i32
        %multiple_of3A_52 = tpu.assume_multiple %mul3A_51, 8 : i32
        %dma_start3A_53 = tpu.memref_slice %arg7[%multiple_of3A_52] : memref<2000xi32, #tpu.memory_space<vmem>> -> memref<80xi32, #tpu.memory_space<vmem>>
        %dma_start3A_54 = arith.constant 0 : i32
        %dma_start3A_55 = arith.constant 0 : i32
        %dma_start3A_56 = tpu.memref_slice %arg2[%dma_start3A_54, %dma_start3A_55] : memref<10000x128xf32, #tpu.memory_space<hbm>> -> memref<10000x128xf32, #tpu.memory_space<hbm>>
        tpu.enqueue_indirect_dma source(%dma_start3A_56 : memref<10000x128xf32, #tpu.memory_space<hbm>>) target(%arg10 : memref<80x128xf32, #tpu.memory_space<vmem>>) offsets(%dma_start3A_53 : memref<80xi32, #tpu.memory_space<vmem>>) semaphore(%arg16 : memref<!tpu.dma_semaphore, #tpu.memory_space<semaphore_mem>>)
        %dma_start3A_57 = tpu.memref_slice %arg8[%multiple_of3A_52] : memref<2000xi32, #tpu.memory_space<vmem>> -> memref<80xi32, #tpu.memory_space<vmem>>
        %dma_start3A_58 = arith.constant 0 : i32
        %dma_start3A_59 = arith.constant 0 : i32
        %dma_start3A_60 = tpu.memref_slice %arg3[%dma_start3A_58, %dma_start3A_59] : memref<10000x128xf32, #tpu.memory_space<hbm>> -> memref<10000x128xf32, #tpu.memory_space<hbm>>
        tpu.enqueue_indirect_dma source(%dma_start3A_60 : memref<10000x128xf32, #tpu.memory_space<hbm>>) target(%arg12 : memref<80x128xf32, #tpu.memory_space<vmem>>) offsets(%dma_start3A_57 : memref<80xi32, #tpu.memory_space<vmem>>) semaphore(%arg18 : memref<!tpu.dma_semaphore, #tpu.memory_space<semaphore_mem>>)
      } else {
      }
      %lt3A_29 = arith.constant 25 : i32
      %lt3A_30 = arith.cmpi slt, %add3A_24, %lt3A_29 : i32
      %convert_element_type3A_31 = arith.extui %lt3A_30 : i1 to i32
      %cond3A_32 = arith.constant 0 : i32
      %cond3A_33 = arith.cmpi ne, %convert_element_type3A_31, %cond3A_32 : i32
      scf.if %cond3A_33 {
        %mul3A_50 = arith.constant 80 : i32
        %mul3A_51 = arith.muli %add3A_24, %mul3A_50 : i32
        %multiple_of3A_52 = tpu.assume_multiple %mul3A_51, 8 : i32
        %dma_wait3A = tpu.memref_slice %arg7[%multiple_of3A_52] : memref<2000xi32, #tpu.memory_space<vmem>> -> memref<80xi32, #tpu.memory_space<vmem>>
        %dma_wait3A_53 = arith.constant 0 : i32
        %dma_wait3A_54 = arith.constant 0 : i32
        %dma_wait3A_55 = tpu.memref_slice %arg2[%dma_wait3A_53, %dma_wait3A_54] : memref<10000x128xf32, #tpu.memory_space<hbm>> -> memref<10000x128xf32, #tpu.memory_space<hbm>>
        tpu.wait_indirect_dma semaphore(%arg15 : memref<!tpu.dma_semaphore, #tpu.memory_space<semaphore_mem>>) src(%dma_wait3A_55 : memref<10000x128xf32, #tpu.memory_space<hbm>>) dst(%arg9 : memref<80x128xf32, #tpu.memory_space<vmem>>)
        %dma_wait3A_56 = tpu.memref_slice %arg8[%multiple_of3A_52] : memref<2000xi32, #tpu.memory_space<vmem>> -> memref<80xi32, #tpu.memory_space<vmem>>
        %dma_wait3A_57 = arith.constant 0 : i32
        %dma_wait3A_58 = arith.constant 0 : i32
        %dma_wait3A_59 = tpu.memref_slice %arg3[%dma_wait3A_57, %dma_wait3A_58] : memref<10000x128xf32, #tpu.memory_space<hbm>> -> memref<10000x128xf32, #tpu.memory_space<hbm>>
        tpu.wait_indirect_dma semaphore(%arg17 : memref<!tpu.dma_semaphore, #tpu.memory_space<semaphore_mem>>) src(%dma_wait3A_59 : memref<10000x128xf32, #tpu.memory_space<hbm>>) dst(%arg11 : memref<80x128xf32, #tpu.memory_space<vmem>>)
        %scan3A_60 = arith.constant 0 : i32
        %scan3A_61 = arith.constant 0 : i32
        %scan3A_62 = arith.constant 80 : i32
        %scan3A_63 = arith.addi %scan3A_61, %scan3A_62 : i32
        %scan3A_64 = arith.constant 1 : i32
        scf.for %scan3A_69 = %scan3A_61 to %scan3A_63 step %scan3A_64  : i32 {
          %get3A = arith.index_cast %scan3A_69 : i32 to index
          %get3A_70 = arith.constant 0 : index
          %get3A_71 = tpu.vector_load %arg9[%get3A, %get3A_70] {strides = array<i32>} : memref<80x128xf32, #tpu.memory_space<vmem>>, vector<1x16xf32>,
          %get3A_72 = vector.shape_cast %get3A_71 : vector<1x16xf32> to vector<16xf32>
          %get3A_73 = arith.index_cast %scan3A_69 : i32 to index
          %get3A_74 = arith.constant 0 : index
          %get3A_75 = tpu.vector_load %arg11[%get3A_73, %get3A_74] {strides = array<i32>} : memref<80x128xf32, #tpu.memory_space<vmem>>, vector<1x16xf32>,
          %get3A_76 = vector.shape_cast %get3A_75 : vector<1x16xf32> to vector<16xf32>
          %add3A_77 = arith.addf %get3A_72, %get3A_76 : vector<16xf32>
          %bitcast_convert_type3A = tpu.bitcast %add3A_77 : vector<16xf32> -> vector<16xi32>
          %get3A_78 = arith.index_cast %scan3A_69 : i32 to index
          %get3A_79 = arith.constant 16 : index
          %get3A_80 = tpu.vector_load %arg9[%get3A_78, %get3A_79] {strides = array<i32>} : memref<80x128xf32, #tpu.memory_space<vmem>>, vector<1x16xf32>,
          %get3A_81 = vector.shape_cast %get3A_80 : vector<1x16xf32> to vector<16xf32>
          %get3A_82 = arith.index_cast %scan3A_69 : i32 to index
          %get3A_83 = arith.constant 16 : index
          %get3A_84 = tpu.vector_load %arg11[%get3A_82, %get3A_83] {strides = array<i32>} : memref<80x128xf32, #tpu.memory_space<vmem>>, vector<1x16xf32>,
          %get3A_85 = vector.shape_cast %get3A_84 : vector<1x16xf32> to vector<16xf32>
          %add3A_86 = arith.addf %get3A_81, %get3A_85 : vector<16xf32>
          %bitcast_convert_type3A_87 = tpu.bitcast %add3A_86 : vector<16xf32> -> vector<16xi32>
          %add3A_88 = arith.constant 32767 : i32
          %add3A_89 = vector.broadcast %add3A_88 : i32 to vector<16xi32>
          %add3A_90 = arith.addi %bitcast_convert_type3A, %add3A_89 : vector<16xi32>
          %shift_right_logical3A = arith.constant 16 : i32
          %shift_right_logical3A_91 = vector.broadcast %shift_right_logical3A : i32 to vector<16xi32>
          %shift_right_logical3A_92 = arith.shrui %bitcast_convert_type3A, %shift_right_logical3A_91 : vector<16xi32>
          %and3A = arith.constant 1 : i32
          %and3A_93 = vector.broadcast %and3A : i32 to vector<16xi32>
          %and3A_94 = arith.andi %shift_right_logical3A_92, %and3A_93 : vector<16xi32>
          %add3A_95 = arith.addi %add3A_90, %and3A_94 : vector<16xi32>
          %shift_right_logical3A_96 = arith.constant 16 : i32
          %shift_right_logical3A_97 = vector.broadcast %shift_right_logical3A_96 : i32 to vector<16xi32>
          %shift_right_logical3A_98 = arith.shrui %add3A_95, %shift_right_logical3A_97 : vector<16xi32>
          %add3A_99 = arith.constant 32767 : i32
          %add3A_100 = vector.broadcast %add3A_99 : i32 to vector<16xi32>
          %add3A_101 = arith.addi %bitcast_convert_type3A_87, %add3A_100 : vector<16xi32>
          %shift_right_logical3A_102 = arith.constant 16 : i32
          %shift_right_logical3A_103 = vector.broadcast %shift_right_logical3A_102 : i32 to vector<16xi32>
          %shift_right_logical3A_104 = arith.shrui %bitcast_convert_type3A_87, %shift_right_logical3A_103 : vector<16xi32>
          %and3A_105 = arith.constant 1 : i32
          %and3A_106 = vector.broadcast %and3A_105 : i32 to vector<16xi32>
          %and3A_107 = arith.andi %shift_right_logical3A_104, %and3A_106 : vector<16xi32>
          %add3A_108 = arith.addi %add3A_101, %and3A_107 : vector<16xi32>
          %shift_right_logical3A_109 = arith.constant 16 : i32
          %shift_right_logical3A_110 = vector.broadcast %shift_right_logical3A_109 : i32 to vector<16xi32>
          %shift_right_logical3A_111 = arith.shrui %add3A_108, %shift_right_logical3A_110 : vector<16xi32>
          %shift_left3A = arith.constant 16 : i32
          %shift_left3A_112 = vector.broadcast %shift_left3A : i32 to vector<16xi32>
          %shift_left3A_113 = arith.shli %shift_right_logical3A_111, %shift_left3A_112 : vector<16xi32>
          %or3A = arith.ori %shift_right_logical3A_98, %shift_left3A_113 : vector<16xi32>
          %swap3A = arith.index_cast %scan3A_69 : i32 to index
          %swap3A_114 = arith.constant 0 : index
          %swap3A_115 = tpu.vector_load %arg13[%swap3A, %swap3A_114] {strides = array<i32>} : memref<80x64xi32, #tpu.memory_space<vmem>>, vector<1x16xi32>,
          %swap3A_116 = vector.shape_cast %swap3A_115 : vector<1x16xi32> to vector<16xi32>
          %swap3A_117 = vector.shape_cast %or3A : vector<16xi32> to vector<1x16xi32>
          tpu.vector_store %arg13[%swap3A, %swap3A_114], %swap3A_117 {strides = array<i32>} : memref<80x64xi32, #tpu.memory_space<vmem>>, vector<1x16xi32>,
          %get3A_118 = arith.index_cast %scan3A_69 : i32 to index
          %get3A_119 = arith.constant 32 : index
          %get3A_120 = tpu.vector_load %arg9[%get3A_118, %get3A_119] {strides = array<i32>} : memref<80x128xf32, #tpu.memory_space<vmem>>, vector<1x16xf32>,
          %get3A_121 = vector.shape_cast %get3A_120 : vector<1x16xf32> to vector<16xf32>
          %get3A_122 = arith.index_cast %scan3A_69 : i32 to index
          %get3A_123 = arith.constant 32 : index
          %get3A_124 = tpu.vector_load %arg11[%get3A_122, %get3A_123] {strides = array<i32>} : memref<80x128xf32, #tpu.memory_space<vmem>>, vector<1x16xf32>,
          %get3A_125 = vector.shape_cast %get3A_124 : vector<1x16xf32> to vector<16xf32>
          %add3A_126 = arith.addf %get3A_121, %get3A_125 : vector<16xf32>
          %bitcast_convert_type3A_127 = tpu.bitcast %add3A_126 : vector<16xf32> -> vector<16xi32>
          %get3A_128 = arith.index_cast %scan3A_69 : i32 to index
          %get3A_129 = arith.constant 48 : index
          %get3A_130 = tpu.vector_load %arg9[%get3A_128, %get3A_129] {strides = array<i32>} : memref<80x128xf32, #tpu.memory_space<vmem>>, vector<1x16xf32>,
          %get3A_131 = vector.shape_cast %get3A_130 : vector<1x16xf32> to vector<16xf32>
          %get3A_132 = arith.index_cast %scan3A_69 : i32 to index
          %get3A_133 = arith.constant 48 : index
          %get3A_134 = tpu.vector_load %arg11[%get3A_132, %get3A_133] {strides = array<i32>} : memref<80x128xf32, #tpu.memory_space<vmem>>, vector<1x16xf32>,
          %get3A_135 = vector.shape_cast %get3A_134 : vector<1x16xf32> to vector<16xf32>
          %add3A_136 = arith.addf %get3A_131, %get3A_135 : vector<16xf32>
          %bitcast_convert_type3A_137 = tpu.bitcast %add3A_136 : vector<16xf32> -> vector<16xi32>
          %add3A_138 = arith.constant 32767 : i32
          %add3A_139 = vector.broadcast %add3A_138 : i32 to vector<16xi32>
          %add3A_140 = arith.addi %bitcast_convert_type3A_127, %add3A_139 : vector<16xi32>
          %shift_right_logical3A_141 = arith.constant 16 : i32
          %shift_right_logical3A_142 = vector.broadcast %shift_right_logical3A_141 : i32 to vector<16xi32>
          %shift_right_logical3A_143 = arith.shrui %bitcast_convert_type3A_127, %shift_right_logical3A_142 : vector<16xi32>
          %and3A_144 = arith.constant 1 : i32
          %and3A_145 = vector.broadcast %and3A_144 : i32 to vector<16xi32>
          %and3A_146 = arith.andi %shift_right_logical3A_143, %and3A_145 : vector<16xi32>
          %add3A_147 = arith.addi %add3A_140, %and3A_146 : vector<16xi32>
          %shift_right_logical3A_148 = arith.constant 16 : i32
          %shift_right_logical3A_149 = vector.broadcast %shift_right_logical3A_148 : i32 to vector<16xi32>
          %shift_right_logical3A_150 = arith.shrui %add3A_147, %shift_right_logical3A_149 : vector<16xi32>
          %add3A_151 = arith.constant 32767 : i32
          %add3A_152 = vector.broadcast %add3A_151 : i32 to vector<16xi32>
          %add3A_153 = arith.addi %bitcast_convert_type3A_137, %add3A_152 : vector<16xi32>
          %shift_right_logical3A_154 = arith.constant 16 : i32
          %shift_right_logical3A_155 = vector.broadcast %shift_right_logical3A_154 : i32 to vector<16xi32>
          %shift_right_logical3A_156 = arith.shrui %bitcast_convert_type3A_137, %shift_right_logical3A_155 : vector<16xi32>
          %and3A_157 = arith.constant 1 : i32
          %and3A_158 = vector.broadcast %and3A_157 : i32 to vector<16xi32>
          %and3A_159 = arith.andi %shift_right_logical3A_156, %and3A_158 : vector<16xi32>
          %add3A_160 = arith.addi %add3A_153, %and3A_159 : vector<16xi32>
          %shift_right_logical3A_161 = arith.constant 16 : i32
          %shift_right_logical3A_162 = vector.broadcast %shift_right_logical3A_161 : i32 to vector<16xi32>
          %shift_right_logical3A_163 = arith.shrui %add3A_160, %shift_right_logical3A_162 : vector<16xi32>
          %shift_left3A_164 = arith.constant 16 : i32
          %shift_left3A_165 = vector.broadcast %shift_left3A_164 : i32 to vector<16xi32>
          %shift_left3A_166 = arith.shli %shift_right_logical3A_163, %shift_left3A_165 : vector<16xi32>
          %or3A_167 = arith.ori %shift_right_logical3A_150, %shift_left3A_166 : vector<16xi32>
          %swap3A_168 = arith.index_cast %scan3A_69 : i32 to index
          %swap3A_169 = arith.constant 16 : index
          %swap3A_170 = tpu.vector_load %arg13[%swap3A_168, %swap3A_169] {strides = array<i32>} : memref<80x64xi32, #tpu.memory_space<vmem>>, vector<1x16xi32>,
          %swap3A_171 = vector.shape_cast %swap3A_170 : vector<1x16xi32> to vector<16xi32>
          %swap3A_172 = vector.shape_cast %or3A_167 : vector<16xi32> to vector<1x16xi32>
          tpu.vector_store %arg13[%swap3A_168, %swap3A_169], %swap3A_172 {strides = array<i32>} : memref<80x64xi32, #tpu.memory_space<vmem>>, vector<1x16xi32>,
          %get3A_173 = arith.index_cast %scan3A_69 : i32 to index
          %get3A_174 = arith.constant 64 : index
          %get3A_175 = tpu.vector_load %arg9[%get3A_173, %get3A_174] {strides = array<i32>} : memref<80x128xf32, #tpu.memory_space<vmem>>, vector<1x16xf32>,
          %get3A_176 = vector.shape_cast %get3A_175 : vector<1x16xf32> to vector<16xf32>
          %get3A_177 = arith.index_cast %scan3A_69 : i32 to index
          %get3A_178 = arith.constant 64 : index
          %get3A_179 = tpu.vector_load %arg11[%get3A_177, %get3A_178] {strides = array<i32>} : memref<80x128xf32, #tpu.memory_space<vmem>>, vector<1x16xf32>,
          %get3A_180 = vector.shape_cast %get3A_179 : vector<1x16xf32> to vector<16xf32>
          %add3A_181 = arith.addf %get3A_176, %get3A_180 : vector<16xf32>
          %bitcast_convert_type3A_182 = tpu.bitcast %add3A_181 : vector<16xf32> -> vector<16xi32>
          %get3A_183 = arith.index_cast %scan3A_69 : i32 to index
          %get3A_184 = arith.constant 80 : index
          %get3A_185 = tpu.vector_load %arg9[%get3A_183, %get3A_184] {strides = array<i32>} : memref<80x128xf32, #tpu.memory_space<vmem>>, vector<1x16xf32>,
          %get3A_186 = vector.shape_cast %get3A_185 : vector<1x16xf32> to vector<16xf32>
          %get3A_187 = arith.index_cast %scan3A_69 : i32 to index
          %get3A_188 = arith.constant 80 : index
          %get3A_189 = tpu.vector_load %arg11[%get3A_187, %get3A_188] {strides = array<i32>} : memref<80x128xf32, #tpu.memory_space<vmem>>, vector<1x16xf32>,
          %get3A_190 = vector.shape_cast %get3A_189 : vector<1x16xf32> to vector<16xf32>
          %add3A_191 = arith.addf %get3A_186, %get3A_190 : vector<16xf32>
          %bitcast_convert_type3A_192 = tpu.bitcast %add3A_191 : vector<16xf32> -> vector<16xi32>
          %add3A_193 = arith.constant 32767 : i32
          %add3A_194 = vector.broadcast %add3A_193 : i32 to vector<16xi32>
          %add3A_195 = arith.addi %bitcast_convert_type3A_182, %add3A_194 : vector<16xi32>
          %shift_right_logical3A_196 = arith.constant 16 : i32
          %shift_right_logical3A_197 = vector.broadcast %shift_right_logical3A_196 : i32 to vector<16xi32>
          %shift_right_logical3A_198 = arith.shrui %bitcast_convert_type3A_182, %shift_right_logical3A_197 : vector<16xi32>
          %and3A_199 = arith.constant 1 : i32
          %and3A_200 = vector.broadcast %and3A_199 : i32 to vector<16xi32>
          %and3A_201 = arith.andi %shift_right_logical3A_198, %and3A_200 : vector<16xi32>
          %add3A_202 = arith.addi %add3A_195, %and3A_201 : vector<16xi32>
          %shift_right_logical3A_203 = arith.constant 16 : i32
          %shift_right_logical3A_204 = vector.broadcast %shift_right_logical3A_203 : i32 to vector<16xi32>
          %shift_right_logical3A_205 = arith.shrui %add3A_202, %shift_right_logical3A_204 : vector<16xi32>
          %add3A_206 = arith.constant 32767 : i32
          %add3A_207 = vector.broadcast %add3A_206 : i32 to vector<16xi32>
          %add3A_208 = arith.addi %bitcast_convert_type3A_192, %add3A_207 : vector<16xi32>
          %shift_right_logical3A_209 = arith.constant 16 : i32
          %shift_right_logical3A_210 = vector.broadcast %shift_right_logical3A_209 : i32 to vector<16xi32>
          %shift_right_logical3A_211 = arith.shrui %bitcast_convert_type3A_192, %shift_right_logical3A_210 : vector<16xi32>
          %and3A_212 = arith.constant 1 : i32
          %and3A_213 = vector.broadcast %and3A_212 : i32 to vector<16xi32>
          %and3A_214 = arith.andi %shift_right_logical3A_211, %and3A_213 : vector<16xi32>
          %add3A_215 = arith.addi %add3A_208, %and3A_214 : vector<16xi32>
          %shift_right_logical3A_216 = arith.constant 16 : i32
          %shift_right_logical3A_217 = vector.broadcast %shift_right_logical3A_216 : i32 to vector<16xi32>
          %shift_right_logical3A_218 = arith.shrui %add3A_215, %shift_right_logical3A_217 : vector<16xi32>
          %shift_left3A_219 = arith.constant 16 : i32
          %shift_left3A_220 = vector.broadcast %shift_left3A_219 : i32 to vector<16xi32>
          %shift_left3A_221 = arith.shli %shift_right_logical3A_218, %shift_left3A_220 : vector<16xi32>
          %or3A_222 = arith.ori %shift_right_logical3A_205, %shift_left3A_221 : vector<16xi32>
          %swap3A_223 = arith.index_cast %scan3A_69 : i32 to index
          %swap3A_224 = arith.constant 32 : index
          %swap3A_225 = tpu.vector_load %arg13[%swap3A_223, %swap3A_224] {strides = array<i32>} : memref<80x64xi32, #tpu.memory_space<vmem>>, vector<1x16xi32>,
          %swap3A_226 = vector.shape_cast %swap3A_225 : vector<1x16xi32> to vector<16xi32>
          %swap3A_227 = vector.shape_cast %or3A_222 : vector<16xi32> to vector<1x16xi32>
          tpu.vector_store %arg13[%swap3A_223, %swap3A_224], %swap3A_227 {strides = array<i32>} : memref<80x64xi32, #tpu.memory_space<vmem>>, vector<1x16xi32>,
          %get3A_228 = arith.index_cast %scan3A_69 : i32 to index
          %get3A_229 = arith.constant 96 : index
          %get3A_230 = tpu.vector_load %arg9[%get3A_228, %get3A_229] {strides = array<i32>} : memref<80x128xf32, #tpu.memory_space<vmem>>, vector<1x16xf32>,
          %get3A_231 = vector.shape_cast %get3A_230 : vector<1x16xf32> to vector<16xf32>
          %get3A_232 = arith.index_cast %scan3A_69 : i32 to index
          %get3A_233 = arith.constant 96 : index
          %get3A_234 = tpu.vector_load %arg11[%get3A_232, %get3A_233] {strides = array<i32>} : memref<80x128xf32, #tpu.memory_space<vmem>>, vector<1x16xf32>,
          %get3A_235 = vector.shape_cast %get3A_234 : vector<1x16xf32> to vector<16xf32>
          %add3A_236 = arith.addf %get3A_231, %get3A_235 : vector<16xf32>
          %bitcast_convert_type3A_237 = tpu.bitcast %add3A_236 : vector<16xf32> -> vector<16xi32>
          %get3A_238 = arith.index_cast %scan3A_69 : i32 to index
          %get3A_239 = arith.constant 112 : index
          %get3A_240 = tpu.vector_load %arg9[%get3A_238, %get3A_239] {strides = array<i32>} : memref<80x128xf32, #tpu.memory_space<vmem>>, vector<1x16xf32>,
          %get3A_241 = vector.shape_cast %get3A_240 : vector<1x16xf32> to vector<16xf32>
          %get3A_242 = arith.index_cast %scan3A_69 : i32 to index
          %get3A_243 = arith.constant 112 : index
          %get3A_244 = tpu.vector_load %arg11[%get3A_242, %get3A_243] {strides = array<i32>} : memref<80x128xf32, #tpu.memory_space<vmem>>, vector<1x16xf32>,
          %get3A_245 = vector.shape_cast %get3A_244 : vector<1x16xf32> to vector<16xf32>
          %add3A_246 = arith.addf %get3A_241, %get3A_245 : vector<16xf32>
          %bitcast_convert_type3A_247 = tpu.bitcast %add3A_246 : vector<16xf32> -> vector<16xi32>
          %add3A_248 = arith.constant 32767 : i32
          %add3A_249 = vector.broadcast %add3A_248 : i32 to vector<16xi32>
          %add3A_250 = arith.addi %bitcast_convert_type3A_237, %add3A_249 : vector<16xi32>
          %shift_right_logical3A_251 = arith.constant 16 : i32
          %shift_right_logical3A_252 = vector.broadcast %shift_right_logical3A_251 : i32 to vector<16xi32>
          %shift_right_logical3A_253 = arith.shrui %bitcast_convert_type3A_237, %shift_right_logical3A_252 : vector<16xi32>
          %and3A_254 = arith.constant 1 : i32
          %and3A_255 = vector.broadcast %and3A_254 : i32 to vector<16xi32>
          %and3A_256 = arith.andi %shift_right_logical3A_253, %and3A_255 : vector<16xi32>
          %add3A_257 = arith.addi %add3A_250, %and3A_256 : vector<16xi32>
          %shift_right_logical3A_258 = arith.constant 16 : i32
          %shift_right_logical3A_259 = vector.broadcast %shift_right_logical3A_258 : i32 to vector<16xi32>
          %shift_right_logical3A_260 = arith.shrui %add3A_257, %shift_right_logical3A_259 : vector<16xi32>
          %add3A_261 = arith.constant 32767 : i32
          %add3A_262 = vector.broadcast %add3A_261 : i32 to vector<16xi32>
          %add3A_263 = arith.addi %bitcast_convert_type3A_247, %add3A_262 : vector<16xi32>
          %shift_right_logical3A_264 = arith.constant 16 : i32
          %shift_right_logical3A_265 = vector.broadcast %shift_right_logical3A_264 : i32 to vector<16xi32>
          %shift_right_logical3A_266 = arith.shrui %bitcast_convert_type3A_247, %shift_right_logical3A_265 : vector<16xi32>
          %and3A_267 = arith.constant 1 : i32
          %and3A_268 = vector.broadcast %and3A_267 : i32 to vector<16xi32>
          %and3A_269 = arith.andi %shift_right_logical3A_266, %and3A_268 : vector<16xi32>
          %add3A_270 = arith.addi %add3A_263, %and3A_269 : vector<16xi32>
          %shift_right_logical3A_271 = arith.constant 16 : i32
          %shift_right_logical3A_272 = vector.broadcast %shift_right_logical3A_271 : i32 to vector<16xi32>
          %shift_right_logical3A_273 = arith.shrui %add3A_270, %shift_right_logical3A_272 : vector<16xi32>
          %shift_left3A_274 = arith.constant 16 : i32
          %shift_left3A_275 = vector.broadcast %shift_left3A_274 : i32 to vector<16xi32>
          %shift_left3A_276 = arith.shli %shift_right_logical3A_273, %shift_left3A_275 : vector<16xi32>
          %or3A_277 = arith.ori %shift_right_logical3A_260, %shift_left3A_276 : vector<16xi32>
          %swap3A_278 = arith.index_cast %scan3A_69 : i32 to index
          %swap3A_279 = arith.constant 48 : index
          %swap3A_280 = tpu.vector_load %arg13[%swap3A_278, %swap3A_279] {strides = array<i32>} : memref<80x64xi32, #tpu.memory_space<vmem>>, vector<1x16xi32>,
          %swap3A_281 = vector.shape_cast %swap3A_280 : vector<1x16xi32> to vector<16xi32>
          %swap3A_282 = vector.shape_cast %or3A_277 : vector<16xi32> to vector<1x16xi32>
          tpu.vector_store %arg13[%swap3A_278, %swap3A_279], %swap3A_282 {strides = array<i32>} : memref<80x64xi32, #tpu.memory_space<vmem>>, vector<1x16xi32>,
        }
        %scan3A_65 = arith.constant 80 : i32
        %mul3A_66 = arith.constant 80 : i32
        %mul3A_67 = arith.muli %add3A_24, %mul3A_66 : i32
        %add3A_68 = arith.addi %mul3A_2, %mul3A_67 : i32
        "tpu.region"() ({
          %run_scoped3A = tpu.sem_alloc : memref<!tpu.dma_semaphore, #tpu.memory_space<semaphore_mem>>
          %dma_start3A_69 = arith.constant 0 : i32
          %dma_start3A_70 = tpu.memref_slice %arg6[%add3A_68, %dma_start3A_69] : memref<64000x64xi32, #tpu.memory_space<hbm>> -> memref<80x64xi32, #tpu.memory_space<hbm>>
          %dma_start3A_71 = arith.constant 0 : i32
          %dma_start3A_72 = tpu.memref_slice %arg6[%add3A_68, %dma_start3A_71] : memref<64000x64xi32, #tpu.memory_space<hbm>> -> memref<80x64xi32, #tpu.memory_space<hbm>>
          tpu.enqueue_dma source(%arg13 : memref<80x64xi32, #tpu.memory_space<vmem>>) target(%dma_start3A_72 : memref<80x64xi32, #tpu.memory_space<hbm>>) target_semaphore(%run_scoped3A : memref<!tpu.dma_semaphore, #tpu.memory_space<semaphore_mem>>)
          %dma_wait3A_73 = arith.constant 0 : i32
          %dma_wait3A_74 = tpu.memref_slice %arg6[%add3A_68, %dma_wait3A_73] : memref<64000x64xi32, #tpu.memory_space<hbm>> -> memref<80x64xi32, #tpu.memory_space<hbm>>
          %dma_wait3A_75 = arith.constant 0 : i32
          %dma_wait3A_76 = tpu.memref_slice %arg6[%add3A_68, %dma_wait3A_75] : memref<64000x64xi32, #tpu.memory_space<hbm>> -> memref<80x64xi32, #tpu.memory_space<hbm>>
          tpu.wait_dma2 semaphore(%run_scoped3A : memref<!tpu.dma_semaphore, #tpu.memory_space<semaphore_mem>>) src(%arg13 : memref<80x64xi32, #tpu.memory_space<vmem>>) dst(%dma_wait3A_76 : memref<80x64xi32, #tpu.memory_space<hbm>>)
          tpu.yield
        }) : () -> ()
      } else {
      }
      %mul3A_34 = arith.constant 2 : i32
      %mul3A_35 = arith.muli %mul3A_34, %scan3A_20 : i32
      %add3A_36 = arith.constant 1 : i32
      %add3A_37 = arith.addi %mul3A_35, %add3A_36 : i32
      %add3A_38 = arith.constant 1 : i32
      %add3A_39 = arith.addi %add3A_37, %add3A_38 : i32
      %lt3A_40 = arith.constant 25 : i32
      %lt3A_41 = arith.cmpi slt, %add3A_39, %lt3A_40 : i32
      %convert_element_type3A_42 = arith.extui %lt3A_41 : i1 to i32
      %cond3A_43 = arith.constant 0 : i32
      %cond3A_44 = arith.cmpi ne, %convert_element_type3A_42, %cond3A_43 : i32
      scf.if %cond3A_44 {
        %mul3A_50 = arith.constant 80 : i32
        %mul3A_51 = arith.muli %add3A_39, %mul3A_50 : i32
        %multiple_of3A_52 = tpu.assume_multiple %mul3A_51, 8 : i32
        %dma_start3A_53 = tpu.memref_slice %arg7[%multiple_of3A_52] : memref<2000xi32, #tpu.memory_space<vmem>> -> memref<80xi32, #tpu.memory_space<vmem>>
        %dma_start3A_54 = arith.constant 0 : i32
        %dma_start3A_55 = arith.constant 0 : i32
        %dma_start3A_56 = tpu.memref_slice %arg2[%dma_start3A_54, %dma_start3A_55] : memref<10000x128xf32, #tpu.memory_space<hbm>> -> memref<10000x128xf32, #tpu.memory_space<hbm>>
        tpu.enqueue_indirect_dma source(%dma_start3A_56 : memref<10000x128xf32, #tpu.memory_space<hbm>>) target(%arg9 : memref<80x128xf32, #tpu.memory_space<vmem>>) offsets(%dma_start3A_53 : memref<80xi32, #tpu.memory_space<vmem>>) semaphore(%arg15 : memref<!tpu.dma_semaphore, #tpu.memory_space<semaphore_mem>>)
        %dma_start3A_57 = tpu.memref_slice %arg8[%multiple_of3A_52] : memref<2000xi32, #tpu.memory_space<vmem>> -> memref<80xi32, #tpu.memory_space<vmem>>
        %dma_start3A_58 = arith.constant 0 : i32
        %dma_start3A_59 = arith.constant 0 : i32
        %dma_start3A_60 = tpu.memref_slice %arg3[%dma_start3A_58, %dma_start3A_59] : memref<10000x128xf32, #tpu.memory_space<hbm>> -> memref<10000x128xf32, #tpu.memory_space<hbm>>
        tpu.enqueue_indirect_dma source(%dma_start3A_60 : memref<10000x128xf32, #tpu.memory_space<hbm>>) target(%arg11 : memref<80x128xf32, #tpu.memory_space<vmem>>) offsets(%dma_start3A_57 : memref<80xi32, #tpu.memory_space<vmem>>) semaphore(%arg17 : memref<!tpu.dma_semaphore, #tpu.memory_space<semaphore_mem>>)
      } else {
      }
      %lt3A_45 = arith.constant 25 : i32
      %lt3A_46 = arith.cmpi slt, %add3A_37, %lt3A_45 : i32
      %convert_element_type3A_47 = arith.extui %lt3A_46 : i1 to i32
      %cond3A_48 = arith.constant 0 : i32
      %cond3A_49 = arith.cmpi ne, %convert_element_type3A_47, %cond3A_48 : i32
      scf.if %cond3A_49 {
        %mul3A_50 = arith.constant 80 : i32
        %mul3A_51 = arith.muli %add3A_37, %mul3A_50 : i32
        %multiple_of3A_52 = tpu.assume_multiple %mul3A_51, 8 : i32
        %dma_wait3A = tpu.memref_slice %arg7[%multiple_of3A_52] : memref<2000xi32, #tpu.memory_space<vmem>> -> memref<80xi32, #tpu.memory_space<vmem>>
        %dma_wait3A_53 = arith.constant 0 : i32
        %dma_wait3A_54 = arith.constant 0 : i32
        %dma_wait3A_55 = tpu.memref_slice %arg2[%dma_wait3A_53, %dma_wait3A_54] : memref<10000x128xf32, #tpu.memory_space<hbm>> -> memref<10000x128xf32, #tpu.memory_space<hbm>>
        tpu.wait_indirect_dma semaphore(%arg16 : memref<!tpu.dma_semaphore, #tpu.memory_space<semaphore_mem>>) src(%dma_wait3A_55 : memref<10000x128xf32, #tpu.memory_space<hbm>>) dst(%arg10 : memref<80x128xf32, #tpu.memory_space<vmem>>)
        %dma_wait3A_56 = tpu.memref_slice %arg8[%multiple_of3A_52] : memref<2000xi32, #tpu.memory_space<vmem>> -> memref<80xi32, #tpu.memory_space<vmem>>
        %dma_wait3A_57 = arith.constant 0 : i32
        %dma_wait3A_58 = arith.constant 0 : i32
        %dma_wait3A_59 = tpu.memref_slice %arg3[%dma_wait3A_57, %dma_wait3A_58] : memref<10000x128xf32, #tpu.memory_space<hbm>> -> memref<10000x128xf32, #tpu.memory_space<hbm>>
        tpu.wait_indirect_dma semaphore(%arg18 : memref<!tpu.dma_semaphore, #tpu.memory_space<semaphore_mem>>) src(%dma_wait3A_59 : memref<10000x128xf32, #tpu.memory_space<hbm>>) dst(%arg12 : memref<80x128xf32, #tpu.memory_space<vmem>>)
        %scan3A_60 = arith.constant 0 : i32
        %scan3A_61 = arith.constant 0 : i32
        %scan3A_62 = arith.constant 80 : i32
        %scan3A_63 = arith.addi %scan3A_61, %scan3A_62 : i32
        %scan3A_64 = arith.constant 1 : i32
        scf.for %scan3A_69 = %scan3A_61 to %scan3A_63 step %scan3A_64  : i32 {
          %get3A = arith.index_cast %scan3A_69 : i32 to index
          %get3A_70 = arith.constant 0 : index
          %get3A_71 = tpu.vector_load %arg10[%get3A, %get3A_70] {strides = array<i32>} : memref<80x128xf32, #tpu.memory_space<vmem>>, vector<1x16xf32>,
          %get3A_72 = vector.shape_cast %get3A_71 : vector<1x16xf32> to vector<16xf32>
          %get3A_73 = arith.index_cast %scan3A_69 : i32 to index
          %get3A_74 = arith.constant 0 : index
          %get3A_75 = tpu.vector_load %arg12[%get3A_73, %get3A_74] {strides = array<i32>} : memref<80x128xf32, #tpu.memory_space<vmem>>, vector<1x16xf32>,
          %get3A_76 = vector.shape_cast %get3A_75 : vector<1x16xf32> to vector<16xf32>
          %add3A_77 = arith.addf %get3A_72, %get3A_76 : vector<16xf32>
          %bitcast_convert_type3A = tpu.bitcast %add3A_77 : vector<16xf32> -> vector<16xi32>
          %get3A_78 = arith.index_cast %scan3A_69 : i32 to index
          %get3A_79 = arith.constant 16 : index
          %get3A_80 = tpu.vector_load %arg10[%get3A_78, %get3A_79] {strides = array<i32>} : memref<80x128xf32, #tpu.memory_space<vmem>>, vector<1x16xf32>,
          %get3A_81 = vector.shape_cast %get3A_80 : vector<1x16xf32> to vector<16xf32>
          %get3A_82 = arith.index_cast %scan3A_69 : i32 to index
          %get3A_83 = arith.constant 16 : index
          %get3A_84 = tpu.vector_load %arg12[%get3A_82, %get3A_83] {strides = array<i32>} : memref<80x128xf32, #tpu.memory_space<vmem>>, vector<1x16xf32>,
          %get3A_85 = vector.shape_cast %get3A_84 : vector<1x16xf32> to vector<16xf32>
          %add3A_86 = arith.addf %get3A_81, %get3A_85 : vector<16xf32>
          %bitcast_convert_type3A_87 = tpu.bitcast %add3A_86 : vector<16xf32> -> vector<16xi32>
          %add3A_88 = arith.constant 32767 : i32
          %add3A_89 = vector.broadcast %add3A_88 : i32 to vector<16xi32>
          %add3A_90 = arith.addi %bitcast_convert_type3A, %add3A_89 : vector<16xi32>
          %shift_right_logical3A = arith.constant 16 : i32
          %shift_right_logical3A_91 = vector.broadcast %shift_right_logical3A : i32 to vector<16xi32>
          %shift_right_logical3A_92 = arith.shrui %bitcast_convert_type3A, %shift_right_logical3A_91 : vector<16xi32>
          %and3A = arith.constant 1 : i32
          %and3A_93 = vector.broadcast %and3A : i32 to vector<16xi32>
          %and3A_94 = arith.andi %shift_right_logical3A_92, %and3A_93 : vector<16xi32>
          %add3A_95 = arith.addi %add3A_90, %and3A_94 : vector<16xi32>
          %shift_right_logical3A_96 = arith.constant 16 : i32
          %shift_right_logical3A_97 = vector.broadcast %shift_right_logical3A_96 : i32 to vector<16xi32>
          %shift_right_logical3A_98 = arith.shrui %add3A_95, %shift_right_logical3A_97 : vector<16xi32>
          %add3A_99 = arith.constant 32767 : i32
          %add3A_100 = vector.broadcast %add3A_99 : i32 to vector<16xi32>
          %add3A_101 = arith.addi %bitcast_convert_type3A_87, %add3A_100 : vector<16xi32>
          %shift_right_logical3A_102 = arith.constant 16 : i32
          %shift_right_logical3A_103 = vector.broadcast %shift_right_logical3A_102 : i32 to vector<16xi32>
          %shift_right_logical3A_104 = arith.shrui %bitcast_convert_type3A_87, %shift_right_logical3A_103 : vector<16xi32>
          %and3A_105 = arith.constant 1 : i32
          %and3A_106 = vector.broadcast %and3A_105 : i32 to vector<16xi32>
          %and3A_107 = arith.andi %shift_right_logical3A_104, %and3A_106 : vector<16xi32>
          %add3A_108 = arith.addi %add3A_101, %and3A_107 : vector<16xi32>
          %shift_right_logical3A_109 = arith.constant 16 : i32
          %shift_right_logical3A_110 = vector.broadcast %shift_right_logical3A_109 : i32 to vector<16xi32>
          %shift_right_logical3A_111 = arith.shrui %add3A_108, %shift_right_logical3A_110 : vector<16xi32>
          %shift_left3A = arith.constant 16 : i32
          %shift_left3A_112 = vector.broadcast %shift_left3A : i32 to vector<16xi32>
          %shift_left3A_113 = arith.shli %shift_right_logical3A_111, %shift_left3A_112 : vector<16xi32>
          %or3A = arith.ori %shift_right_logical3A_98, %shift_left3A_113 : vector<16xi32>
          %swap3A = arith.index_cast %scan3A_69 : i32 to index
          %swap3A_114 = arith.constant 0 : index
          %swap3A_115 = tpu.vector_load %arg14[%swap3A, %swap3A_114] {strides = array<i32>} : memref<80x64xi32, #tpu.memory_space<vmem>>, vector<1x16xi32>,
          %swap3A_116 = vector.shape_cast %swap3A_115 : vector<1x16xi32> to vector<16xi32>
          %swap3A_117 = vector.shape_cast %or3A : vector<16xi32> to vector<1x16xi32>
          tpu.vector_store %arg14[%swap3A, %swap3A_114], %swap3A_117 {strides = array<i32>} : memref<80x64xi32, #tpu.memory_space<vmem>>, vector<1x16xi32>,
          %get3A_118 = arith.index_cast %scan3A_69 : i32 to index
          %get3A_119 = arith.constant 32 : index
          %get3A_120 = tpu.vector_load %arg10[%get3A_118, %get3A_119] {strides = array<i32>} : memref<80x128xf32, #tpu.memory_space<vmem>>, vector<1x16xf32>,
          %get3A_121 = vector.shape_cast %get3A_120 : vector<1x16xf32> to vector<16xf32>
          %get3A_122 = arith.index_cast %scan3A_69 : i32 to index
          %get3A_123 = arith.constant 32 : index
          %get3A_124 = tpu.vector_load %arg12[%get3A_122, %get3A_123] {strides = array<i32>} : memref<80x128xf32, #tpu.memory_space<vmem>>, vector<1x16xf32>,
          %get3A_125 = vector.shape_cast %get3A_124 : vector<1x16xf32> to vector<16xf32>
          %add3A_126 = arith.addf %get3A_121, %get3A_125 : vector<16xf32>
          %bitcast_convert_type3A_127 = tpu.bitcast %add3A_126 : vector<16xf32> -> vector<16xi32>
          %get3A_128 = arith.index_cast %scan3A_69 : i32 to index
          %get3A_129 = arith.constant 48 : index
          %get3A_130 = tpu.vector_load %arg10[%get3A_128, %get3A_129] {strides = array<i32>} : memref<80x128xf32, #tpu.memory_space<vmem>>, vector<1x16xf32>,
          %get3A_131 = vector.shape_cast %get3A_130 : vector<1x16xf32> to vector<16xf32>
          %get3A_132 = arith.index_cast %scan3A_69 : i32 to index
          %get3A_133 = arith.constant 48 : index
          %get3A_134 = tpu.vector_load %arg12[%get3A_132, %get3A_133] {strides = array<i32>} : memref<80x128xf32, #tpu.memory_space<vmem>>, vector<1x16xf32>,
          %get3A_135 = vector.shape_cast %get3A_134 : vector<1x16xf32> to vector<16xf32>
          %add3A_136 = arith.addf %get3A_131, %get3A_135 : vector<16xf32>
          %bitcast_convert_type3A_137 = tpu.bitcast %add3A_136 : vector<16xf32> -> vector<16xi32>
          %add3A_138 = arith.constant 32767 : i32
          %add3A_139 = vector.broadcast %add3A_138 : i32 to vector<16xi32>
          %add3A_140 = arith.addi %bitcast_convert_type3A_127, %add3A_139 : vector<16xi32>
          %shift_right_logical3A_141 = arith.constant 16 : i32
          %shift_right_logical3A_142 = vector.broadcast %shift_right_logical3A_141 : i32 to vector<16xi32>
          %shift_right_logical3A_143 = arith.shrui %bitcast_convert_type3A_127, %shift_right_logical3A_142 : vector<16xi32>
          %and3A_144 = arith.constant 1 : i32
          %and3A_145 = vector.broadcast %and3A_144 : i32 to vector<16xi32>
          %and3A_146 = arith.andi %shift_right_logical3A_143, %and3A_145 : vector<16xi32>
          %add3A_147 = arith.addi %add3A_140, %and3A_146 : vector<16xi32>
          %shift_right_logical3A_148 = arith.constant 16 : i32
          %shift_right_logical3A_149 = vector.broadcast %shift_right_logical3A_148 : i32 to vector<16xi32>
          %shift_right_logical3A_150 = arith.shrui %add3A_147, %shift_right_logical3A_149 : vector<16xi32>
          %add3A_151 = arith.constant 32767 : i32
          %add3A_152 = vector.broadcast %add3A_151 : i32 to vector<16xi32>
          %add3A_153 = arith.addi %bitcast_convert_type3A_137, %add3A_152 : vector<16xi32>
          %shift_right_logical3A_154 = arith.constant 16 : i32
          %shift_right_logical3A_155 = vector.broadcast %shift_right_logical3A_154 : i32 to vector<16xi32>
          %shift_right_logical3A_156 = arith.shrui %bitcast_convert_type3A_137, %shift_right_logical3A_155 : vector<16xi32>
          %and3A_157 = arith.constant 1 : i32
          %and3A_158 = vector.broadcast %and3A_157 : i32 to vector<16xi32>
          %and3A_159 = arith.andi %shift_right_logical3A_156, %and3A_158 : vector<16xi32>
          %add3A_160 = arith.addi %add3A_153, %and3A_159 : vector<16xi32>
          %shift_right_logical3A_161 = arith.constant 16 : i32
          %shift_right_logical3A_162 = vector.broadcast %shift_right_logical3A_161 : i32 to vector<16xi32>
          %shift_right_logical3A_163 = arith.shrui %add3A_160, %shift_right_logical3A_162 : vector<16xi32>
          %shift_left3A_164 = arith.constant 16 : i32
          %shift_left3A_165 = vector.broadcast %shift_left3A_164 : i32 to vector<16xi32>
          %shift_left3A_166 = arith.shli %shift_right_logical3A_163, %shift_left3A_165 : vector<16xi32>
          %or3A_167 = arith.ori %shift_right_logical3A_150, %shift_left3A_166 : vector<16xi32>
          %swap3A_168 = arith.index_cast %scan3A_69 : i32 to index
          %swap3A_169 = arith.constant 16 : index
          %swap3A_170 = tpu.vector_load %arg14[%swap3A_168, %swap3A_169] {strides = array<i32>} : memref<80x64xi32, #tpu.memory_space<vmem>>, vector<1x16xi32>,
          %swap3A_171 = vector.shape_cast %swap3A_170 : vector<1x16xi32> to vector<16xi32>
          %swap3A_172 = vector.shape_cast %or3A_167 : vector<16xi32> to vector<1x16xi32>
          tpu.vector_store %arg14[%swap3A_168, %swap3A_169], %swap3A_172 {strides = array<i32>} : memref<80x64xi32, #tpu.memory_space<vmem>>, vector<1x16xi32>,
          %get3A_173 = arith.index_cast %scan3A_69 : i32 to index
          %get3A_174 = arith.constant 64 : index
          %get3A_175 = tpu.vector_load %arg10[%get3A_173, %get3A_174] {strides = array<i32>} : memref<80x128xf32, #tpu.memory_space<vmem>>, vector<1x16xf32>,
          %get3A_176 = vector.shape_cast %get3A_175 : vector<1x16xf32> to vector<16xf32>
          %get3A_177 = arith.index_cast %scan3A_69 : i32 to index
          %get3A_178 = arith.constant 64 : index
          %get3A_179 = tpu.vector_load %arg12[%get3A_177, %get3A_178] {strides = array<i32>} : memref<80x128xf32, #tpu.memory_space<vmem>>, vector<1x16xf32>,
          %get3A_180 = vector.shape_cast %get3A_179 : vector<1x16xf32> to vector<16xf32>
          %add3A_181 = arith.addf %get3A_176, %get3A_180 : vector<16xf32>
          %bitcast_convert_type3A_182 = tpu.bitcast %add3A_181 : vector<16xf32> -> vector<16xi32>
          %get3A_183 = arith.index_cast %scan3A_69 : i32 to index
          %get3A_184 = arith.constant 80 : index
          %get3A_185 = tpu.vector_load %arg10[%get3A_183, %get3A_184] {strides = array<i32>} : memref<80x128xf32, #tpu.memory_space<vmem>>, vector<1x16xf32>,
          %get3A_186 = vector.shape_cast %get3A_185 : vector<1x16xf32> to vector<16xf32>
          %get3A_187 = arith.index_cast %scan3A_69 : i32 to index
          %get3A_188 = arith.constant 80 : index
          %get3A_189 = tpu.vector_load %arg12[%get3A_187, %get3A_188] {strides = array<i32>} : memref<80x128xf32, #tpu.memory_space<vmem>>, vector<1x16xf32>,
          %get3A_190 = vector.shape_cast %get3A_189 : vector<1x16xf32> to vector<16xf32>
          %add3A_191 = arith.addf %get3A_186, %get3A_190 : vector<16xf32>
          %bitcast_convert_type3A_192 = tpu.bitcast %add3A_191 : vector<16xf32> -> vector<16xi32>
          %add3A_193 = arith.constant 32767 : i32
          %add3A_194 = vector.broadcast %add3A_193 : i32 to vector<16xi32>
          %add3A_195 = arith.addi %bitcast_convert_type3A_182, %add3A_194 : vector<16xi32>
          %shift_right_logical3A_196 = arith.constant 16 : i32
          %shift_right_logical3A_197 = vector.broadcast %shift_right_logical3A_196 : i32 to vector<16xi32>
          %shift_right_logical3A_198 = arith.shrui %bitcast_convert_type3A_182, %shift_right_logical3A_197 : vector<16xi32>
          %and3A_199 = arith.constant 1 : i32
          %and3A_200 = vector.broadcast %and3A_199 : i32 to vector<16xi32>
          %and3A_201 = arith.andi %shift_right_logical3A_198, %and3A_200 : vector<16xi32>
          %add3A_202 = arith.addi %add3A_195, %and3A_201 : vector<16xi32>
          %shift_right_logical3A_203 = arith.constant 16 : i32
          %shift_right_logical3A_204 = vector.broadcast %shift_right_logical3A_203 : i32 to vector<16xi32>
          %shift_right_logical3A_205 = arith.shrui %add3A_202, %shift_right_logical3A_204 : vector<16xi32>
          %add3A_206 = arith.constant 32767 : i32
          %add3A_207 = vector.broadcast %add3A_206 : i32 to vector<16xi32>
          %add3A_208 = arith.addi %bitcast_convert_type3A_192, %add3A_207 : vector<16xi32>
          %shift_right_logical3A_209 = arith.constant 16 : i32
          %shift_right_logical3A_210 = vector.broadcast %shift_right_logical3A_209 : i32 to vector<16xi32>
          %shift_right_logical3A_211 = arith.shrui %bitcast_convert_type3A_192, %shift_right_logical3A_210 : vector<16xi32>
          %and3A_212 = arith.constant 1 : i32
          %and3A_213 = vector.broadcast %and3A_212 : i32 to vector<16xi32>
          %and3A_214 = arith.andi %shift_right_logical3A_211, %and3A_213 : vector<16xi32>
          %add3A_215 = arith.addi %add3A_208, %and3A_214 : vector<16xi32>
          %shift_right_logical3A_216 = arith.constant 16 : i32
          %shift_right_logical3A_217 = vector.broadcast %shift_right_logical3A_216 : i32 to vector<16xi32>
          %shift_right_logical3A_218 = arith.shrui %add3A_215, %shift_right_logical3A_217 : vector<16xi32>
          %shift_left3A_219 = arith.constant 16 : i32
          %shift_left3A_220 = vector.broadcast %shift_left3A_219 : i32 to vector<16xi32>
          %shift_left3A_221 = arith.shli %shift_right_logical3A_218, %shift_left3A_220 : vector<16xi32>
          %or3A_222 = arith.ori %shift_right_logical3A_205, %shift_left3A_221 : vector<16xi32>
          %swap3A_223 = arith.index_cast %scan3A_69 : i32 to index
          %swap3A_224 = arith.constant 32 : index
          %swap3A_225 = tpu.vector_load %arg14[%swap3A_223, %swap3A_224] {strides = array<i32>} : memref<80x64xi32, #tpu.memory_space<vmem>>, vector<1x16xi32>,
          %swap3A_226 = vector.shape_cast %swap3A_225 : vector<1x16xi32> to vector<16xi32>
          %swap3A_227 = vector.shape_cast %or3A_222 : vector<16xi32> to vector<1x16xi32>
          tpu.vector_store %arg14[%swap3A_223, %swap3A_224], %swap3A_227 {strides = array<i32>} : memref<80x64xi32, #tpu.memory_space<vmem>>, vector<1x16xi32>,
          %get3A_228 = arith.index_cast %scan3A_69 : i32 to index
          %get3A_229 = arith.constant 96 : index
          %get3A_230 = tpu.vector_load %arg10[%get3A_228, %get3A_229] {strides = array<i32>} : memref<80x128xf32, #tpu.memory_space<vmem>>, vector<1x16xf32>,
          %get3A_231 = vector.shape_cast %get3A_230 : vector<1x16xf32> to vector<16xf32>
          %get3A_232 = arith.index_cast %scan3A_69 : i32 to index
          %get3A_233 = arith.constant 96 : index
          %get3A_234 = tpu.vector_load %arg12[%get3A_232, %get3A_233] {strides = array<i32>} : memref<80x128xf32, #tpu.memory_space<vmem>>, vector<1x16xf32>,
          %get3A_235 = vector.shape_cast %get3A_234 : vector<1x16xf32> to vector<16xf32>
          %add3A_236 = arith.addf %get3A_231, %get3A_235 : vector<16xf32>
          %bitcast_convert_type3A_237 = tpu.bitcast %add3A_236 : vector<16xf32> -> vector<16xi32>
          %get3A_238 = arith.index_cast %scan3A_69 : i32 to index
          %get3A_239 = arith.constant 112 : index
          %get3A_240 = tpu.vector_load %arg10[%get3A_238, %get3A_239] {strides = array<i32>} : memref<80x128xf32, #tpu.memory_space<vmem>>, vector<1x16xf32>,
          %get3A_241 = vector.shape_cast %get3A_240 : vector<1x16xf32> to vector<16xf32>
          %get3A_242 = arith.index_cast %scan3A_69 : i32 to index
          %get3A_243 = arith.constant 112 : index
          %get3A_244 = tpu.vector_load %arg12[%get3A_242, %get3A_243] {strides = array<i32>} : memref<80x128xf32, #tpu.memory_space<vmem>>, vector<1x16xf32>,
          %get3A_245 = vector.shape_cast %get3A_244 : vector<1x16xf32> to vector<16xf32>
          %add3A_246 = arith.addf %get3A_241, %get3A_245 : vector<16xf32>
          %bitcast_convert_type3A_247 = tpu.bitcast %add3A_246 : vector<16xf32> -> vector<16xi32>
          %add3A_248 = arith.constant 32767 : i32
          %add3A_249 = vector.broadcast %add3A_248 : i32 to vector<16xi32>
          %add3A_250 = arith.addi %bitcast_convert_type3A_237, %add3A_249 : vector<16xi32>
          %shift_right_logical3A_251 = arith.constant 16 : i32
          %shift_right_logical3A_252 = vector.broadcast %shift_right_logical3A_251 : i32 to vector<16xi32>
          %shift_right_logical3A_253 = arith.shrui %bitcast_convert_type3A_237, %shift_right_logical3A_252 : vector<16xi32>
          %and3A_254 = arith.constant 1 : i32
          %and3A_255 = vector.broadcast %and3A_254 : i32 to vector<16xi32>
          %and3A_256 = arith.andi %shift_right_logical3A_253, %and3A_255 : vector<16xi32>
          %add3A_257 = arith.addi %add3A_250, %and3A_256 : vector<16xi32>
          %shift_right_logical3A_258 = arith.constant 16 : i32
          %shift_right_logical3A_259 = vector.broadcast %shift_right_logical3A_258 : i32 to vector<16xi32>
          %shift_right_logical3A_260 = arith.shrui %add3A_257, %shift_right_logical3A_259 : vector<16xi32>
          %add3A_261 = arith.constant 32767 : i32
          %add3A_262 = vector.broadcast %add3A_261 : i32 to vector<16xi32>
          %add3A_263 = arith.addi %bitcast_convert_type3A_247, %add3A_262 : vector<16xi32>
          %shift_right_logical3A_264 = arith.constant 16 : i32
          %shift_right_logical3A_265 = vector.broadcast %shift_right_logical3A_264 : i32 to vector<16xi32>
          %shift_right_logical3A_266 = arith.shrui %bitcast_convert_type3A_247, %shift_right_logical3A_265 : vector<16xi32>
          %and3A_267 = arith.constant 1 : i32
          %and3A_268 = vector.broadcast %and3A_267 : i32 to vector<16xi32>
          %and3A_269 = arith.andi %shift_right_logical3A_266, %and3A_268 : vector<16xi32>
          %add3A_270 = arith.addi %add3A_263, %and3A_269 : vector<16xi32>
          %shift_right_logical3A_271 = arith.constant 16 : i32
          %shift_right_logical3A_272 = vector.broadcast %shift_right_logical3A_271 : i32 to vector<16xi32>
          %shift_right_logical3A_273 = arith.shrui %add3A_270, %shift_right_logical3A_272 : vector<16xi32>
          %shift_left3A_274 = arith.constant 16 : i32
          %shift_left3A_275 = vector.broadcast %shift_left3A_274 : i32 to vector<16xi32>
          %shift_left3A_276 = arith.shli %shift_right_logical3A_273, %shift_left3A_275 : vector<16xi32>
          %or3A_277 = arith.ori %shift_right_logical3A_260, %shift_left3A_276 : vector<16xi32>
          %swap3A_278 = arith.index_cast %scan3A_69 : i32 to index
          %swap3A_279 = arith.constant 48 : index
          %swap3A_280 = tpu.vector_load %arg14[%swap3A_278, %swap3A_279] {strides = array<i32>} : memref<80x64xi32, #tpu.memory_space<vmem>>, vector<1x16xi32>,
          %swap3A_281 = vector.shape_cast %swap3A_280 : vector<1x16xi32> to vector<16xi32>
          %swap3A_282 = vector.shape_cast %or3A_277 : vector<16xi32> to vector<1x16xi32>
          tpu.vector_store %arg14[%swap3A_278, %swap3A_279], %swap3A_282 {strides = array<i32>} : memref<80x64xi32, #tpu.memory_space<vmem>>, vector<1x16xi32>,
        }
        %scan3A_65 = arith.constant 80 : i32
        %mul3A_66 = arith.constant 80 : i32
        %mul3A_67 = arith.muli %add3A_37, %mul3A_66 : i32
        %add3A_68 = arith.addi %mul3A_2, %mul3A_67 : i32
        "tpu.region"() ({
          %run_scoped3A = tpu.sem_alloc : memref<!tpu.dma_semaphore, #tpu.memory_space<semaphore_mem>>
          %dma_start3A_69 = arith.constant 0 : i32
          %dma_start3A_70 = tpu.memref_slice %arg6[%add3A_68, %dma_start3A_69] : memref<64000x64xi32, #tpu.memory_space<hbm>> -> memref<80x64xi32, #tpu.memory_space<hbm>>
          %dma_start3A_71 = arith.constant 0 : i32
          %dma_start3A_72 = tpu.memref_slice %arg6[%add3A_68, %dma_start3A_71] : memref<64000x64xi32, #tpu.memory_space<hbm>> -> memref<80x64xi32, #tpu.memory_space<hbm>>
          tpu.enqueue_dma source(%arg14 : memref<80x64xi32, #tpu.memory_space<vmem>>) target(%dma_start3A_72 : memref<80x64xi32, #tpu.memory_space<hbm>>) target_semaphore(%run_scoped3A : memref<!tpu.dma_semaphore, #tpu.memory_space<semaphore_mem>>)
          %dma_wait3A_73 = arith.constant 0 : i32
          %dma_wait3A_74 = tpu.memref_slice %arg6[%add3A_68, %dma_wait3A_73] : memref<64000x64xi32, #tpu.memory_space<hbm>> -> memref<80x64xi32, #tpu.memory_space<hbm>>
          %dma_wait3A_75 = arith.constant 0 : i32
          %dma_wait3A_76 = tpu.memref_slice %arg6[%add3A_68, %dma_wait3A_75] : memref<64000x64xi32, #tpu.memory_space<hbm>> -> memref<80x64xi32, #tpu.memory_space<hbm>>
          tpu.wait_dma2 semaphore(%run_scoped3A : memref<!tpu.dma_semaphore, #tpu.memory_space<semaphore_mem>>) src(%arg14 : memref<80x64xi32, #tpu.memory_space<vmem>>) dst(%dma_wait3A_76 : memref<80x64xi32, #tpu.memory_space<hbm>>)
          tpu.yield
        }) : () -> ()
      } else {
      }
    }
    %scan3A_19 = arith.constant 13 : i32
    return
  }
}

#map = affine_map<(d0, d1) -> (0, 0)>
#map1 = affine_map<(d0, d1) -> (0)>
module attributes {stable_mosaic.version = 14 : i64} {
  func.func @_gather_sum_body(%arg0: i32, %arg1: i32, %arg2: memref<10000x128xf32, #tpu.memory_space<hbm>>, %arg3: memref<10000x128xf32, #tpu.memory_space<hbm>>, %arg4: memref<320000xi32, #tpu.memory_space<hbm>>, %arg5: memref<320000xi32, #tpu.memory_space<hbm>>, %arg6: memref<64000x64xi32, #tpu.memory_space<hbm>>, %arg7: memref<2000xi32, #tpu.memory_space<vmem>>, %arg8: memref<2000xi32, #tpu.memory_space<vmem>>, %arg9: memref<80x128xf32, #tpu.memory_space<vmem>>, %arg10: memref<80x128xf32, #tpu.memory_space<vmem>>, %arg11: memref<80x128xf32, #tpu.memory_space<vmem>>, %arg12: memref<80x128xf32, #tpu.memory_space<vmem>>, %arg13: memref<80x64xi32, #tpu.memory_space<vmem>>, %arg14: memref<80x64xi32, #tpu.memory_space<vmem>>, %arg15: memref<!tpu.dma_semaphore, #tpu.memory_space<semaphore_mem>>, %arg16: memref<!tpu.dma_semaphore, #tpu.memory_space<semaphore_mem>>, %arg17: memref<!tpu.dma_semaphore, #tpu.memory_space<semaphore_mem>>, %arg18: memref<!tpu.dma_semaphore, #tpu.memory_space<semaphore_mem>>) attributes {dimension_semantics = [#tpu.dimension_semantics<core_parallel>, #tpu.dimension_semantics<subcore_parallel>], iteration_bounds = array<i64: 2, 16>, scalar_prefetch = 0 : i64, scratch_operands = 12 : i64, tpu.core_type = #tpu.core_type<sc_vector_subcore>, window_params = [{transform_indices = #map}, {transform_indices = #map}, {transform_indices = #map1}, {transform_indices = #map1}, {transform_indices = #map}]} {
    %mul3A = arith.constant 2 : i32
    %mul3A_0 = arith.muli %arg1, %mul3A : i32
    %add3A = arith.addi %mul3A_0, %arg0 : i32
    %mul3A_1 = arith.constant 2000 : i32
    %mul3A_2 = arith.muli %add3A, %mul3A_1 : i32
    %add3A_3 = arith.constant 0 : i32
    %add3A_4 = arith.addi %add3A_3, %mul3A_2 : i32
    "tpu.region"() ({
      %run_scoped3A = tpu.sem_alloc : memref<!tpu.dma_semaphore, #tpu.memory_space<semaphore_mem>>
      %dma_start3A_20 = tpu.memref_slice %arg4[%add3A_4] : memref<320000xi32, #tpu.memory_space<hbm>> -> memref<2000xi32, #tpu.memory_space<hbm>>
      %dma_start3A_21 = tpu.memref_slice %arg4[%add3A_4] : memref<320000xi32, #tpu.memory_space<hbm>> -> memref<2000xi32, #tpu.memory_space<hbm>>
      tpu.enqueue_dma source(%dma_start3A_21 : memref<2000xi32, #tpu.memory_space<hbm>>) target(%arg7 : memref<2000xi32, #tpu.memory_space<vmem>>) target_semaphore(%run_scoped3A : memref<!tpu.dma_semaphore, #tpu.memory_space<semaphore_mem>>)
      %dma_wait3A = tpu.memref_slice %arg4[%add3A_4] : memref<320000xi32, #tpu.memory_space<hbm>> -> memref<2000xi32, #tpu.memory_space<hbm>>
      %dma_wait3A_22 = tpu.memref_slice %arg4[%add3A_4] : memref<320000xi32, #tpu.memory_space<hbm>> -> memref<2000xi32, #tpu.memory_space<hbm>>
      tpu.wait_dma2 semaphore(%run_scoped3A : memref<!tpu.dma_semaphore, #tpu.memory_space<semaphore_mem>>) src(%dma_wait3A_22 : memref<2000xi32, #tpu.memory_space<hbm>>) dst(%arg7 : memref<2000xi32, #tpu.memory_space<vmem>>)
      tpu.yield
    }) : () -> ()
    %add3A_5 = arith.constant 0 : i32
    %add3A_6 = arith.addi %add3A_5, %mul3A_2 : i32
    "tpu.region"() ({
      %run_scoped3A = tpu.sem_alloc : memref<!tpu.dma_semaphore, #tpu.memory_space<semaphore_mem>>
      %dma_start3A_20 = tpu.memref_slice %arg5[%add3A_6] : memref<320000xi32, #tpu.memory_space<hbm>> -> memref<2000xi32, #tpu.memory_space<hbm>>
      %dma_start3A_21 = tpu.memref_slice %arg5[%add3A_6] : memref<320000xi32, #tpu.memory_space<hbm>> -> memref<2000xi32, #tpu.memory_space<hbm>>
      tpu.enqueue_dma source(%dma_start3A_21 : memref<2000xi32, #tpu.memory_space<hbm>>) target(%arg8 : memref<2000xi32, #tpu.memory_space<vmem>>) target_semaphore(%run_scoped3A : memref<!tpu.dma_semaphore, #tpu.memory_space<semaphore_mem>>)
      %dma_wait3A = tpu.memref_slice %arg5[%add3A_6] : memref<320000xi32, #tpu.memory_space<hbm>> -> memref<2000xi32, #tpu.memory_space<hbm>>
      %dma_wait3A_22 = tpu.memref_slice %arg5[%add3A_6] : memref<320000xi32, #tpu.memory_space<hbm>> -> memref<2000xi32, #tpu.memory_space<hbm>>
      tpu.wait_dma2 semaphore(%run_scoped3A : memref<!tpu.dma_semaphore, #tpu.memory_space<semaphore_mem>>) src(%dma_wait3A_22 : memref<2000xi32, #tpu.memory_space<hbm>>) dst(%arg8 : memref<2000xi32, #tpu.memory_space<vmem>>)
      tpu.yield
    }) : () -> ()
    %multiple_of3A = arith.constant 0 : i32
    %multiple_of3A_7 = tpu.assume_multiple %multiple_of3A, 8 : i32
    %dma_start3A = tpu.memref_slice %arg7[%multiple_of3A_7] : memref<2000xi32, #tpu.memory_space<vmem>> -> memref<80xi32, #tpu.memory_space<vmem>>
    %dma_start3A_8 = arith.constant 0 : i32
    %dma_start3A_9 = arith.constant 0 : i32
    %dma_start3A_10 = tpu.memref_slice %arg2[%dma_start3A_8, %dma_start3A_9] : memref<10000x128xf32, #tpu.memory_space<hbm>> -> memref<10000x128xf32, #tpu.memory_space<hbm>>
    tpu.enqueue_indirect_dma source(%dma_start3A_10 : memref<10000x128xf32, #tpu.memory_space<hbm>>) target(%arg9 : memref<80x128xf32, #tpu.memory_space<vmem>>) offsets(%dma_start3A : memref<80xi32, #tpu.memory_space<vmem>>) semaphore(%arg15 : memref<!tpu.dma_semaphore, #tpu.memory_space<semaphore_mem>>)
    %dma_start3A_11 = tpu.memref_slice %arg8[%multiple_of3A_7] : memref<2000xi32, #tpu.memory_space<vmem>> -> memref<80xi32, #tpu.memory_space<vmem>>
    %dma_start3A_12 = arith.constant 0 : i32
    %dma_start3A_13 = arith.constant 0 : i32
    %dma_start3A_14 = tpu.memref_slice %arg3[%dma_start3A_12, %dma_start3A_13] : memref<10000x128xf32, #tpu.memory_space<hbm>> -> memref<10000x128xf32, #tpu.memory_space<hbm>>
    tpu.enqueue_indirect_dma source(%dma_start3A_14 : memref<10000x128xf32, #tpu.memory_space<hbm>>) target(%arg11 : memref<80x128xf32, #tpu.memory_space<vmem>>) offsets(%dma_start3A_11 : memref<80xi32, #tpu.memory_space<vmem>>) semaphore(%arg17 : memref<!tpu.dma_semaphore, #tpu.memory_space<semaphore_mem>>)
    %scan3A = arith.constant 0 : i32
    %scan3A_15 = arith.constant 0 : i32
    %scan3A_16 = arith.constant 13 : i32
    %scan3A_17 = arith.addi %scan3A_15, %scan3A_16 : i32
    %scan3A_18 = arith.constant 1 : i32
    scf.for %scan3A_20 = %scan3A_15 to %scan3A_17 step %scan3A_18  : i32 {
      %mul3A_21 = arith.constant 2 : i32
      %mul3A_22 = arith.muli %mul3A_21, %scan3A_20 : i32
      %add3A_23 = arith.constant 0 : i32
      %add3A_24 = arith.addi %mul3A_22, %add3A_23 : i32
      %add3A_25 = arith.constant 1 : i32
      %add3A_26 = arith.addi %add3A_24, %add3A_25 : i32
      %lt3A = arith.constant 25 : i32
      %lt3A_27 = arith.cmpi slt, %add3A_26, %lt3A : i32
      %convert_element_type3A = arith.extui %lt3A_27 : i1 to i32
      %cond3A = arith.constant 0 : i32
      %cond3A_28 = arith.cmpi ne, %convert_element_type3A, %cond3A : i32
      scf.if %cond3A_28 {
        %mul3A_50 = arith.constant 80 : i32
        %mul3A_51 = arith.muli %add3A_26, %mul3A_50 : i32
        %multiple_of3A_52 = tpu.assume_multiple %mul3A_51, 8 : i32
        %dma_start3A_53 = tpu.memref_slice %arg7[%multiple_of3A_52] : memref<2000xi32, #tpu.memory_space<vmem>> -> memref<80xi32, #tpu.memory_space<vmem>>
        %dma_start3A_54 = arith.constant 0 : i32
        %dma_start3A_55 = arith.constant 0 : i32
        %dma_start3A_56 = tpu.memref_slice %arg2[%dma_start3A_54, %dma_start3A_55] : memref<10000x128xf32, #tpu.memory_space<hbm>> -> memref<10000x128xf32, #tpu.memory_space<hbm>>
        tpu.enqueue_indirect_dma source(%dma_start3A_56 : memref<10000x128xf32, #tpu.memory_space<hbm>>) target(%arg10 : memref<80x128xf32, #tpu.memory_space<vmem>>) offsets(%dma_start3A_53 : memref<80xi32, #tpu.memory_space<vmem>>) semaphore(%arg16 : memref<!tpu.dma_semaphore, #tpu.memory_space<semaphore_mem>>)
        %dma_start3A_57 = tpu.memref_slice %arg8[%multiple_of3A_52] : memref<2000xi32, #tpu.memory_space<vmem>> -> memref<80xi32, #tpu.memory_space<vmem>>
        %dma_start3A_58 = arith.constant 0 : i32
        %dma_start3A_59 = arith.constant 0 : i32
        %dma_start3A_60 = tpu.memref_slice %arg3[%dma_start3A_58, %dma_start3A_59] : memref<10000x128xf32, #tpu.memory_space<hbm>> -> memref<10000x128xf32, #tpu.memory_space<hbm>>
        tpu.enqueue_indirect_dma source(%dma_start3A_60 : memref<10000x128xf32, #tpu.memory_space<hbm>>) target(%arg12 : memref<80x128xf32, #tpu.memory_space<vmem>>) offsets(%dma_start3A_57 : memref<80xi32, #tpu.memory_space<vmem>>) semaphore(%arg18 : memref<!tpu.dma_semaphore, #tpu.memory_space<semaphore_mem>>)
      } else {
      }
      %lt3A_29 = arith.constant 25 : i32
      %lt3A_30 = arith.cmpi slt, %add3A_24, %lt3A_29 : i32
      %convert_element_type3A_31 = arith.extui %lt3A_30 : i1 to i32
      %cond3A_32 = arith.constant 0 : i32
      %cond3A_33 = arith.cmpi ne, %convert_element_type3A_31, %cond3A_32 : i32
      scf.if %cond3A_33 {
        %mul3A_50 = arith.constant 80 : i32
        %mul3A_51 = arith.muli %add3A_24, %mul3A_50 : i32
        %multiple_of3A_52 = tpu.assume_multiple %mul3A_51, 8 : i32
        %dma_wait3A = tpu.memref_slice %arg7[%multiple_of3A_52] : memref<2000xi32, #tpu.memory_space<vmem>> -> memref<80xi32, #tpu.memory_space<vmem>>
        %dma_wait3A_53 = arith.constant 0 : i32
        %dma_wait3A_54 = arith.constant 0 : i32
        %dma_wait3A_55 = tpu.memref_slice %arg2[%dma_wait3A_53, %dma_wait3A_54] : memref<10000x128xf32, #tpu.memory_space<hbm>> -> memref<10000x128xf32, #tpu.memory_space<hbm>>
        tpu.wait_indirect_dma semaphore(%arg15 : memref<!tpu.dma_semaphore, #tpu.memory_space<semaphore_mem>>) src(%dma_wait3A_55 : memref<10000x128xf32, #tpu.memory_space<hbm>>) dst(%arg9 : memref<80x128xf32, #tpu.memory_space<vmem>>)
        %dma_wait3A_56 = tpu.memref_slice %arg8[%multiple_of3A_52] : memref<2000xi32, #tpu.memory_space<vmem>> -> memref<80xi32, #tpu.memory_space<vmem>>
        %dma_wait3A_57 = arith.constant 0 : i32
        %dma_wait3A_58 = arith.constant 0 : i32
        %dma_wait3A_59 = tpu.memref_slice %arg3[%dma_wait3A_57, %dma_wait3A_58] : memref<10000x128xf32, #tpu.memory_space<hbm>> -> memref<10000x128xf32, #tpu.memory_space<hbm>>
        tpu.wait_indirect_dma semaphore(%arg17 : memref<!tpu.dma_semaphore, #tpu.memory_space<semaphore_mem>>) src(%dma_wait3A_59 : memref<10000x128xf32, #tpu.memory_space<hbm>>) dst(%arg11 : memref<80x128xf32, #tpu.memory_space<vmem>>)
        %scan3A_60 = arith.constant 0 : i32
        %scan3A_61 = arith.constant 0 : i32
        %scan3A_62 = arith.constant 80 : i32
        %scan3A_63 = arith.addi %scan3A_61, %scan3A_62 : i32
        %scan3A_64 = arith.constant 1 : i32
        scf.for %scan3A_69 = %scan3A_61 to %scan3A_63 step %scan3A_64  : i32 {
          %get3A = arith.index_cast %scan3A_69 : i32 to index
          %get3A_70 = arith.constant 0 : index
          %get3A_71 = tpu.vector_load %arg9[%get3A, %get3A_70] {strides = array<i32>} : memref<80x128xf32, #tpu.memory_space<vmem>>, vector<1x16xf32>,
          %get3A_72 = vector.shape_cast %get3A_71 : vector<1x16xf32> to vector<16xf32>
          %get3A_73 = arith.index_cast %scan3A_69 : i32 to index
          %get3A_74 = arith.constant 0 : index
          %get3A_75 = tpu.vector_load %arg11[%get3A_73, %get3A_74] {strides = array<i32>} : memref<80x128xf32, #tpu.memory_space<vmem>>, vector<1x16xf32>,
          %get3A_76 = vector.shape_cast %get3A_75 : vector<1x16xf32> to vector<16xf32>
          %add3A_77 = arith.addf %get3A_72, %get3A_76 : vector<16xf32>
          %bitcast_convert_type3A = tpu.bitcast %add3A_77 : vector<16xf32> -> vector<16xi32>
          %get3A_78 = arith.index_cast %scan3A_69 : i32 to index
          %get3A_79 = arith.constant 16 : index
          %get3A_80 = tpu.vector_load %arg9[%get3A_78, %get3A_79] {strides = array<i32>} : memref<80x128xf32, #tpu.memory_space<vmem>>, vector<1x16xf32>,
          %get3A_81 = vector.shape_cast %get3A_80 : vector<1x16xf32> to vector<16xf32>
          %get3A_82 = arith.index_cast %scan3A_69 : i32 to index
          %get3A_83 = arith.constant 16 : index
          %get3A_84 = tpu.vector_load %arg11[%get3A_82, %get3A_83] {strides = array<i32>} : memref<80x128xf32, #tpu.memory_space<vmem>>, vector<1x16xf32>,
          %get3A_85 = vector.shape_cast %get3A_84 : vector<1x16xf32> to vector<16xf32>
          %add3A_86 = arith.addf %get3A_81, %get3A_85 : vector<16xf32>
          %bitcast_convert_type3A_87 = tpu.bitcast %add3A_86 : vector<16xf32> -> vector<16xi32>
          %add3A_88 = arith.constant 32767 : i32
          %add3A_89 = vector.broadcast %add3A_88 : i32 to vector<16xi32>
          %add3A_90 = arith.addi %bitcast_convert_type3A, %add3A_89 : vector<16xi32>
          %shift_right_logical3A = arith.constant 16 : i32
          %shift_right_logical3A_91 = vector.broadcast %shift_right_logical3A : i32 to vector<16xi32>
          %shift_right_logical3A_92 = arith.shrui %bitcast_convert_type3A, %shift_right_logical3A_91 : vector<16xi32>
          %and3A = arith.constant 1 : i32
          %and3A_93 = vector.broadcast %and3A : i32 to vector<16xi32>
          %and3A_94 = arith.andi %shift_right_logical3A_92, %and3A_93 : vector<16xi32>
          %add3A_95 = arith.addi %add3A_90, %and3A_94 : vector<16xi32>
          %shift_right_logical3A_96 = arith.constant 16 : i32
          %shift_right_logical3A_97 = vector.broadcast %shift_right_logical3A_96 : i32 to vector<16xi32>
          %shift_right_logical3A_98 = arith.shrui %add3A_95, %shift_right_logical3A_97 : vector<16xi32>
          %add3A_99 = arith.constant 32767 : i32
          %add3A_100 = vector.broadcast %add3A_99 : i32 to vector<16xi32>
          %add3A_101 = arith.addi %bitcast_convert_type3A_87, %add3A_100 : vector<16xi32>
          %shift_right_logical3A_102 = arith.constant 16 : i32
          %shift_right_logical3A_103 = vector.broadcast %shift_right_logical3A_102 : i32 to vector<16xi32>
          %shift_right_logical3A_104 = arith.shrui %bitcast_convert_type3A_87, %shift_right_logical3A_103 : vector<16xi32>
          %and3A_105 = arith.constant 1 : i32
          %and3A_106 = vector.broadcast %and3A_105 : i32 to vector<16xi32>
          %and3A_107 = arith.andi %shift_right_logical3A_104, %and3A_106 : vector<16xi32>
          %add3A_108 = arith.addi %add3A_101, %and3A_107 : vector<16xi32>
          %shift_right_logical3A_109 = arith.constant 16 : i32
          %shift_right_logical3A_110 = vector.broadcast %shift_right_logical3A_109 : i32 to vector<16xi32>
          %shift_right_logical3A_111 = arith.shrui %add3A_108, %shift_right_logical3A_110 : vector<16xi32>
          %shift_left3A = arith.constant 16 : i32
          %shift_left3A_112 = vector.broadcast %shift_left3A : i32 to vector<16xi32>
          %shift_left3A_113 = arith.shli %shift_right_logical3A_111, %shift_left3A_112 : vector<16xi32>
          %or3A = arith.ori %shift_right_logical3A_98, %shift_left3A_113 : vector<16xi32>
          %swap3A = arith.index_cast %scan3A_69 : i32 to index
          %swap3A_114 = arith.constant 0 : index
          %swap3A_115 = tpu.vector_load %arg13[%swap3A, %swap3A_114] {strides = array<i32>} : memref<80x64xi32, #tpu.memory_space<vmem>>, vector<1x16xi32>,
          %swap3A_116 = vector.shape_cast %swap3A_115 : vector<1x16xi32> to vector<16xi32>
          %swap3A_117 = vector.shape_cast %or3A : vector<16xi32> to vector<1x16xi32>
          tpu.vector_store %arg13[%swap3A, %swap3A_114], %swap3A_117 {strides = array<i32>} : memref<80x64xi32, #tpu.memory_space<vmem>>, vector<1x16xi32>,
          %get3A_118 = arith.index_cast %scan3A_69 : i32 to index
          %get3A_119 = arith.constant 32 : index
          %get3A_120 = tpu.vector_load %arg9[%get3A_118, %get3A_119] {strides = array<i32>} : memref<80x128xf32, #tpu.memory_space<vmem>>, vector<1x16xf32>,
          %get3A_121 = vector.shape_cast %get3A_120 : vector<1x16xf32> to vector<16xf32>
          %get3A_122 = arith.index_cast %scan3A_69 : i32 to index
          %get3A_123 = arith.constant 32 : index
          %get3A_124 = tpu.vector_load %arg11[%get3A_122, %get3A_123] {strides = array<i32>} : memref<80x128xf32, #tpu.memory_space<vmem>>, vector<1x16xf32>,
          %get3A_125 = vector.shape_cast %get3A_124 : vector<1x16xf32> to vector<16xf32>
          %add3A_126 = arith.addf %get3A_121, %get3A_125 : vector<16xf32>
          %bitcast_convert_type3A_127 = tpu.bitcast %add3A_126 : vector<16xf32> -> vector<16xi32>
          %get3A_128 = arith.index_cast %scan3A_69 : i32 to index
          %get3A_129 = arith.constant 48 : index
          %get3A_130 = tpu.vector_load %arg9[%get3A_128, %get3A_129] {strides = array<i32>} : memref<80x128xf32, #tpu.memory_space<vmem>>, vector<1x16xf32>,
          %get3A_131 = vector.shape_cast %get3A_130 : vector<1x16xf32> to vector<16xf32>
          %get3A_132 = arith.index_cast %scan3A_69 : i32 to index
          %get3A_133 = arith.constant 48 : index
          %get3A_134 = tpu.vector_load %arg11[%get3A_132, %get3A_133] {strides = array<i32>} : memref<80x128xf32, #tpu.memory_space<vmem>>, vector<1x16xf32>,
          %get3A_135 = vector.shape_cast %get3A_134 : vector<1x16xf32> to vector<16xf32>
          %add3A_136 = arith.addf %get3A_131, %get3A_135 : vector<16xf32>
          %bitcast_convert_type3A_137 = tpu.bitcast %add3A_136 : vector<16xf32> -> vector<16xi32>
          %add3A_138 = arith.constant 32767 : i32
          %add3A_139 = vector.broadcast %add3A_138 : i32 to vector<16xi32>
          %add3A_140 = arith.addi %bitcast_convert_type3A_127, %add3A_139 : vector<16xi32>
          %shift_right_logical3A_141 = arith.constant 16 : i32
          %shift_right_logical3A_142 = vector.broadcast %shift_right_logical3A_141 : i32 to vector<16xi32>
          %shift_right_logical3A_143 = arith.shrui %bitcast_convert_type3A_127, %shift_right_logical3A_142 : vector<16xi32>
          %and3A_144 = arith.constant 1 : i32
          %and3A_145 = vector.broadcast %and3A_144 : i32 to vector<16xi32>
          %and3A_146 = arith.andi %shift_right_logical3A_143, %and3A_145 : vector<16xi32>
          %add3A_147 = arith.addi %add3A_140, %and3A_146 : vector<16xi32>
          %shift_right_logical3A_148 = arith.constant 16 : i32
          %shift_right_logical3A_149 = vector.broadcast %shift_right_logical3A_148 : i32 to vector<16xi32>
          %shift_right_logical3A_150 = arith.shrui %add3A_147, %shift_right_logical3A_149 : vector<16xi32>
          %add3A_151 = arith.constant 32767 : i32
          %add3A_152 = vector.broadcast %add3A_151 : i32 to vector<16xi32>
          %add3A_153 = arith.addi %bitcast_convert_type3A_137, %add3A_152 : vector<16xi32>
          %shift_right_logical3A_154 = arith.constant 16 : i32
          %shift_right_logical3A_155 = vector.broadcast %shift_right_logical3A_154 : i32 to vector<16xi32>
          %shift_right_logical3A_156 = arith.shrui %bitcast_convert_type3A_137, %shift_right_logical3A_155 : vector<16xi32>
          %and3A_157 = arith.constant 1 : i32
          %and3A_158 = vector.broadcast %and3A_157 : i32 to vector<16xi32>
          %and3A_159 = arith.andi %shift_right_logical3A_156, %and3A_158 : vector<16xi32>
          %add3A_160 = arith.addi %add3A_153, %and3A_159 : vector<16xi32>
          %shift_right_logical3A_161 = arith.constant 16 : i32
          %shift_right_logical3A_162 = vector.broadcast %shift_right_logical3A_161 : i32 to vector<16xi32>
          %shift_right_logical3A_163 = arith.shrui %add3A_160, %shift_right_logical3A_162 : vector<16xi32>
          %shift_left3A_164 = arith.constant 16 : i32
          %shift_left3A_165 = vector.broadcast %shift_left3A_164 : i32 to vector<16xi32>
          %shift_left3A_166 = arith.shli %shift_right_logical3A_163, %shift_left3A_165 : vector<16xi32>
          %or3A_167 = arith.ori %shift_right_logical3A_150, %shift_left3A_166 : vector<16xi32>
          %swap3A_168 = arith.index_cast %scan3A_69 : i32 to index
          %swap3A_169 = arith.constant 16 : index
          %swap3A_170 = tpu.vector_load %arg13[%swap3A_168, %swap3A_169] {strides = array<i32>} : memref<80x64xi32, #tpu.memory_space<vmem>>, vector<1x16xi32>,
          %swap3A_171 = vector.shape_cast %swap3A_170 : vector<1x16xi32> to vector<16xi32>
          %swap3A_172 = vector.shape_cast %or3A_167 : vector<16xi32> to vector<1x16xi32>
          tpu.vector_store %arg13[%swap3A_168, %swap3A_169], %swap3A_172 {strides = array<i32>} : memref<80x64xi32, #tpu.memory_space<vmem>>, vector<1x16xi32>,
          %get3A_173 = arith.index_cast %scan3A_69 : i32 to index
          %get3A_174 = arith.constant 64 : index
          %get3A_175 = tpu.vector_load %arg9[%get3A_173, %get3A_174] {strides = array<i32>} : memref<80x128xf32, #tpu.memory_space<vmem>>, vector<1x16xf32>,
          %get3A_176 = vector.shape_cast %get3A_175 : vector<1x16xf32> to vector<16xf32>
          %get3A_177 = arith.index_cast %scan3A_69 : i32 to index
          %get3A_178 = arith.constant 64 : index
          %get3A_179 = tpu.vector_load %arg11[%get3A_177, %get3A_178] {strides = array<i32>} : memref<80x128xf32, #tpu.memory_space<vmem>>, vector<1x16xf32>,
          %get3A_180 = vector.shape_cast %get3A_179 : vector<1x16xf32> to vector<16xf32>
          %add3A_181 = arith.addf %get3A_176, %get3A_180 : vector<16xf32>
          %bitcast_convert_type3A_182 = tpu.bitcast %add3A_181 : vector<16xf32> -> vector<16xi32>
          %get3A_183 = arith.index_cast %scan3A_69 : i32 to index
          %get3A_184 = arith.constant 80 : index
          %get3A_185 = tpu.vector_load %arg9[%get3A_183, %get3A_184] {strides = array<i32>} : memref<80x128xf32, #tpu.memory_space<vmem>>, vector<1x16xf32>,
          %get3A_186 = vector.shape_cast %get3A_185 : vector<1x16xf32> to vector<16xf32>
          %get3A_187 = arith.index_cast %scan3A_69 : i32 to index
          %get3A_188 = arith.constant 80 : index
          %get3A_189 = tpu.vector_load %arg11[%get3A_187, %get3A_188] {strides = array<i32>} : memref<80x128xf32, #tpu.memory_space<vmem>>, vector<1x16xf32>,
          %get3A_190 = vector.shape_cast %get3A_189 : vector<1x16xf32> to vector<16xf32>
          %add3A_191 = arith.addf %get3A_186, %get3A_190 : vector<16xf32>
          %bitcast_convert_type3A_192 = tpu.bitcast %add3A_191 : vector<16xf32> -> vector<16xi32>
          %add3A_193 = arith.constant 32767 : i32
          %add3A_194 = vector.broadcast %add3A_193 : i32 to vector<16xi32>
          %add3A_195 = arith.addi %bitcast_convert_type3A_182, %add3A_194 : vector<16xi32>
          %shift_right_logical3A_196 = arith.constant 16 : i32
          %shift_right_logical3A_197 = vector.broadcast %shift_right_logical3A_196 : i32 to vector<16xi32>
          %shift_right_logical3A_198 = arith.shrui %bitcast_convert_type3A_182, %shift_right_logical3A_197 : vector<16xi32>
          %and3A_199 = arith.constant 1 : i32
          %and3A_200 = vector.broadcast %and3A_199 : i32 to vector<16xi32>
          %and3A_201 = arith.andi %shift_right_logical3A_198, %and3A_200 : vector<16xi32>
          %add3A_202 = arith.addi %add3A_195, %and3A_201 : vector<16xi32>
          %shift_right_logical3A_203 = arith.constant 16 : i32
          %shift_right_logical3A_204 = vector.broadcast %shift_right_logical3A_203 : i32 to vector<16xi32>
          %shift_right_logical3A_205 = arith.shrui %add3A_202, %shift_right_logical3A_204 : vector<16xi32>
          %add3A_206 = arith.constant 32767 : i32
          %add3A_207 = vector.broadcast %add3A_206 : i32 to vector<16xi32>
          %add3A_208 = arith.addi %bitcast_convert_type3A_192, %add3A_207 : vector<16xi32>
          %shift_right_logical3A_209 = arith.constant 16 : i32
          %shift_right_logical3A_210 = vector.broadcast %shift_right_logical3A_209 : i32 to vector<16xi32>
          %shift_right_logical3A_211 = arith.shrui %bitcast_convert_type3A_192, %shift_right_logical3A_210 : vector<16xi32>
          %and3A_212 = arith.constant 1 : i32
          %and3A_213 = vector.broadcast %and3A_212 : i32 to vector<16xi32>
          %and3A_214 = arith.andi %shift_right_logical3A_211, %and3A_213 : vector<16xi32>
          %add3A_215 = arith.addi %add3A_208, %and3A_214 : vector<16xi32>
          %shift_right_logical3A_216 = arith.constant 16 : i32
          %shift_right_logical3A_217 = vector.broadcast %shift_right_logical3A_216 : i32 to vector<16xi32>
          %shift_right_logical3A_218 = arith.shrui %add3A_215, %shift_right_logical3A_217 : vector<16xi32>
          %shift_left3A_219 = arith.constant 16 : i32
          %shift_left3A_220 = vector.broadcast %shift_left3A_219 : i32 to vector<16xi32>
          %shift_left3A_221 = arith.shli %shift_right_logical3A_218, %shift_left3A_220 : vector<16xi32>
          %or3A_222 = arith.ori %shift_right_logical3A_205, %shift_left3A_221 : vector<16xi32>
          %swap3A_223 = arith.index_cast %scan3A_69 : i32 to index
          %swap3A_224 = arith.constant 32 : index
          %swap3A_225 = tpu.vector_load %arg13[%swap3A_223, %swap3A_224] {strides = array<i32>} : memref<80x64xi32, #tpu.memory_space<vmem>>, vector<1x16xi32>,
          %swap3A_226 = vector.shape_cast %swap3A_225 : vector<1x16xi32> to vector<16xi32>
          %swap3A_227 = vector.shape_cast %or3A_222 : vector<16xi32> to vector<1x16xi32>
          tpu.vector_store %arg13[%swap3A_223, %swap3A_224], %swap3A_227 {strides = array<i32>} : memref<80x64xi32, #tpu.memory_space<vmem>>, vector<1x16xi32>,
          %get3A_228 = arith.index_cast %scan3A_69 : i32 to index
          %get3A_229 = arith.constant 96 : index
          %get3A_230 = tpu.vector_load %arg9[%get3A_228, %get3A_229] {strides = array<i32>} : memref<80x128xf32, #tpu.memory_space<vmem>>, vector<1x16xf32>,
          %get3A_231 = vector.shape_cast %get3A_230 : vector<1x16xf32> to vector<16xf32>
          %get3A_232 = arith.index_cast %scan3A_69 : i32 to index
          %get3A_233 = arith.constant 96 : index
          %get3A_234 = tpu.vector_load %arg11[%get3A_232, %get3A_233] {strides = array<i32>} : memref<80x128xf32, #tpu.memory_space<vmem>>, vector<1x16xf32>,
          %get3A_235 = vector.shape_cast %get3A_234 : vector<1x16xf32> to vector<16xf32>
          %add3A_236 = arith.addf %get3A_231, %get3A_235 : vector<16xf32>
          %bitcast_convert_type3A_237 = tpu.bitcast %add3A_236 : vector<16xf32> -> vector<16xi32>
          %get3A_238 = arith.index_cast %scan3A_69 : i32 to index
          %get3A_239 = arith.constant 112 : index
          %get3A_240 = tpu.vector_load %arg9[%get3A_238, %get3A_239] {strides = array<i32>} : memref<80x128xf32, #tpu.memory_space<vmem>>, vector<1x16xf32>,
          %get3A_241 = vector.shape_cast %get3A_240 : vector<1x16xf32> to vector<16xf32>
          %get3A_242 = arith.index_cast %scan3A_69 : i32 to index
          %get3A_243 = arith.constant 112 : index
          %get3A_244 = tpu.vector_load %arg11[%get3A_242, %get3A_243] {strides = array<i32>} : memref<80x128xf32, #tpu.memory_space<vmem>>, vector<1x16xf32>,
          %get3A_245 = vector.shape_cast %get3A_244 : vector<1x16xf32> to vector<16xf32>
          %add3A_246 = arith.addf %get3A_241, %get3A_245 : vector<16xf32>
          %bitcast_convert_type3A_247 = tpu.bitcast %add3A_246 : vector<16xf32> -> vector<16xi32>
          %add3A_248 = arith.constant 32767 : i32
          %add3A_249 = vector.broadcast %add3A_248 : i32 to vector<16xi32>
          %add3A_250 = arith.addi %bitcast_convert_type3A_237, %add3A_249 : vector<16xi32>
          %shift_right_logical3A_251 = arith.constant 16 : i32
          %shift_right_logical3A_252 = vector.broadcast %shift_right_logical3A_251 : i32 to vector<16xi32>
          %shift_right_logical3A_253 = arith.shrui %bitcast_convert_type3A_237, %shift_right_logical3A_252 : vector<16xi32>
          %and3A_254 = arith.constant 1 : i32
          %and3A_255 = vector.broadcast %and3A_254 : i32 to vector<16xi32>
          %and3A_256 = arith.andi %shift_right_logical3A_253, %and3A_255 : vector<16xi32>
          %add3A_257 = arith.addi %add3A_250, %and3A_256 : vector<16xi32>
          %shift_right_logical3A_258 = arith.constant 16 : i32
          %shift_right_logical3A_259 = vector.broadcast %shift_right_logical3A_258 : i32 to vector<16xi32>
          %shift_right_logical3A_260 = arith.shrui %add3A_257, %shift_right_logical3A_259 : vector<16xi32>
          %add3A_261 = arith.constant 32767 : i32
          %add3A_262 = vector.broadcast %add3A_261 : i32 to vector<16xi32>
          %add3A_263 = arith.addi %bitcast_convert_type3A_247, %add3A_262 : vector<16xi32>
          %shift_right_logical3A_264 = arith.constant 16 : i32
          %shift_right_logical3A_265 = vector.broadcast %shift_right_logical3A_264 : i32 to vector<16xi32>
          %shift_right_logical3A_266 = arith.shrui %bitcast_convert_type3A_247, %shift_right_logical3A_265 : vector<16xi32>
          %and3A_267 = arith.constant 1 : i32
          %and3A_268 = vector.broadcast %and3A_267 : i32 to vector<16xi32>
          %and3A_269 = arith.andi %shift_right_logical3A_266, %and3A_268 : vector<16xi32>
          %add3A_270 = arith.addi %add3A_263, %and3A_269 : vector<16xi32>
          %shift_right_logical3A_271 = arith.constant 16 : i32
          %shift_right_logical3A_272 = vector.broadcast %shift_right_logical3A_271 : i32 to vector<16xi32>
          %shift_right_logical3A_273 = arith.shrui %add3A_270, %shift_right_logical3A_272 : vector<16xi32>
          %shift_left3A_274 = arith.constant 16 : i32
          %shift_left3A_275 = vector.broadcast %shift_left3A_274 : i32 to vector<16xi32>
          %shift_left3A_276 = arith.shli %shift_right_logical3A_273, %shift_left3A_275 : vector<16xi32>
          %or3A_277 = arith.ori %shift_right_logical3A_260, %shift_left3A_276 : vector<16xi32>
          %swap3A_278 = arith.index_cast %scan3A_69 : i32 to index
          %swap3A_279 = arith.constant 48 : index
          %swap3A_280 = tpu.vector_load %arg13[%swap3A_278, %swap3A_279] {strides = array<i32>} : memref<80x64xi32, #tpu.memory_space<vmem>>, vector<1x16xi32>,
          %swap3A_281 = vector.shape_cast %swap3A_280 : vector<1x16xi32> to vector<16xi32>
          %swap3A_282 = vector.shape_cast %or3A_277 : vector<16xi32> to vector<1x16xi32>
          tpu.vector_store %arg13[%swap3A_278, %swap3A_279], %swap3A_282 {strides = array<i32>} : memref<80x64xi32, #tpu.memory_space<vmem>>, vector<1x16xi32>,
        }
        %scan3A_65 = arith.constant 80 : i32
        %mul3A_66 = arith.constant 80 : i32
        %mul3A_67 = arith.muli %add3A_24, %mul3A_66 : i32
        %add3A_68 = arith.addi %mul3A_2, %mul3A_67 : i32
        "tpu.region"() ({
          %run_scoped3A = tpu.sem_alloc : memref<!tpu.dma_semaphore, #tpu.memory_space<semaphore_mem>>
          %dma_start3A_69 = arith.constant 0 : i32
          %dma_start3A_70 = tpu.memref_slice %arg6[%add3A_68, %dma_start3A_69] : memref<64000x64xi32, #tpu.memory_space<hbm>> -> memref<80x64xi32, #tpu.memory_space<hbm>>
          %dma_start3A_71 = arith.constant 0 : i32
          %dma_start3A_72 = tpu.memref_slice %arg6[%add3A_68, %dma_start3A_71] : memref<64000x64xi32, #tpu.memory_space<hbm>> -> memref<80x64xi32, #tpu.memory_space<hbm>>
          tpu.enqueue_dma source(%arg13 : memref<80x64xi32, #tpu.memory_space<vmem>>) target(%dma_start3A_72 : memref<80x64xi32, #tpu.memory_space<hbm>>) target_semaphore(%run_scoped3A : memref<!tpu.dma_semaphore, #tpu.memory_space<semaphore_mem>>)
          %dma_wait3A_73 = arith.constant 0 : i32
          %dma_wait3A_74 = tpu.memref_slice %arg6[%add3A_68, %dma_wait3A_73] : memref<64000x64xi32, #tpu.memory_space<hbm>> -> memref<80x64xi32, #tpu.memory_space<hbm>>
          %dma_wait3A_75 = arith.constant 0 : i32
          %dma_wait3A_76 = tpu.memref_slice %arg6[%add3A_68, %dma_wait3A_75] : memref<64000x64xi32, #tpu.memory_space<hbm>> -> memref<80x64xi32, #tpu.memory_space<hbm>>
          tpu.wait_dma2 semaphore(%run_scoped3A : memref<!tpu.dma_semaphore, #tpu.memory_space<semaphore_mem>>) src(%arg13 : memref<80x64xi32, #tpu.memory_space<vmem>>) dst(%dma_wait3A_76 : memref<80x64xi32, #tpu.memory_space<hbm>>)
          tpu.yield
        }) : () -> ()
      } else {
      }
      %mul3A_34 = arith.constant 2 : i32
      %mul3A_35 = arith.muli %mul3A_34, %scan3A_20 : i32
      %add3A_36 = arith.constant 1 : i32
      %add3A_37 = arith.addi %mul3A_35, %add3A_36 : i32
      %add3A_38 = arith.constant 1 : i32
      %add3A_39 = arith.addi %add3A_37, %add3A_38 : i32
      %lt3A_40 = arith.constant 25 : i32
      %lt3A_41 = arith.cmpi slt, %add3A_39, %lt3A_40 : i32
      %convert_element_type3A_42 = arith.extui %lt3A_41 : i1 to i32
      %cond3A_43 = arith.constant 0 : i32
      %cond3A_44 = arith.cmpi ne, %convert_element_type3A_42, %cond3A_43 : i32
      scf.if %cond3A_44 {
        %mul3A_50 = arith.constant 80 : i32
        %mul3A_51 = arith.muli %add3A_39, %mul3A_50 : i32
        %multiple_of3A_52 = tpu.assume_multiple %mul3A_51, 8 : i32
        %dma_start3A_53 = tpu.memref_slice %arg7[%multiple_of3A_52] : memref<2000xi32, #tpu.memory_space<vmem>> -> memref<80xi32, #tpu.memory_space<vmem>>
        %dma_start3A_54 = arith.constant 0 : i32
        %dma_start3A_55 = arith.constant 0 : i32
        %dma_start3A_56 = tpu.memref_slice %arg2[%dma_start3A_54, %dma_start3A_55] : memref<10000x128xf32, #tpu.memory_space<hbm>> -> memref<10000x128xf32, #tpu.memory_space<hbm>>
        tpu.enqueue_indirect_dma source(%dma_start3A_56 : memref<10000x128xf32, #tpu.memory_space<hbm>>) target(%arg9 : memref<80x128xf32, #tpu.memory_space<vmem>>) offsets(%dma_start3A_53 : memref<80xi32, #tpu.memory_space<vmem>>) semaphore(%arg15 : memref<!tpu.dma_semaphore, #tpu.memory_space<semaphore_mem>>)
        %dma_start3A_57 = tpu.memref_slice %arg8[%multiple_of3A_52] : memref<2000xi32, #tpu.memory_space<vmem>> -> memref<80xi32, #tpu.memory_space<vmem>>
        %dma_start3A_58 = arith.constant 0 : i32
        %dma_start3A_59 = arith.constant 0 : i32
        %dma_start3A_60 = tpu.memref_slice %arg3[%dma_start3A_58, %dma_start3A_59] : memref<10000x128xf32, #tpu.memory_space<hbm>> -> memref<10000x128xf32, #tpu.memory_space<hbm>>
        tpu.enqueue_indirect_dma source(%dma_start3A_60 : memref<10000x128xf32, #tpu.memory_space<hbm>>) target(%arg11 : memref<80x128xf32, #tpu.memory_space<vmem>>) offsets(%dma_start3A_57 : memref<80xi32, #tpu.memory_space<vmem>>) semaphore(%arg17 : memref<!tpu.dma_semaphore, #tpu.memory_space<semaphore_mem>>)
      } else {
      }
      %lt3A_45 = arith.constant 25 : i32
      %lt3A_46 = arith.cmpi slt, %add3A_37, %lt3A_45 : i32
      %convert_element_type3A_47 = arith.extui %lt3A_46 : i1 to i32
      %cond3A_48 = arith.constant 0 : i32
      %cond3A_49 = arith.cmpi ne, %convert_element_type3A_47, %cond3A_48 : i32
      scf.if %cond3A_49 {
        %mul3A_50 = arith.constant 80 : i32
        %mul3A_51 = arith.muli %add3A_37, %mul3A_50 : i32
        %multiple_of3A_52 = tpu.assume_multiple %mul3A_51, 8 : i32
        %dma_wait3A = tpu.memref_slice %arg7[%multiple_of3A_52] : memref<2000xi32, #tpu.memory_space<vmem>> -> memref<80xi32, #tpu.memory_space<vmem>>
        %dma_wait3A_53 = arith.constant 0 : i32
        %dma_wait3A_54 = arith.constant 0 : i32
        %dma_wait3A_55 = tpu.memref_slice %arg2[%dma_wait3A_53, %dma_wait3A_54] : memref<10000x128xf32, #tpu.memory_space<hbm>> -> memref<10000x128xf32, #tpu.memory_space<hbm>>
        tpu.wait_indirect_dma semaphore(%arg16 : memref<!tpu.dma_semaphore, #tpu.memory_space<semaphore_mem>>) src(%dma_wait3A_55 : memref<10000x128xf32, #tpu.memory_space<hbm>>) dst(%arg10 : memref<80x128xf32, #tpu.memory_space<vmem>>)
        %dma_wait3A_56 = tpu.memref_slice %arg8[%multiple_of3A_52] : memref<2000xi32, #tpu.memory_space<vmem>> -> memref<80xi32, #tpu.memory_space<vmem>>
        %dma_wait3A_57 = arith.constant 0 : i32
        %dma_wait3A_58 = arith.constant 0 : i32
        %dma_wait3A_59 = tpu.memref_slice %arg3[%dma_wait3A_57, %dma_wait3A_58] : memref<10000x128xf32, #tpu.memory_space<hbm>> -> memref<10000x128xf32, #tpu.memory_space<hbm>>
        tpu.wait_indirect_dma semaphore(%arg18 : memref<!tpu.dma_semaphore, #tpu.memory_space<semaphore_mem>>) src(%dma_wait3A_59 : memref<10000x128xf32, #tpu.memory_space<hbm>>) dst(%arg12 : memref<80x128xf32, #tpu.memory_space<vmem>>)
        %scan3A_60 = arith.constant 0 : i32
        %scan3A_61 = arith.constant 0 : i32
        %scan3A_62 = arith.constant 80 : i32
        %scan3A_63 = arith.addi %scan3A_61, %scan3A_62 : i32
        %scan3A_64 = arith.constant 1 : i32
        scf.for %scan3A_69 = %scan3A_61 to %scan3A_63 step %scan3A_64  : i32 {
          %get3A = arith.index_cast %scan3A_69 : i32 to index
          %get3A_70 = arith.constant 0 : index
          %get3A_71 = tpu.vector_load %arg10[%get3A, %get3A_70] {strides = array<i32>} : memref<80x128xf32, #tpu.memory_space<vmem>>, vector<1x16xf32>,
          %get3A_72 = vector.shape_cast %get3A_71 : vector<1x16xf32> to vector<16xf32>
          %get3A_73 = arith.index_cast %scan3A_69 : i32 to index
          %get3A_74 = arith.constant 0 : index
          %get3A_75 = tpu.vector_load %arg12[%get3A_73, %get3A_74] {strides = array<i32>} : memref<80x128xf32, #tpu.memory_space<vmem>>, vector<1x16xf32>,
          %get3A_76 = vector.shape_cast %get3A_75 : vector<1x16xf32> to vector<16xf32>
          %add3A_77 = arith.addf %get3A_72, %get3A_76 : vector<16xf32>
          %bitcast_convert_type3A = tpu.bitcast %add3A_77 : vector<16xf32> -> vector<16xi32>
          %get3A_78 = arith.index_cast %scan3A_69 : i32 to index
          %get3A_79 = arith.constant 16 : index
          %get3A_80 = tpu.vector_load %arg10[%get3A_78, %get3A_79] {strides = array<i32>} : memref<80x128xf32, #tpu.memory_space<vmem>>, vector<1x16xf32>,
          %get3A_81 = vector.shape_cast %get3A_80 : vector<1x16xf32> to vector<16xf32>
          %get3A_82 = arith.index_cast %scan3A_69 : i32 to index
          %get3A_83 = arith.constant 16 : index
          %get3A_84 = tpu.vector_load %arg12[%get3A_82, %get3A_83] {strides = array<i32>} : memref<80x128xf32, #tpu.memory_space<vmem>>, vector<1x16xf32>,
          %get3A_85 = vector.shape_cast %get3A_84 : vector<1x16xf32> to vector<16xf32>
          %add3A_86 = arith.addf %get3A_81, %get3A_85 : vector<16xf32>
          %bitcast_convert_type3A_87 = tpu.bitcast %add3A_86 : vector<16xf32> -> vector<16xi32>
          %add3A_88 = arith.constant 32767 : i32
          %add3A_89 = vector.broadcast %add3A_88 : i32 to vector<16xi32>
          %add3A_90 = arith.addi %bitcast_convert_type3A, %add3A_89 : vector<16xi32>
          %shift_right_logical3A = arith.constant 16 : i32
          %shift_right_logical3A_91 = vector.broadcast %shift_right_logical3A : i32 to vector<16xi32>
          %shift_right_logical3A_92 = arith.shrui %bitcast_convert_type3A, %shift_right_logical3A_91 : vector<16xi32>
          %and3A = arith.constant 1 : i32
          %and3A_93 = vector.broadcast %and3A : i32 to vector<16xi32>
          %and3A_94 = arith.andi %shift_right_logical3A_92, %and3A_93 : vector<16xi32>
          %add3A_95 = arith.addi %add3A_90, %and3A_94 : vector<16xi32>
          %shift_right_logical3A_96 = arith.constant 16 : i32
          %shift_right_logical3A_97 = vector.broadcast %shift_right_logical3A_96 : i32 to vector<16xi32>
          %shift_right_logical3A_98 = arith.shrui %add3A_95, %shift_right_logical3A_97 : vector<16xi32>
          %add3A_99 = arith.constant 32767 : i32
          %add3A_100 = vector.broadcast %add3A_99 : i32 to vector<16xi32>
          %add3A_101 = arith.addi %bitcast_convert_type3A_87, %add3A_100 : vector<16xi32>
          %shift_right_logical3A_102 = arith.constant 16 : i32
          %shift_right_logical3A_103 = vector.broadcast %shift_right_logical3A_102 : i32 to vector<16xi32>
          %shift_right_logical3A_104 = arith.shrui %bitcast_convert_type3A_87, %shift_right_logical3A_103 : vector<16xi32>
          %and3A_105 = arith.constant 1 : i32
          %and3A_106 = vector.broadcast %and3A_105 : i32 to vector<16xi32>
          %and3A_107 = arith.andi %shift_right_logical3A_104, %and3A_106 : vector<16xi32>
          %add3A_108 = arith.addi %add3A_101, %and3A_107 : vector<16xi32>
          %shift_right_logical3A_109 = arith.constant 16 : i32
          %shift_right_logical3A_110 = vector.broadcast %shift_right_logical3A_109 : i32 to vector<16xi32>
          %shift_right_logical3A_111 = arith.shrui %add3A_108, %shift_right_logical3A_110 : vector<16xi32>
          %shift_left3A = arith.constant 16 : i32
          %shift_left3A_112 = vector.broadcast %shift_left3A : i32 to vector<16xi32>
          %shift_left3A_113 = arith.shli %shift_right_logical3A_111, %shift_left3A_112 : vector<16xi32>
          %or3A = arith.ori %shift_right_logical3A_98, %shift_left3A_113 : vector<16xi32>
          %swap3A = arith.index_cast %scan3A_69 : i32 to index
          %swap3A_114 = arith.constant 0 : index
          %swap3A_115 = tpu.vector_load %arg14[%swap3A, %swap3A_114] {strides = array<i32>} : memref<80x64xi32, #tpu.memory_space<vmem>>, vector<1x16xi32>,
          %swap3A_116 = vector.shape_cast %swap3A_115 : vector<1x16xi32> to vector<16xi32>
          %swap3A_117 = vector.shape_cast %or3A : vector<16xi32> to vector<1x16xi32>
          tpu.vector_store %arg14[%swap3A, %swap3A_114], %swap3A_117 {strides = array<i32>} : memref<80x64xi32, #tpu.memory_space<vmem>>, vector<1x16xi32>,
          %get3A_118 = arith.index_cast %scan3A_69 : i32 to index
          %get3A_119 = arith.constant 32 : index
          %get3A_120 = tpu.vector_load %arg10[%get3A_118, %get3A_119] {strides = array<i32>} : memref<80x128xf32, #tpu.memory_space<vmem>>, vector<1x16xf32>,
          %get3A_121 = vector.shape_cast %get3A_120 : vector<1x16xf32> to vector<16xf32>
          %get3A_122 = arith.index_cast %scan3A_69 : i32 to index
          %get3A_123 = arith.constant 32 : index
          %get3A_124 = tpu.vector_load %arg12[%get3A_122, %get3A_123] {strides = array<i32>} : memref<80x128xf32, #tpu.memory_space<vmem>>, vector<1x16xf32>,
          %get3A_125 = vector.shape_cast %get3A_124 : vector<1x16xf32> to vector<16xf32>
          %add3A_126 = arith.addf %get3A_121, %get3A_125 : vector<16xf32>
          %bitcast_convert_type3A_127 = tpu.bitcast %add3A_126 : vector<16xf32> -> vector<16xi32>
          %get3A_128 = arith.index_cast %scan3A_69 : i32 to index
          %get3A_129 = arith.constant 48 : index
          %get3A_130 = tpu.vector_load %arg10[%get3A_128, %get3A_129] {strides = array<i32>} : memref<80x128xf32, #tpu.memory_space<vmem>>, vector<1x16xf32>,
          %get3A_131 = vector.shape_cast %get3A_130 : vector<1x16xf32> to vector<16xf32>
          %get3A_132 = arith.index_cast %scan3A_69 : i32 to index
          %get3A_133 = arith.constant 48 : index
          %get3A_134 = tpu.vector_load %arg12[%get3A_132, %get3A_133] {strides = array<i32>} : memref<80x128xf32, #tpu.memory_space<vmem>>, vector<1x16xf32>,
          %get3A_135 = vector.shape_cast %get3A_134 : vector<1x16xf32> to vector<16xf32>
          %add3A_136 = arith.addf %get3A_131, %get3A_135 : vector<16xf32>
          %bitcast_convert_type3A_137 = tpu.bitcast %add3A_136 : vector<16xf32> -> vector<16xi32>
          %add3A_138 = arith.constant 32767 : i32
          %add3A_139 = vector.broadcast %add3A_138 : i32 to vector<16xi32>
          %add3A_140 = arith.addi %bitcast_convert_type3A_127, %add3A_139 : vector<16xi32>
          %shift_right_logical3A_141 = arith.constant 16 : i32
          %shift_right_logical3A_142 = vector.broadcast %shift_right_logical3A_141 : i32 to vector<16xi32>
          %shift_right_logical3A_143 = arith.shrui %bitcast_convert_type3A_127, %shift_right_logical3A_142 : vector<16xi32>
          %and3A_144 = arith.constant 1 : i32
          %and3A_145 = vector.broadcast %and3A_144 : i32 to vector<16xi32>
          %and3A_146 = arith.andi %shift_right_logical3A_143, %and3A_145 : vector<16xi32>
          %add3A_147 = arith.addi %add3A_140, %and3A_146 : vector<16xi32>
          %shift_right_logical3A_148 = arith.constant 16 : i32
          %shift_right_logical3A_149 = vector.broadcast %shift_right_logical3A_148 : i32 to vector<16xi32>
          %shift_right_logical3A_150 = arith.shrui %add3A_147, %shift_right_logical3A_149 : vector<16xi32>
          %add3A_151 = arith.constant 32767 : i32
          %add3A_152 = vector.broadcast %add3A_151 : i32 to vector<16xi32>
          %add3A_153 = arith.addi %bitcast_convert_type3A_137, %add3A_152 : vector<16xi32>
          %shift_right_logical3A_154 = arith.constant 16 : i32
          %shift_right_logical3A_155 = vector.broadcast %shift_right_logical3A_154 : i32 to vector<16xi32>
          %shift_right_logical3A_156 = arith.shrui %bitcast_convert_type3A_137, %shift_right_logical3A_155 : vector<16xi32>
          %and3A_157 = arith.constant 1 : i32
          %and3A_158 = vector.broadcast %and3A_157 : i32 to vector<16xi32>
          %and3A_159 = arith.andi %shift_right_logical3A_156, %and3A_158 : vector<16xi32>
          %add3A_160 = arith.addi %add3A_153, %and3A_159 : vector<16xi32>
          %shift_right_logical3A_161 = arith.constant 16 : i32
          %shift_right_logical3A_162 = vector.broadcast %shift_right_logical3A_161 : i32 to vector<16xi32>
          %shift_right_logical3A_163 = arith.shrui %add3A_160, %shift_right_logical3A_162 : vector<16xi32>
          %shift_left3A_164 = arith.constant 16 : i32
          %shift_left3A_165 = vector.broadcast %shift_left3A_164 : i32 to vector<16xi32>
          %shift_left3A_166 = arith.shli %shift_right_logical3A_163, %shift_left3A_165 : vector<16xi32>
          %or3A_167 = arith.ori %shift_right_logical3A_150, %shift_left3A_166 : vector<16xi32>
          %swap3A_168 = arith.index_cast %scan3A_69 : i32 to index
          %swap3A_169 = arith.constant 16 : index
          %swap3A_170 = tpu.vector_load %arg14[%swap3A_168, %swap3A_169] {strides = array<i32>} : memref<80x64xi32, #tpu.memory_space<vmem>>, vector<1x16xi32>,
          %swap3A_171 = vector.shape_cast %swap3A_170 : vector<1x16xi32> to vector<16xi32>
          %swap3A_172 = vector.shape_cast %or3A_167 : vector<16xi32> to vector<1x16xi32>
          tpu.vector_store %arg14[%swap3A_168, %swap3A_169], %swap3A_172 {strides = array<i32>} : memref<80x64xi32, #tpu.memory_space<vmem>>, vector<1x16xi32>,
          %get3A_173 = arith.index_cast %scan3A_69 : i32 to index
          %get3A_174 = arith.constant 64 : index
          %get3A_175 = tpu.vector_load %arg10[%get3A_173, %get3A_174] {strides = array<i32>} : memref<80x128xf32, #tpu.memory_space<vmem>>, vector<1x16xf32>,
          %get3A_176 = vector.shape_cast %get3A_175 : vector<1x16xf32> to vector<16xf32>
          %get3A_177 = arith.index_cast %scan3A_69 : i32 to index
          %get3A_178 = arith.constant 64 : index
          %get3A_179 = tpu.vector_load %arg12[%get3A_177, %get3A_178] {strides = array<i32>} : memref<80x128xf32, #tpu.memory_space<vmem>>, vector<1x16xf32>,
          %get3A_180 = vector.shape_cast %get3A_179 : vector<1x16xf32> to vector<16xf32>
          %add3A_181 = arith.addf %get3A_176, %get3A_180 : vector<16xf32>
          %bitcast_convert_type3A_182 = tpu.bitcast %add3A_181 : vector<16xf32> -> vector<16xi32>
          %get3A_183 = arith.index_cast %scan3A_69 : i32 to index
          %get3A_184 = arith.constant 80 : index
          %get3A_185 = tpu.vector_load %arg10[%get3A_183, %get3A_184] {strides = array<i32>} : memref<80x128xf32, #tpu.memory_space<vmem>>, vector<1x16xf32>,
          %get3A_186 = vector.shape_cast %get3A_185 : vector<1x16xf32> to vector<16xf32>
          %get3A_187 = arith.index_cast %scan3A_69 : i32 to index
          %get3A_188 = arith.constant 80 : index
          %get3A_189 = tpu.vector_load %arg12[%get3A_187, %get3A_188] {strides = array<i32>} : memref<80x128xf32, #tpu.memory_space<vmem>>, vector<1x16xf32>,
          %get3A_190 = vector.shape_cast %get3A_189 : vector<1x16xf32> to vector<16xf32>
          %add3A_191 = arith.addf %get3A_186, %get3A_190 : vector<16xf32>
          %bitcast_convert_type3A_192 = tpu.bitcast %add3A_191 : vector<16xf32> -> vector<16xi32>
          %add3A_193 = arith.constant 32767 : i32
          %add3A_194 = vector.broadcast %add3A_193 : i32 to vector<16xi32>
          %add3A_195 = arith.addi %bitcast_convert_type3A_182, %add3A_194 : vector<16xi32>
          %shift_right_logical3A_196 = arith.constant 16 : i32
          %shift_right_logical3A_197 = vector.broadcast %shift_right_logical3A_196 : i32 to vector<16xi32>
          %shift_right_logical3A_198 = arith.shrui %bitcast_convert_type3A_182, %shift_right_logical3A_197 : vector<16xi32>
          %and3A_199 = arith.constant 1 : i32
          %and3A_200 = vector.broadcast %and3A_199 : i32 to vector<16xi32>
          %and3A_201 = arith.andi %shift_right_logical3A_198, %and3A_200 : vector<16xi32>
          %add3A_202 = arith.addi %add3A_195, %and3A_201 : vector<16xi32>
          %shift_right_logical3A_203 = arith.constant 16 : i32
          %shift_right_logical3A_204 = vector.broadcast %shift_right_logical3A_203 : i32 to vector<16xi32>
          %shift_right_logical3A_205 = arith.shrui %add3A_202, %shift_right_logical3A_204 : vector<16xi32>
          %add3A_206 = arith.constant 32767 : i32
          %add3A_207 = vector.broadcast %add3A_206 : i32 to vector<16xi32>
          %add3A_208 = arith.addi %bitcast_convert_type3A_192, %add3A_207 : vector<16xi32>
          %shift_right_logical3A_209 = arith.constant 16 : i32
          %shift_right_logical3A_210 = vector.broadcast %shift_right_logical3A_209 : i32 to vector<16xi32>
          %shift_right_logical3A_211 = arith.shrui %bitcast_convert_type3A_192, %shift_right_logical3A_210 : vector<16xi32>
          %and3A_212 = arith.constant 1 : i32
          %and3A_213 = vector.broadcast %and3A_212 : i32 to vector<16xi32>
          %and3A_214 = arith.andi %shift_right_logical3A_211, %and3A_213 : vector<16xi32>
          %add3A_215 = arith.addi %add3A_208, %and3A_214 : vector<16xi32>
          %shift_right_logical3A_216 = arith.constant 16 : i32
          %shift_right_logical3A_217 = vector.broadcast %shift_right_logical3A_216 : i32 to vector<16xi32>
          %shift_right_logical3A_218 = arith.shrui %add3A_215, %shift_right_logical3A_217 : vector<16xi32>
          %shift_left3A_219 = arith.constant 16 : i32
          %shift_left3A_220 = vector.broadcast %shift_left3A_219 : i32 to vector<16xi32>
          %shift_left3A_221 = arith.shli %shift_right_logical3A_218, %shift_left3A_220 : vector<16xi32>
          %or3A_222 = arith.ori %shift_right_logical3A_205, %shift_left3A_221 : vector<16xi32>
          %swap3A_223 = arith.index_cast %scan3A_69 : i32 to index
          %swap3A_224 = arith.constant 32 : index
          %swap3A_225 = tpu.vector_load %arg14[%swap3A_223, %swap3A_224] {strides = array<i32>} : memref<80x64xi32, #tpu.memory_space<vmem>>, vector<1x16xi32>,
          %swap3A_226 = vector.shape_cast %swap3A_225 : vector<1x16xi32> to vector<16xi32>
          %swap3A_227 = vector.shape_cast %or3A_222 : vector<16xi32> to vector<1x16xi32>
          tpu.vector_store %arg14[%swap3A_223, %swap3A_224], %swap3A_227 {strides = array<i32>} : memref<80x64xi32, #tpu.memory_space<vmem>>, vector<1x16xi32>,
          %get3A_228 = arith.index_cast %scan3A_69 : i32 to index
          %get3A_229 = arith.constant 96 : index
          %get3A_230 = tpu.vector_load %arg10[%get3A_228, %get3A_229] {strides = array<i32>} : memref<80x128xf32, #tpu.memory_space<vmem>>, vector<1x16xf32>,
          %get3A_231 = vector.shape_cast %get3A_230 : vector<1x16xf32> to vector<16xf32>
          %get3A_232 = arith.index_cast %scan3A_69 : i32 to index
          %get3A_233 = arith.constant 96 : index
          %get3A_234 = tpu.vector_load %arg12[%get3A_232, %get3A_233] {strides = array<i32>} : memref<80x128xf32, #tpu.memory_space<vmem>>, vector<1x16xf32>,
          %get3A_235 = vector.shape_cast %get3A_234 : vector<1x16xf32> to vector<16xf32>
          %add3A_236 = arith.addf %get3A_231, %get3A_235 : vector<16xf32>
          %bitcast_convert_type3A_237 = tpu.bitcast %add3A_236 : vector<16xf32> -> vector<16xi32>
          %get3A_238 = arith.index_cast %scan3A_69 : i32 to index
          %get3A_239 = arith.constant 112 : index
          %get3A_240 = tpu.vector_load %arg10[%get3A_238, %get3A_239] {strides = array<i32>} : memref<80x128xf32, #tpu.memory_space<vmem>>, vector<1x16xf32>,
          %get3A_241 = vector.shape_cast %get3A_240 : vector<1x16xf32> to vector<16xf32>
          %get3A_242 = arith.index_cast %scan3A_69 : i32 to index
          %get3A_243 = arith.constant 112 : index
          %get3A_244 = tpu.vector_load %arg12[%get3A_242, %get3A_243] {strides = array<i32>} : memref<80x128xf32, #tpu.memory_space<vmem>>, vector<1x16xf32>,
          %get3A_245 = vector.shape_cast %get3A_244 : vector<1x16xf32> to vector<16xf32>
          %add3A_246 = arith.addf %get3A_241, %get3A_245 : vector<16xf32>
          %bitcast_convert_type3A_247 = tpu.bitcast %add3A_246 : vector<16xf32> -> vector<16xi32>
          %add3A_248 = arith.constant 32767 : i32
          %add3A_249 = vector.broadcast %add3A_248 : i32 to vector<16xi32>
          %add3A_250 = arith.addi %bitcast_convert_type3A_237, %add3A_249 : vector<16xi32>
          %shift_right_logical3A_251 = arith.constant 16 : i32
          %shift_right_logical3A_252 = vector.broadcast %shift_right_logical3A_251 : i32 to vector<16xi32>
          %shift_right_logical3A_253 = arith.shrui %bitcast_convert_type3A_237, %shift_right_logical3A_252 : vector<16xi32>
          %and3A_254 = arith.constant 1 : i32
          %and3A_255 = vector.broadcast %and3A_254 : i32 to vector<16xi32>
          %and3A_256 = arith.andi %shift_right_logical3A_253, %and3A_255 : vector<16xi32>
          %add3A_257 = arith.addi %add3A_250, %and3A_256 : vector<16xi32>
          %shift_right_logical3A_258 = arith.constant 16 : i32
          %shift_right_logical3A_259 = vector.broadcast %shift_right_logical3A_258 : i32 to vector<16xi32>
          %shift_right_logical3A_260 = arith.shrui %add3A_257, %shift_right_logical3A_259 : vector<16xi32>
          %add3A_261 = arith.constant 32767 : i32
          %add3A_262 = vector.broadcast %add3A_261 : i32 to vector<16xi32>
          %add3A_263 = arith.addi %bitcast_convert_type3A_247, %add3A_262 : vector<16xi32>
          %shift_right_logical3A_264 = arith.constant 16 : i32
          %shift_right_logical3A_265 = vector.broadcast %shift_right_logical3A_264 : i32 to vector<16xi32>
          %shift_right_logical3A_266 = arith.shrui %bitcast_convert_type3A_247, %shift_right_logical3A_265 : vector<16xi32>
          %and3A_267 = arith.constant 1 : i32
          %and3A_268 = vector.broadcast %and3A_267 : i32 to vector<16xi32>
          %and3A_269 = arith.andi %shift_right_logical3A_266, %and3A_268 : vector<16xi32>
          %add3A_270 = arith.addi %add3A_263, %and3A_269 : vector<16xi32>
          %shift_right_logical3A_271 = arith.constant 16 : i32
          %shift_right_logical3A_272 = vector.broadcast %shift_right_logical3A_271 : i32 to vector<16xi32>
          %shift_right_logical3A_273 = arith.shrui %add3A_270, %shift_right_logical3A_272 : vector<16xi32>
          %shift_left3A_274 = arith.constant 16 : i32
          %shift_left3A_275 = vector.broadcast %shift_left3A_274 : i32 to vector<16xi32>
          %shift_left3A_276 = arith.shli %shift_right_logical3A_273, %shift_left3A_275 : vector<16xi32>
          %or3A_277 = arith.ori %shift_right_logical3A_260, %shift_left3A_276 : vector<16xi32>
          %swap3A_278 = arith.index_cast %scan3A_69 : i32 to index
          %swap3A_279 = arith.constant 48 : index
          %swap3A_280 = tpu.vector_load %arg14[%swap3A_278, %swap3A_279] {strides = array<i32>} : memref<80x64xi32, #tpu.memory_space<vmem>>, vector<1x16xi32>,
          %swap3A_281 = vector.shape_cast %swap3A_280 : vector<1x16xi32> to vector<16xi32>
          %swap3A_282 = vector.shape_cast %or3A_277 : vector<16xi32> to vector<1x16xi32>
          tpu.vector_store %arg14[%swap3A_278, %swap3A_279], %swap3A_282 {strides = array<i32>} : memref<80x64xi32, #tpu.memory_space<vmem>>, vector<1x16xi32>,
        }
        %scan3A_65 = arith.constant 80 : i32
        %mul3A_66 = arith.constant 80 : i32
        %mul3A_67 = arith.muli %add3A_37, %mul3A_66 : i32
        %add3A_68 = arith.addi %mul3A_2, %mul3A_67 : i32
        "tpu.region"() ({
          %run_scoped3A = tpu.sem_alloc : memref<!tpu.dma_semaphore, #tpu.memory_space<semaphore_mem>>
          %dma_start3A_69 = arith.constant 0 : i32
          %dma_start3A_70 = tpu.memref_slice %arg6[%add3A_68, %dma_start3A_69] : memref<64000x64xi32, #tpu.memory_space<hbm>> -> memref<80x64xi32, #tpu.memory_space<hbm>>
          %dma_start3A_71 = arith.constant 0 : i32
          %dma_start3A_72 = tpu.memref_slice %arg6[%add3A_68, %dma_start3A_71] : memref<64000x64xi32, #tpu.memory_space<hbm>> -> memref<80x64xi32, #tpu.memory_space<hbm>>
          tpu.enqueue_dma source(%arg14 : memref<80x64xi32, #tpu.memory_space<vmem>>) target(%dma_start3A_72 : memref<80x64xi32, #tpu.memory_space<hbm>>) target_semaphore(%run_scoped3A : memref<!tpu.dma_semaphore, #tpu.memory_space<semaphore_mem>>)
          %dma_wait3A_73 = arith.constant 0 : i32
          %dma_wait3A_74 = tpu.memref_slice %arg6[%add3A_68, %dma_wait3A_73] : memref<64000x64xi32, #tpu.memory_space<hbm>> -> memref<80x64xi32, #tpu.memory_space<hbm>>
          %dma_wait3A_75 = arith.constant 0 : i32
          %dma_wait3A_76 = tpu.memref_slice %arg6[%add3A_68, %dma_wait3A_75] : memref<64000x64xi32, #tpu.memory_space<hbm>> -> memref<80x64xi32, #tpu.memory_space<hbm>>
          tpu.wait_dma2 semaphore(%run_scoped3A : memref<!tpu.dma_semaphore, #tpu.memory_space<semaphore_mem>>) src(%arg14 : memref<80x64xi32, #tpu.memory_space<vmem>>) dst(%dma_wait3A_76 : memref<80x64xi32, #tpu.memory_space<hbm>>)
          tpu.yield
        }) : () -> ()
      } else {
      }
    }
    %scan3A_19 = arith.constant 13 : i32
    return
  }
}

#map = affine_map<(d0, d1) -> (0, 0)>
#map1 = affine_map<(d0, d1) -> (0)>
module attributes {stable_mosaic.version = 14 : i64} {
  func.func @_gather_sum_body(%arg0: i32, %arg1: i32, %arg2: memref<10000x128xf32, #tpu.memory_space<hbm>>, %arg3: memref<10000x128xf32, #tpu.memory_space<hbm>>, %arg4: memref<320000xi32, #tpu.memory_space<hbm>>, %arg5: memref<320000xi32, #tpu.memory_space<hbm>>, %arg6: memref<64000x64xi32, #tpu.memory_space<hbm>>, %arg7: memref<2000xi32, #tpu.memory_space<vmem>>, %arg8: memref<2000xi32, #tpu.memory_space<vmem>>, %arg9: memref<80x128xf32, #tpu.memory_space<vmem>>, %arg10: memref<80x128xf32, #tpu.memory_space<vmem>>, %arg11: memref<80x128xf32, #tpu.memory_space<vmem>>, %arg12: memref<80x128xf32, #tpu.memory_space<vmem>>, %arg13: memref<80x64xi32, #tpu.memory_space<vmem>>, %arg14: memref<80x64xi32, #tpu.memory_space<vmem>>, %arg15: memref<!tpu.dma_semaphore, #tpu.memory_space<semaphore_mem>>, %arg16: memref<!tpu.dma_semaphore, #tpu.memory_space<semaphore_mem>>, %arg17: memref<!tpu.dma_semaphore, #tpu.memory_space<semaphore_mem>>, %arg18: memref<!tpu.dma_semaphore, #tpu.memory_space<semaphore_mem>>) attributes {dimension_semantics = [#tpu.dimension_semantics<core_parallel>, #tpu.dimension_semantics<subcore_parallel>], iteration_bounds = array<i64: 2, 16>, scalar_prefetch = 0 : i64, scratch_operands = 12 : i64, tpu.core_type = #tpu.core_type<sc_vector_subcore>, window_params = [{transform_indices = #map}, {transform_indices = #map}, {transform_indices = #map1}, {transform_indices = #map1}, {transform_indices = #map}]} {
    %mul3A = arith.constant 2 : i32
    %mul3A_0 = arith.muli %arg1, %mul3A : i32
    %add3A = arith.addi %mul3A_0, %arg0 : i32
    %mul3A_1 = arith.constant 2000 : i32
    %mul3A_2 = arith.muli %add3A, %mul3A_1 : i32
    %add3A_3 = arith.constant 256000 : i32
    %add3A_4 = arith.addi %add3A_3, %mul3A_2 : i32
    "tpu.region"() ({
      %run_scoped3A = tpu.sem_alloc : memref<!tpu.dma_semaphore, #tpu.memory_space<semaphore_mem>>
      %dma_start3A_20 = tpu.memref_slice %arg4[%add3A_4] : memref<320000xi32, #tpu.memory_space<hbm>> -> memref<2000xi32, #tpu.memory_space<hbm>>
      %dma_start3A_21 = tpu.memref_slice %arg4[%add3A_4] : memref<320000xi32, #tpu.memory_space<hbm>> -> memref<2000xi32, #tpu.memory_space<hbm>>
      tpu.enqueue_dma source(%dma_start3A_21 : memref<2000xi32, #tpu.memory_space<hbm>>) target(%arg7 : memref<2000xi32, #tpu.memory_space<vmem>>) target_semaphore(%run_scoped3A : memref<!tpu.dma_semaphore, #tpu.memory_space<semaphore_mem>>)
      %dma_wait3A = tpu.memref_slice %arg4[%add3A_4] : memref<320000xi32, #tpu.memory_space<hbm>> -> memref<2000xi32, #tpu.memory_space<hbm>>
      %dma_wait3A_22 = tpu.memref_slice %arg4[%add3A_4] : memref<320000xi32, #tpu.memory_space<hbm>> -> memref<2000xi32, #tpu.memory_space<hbm>>
      tpu.wait_dma2 semaphore(%run_scoped3A : memref<!tpu.dma_semaphore, #tpu.memory_space<semaphore_mem>>) src(%dma_wait3A_22 : memref<2000xi32, #tpu.memory_space<hbm>>) dst(%arg7 : memref<2000xi32, #tpu.memory_space<vmem>>)
      tpu.yield
    }) : () -> ()
    %add3A_5 = arith.constant 256000 : i32
    %add3A_6 = arith.addi %add3A_5, %mul3A_2 : i32
    "tpu.region"() ({
      %run_scoped3A = tpu.sem_alloc : memref<!tpu.dma_semaphore, #tpu.memory_space<semaphore_mem>>
      %dma_start3A_20 = tpu.memref_slice %arg5[%add3A_6] : memref<320000xi32, #tpu.memory_space<hbm>> -> memref<2000xi32, #tpu.memory_space<hbm>>
      %dma_start3A_21 = tpu.memref_slice %arg5[%add3A_6] : memref<320000xi32, #tpu.memory_space<hbm>> -> memref<2000xi32, #tpu.memory_space<hbm>>
      tpu.enqueue_dma source(%dma_start3A_21 : memref<2000xi32, #tpu.memory_space<hbm>>) target(%arg8 : memref<2000xi32, #tpu.memory_space<vmem>>) target_semaphore(%run_scoped3A : memref<!tpu.dma_semaphore, #tpu.memory_space<semaphore_mem>>)
      %dma_wait3A = tpu.memref_slice %arg5[%add3A_6] : memref<320000xi32, #tpu.memory_space<hbm>> -> memref<2000xi32, #tpu.memory_space<hbm>>
      %dma_wait3A_22 = tpu.memref_slice %arg5[%add3A_6] : memref<320000xi32, #tpu.memory_space<hbm>> -> memref<2000xi32, #tpu.memory_space<hbm>>
      tpu.wait_dma2 semaphore(%run_scoped3A : memref<!tpu.dma_semaphore, #tpu.memory_space<semaphore_mem>>) src(%dma_wait3A_22 : memref<2000xi32, #tpu.memory_space<hbm>>) dst(%arg8 : memref<2000xi32, #tpu.memory_space<vmem>>)
      tpu.yield
    }) : () -> ()
    %multiple_of3A = arith.constant 0 : i32
    %multiple_of3A_7 = tpu.assume_multiple %multiple_of3A, 8 : i32
    %dma_start3A = tpu.memref_slice %arg7[%multiple_of3A_7] : memref<2000xi32, #tpu.memory_space<vmem>> -> memref<80xi32, #tpu.memory_space<vmem>>
    %dma_start3A_8 = arith.constant 0 : i32
    %dma_start3A_9 = arith.constant 0 : i32
    %dma_start3A_10 = tpu.memref_slice %arg2[%dma_start3A_8, %dma_start3A_9] : memref<10000x128xf32, #tpu.memory_space<hbm>> -> memref<10000x128xf32, #tpu.memory_space<hbm>>
    tpu.enqueue_indirect_dma source(%dma_start3A_10 : memref<10000x128xf32, #tpu.memory_space<hbm>>) target(%arg9 : memref<80x128xf32, #tpu.memory_space<vmem>>) offsets(%dma_start3A : memref<80xi32, #tpu.memory_space<vmem>>) semaphore(%arg15 : memref<!tpu.dma_semaphore, #tpu.memory_space<semaphore_mem>>)
    %dma_start3A_11 = tpu.memref_slice %arg8[%multiple_of3A_7] : memref<2000xi32, #tpu.memory_space<vmem>> -> memref<80xi32, #tpu.memory_space<vmem>>
    %dma_start3A_12 = arith.constant 0 : i32
    %dma_start3A_13 = arith.constant 0 : i32
    %dma_start3A_14 = tpu.memref_slice %arg3[%dma_start3A_12, %dma_start3A_13] : memref<10000x128xf32, #tpu.memory_space<hbm>> -> memref<10000x128xf32, #tpu.memory_space<hbm>>
    tpu.enqueue_indirect_dma source(%dma_start3A_14 : memref<10000x128xf32, #tpu.memory_space<hbm>>) target(%arg11 : memref<80x128xf32, #tpu.memory_space<vmem>>) offsets(%dma_start3A_11 : memref<80xi32, #tpu.memory_space<vmem>>) semaphore(%arg17 : memref<!tpu.dma_semaphore, #tpu.memory_space<semaphore_mem>>)
    %scan3A = arith.constant 0 : i32
    %scan3A_15 = arith.constant 0 : i32
    %scan3A_16 = arith.constant 13 : i32
    %scan3A_17 = arith.addi %scan3A_15, %scan3A_16 : i32
    %scan3A_18 = arith.constant 1 : i32
    scf.for %scan3A_20 = %scan3A_15 to %scan3A_17 step %scan3A_18  : i32 {
      %mul3A_21 = arith.constant 2 : i32
      %mul3A_22 = arith.muli %mul3A_21, %scan3A_20 : i32
      %add3A_23 = arith.constant 0 : i32
      %add3A_24 = arith.addi %mul3A_22, %add3A_23 : i32
      %add3A_25 = arith.constant 1 : i32
      %add3A_26 = arith.addi %add3A_24, %add3A_25 : i32
      %lt3A = arith.constant 25 : i32
      %lt3A_27 = arith.cmpi slt, %add3A_26, %lt3A : i32
      %convert_element_type3A = arith.extui %lt3A_27 : i1 to i32
      %cond3A = arith.constant 0 : i32
      %cond3A_28 = arith.cmpi ne, %convert_element_type3A, %cond3A : i32
      scf.if %cond3A_28 {
        %mul3A_50 = arith.constant 80 : i32
        %mul3A_51 = arith.muli %add3A_26, %mul3A_50 : i32
        %multiple_of3A_52 = tpu.assume_multiple %mul3A_51, 8 : i32
        %dma_start3A_53 = tpu.memref_slice %arg7[%multiple_of3A_52] : memref<2000xi32, #tpu.memory_space<vmem>> -> memref<80xi32, #tpu.memory_space<vmem>>
        %dma_start3A_54 = arith.constant 0 : i32
        %dma_start3A_55 = arith.constant 0 : i32
        %dma_start3A_56 = tpu.memref_slice %arg2[%dma_start3A_54, %dma_start3A_55] : memref<10000x128xf32, #tpu.memory_space<hbm>> -> memref<10000x128xf32, #tpu.memory_space<hbm>>
        tpu.enqueue_indirect_dma source(%dma_start3A_56 : memref<10000x128xf32, #tpu.memory_space<hbm>>) target(%arg10 : memref<80x128xf32, #tpu.memory_space<vmem>>) offsets(%dma_start3A_53 : memref<80xi32, #tpu.memory_space<vmem>>) semaphore(%arg16 : memref<!tpu.dma_semaphore, #tpu.memory_space<semaphore_mem>>)
        %dma_start3A_57 = tpu.memref_slice %arg8[%multiple_of3A_52] : memref<2000xi32, #tpu.memory_space<vmem>> -> memref<80xi32, #tpu.memory_space<vmem>>
        %dma_start3A_58 = arith.constant 0 : i32
        %dma_start3A_59 = arith.constant 0 : i32
        %dma_start3A_60 = tpu.memref_slice %arg3[%dma_start3A_58, %dma_start3A_59] : memref<10000x128xf32, #tpu.memory_space<hbm>> -> memref<10000x128xf32, #tpu.memory_space<hbm>>
        tpu.enqueue_indirect_dma source(%dma_start3A_60 : memref<10000x128xf32, #tpu.memory_space<hbm>>) target(%arg12 : memref<80x128xf32, #tpu.memory_space<vmem>>) offsets(%dma_start3A_57 : memref<80xi32, #tpu.memory_space<vmem>>) semaphore(%arg18 : memref<!tpu.dma_semaphore, #tpu.memory_space<semaphore_mem>>)
      } else {
      }
      %lt3A_29 = arith.constant 25 : i32
      %lt3A_30 = arith.cmpi slt, %add3A_24, %lt3A_29 : i32
      %convert_element_type3A_31 = arith.extui %lt3A_30 : i1 to i32
      %cond3A_32 = arith.constant 0 : i32
      %cond3A_33 = arith.cmpi ne, %convert_element_type3A_31, %cond3A_32 : i32
      scf.if %cond3A_33 {
        %mul3A_50 = arith.constant 80 : i32
        %mul3A_51 = arith.muli %add3A_24, %mul3A_50 : i32
        %multiple_of3A_52 = tpu.assume_multiple %mul3A_51, 8 : i32
        %dma_wait3A = tpu.memref_slice %arg7[%multiple_of3A_52] : memref<2000xi32, #tpu.memory_space<vmem>> -> memref<80xi32, #tpu.memory_space<vmem>>
        %dma_wait3A_53 = arith.constant 0 : i32
        %dma_wait3A_54 = arith.constant 0 : i32
        %dma_wait3A_55 = tpu.memref_slice %arg2[%dma_wait3A_53, %dma_wait3A_54] : memref<10000x128xf32, #tpu.memory_space<hbm>> -> memref<10000x128xf32, #tpu.memory_space<hbm>>
        tpu.wait_indirect_dma semaphore(%arg15 : memref<!tpu.dma_semaphore, #tpu.memory_space<semaphore_mem>>) src(%dma_wait3A_55 : memref<10000x128xf32, #tpu.memory_space<hbm>>) dst(%arg9 : memref<80x128xf32, #tpu.memory_space<vmem>>)
        %dma_wait3A_56 = tpu.memref_slice %arg8[%multiple_of3A_52] : memref<2000xi32, #tpu.memory_space<vmem>> -> memref<80xi32, #tpu.memory_space<vmem>>
        %dma_wait3A_57 = arith.constant 0 : i32
        %dma_wait3A_58 = arith.constant 0 : i32
        %dma_wait3A_59 = tpu.memref_slice %arg3[%dma_wait3A_57, %dma_wait3A_58] : memref<10000x128xf32, #tpu.memory_space<hbm>> -> memref<10000x128xf32, #tpu.memory_space<hbm>>
        tpu.wait_indirect_dma semaphore(%arg17 : memref<!tpu.dma_semaphore, #tpu.memory_space<semaphore_mem>>) src(%dma_wait3A_59 : memref<10000x128xf32, #tpu.memory_space<hbm>>) dst(%arg11 : memref<80x128xf32, #tpu.memory_space<vmem>>)
        %scan3A_60 = arith.constant 0 : i32
        %scan3A_61 = arith.constant 0 : i32
        %scan3A_62 = arith.constant 80 : i32
        %scan3A_63 = arith.addi %scan3A_61, %scan3A_62 : i32
        %scan3A_64 = arith.constant 1 : i32
        scf.for %scan3A_69 = %scan3A_61 to %scan3A_63 step %scan3A_64  : i32 {
          %get3A = arith.index_cast %scan3A_69 : i32 to index
          %get3A_70 = arith.constant 0 : index
          %get3A_71 = tpu.vector_load %arg9[%get3A, %get3A_70] {strides = array<i32>} : memref<80x128xf32, #tpu.memory_space<vmem>>, vector<1x16xf32>,
          %get3A_72 = vector.shape_cast %get3A_71 : vector<1x16xf32> to vector<16xf32>
          %get3A_73 = arith.index_cast %scan3A_69 : i32 to index
          %get3A_74 = arith.constant 0 : index
          %get3A_75 = tpu.vector_load %arg11[%get3A_73, %get3A_74] {strides = array<i32>} : memref<80x128xf32, #tpu.memory_space<vmem>>, vector<1x16xf32>,
          %get3A_76 = vector.shape_cast %get3A_75 : vector<1x16xf32> to vector<16xf32>
          %add3A_77 = arith.addf %get3A_72, %get3A_76 : vector<16xf32>
          %bitcast_convert_type3A = tpu.bitcast %add3A_77 : vector<16xf32> -> vector<16xi32>
          %get3A_78 = arith.index_cast %scan3A_69 : i32 to index
          %get3A_79 = arith.constant 16 : index
          %get3A_80 = tpu.vector_load %arg9[%get3A_78, %get3A_79] {strides = array<i32>} : memref<80x128xf32, #tpu.memory_space<vmem>>, vector<1x16xf32>,
          %get3A_81 = vector.shape_cast %get3A_80 : vector<1x16xf32> to vector<16xf32>
          %get3A_82 = arith.index_cast %scan3A_69 : i32 to index
          %get3A_83 = arith.constant 16 : index
          %get3A_84 = tpu.vector_load %arg11[%get3A_82, %get3A_83] {strides = array<i32>} : memref<80x128xf32, #tpu.memory_space<vmem>>, vector<1x16xf32>,
          %get3A_85 = vector.shape_cast %get3A_84 : vector<1x16xf32> to vector<16xf32>
          %add3A_86 = arith.addf %get3A_81, %get3A_85 : vector<16xf32>
          %bitcast_convert_type3A_87 = tpu.bitcast %add3A_86 : vector<16xf32> -> vector<16xi32>
          %add3A_88 = arith.constant 32767 : i32
          %add3A_89 = vector.broadcast %add3A_88 : i32 to vector<16xi32>
          %add3A_90 = arith.addi %bitcast_convert_type3A, %add3A_89 : vector<16xi32>
          %shift_right_logical3A = arith.constant 16 : i32
          %shift_right_logical3A_91 = vector.broadcast %shift_right_logical3A : i32 to vector<16xi32>
          %shift_right_logical3A_92 = arith.shrui %bitcast_convert_type3A, %shift_right_logical3A_91 : vector<16xi32>
          %and3A = arith.constant 1 : i32
          %and3A_93 = vector.broadcast %and3A : i32 to vector<16xi32>
          %and3A_94 = arith.andi %shift_right_logical3A_92, %and3A_93 : vector<16xi32>
          %add3A_95 = arith.addi %add3A_90, %and3A_94 : vector<16xi32>
          %shift_right_logical3A_96 = arith.constant 16 : i32
          %shift_right_logical3A_97 = vector.broadcast %shift_right_logical3A_96 : i32 to vector<16xi32>
          %shift_right_logical3A_98 = arith.shrui %add3A_95, %shift_right_logical3A_97 : vector<16xi32>
          %add3A_99 = arith.constant 32767 : i32
          %add3A_100 = vector.broadcast %add3A_99 : i32 to vector<16xi32>
          %add3A_101 = arith.addi %bitcast_convert_type3A_87, %add3A_100 : vector<16xi32>
          %shift_right_logical3A_102 = arith.constant 16 : i32
          %shift_right_logical3A_103 = vector.broadcast %shift_right_logical3A_102 : i32 to vector<16xi32>
          %shift_right_logical3A_104 = arith.shrui %bitcast_convert_type3A_87, %shift_right_logical3A_103 : vector<16xi32>
          %and3A_105 = arith.constant 1 : i32
          %and3A_106 = vector.broadcast %and3A_105 : i32 to vector<16xi32>
          %and3A_107 = arith.andi %shift_right_logical3A_104, %and3A_106 : vector<16xi32>
          %add3A_108 = arith.addi %add3A_101, %and3A_107 : vector<16xi32>
          %shift_right_logical3A_109 = arith.constant 16 : i32
          %shift_right_logical3A_110 = vector.broadcast %shift_right_logical3A_109 : i32 to vector<16xi32>
          %shift_right_logical3A_111 = arith.shrui %add3A_108, %shift_right_logical3A_110 : vector<16xi32>
          %shift_left3A = arith.constant 16 : i32
          %shift_left3A_112 = vector.broadcast %shift_left3A : i32 to vector<16xi32>
          %shift_left3A_113 = arith.shli %shift_right_logical3A_111, %shift_left3A_112 : vector<16xi32>
          %or3A = arith.ori %shift_right_logical3A_98, %shift_left3A_113 : vector<16xi32>
          %swap3A = arith.index_cast %scan3A_69 : i32 to index
          %swap3A_114 = arith.constant 0 : index
          %swap3A_115 = tpu.vector_load %arg13[%swap3A, %swap3A_114] {strides = array<i32>} : memref<80x64xi32, #tpu.memory_space<vmem>>, vector<1x16xi32>,
          %swap3A_116 = vector.shape_cast %swap3A_115 : vector<1x16xi32> to vector<16xi32>
          %swap3A_117 = vector.shape_cast %or3A : vector<16xi32> to vector<1x16xi32>
          tpu.vector_store %arg13[%swap3A, %swap3A_114], %swap3A_117 {strides = array<i32>} : memref<80x64xi32, #tpu.memory_space<vmem>>, vector<1x16xi32>,
          %get3A_118 = arith.index_cast %scan3A_69 : i32 to index
          %get3A_119 = arith.constant 32 : index
          %get3A_120 = tpu.vector_load %arg9[%get3A_118, %get3A_119] {strides = array<i32>} : memref<80x128xf32, #tpu.memory_space<vmem>>, vector<1x16xf32>,
          %get3A_121 = vector.shape_cast %get3A_120 : vector<1x16xf32> to vector<16xf32>
          %get3A_122 = arith.index_cast %scan3A_69 : i32 to index
          %get3A_123 = arith.constant 32 : index
          %get3A_124 = tpu.vector_load %arg11[%get3A_122, %get3A_123] {strides = array<i32>} : memref<80x128xf32, #tpu.memory_space<vmem>>, vector<1x16xf32>,
          %get3A_125 = vector.shape_cast %get3A_124 : vector<1x16xf32> to vector<16xf32>
          %add3A_126 = arith.addf %get3A_121, %get3A_125 : vector<16xf32>
          %bitcast_convert_type3A_127 = tpu.bitcast %add3A_126 : vector<16xf32> -> vector<16xi32>
          %get3A_128 = arith.index_cast %scan3A_69 : i32 to index
          %get3A_129 = arith.constant 48 : index
          %get3A_130 = tpu.vector_load %arg9[%get3A_128, %get3A_129] {strides = array<i32>} : memref<80x128xf32, #tpu.memory_space<vmem>>, vector<1x16xf32>,
          %get3A_131 = vector.shape_cast %get3A_130 : vector<1x16xf32> to vector<16xf32>
          %get3A_132 = arith.index_cast %scan3A_69 : i32 to index
          %get3A_133 = arith.constant 48 : index
          %get3A_134 = tpu.vector_load %arg11[%get3A_132, %get3A_133] {strides = array<i32>} : memref<80x128xf32, #tpu.memory_space<vmem>>, vector<1x16xf32>,
          %get3A_135 = vector.shape_cast %get3A_134 : vector<1x16xf32> to vector<16xf32>
          %add3A_136 = arith.addf %get3A_131, %get3A_135 : vector<16xf32>
          %bitcast_convert_type3A_137 = tpu.bitcast %add3A_136 : vector<16xf32> -> vector<16xi32>
          %add3A_138 = arith.constant 32767 : i32
          %add3A_139 = vector.broadcast %add3A_138 : i32 to vector<16xi32>
          %add3A_140 = arith.addi %bitcast_convert_type3A_127, %add3A_139 : vector<16xi32>
          %shift_right_logical3A_141 = arith.constant 16 : i32
          %shift_right_logical3A_142 = vector.broadcast %shift_right_logical3A_141 : i32 to vector<16xi32>
          %shift_right_logical3A_143 = arith.shrui %bitcast_convert_type3A_127, %shift_right_logical3A_142 : vector<16xi32>
          %and3A_144 = arith.constant 1 : i32
          %and3A_145 = vector.broadcast %and3A_144 : i32 to vector<16xi32>
          %and3A_146 = arith.andi %shift_right_logical3A_143, %and3A_145 : vector<16xi32>
          %add3A_147 = arith.addi %add3A_140, %and3A_146 : vector<16xi32>
          %shift_right_logical3A_148 = arith.constant 16 : i32
          %shift_right_logical3A_149 = vector.broadcast %shift_right_logical3A_148 : i32 to vector<16xi32>
          %shift_right_logical3A_150 = arith.shrui %add3A_147, %shift_right_logical3A_149 : vector<16xi32>
          %add3A_151 = arith.constant 32767 : i32
          %add3A_152 = vector.broadcast %add3A_151 : i32 to vector<16xi32>
          %add3A_153 = arith.addi %bitcast_convert_type3A_137, %add3A_152 : vector<16xi32>
          %shift_right_logical3A_154 = arith.constant 16 : i32
          %shift_right_logical3A_155 = vector.broadcast %shift_right_logical3A_154 : i32 to vector<16xi32>
          %shift_right_logical3A_156 = arith.shrui %bitcast_convert_type3A_137, %shift_right_logical3A_155 : vector<16xi32>
          %and3A_157 = arith.constant 1 : i32
          %and3A_158 = vector.broadcast %and3A_157 : i32 to vector<16xi32>
          %and3A_159 = arith.andi %shift_right_logical3A_156, %and3A_158 : vector<16xi32>
          %add3A_160 = arith.addi %add3A_153, %and3A_159 : vector<16xi32>
          %shift_right_logical3A_161 = arith.constant 16 : i32
          %shift_right_logical3A_162 = vector.broadcast %shift_right_logical3A_161 : i32 to vector<16xi32>
          %shift_right_logical3A_163 = arith.shrui %add3A_160, %shift_right_logical3A_162 : vector<16xi32>
          %shift_left3A_164 = arith.constant 16 : i32
          %shift_left3A_165 = vector.broadcast %shift_left3A_164 : i32 to vector<16xi32>
          %shift_left3A_166 = arith.shli %shift_right_logical3A_163, %shift_left3A_165 : vector<16xi32>
          %or3A_167 = arith.ori %shift_right_logical3A_150, %shift_left3A_166 : vector<16xi32>
          %swap3A_168 = arith.index_cast %scan3A_69 : i32 to index
          %swap3A_169 = arith.constant 16 : index
          %swap3A_170 = tpu.vector_load %arg13[%swap3A_168, %swap3A_169] {strides = array<i32>} : memref<80x64xi32, #tpu.memory_space<vmem>>, vector<1x16xi32>,
          %swap3A_171 = vector.shape_cast %swap3A_170 : vector<1x16xi32> to vector<16xi32>
          %swap3A_172 = vector.shape_cast %or3A_167 : vector<16xi32> to vector<1x16xi32>
          tpu.vector_store %arg13[%swap3A_168, %swap3A_169], %swap3A_172 {strides = array<i32>} : memref<80x64xi32, #tpu.memory_space<vmem>>, vector<1x16xi32>,
          %get3A_173 = arith.index_cast %scan3A_69 : i32 to index
          %get3A_174 = arith.constant 64 : index
          %get3A_175 = tpu.vector_load %arg9[%get3A_173, %get3A_174] {strides = array<i32>} : memref<80x128xf32, #tpu.memory_space<vmem>>, vector<1x16xf32>,
          %get3A_176 = vector.shape_cast %get3A_175 : vector<1x16xf32> to vector<16xf32>
          %get3A_177 = arith.index_cast %scan3A_69 : i32 to index
          %get3A_178 = arith.constant 64 : index
          %get3A_179 = tpu.vector_load %arg11[%get3A_177, %get3A_178] {strides = array<i32>} : memref<80x128xf32, #tpu.memory_space<vmem>>, vector<1x16xf32>,
          %get3A_180 = vector.shape_cast %get3A_179 : vector<1x16xf32> to vector<16xf32>
          %add3A_181 = arith.addf %get3A_176, %get3A_180 : vector<16xf32>
          %bitcast_convert_type3A_182 = tpu.bitcast %add3A_181 : vector<16xf32> -> vector<16xi32>
          %get3A_183 = arith.index_cast %scan3A_69 : i32 to index
          %get3A_184 = arith.constant 80 : index
          %get3A_185 = tpu.vector_load %arg9[%get3A_183, %get3A_184] {strides = array<i32>} : memref<80x128xf32, #tpu.memory_space<vmem>>, vector<1x16xf32>,
          %get3A_186 = vector.shape_cast %get3A_185 : vector<1x16xf32> to vector<16xf32>
          %get3A_187 = arith.index_cast %scan3A_69 : i32 to index
          %get3A_188 = arith.constant 80 : index
          %get3A_189 = tpu.vector_load %arg11[%get3A_187, %get3A_188] {strides = array<i32>} : memref<80x128xf32, #tpu.memory_space<vmem>>, vector<1x16xf32>,
          %get3A_190 = vector.shape_cast %get3A_189 : vector<1x16xf32> to vector<16xf32>
          %add3A_191 = arith.addf %get3A_186, %get3A_190 : vector<16xf32>
          %bitcast_convert_type3A_192 = tpu.bitcast %add3A_191 : vector<16xf32> -> vector<16xi32>
          %add3A_193 = arith.constant 32767 : i32
          %add3A_194 = vector.broadcast %add3A_193 : i32 to vector<16xi32>
          %add3A_195 = arith.addi %bitcast_convert_type3A_182, %add3A_194 : vector<16xi32>
          %shift_right_logical3A_196 = arith.constant 16 : i32
          %shift_right_logical3A_197 = vector.broadcast %shift_right_logical3A_196 : i32 to vector<16xi32>
          %shift_right_logical3A_198 = arith.shrui %bitcast_convert_type3A_182, %shift_right_logical3A_197 : vector<16xi32>
          %and3A_199 = arith.constant 1 : i32
          %and3A_200 = vector.broadcast %and3A_199 : i32 to vector<16xi32>
          %and3A_201 = arith.andi %shift_right_logical3A_198, %and3A_200 : vector<16xi32>
          %add3A_202 = arith.addi %add3A_195, %and3A_201 : vector<16xi32>
          %shift_right_logical3A_203 = arith.constant 16 : i32
          %shift_right_logical3A_204 = vector.broadcast %shift_right_logical3A_203 : i32 to vector<16xi32>
          %shift_right_logical3A_205 = arith.shrui %add3A_202, %shift_right_logical3A_204 : vector<16xi32>
          %add3A_206 = arith.constant 32767 : i32
          %add3A_207 = vector.broadcast %add3A_206 : i32 to vector<16xi32>
          %add3A_208 = arith.addi %bitcast_convert_type3A_192, %add3A_207 : vector<16xi32>
          %shift_right_logical3A_209 = arith.constant 16 : i32
          %shift_right_logical3A_210 = vector.broadcast %shift_right_logical3A_209 : i32 to vector<16xi32>
          %shift_right_logical3A_211 = arith.shrui %bitcast_convert_type3A_192, %shift_right_logical3A_210 : vector<16xi32>
          %and3A_212 = arith.constant 1 : i32
          %and3A_213 = vector.broadcast %and3A_212 : i32 to vector<16xi32>
          %and3A_214 = arith.andi %shift_right_logical3A_211, %and3A_213 : vector<16xi32>
          %add3A_215 = arith.addi %add3A_208, %and3A_214 : vector<16xi32>
          %shift_right_logical3A_216 = arith.constant 16 : i32
          %shift_right_logical3A_217 = vector.broadcast %shift_right_logical3A_216 : i32 to vector<16xi32>
          %shift_right_logical3A_218 = arith.shrui %add3A_215, %shift_right_logical3A_217 : vector<16xi32>
          %shift_left3A_219 = arith.constant 16 : i32
          %shift_left3A_220 = vector.broadcast %shift_left3A_219 : i32 to vector<16xi32>
          %shift_left3A_221 = arith.shli %shift_right_logical3A_218, %shift_left3A_220 : vector<16xi32>
          %or3A_222 = arith.ori %shift_right_logical3A_205, %shift_left3A_221 : vector<16xi32>
          %swap3A_223 = arith.index_cast %scan3A_69 : i32 to index
          %swap3A_224 = arith.constant 32 : index
          %swap3A_225 = tpu.vector_load %arg13[%swap3A_223, %swap3A_224] {strides = array<i32>} : memref<80x64xi32, #tpu.memory_space<vmem>>, vector<1x16xi32>,
          %swap3A_226 = vector.shape_cast %swap3A_225 : vector<1x16xi32> to vector<16xi32>
          %swap3A_227 = vector.shape_cast %or3A_222 : vector<16xi32> to vector<1x16xi32>
          tpu.vector_store %arg13[%swap3A_223, %swap3A_224], %swap3A_227 {strides = array<i32>} : memref<80x64xi32, #tpu.memory_space<vmem>>, vector<1x16xi32>,
          %get3A_228 = arith.index_cast %scan3A_69 : i32 to index
          %get3A_229 = arith.constant 96 : index
          %get3A_230 = tpu.vector_load %arg9[%get3A_228, %get3A_229] {strides = array<i32>} : memref<80x128xf32, #tpu.memory_space<vmem>>, vector<1x16xf32>,
          %get3A_231 = vector.shape_cast %get3A_230 : vector<1x16xf32> to vector<16xf32>
          %get3A_232 = arith.index_cast %scan3A_69 : i32 to index
          %get3A_233 = arith.constant 96 : index
          %get3A_234 = tpu.vector_load %arg11[%get3A_232, %get3A_233] {strides = array<i32>} : memref<80x128xf32, #tpu.memory_space<vmem>>, vector<1x16xf32>,
          %get3A_235 = vector.shape_cast %get3A_234 : vector<1x16xf32> to vector<16xf32>
          %add3A_236 = arith.addf %get3A_231, %get3A_235 : vector<16xf32>
          %bitcast_convert_type3A_237 = tpu.bitcast %add3A_236 : vector<16xf32> -> vector<16xi32>
          %get3A_238 = arith.index_cast %scan3A_69 : i32 to index
          %get3A_239 = arith.constant 112 : index
          %get3A_240 = tpu.vector_load %arg9[%get3A_238, %get3A_239] {strides = array<i32>} : memref<80x128xf32, #tpu.memory_space<vmem>>, vector<1x16xf32>,
          %get3A_241 = vector.shape_cast %get3A_240 : vector<1x16xf32> to vector<16xf32>
          %get3A_242 = arith.index_cast %scan3A_69 : i32 to index
          %get3A_243 = arith.constant 112 : index
          %get3A_244 = tpu.vector_load %arg11[%get3A_242, %get3A_243] {strides = array<i32>} : memref<80x128xf32, #tpu.memory_space<vmem>>, vector<1x16xf32>,
          %get3A_245 = vector.shape_cast %get3A_244 : vector<1x16xf32> to vector<16xf32>
          %add3A_246 = arith.addf %get3A_241, %get3A_245 : vector<16xf32>
          %bitcast_convert_type3A_247 = tpu.bitcast %add3A_246 : vector<16xf32> -> vector<16xi32>
          %add3A_248 = arith.constant 32767 : i32
          %add3A_249 = vector.broadcast %add3A_248 : i32 to vector<16xi32>
          %add3A_250 = arith.addi %bitcast_convert_type3A_237, %add3A_249 : vector<16xi32>
          %shift_right_logical3A_251 = arith.constant 16 : i32
          %shift_right_logical3A_252 = vector.broadcast %shift_right_logical3A_251 : i32 to vector<16xi32>
          %shift_right_logical3A_253 = arith.shrui %bitcast_convert_type3A_237, %shift_right_logical3A_252 : vector<16xi32>
          %and3A_254 = arith.constant 1 : i32
          %and3A_255 = vector.broadcast %and3A_254 : i32 to vector<16xi32>
          %and3A_256 = arith.andi %shift_right_logical3A_253, %and3A_255 : vector<16xi32>
          %add3A_257 = arith.addi %add3A_250, %and3A_256 : vector<16xi32>
          %shift_right_logical3A_258 = arith.constant 16 : i32
          %shift_right_logical3A_259 = vector.broadcast %shift_right_logical3A_258 : i32 to vector<16xi32>
          %shift_right_logical3A_260 = arith.shrui %add3A_257, %shift_right_logical3A_259 : vector<16xi32>
          %add3A_261 = arith.constant 32767 : i32
          %add3A_262 = vector.broadcast %add3A_261 : i32 to vector<16xi32>
          %add3A_263 = arith.addi %bitcast_convert_type3A_247, %add3A_262 : vector<16xi32>
          %shift_right_logical3A_264 = arith.constant 16 : i32
          %shift_right_logical3A_265 = vector.broadcast %shift_right_logical3A_264 : i32 to vector<16xi32>
          %shift_right_logical3A_266 = arith.shrui %bitcast_convert_type3A_247, %shift_right_logical3A_265 : vector<16xi32>
          %and3A_267 = arith.constant 1 : i32
          %and3A_268 = vector.broadcast %and3A_267 : i32 to vector<16xi32>
          %and3A_269 = arith.andi %shift_right_logical3A_266, %and3A_268 : vector<16xi32>
          %add3A_270 = arith.addi %add3A_263, %and3A_269 : vector<16xi32>
          %shift_right_logical3A_271 = arith.constant 16 : i32
          %shift_right_logical3A_272 = vector.broadcast %shift_right_logical3A_271 : i32 to vector<16xi32>
          %shift_right_logical3A_273 = arith.shrui %add3A_270, %shift_right_logical3A_272 : vector<16xi32>
          %shift_left3A_274 = arith.constant 16 : i32
          %shift_left3A_275 = vector.broadcast %shift_left3A_274 : i32 to vector<16xi32>
          %shift_left3A_276 = arith.shli %shift_right_logical3A_273, %shift_left3A_275 : vector<16xi32>
          %or3A_277 = arith.ori %shift_right_logical3A_260, %shift_left3A_276 : vector<16xi32>
          %swap3A_278 = arith.index_cast %scan3A_69 : i32 to index
          %swap3A_279 = arith.constant 48 : index
          %swap3A_280 = tpu.vector_load %arg13[%swap3A_278, %swap3A_279] {strides = array<i32>} : memref<80x64xi32, #tpu.memory_space<vmem>>, vector<1x16xi32>,
          %swap3A_281 = vector.shape_cast %swap3A_280 : vector<1x16xi32> to vector<16xi32>
          %swap3A_282 = vector.shape_cast %or3A_277 : vector<16xi32> to vector<1x16xi32>
          tpu.vector_store %arg13[%swap3A_278, %swap3A_279], %swap3A_282 {strides = array<i32>} : memref<80x64xi32, #tpu.memory_space<vmem>>, vector<1x16xi32>,
        }
        %scan3A_65 = arith.constant 80 : i32
        %mul3A_66 = arith.constant 80 : i32
        %mul3A_67 = arith.muli %add3A_24, %mul3A_66 : i32
        %add3A_68 = arith.addi %mul3A_2, %mul3A_67 : i32
        "tpu.region"() ({
          %run_scoped3A = tpu.sem_alloc : memref<!tpu.dma_semaphore, #tpu.memory_space<semaphore_mem>>
          %dma_start3A_69 = arith.constant 0 : i32
          %dma_start3A_70 = tpu.memref_slice %arg6[%add3A_68, %dma_start3A_69] : memref<64000x64xi32, #tpu.memory_space<hbm>> -> memref<80x64xi32, #tpu.memory_space<hbm>>
          %dma_start3A_71 = arith.constant 0 : i32
          %dma_start3A_72 = tpu.memref_slice %arg6[%add3A_68, %dma_start3A_71] : memref<64000x64xi32, #tpu.memory_space<hbm>> -> memref<80x64xi32, #tpu.memory_space<hbm>>
          tpu.enqueue_dma source(%arg13 : memref<80x64xi32, #tpu.memory_space<vmem>>) target(%dma_start3A_72 : memref<80x64xi32, #tpu.memory_space<hbm>>) target_semaphore(%run_scoped3A : memref<!tpu.dma_semaphore, #tpu.memory_space<semaphore_mem>>)
          %dma_wait3A_73 = arith.constant 0 : i32
          %dma_wait3A_74 = tpu.memref_slice %arg6[%add3A_68, %dma_wait3A_73] : memref<64000x64xi32, #tpu.memory_space<hbm>> -> memref<80x64xi32, #tpu.memory_space<hbm>>
          %dma_wait3A_75 = arith.constant 0 : i32
          %dma_wait3A_76 = tpu.memref_slice %arg6[%add3A_68, %dma_wait3A_75] : memref<64000x64xi32, #tpu.memory_space<hbm>> -> memref<80x64xi32, #tpu.memory_space<hbm>>
          tpu.wait_dma2 semaphore(%run_scoped3A : memref<!tpu.dma_semaphore, #tpu.memory_space<semaphore_mem>>) src(%arg13 : memref<80x64xi32, #tpu.memory_space<vmem>>) dst(%dma_wait3A_76 : memref<80x64xi32, #tpu.memory_space<hbm>>)
          tpu.yield
        }) : () -> ()
      } else {
      }
      %mul3A_34 = arith.constant 2 : i32
      %mul3A_35 = arith.muli %mul3A_34, %scan3A_20 : i32
      %add3A_36 = arith.constant 1 : i32
      %add3A_37 = arith.addi %mul3A_35, %add3A_36 : i32
      %add3A_38 = arith.constant 1 : i32
      %add3A_39 = arith.addi %add3A_37, %add3A_38 : i32
      %lt3A_40 = arith.constant 25 : i32
      %lt3A_41 = arith.cmpi slt, %add3A_39, %lt3A_40 : i32
      %convert_element_type3A_42 = arith.extui %lt3A_41 : i1 to i32
      %cond3A_43 = arith.constant 0 : i32
      %cond3A_44 = arith.cmpi ne, %convert_element_type3A_42, %cond3A_43 : i32
      scf.if %cond3A_44 {
        %mul3A_50 = arith.constant 80 : i32
        %mul3A_51 = arith.muli %add3A_39, %mul3A_50 : i32
        %multiple_of3A_52 = tpu.assume_multiple %mul3A_51, 8 : i32
        %dma_start3A_53 = tpu.memref_slice %arg7[%multiple_of3A_52] : memref<2000xi32, #tpu.memory_space<vmem>> -> memref<80xi32, #tpu.memory_space<vmem>>
        %dma_start3A_54 = arith.constant 0 : i32
        %dma_start3A_55 = arith.constant 0 : i32
        %dma_start3A_56 = tpu.memref_slice %arg2[%dma_start3A_54, %dma_start3A_55] : memref<10000x128xf32, #tpu.memory_space<hbm>> -> memref<10000x128xf32, #tpu.memory_space<hbm>>
        tpu.enqueue_indirect_dma source(%dma_start3A_56 : memref<10000x128xf32, #tpu.memory_space<hbm>>) target(%arg9 : memref<80x128xf32, #tpu.memory_space<vmem>>) offsets(%dma_start3A_53 : memref<80xi32, #tpu.memory_space<vmem>>) semaphore(%arg15 : memref<!tpu.dma_semaphore, #tpu.memory_space<semaphore_mem>>)
        %dma_start3A_57 = tpu.memref_slice %arg8[%multiple_of3A_52] : memref<2000xi32, #tpu.memory_space<vmem>> -> memref<80xi32, #tpu.memory_space<vmem>>
        %dma_start3A_58 = arith.constant 0 : i32
        %dma_start3A_59 = arith.constant 0 : i32
        %dma_start3A_60 = tpu.memref_slice %arg3[%dma_start3A_58, %dma_start3A_59] : memref<10000x128xf32, #tpu.memory_space<hbm>> -> memref<10000x128xf32, #tpu.memory_space<hbm>>
        tpu.enqueue_indirect_dma source(%dma_start3A_60 : memref<10000x128xf32, #tpu.memory_space<hbm>>) target(%arg11 : memref<80x128xf32, #tpu.memory_space<vmem>>) offsets(%dma_start3A_57 : memref<80xi32, #tpu.memory_space<vmem>>) semaphore(%arg17 : memref<!tpu.dma_semaphore, #tpu.memory_space<semaphore_mem>>)
      } else {
      }
      %lt3A_45 = arith.constant 25 : i32
      %lt3A_46 = arith.cmpi slt, %add3A_37, %lt3A_45 : i32
      %convert_element_type3A_47 = arith.extui %lt3A_46 : i1 to i32
      %cond3A_48 = arith.constant 0 : i32
      %cond3A_49 = arith.cmpi ne, %convert_element_type3A_47, %cond3A_48 : i32
      scf.if %cond3A_49 {
        %mul3A_50 = arith.constant 80 : i32
        %mul3A_51 = arith.muli %add3A_37, %mul3A_50 : i32
        %multiple_of3A_52 = tpu.assume_multiple %mul3A_51, 8 : i32
        %dma_wait3A = tpu.memref_slice %arg7[%multiple_of3A_52] : memref<2000xi32, #tpu.memory_space<vmem>> -> memref<80xi32, #tpu.memory_space<vmem>>
        %dma_wait3A_53 = arith.constant 0 : i32
        %dma_wait3A_54 = arith.constant 0 : i32
        %dma_wait3A_55 = tpu.memref_slice %arg2[%dma_wait3A_53, %dma_wait3A_54] : memref<10000x128xf32, #tpu.memory_space<hbm>> -> memref<10000x128xf32, #tpu.memory_space<hbm>>
        tpu.wait_indirect_dma semaphore(%arg16 : memref<!tpu.dma_semaphore, #tpu.memory_space<semaphore_mem>>) src(%dma_wait3A_55 : memref<10000x128xf32, #tpu.memory_space<hbm>>) dst(%arg10 : memref<80x128xf32, #tpu.memory_space<vmem>>)
        %dma_wait3A_56 = tpu.memref_slice %arg8[%multiple_of3A_52] : memref<2000xi32, #tpu.memory_space<vmem>> -> memref<80xi32, #tpu.memory_space<vmem>>
        %dma_wait3A_57 = arith.constant 0 : i32
        %dma_wait3A_58 = arith.constant 0 : i32
        %dma_wait3A_59 = tpu.memref_slice %arg3[%dma_wait3A_57, %dma_wait3A_58] : memref<10000x128xf32, #tpu.memory_space<hbm>> -> memref<10000x128xf32, #tpu.memory_space<hbm>>
        tpu.wait_indirect_dma semaphore(%arg18 : memref<!tpu.dma_semaphore, #tpu.memory_space<semaphore_mem>>) src(%dma_wait3A_59 : memref<10000x128xf32, #tpu.memory_space<hbm>>) dst(%arg12 : memref<80x128xf32, #tpu.memory_space<vmem>>)
        %scan3A_60 = arith.constant 0 : i32
        %scan3A_61 = arith.constant 0 : i32
        %scan3A_62 = arith.constant 80 : i32
        %scan3A_63 = arith.addi %scan3A_61, %scan3A_62 : i32
        %scan3A_64 = arith.constant 1 : i32
        scf.for %scan3A_69 = %scan3A_61 to %scan3A_63 step %scan3A_64  : i32 {
          %get3A = arith.index_cast %scan3A_69 : i32 to index
          %get3A_70 = arith.constant 0 : index
          %get3A_71 = tpu.vector_load %arg10[%get3A, %get3A_70] {strides = array<i32>} : memref<80x128xf32, #tpu.memory_space<vmem>>, vector<1x16xf32>,
          %get3A_72 = vector.shape_cast %get3A_71 : vector<1x16xf32> to vector<16xf32>
          %get3A_73 = arith.index_cast %scan3A_69 : i32 to index
          %get3A_74 = arith.constant 0 : index
          %get3A_75 = tpu.vector_load %arg12[%get3A_73, %get3A_74] {strides = array<i32>} : memref<80x128xf32, #tpu.memory_space<vmem>>, vector<1x16xf32>,
          %get3A_76 = vector.shape_cast %get3A_75 : vector<1x16xf32> to vector<16xf32>
          %add3A_77 = arith.addf %get3A_72, %get3A_76 : vector<16xf32>
          %bitcast_convert_type3A = tpu.bitcast %add3A_77 : vector<16xf32> -> vector<16xi32>
          %get3A_78 = arith.index_cast %scan3A_69 : i32 to index
          %get3A_79 = arith.constant 16 : index
          %get3A_80 = tpu.vector_load %arg10[%get3A_78, %get3A_79] {strides = array<i32>} : memref<80x128xf32, #tpu.memory_space<vmem>>, vector<1x16xf32>,
          %get3A_81 = vector.shape_cast %get3A_80 : vector<1x16xf32> to vector<16xf32>
          %get3A_82 = arith.index_cast %scan3A_69 : i32 to index
          %get3A_83 = arith.constant 16 : index
          %get3A_84 = tpu.vector_load %arg12[%get3A_82, %get3A_83] {strides = array<i32>} : memref<80x128xf32, #tpu.memory_space<vmem>>, vector<1x16xf32>,
          %get3A_85 = vector.shape_cast %get3A_84 : vector<1x16xf32> to vector<16xf32>
          %add3A_86 = arith.addf %get3A_81, %get3A_85 : vector<16xf32>
          %bitcast_convert_type3A_87 = tpu.bitcast %add3A_86 : vector<16xf32> -> vector<16xi32>
          %add3A_88 = arith.constant 32767 : i32
          %add3A_89 = vector.broadcast %add3A_88 : i32 to vector<16xi32>
          %add3A_90 = arith.addi %bitcast_convert_type3A, %add3A_89 : vector<16xi32>
          %shift_right_logical3A = arith.constant 16 : i32
          %shift_right_logical3A_91 = vector.broadcast %shift_right_logical3A : i32 to vector<16xi32>
          %shift_right_logical3A_92 = arith.shrui %bitcast_convert_type3A, %shift_right_logical3A_91 : vector<16xi32>
          %and3A = arith.constant 1 : i32
          %and3A_93 = vector.broadcast %and3A : i32 to vector<16xi32>
          %and3A_94 = arith.andi %shift_right_logical3A_92, %and3A_93 : vector<16xi32>
          %add3A_95 = arith.addi %add3A_90, %and3A_94 : vector<16xi32>
          %shift_right_logical3A_96 = arith.constant 16 : i32
          %shift_right_logical3A_97 = vector.broadcast %shift_right_logical3A_96 : i32 to vector<16xi32>
          %shift_right_logical3A_98 = arith.shrui %add3A_95, %shift_right_logical3A_97 : vector<16xi32>
          %add3A_99 = arith.constant 32767 : i32
          %add3A_100 = vector.broadcast %add3A_99 : i32 to vector<16xi32>
          %add3A_101 = arith.addi %bitcast_convert_type3A_87, %add3A_100 : vector<16xi32>
          %shift_right_logical3A_102 = arith.constant 16 : i32
          %shift_right_logical3A_103 = vector.broadcast %shift_right_logical3A_102 : i32 to vector<16xi32>
          %shift_right_logical3A_104 = arith.shrui %bitcast_convert_type3A_87, %shift_right_logical3A_103 : vector<16xi32>
          %and3A_105 = arith.constant 1 : i32
          %and3A_106 = vector.broadcast %and3A_105 : i32 to vector<16xi32>
          %and3A_107 = arith.andi %shift_right_logical3A_104, %and3A_106 : vector<16xi32>
          %add3A_108 = arith.addi %add3A_101, %and3A_107 : vector<16xi32>
          %shift_right_logical3A_109 = arith.constant 16 : i32
          %shift_right_logical3A_110 = vector.broadcast %shift_right_logical3A_109 : i32 to vector<16xi32>
          %shift_right_logical3A_111 = arith.shrui %add3A_108, %shift_right_logical3A_110 : vector<16xi32>
          %shift_left3A = arith.constant 16 : i32
          %shift_left3A_112 = vector.broadcast %shift_left3A : i32 to vector<16xi32>
          %shift_left3A_113 = arith.shli %shift_right_logical3A_111, %shift_left3A_112 : vector<16xi32>
          %or3A = arith.ori %shift_right_logical3A_98, %shift_left3A_113 : vector<16xi32>
          %swap3A = arith.index_cast %scan3A_69 : i32 to index
          %swap3A_114 = arith.constant 0 : index
          %swap3A_115 = tpu.vector_load %arg14[%swap3A, %swap3A_114] {strides = array<i32>} : memref<80x64xi32, #tpu.memory_space<vmem>>, vector<1x16xi32>,
          %swap3A_116 = vector.shape_cast %swap3A_115 : vector<1x16xi32> to vector<16xi32>
          %swap3A_117 = vector.shape_cast %or3A : vector<16xi32> to vector<1x16xi32>
          tpu.vector_store %arg14[%swap3A, %swap3A_114], %swap3A_117 {strides = array<i32>} : memref<80x64xi32, #tpu.memory_space<vmem>>, vector<1x16xi32>,
          %get3A_118 = arith.index_cast %scan3A_69 : i32 to index
          %get3A_119 = arith.constant 32 : index
          %get3A_120 = tpu.vector_load %arg10[%get3A_118, %get3A_119] {strides = array<i32>} : memref<80x128xf32, #tpu.memory_space<vmem>>, vector<1x16xf32>,
          %get3A_121 = vector.shape_cast %get3A_120 : vector<1x16xf32> to vector<16xf32>
          %get3A_122 = arith.index_cast %scan3A_69 : i32 to index
          %get3A_123 = arith.constant 32 : index
          %get3A_124 = tpu.vector_load %arg12[%get3A_122, %get3A_123] {strides = array<i32>} : memref<80x128xf32, #tpu.memory_space<vmem>>, vector<1x16xf32>,
          %get3A_125 = vector.shape_cast %get3A_124 : vector<1x16xf32> to vector<16xf32>
          %add3A_126 = arith.addf %get3A_121, %get3A_125 : vector<16xf32>
          %bitcast_convert_type3A_127 = tpu.bitcast %add3A_126 : vector<16xf32> -> vector<16xi32>
          %get3A_128 = arith.index_cast %scan3A_69 : i32 to index
          %get3A_129 = arith.constant 48 : index
          %get3A_130 = tpu.vector_load %arg10[%get3A_128, %get3A_129] {strides = array<i32>} : memref<80x128xf32, #tpu.memory_space<vmem>>, vector<1x16xf32>,
          %get3A_131 = vector.shape_cast %get3A_130 : vector<1x16xf32> to vector<16xf32>
          %get3A_132 = arith.index_cast %scan3A_69 : i32 to index
          %get3A_133 = arith.constant 48 : index
          %get3A_134 = tpu.vector_load %arg12[%get3A_132, %get3A_133] {strides = array<i32>} : memref<80x128xf32, #tpu.memory_space<vmem>>, vector<1x16xf32>,
          %get3A_135 = vector.shape_cast %get3A_134 : vector<1x16xf32> to vector<16xf32>
          %add3A_136 = arith.addf %get3A_131, %get3A_135 : vector<16xf32>
          %bitcast_convert_type3A_137 = tpu.bitcast %add3A_136 : vector<16xf32> -> vector<16xi32>
          %add3A_138 = arith.constant 32767 : i32
          %add3A_139 = vector.broadcast %add3A_138 : i32 to vector<16xi32>
          %add3A_140 = arith.addi %bitcast_convert_type3A_127, %add3A_139 : vector<16xi32>
          %shift_right_logical3A_141 = arith.constant 16 : i32
          %shift_right_logical3A_142 = vector.broadcast %shift_right_logical3A_141 : i32 to vector<16xi32>
          %shift_right_logical3A_143 = arith.shrui %bitcast_convert_type3A_127, %shift_right_logical3A_142 : vector<16xi32>
          %and3A_144 = arith.constant 1 : i32
          %and3A_145 = vector.broadcast %and3A_144 : i32 to vector<16xi32>
          %and3A_146 = arith.andi %shift_right_logical3A_143, %and3A_145 : vector<16xi32>
          %add3A_147 = arith.addi %add3A_140, %and3A_146 : vector<16xi32>
          %shift_right_logical3A_148 = arith.constant 16 : i32
          %shift_right_logical3A_149 = vector.broadcast %shift_right_logical3A_148 : i32 to vector<16xi32>
          %shift_right_logical3A_150 = arith.shrui %add3A_147, %shift_right_logical3A_149 : vector<16xi32>
          %add3A_151 = arith.constant 32767 : i32
          %add3A_152 = vector.broadcast %add3A_151 : i32 to vector<16xi32>
          %add3A_153 = arith.addi %bitcast_convert_type3A_137, %add3A_152 : vector<16xi32>
          %shift_right_logical3A_154 = arith.constant 16 : i32
          %shift_right_logical3A_155 = vector.broadcast %shift_right_logical3A_154 : i32 to vector<16xi32>
          %shift_right_logical3A_156 = arith.shrui %bitcast_convert_type3A_137, %shift_right_logical3A_155 : vector<16xi32>
          %and3A_157 = arith.constant 1 : i32
          %and3A_158 = vector.broadcast %and3A_157 : i32 to vector<16xi32>
          %and3A_159 = arith.andi %shift_right_logical3A_156, %and3A_158 : vector<16xi32>
          %add3A_160 = arith.addi %add3A_153, %and3A_159 : vector<16xi32>
          %shift_right_logical3A_161 = arith.constant 16 : i32
          %shift_right_logical3A_162 = vector.broadcast %shift_right_logical3A_161 : i32 to vector<16xi32>
          %shift_right_logical3A_163 = arith.shrui %add3A_160, %shift_right_logical3A_162 : vector<16xi32>
          %shift_left3A_164 = arith.constant 16 : i32
          %shift_left3A_165 = vector.broadcast %shift_left3A_164 : i32 to vector<16xi32>
          %shift_left3A_166 = arith.shli %shift_right_logical3A_163, %shift_left3A_165 : vector<16xi32>
          %or3A_167 = arith.ori %shift_right_logical3A_150, %shift_left3A_166 : vector<16xi32>
          %swap3A_168 = arith.index_cast %scan3A_69 : i32 to index
          %swap3A_169 = arith.constant 16 : index
          %swap3A_170 = tpu.vector_load %arg14[%swap3A_168, %swap3A_169] {strides = array<i32>} : memref<80x64xi32, #tpu.memory_space<vmem>>, vector<1x16xi32>,
          %swap3A_171 = vector.shape_cast %swap3A_170 : vector<1x16xi32> to vector<16xi32>
          %swap3A_172 = vector.shape_cast %or3A_167 : vector<16xi32> to vector<1x16xi32>
          tpu.vector_store %arg14[%swap3A_168, %swap3A_169], %swap3A_172 {strides = array<i32>} : memref<80x64xi32, #tpu.memory_space<vmem>>, vector<1x16xi32>,
          %get3A_173 = arith.index_cast %scan3A_69 : i32 to index
          %get3A_174 = arith.constant 64 : index
          %get3A_175 = tpu.vector_load %arg10[%get3A_173, %get3A_174] {strides = array<i32>} : memref<80x128xf32, #tpu.memory_space<vmem>>, vector<1x16xf32>,
          %get3A_176 = vector.shape_cast %get3A_175 : vector<1x16xf32> to vector<16xf32>
          %get3A_177 = arith.index_cast %scan3A_69 : i32 to index
          %get3A_178 = arith.constant 64 : index
          %get3A_179 = tpu.vector_load %arg12[%get3A_177, %get3A_178] {strides = array<i32>} : memref<80x128xf32, #tpu.memory_space<vmem>>, vector<1x16xf32>,
          %get3A_180 = vector.shape_cast %get3A_179 : vector<1x16xf32> to vector<16xf32>
          %add3A_181 = arith.addf %get3A_176, %get3A_180 : vector<16xf32>
          %bitcast_convert_type3A_182 = tpu.bitcast %add3A_181 : vector<16xf32> -> vector<16xi32>
          %get3A_183 = arith.index_cast %scan3A_69 : i32 to index
          %get3A_184 = arith.constant 80 : index
          %get3A_185 = tpu.vector_load %arg10[%get3A_183, %get3A_184] {strides = array<i32>} : memref<80x128xf32, #tpu.memory_space<vmem>>, vector<1x16xf32>,
          %get3A_186 = vector.shape_cast %get3A_185 : vector<1x16xf32> to vector<16xf32>
          %get3A_187 = arith.index_cast %scan3A_69 : i32 to index
          %get3A_188 = arith.constant 80 : index
          %get3A_189 = tpu.vector_load %arg12[%get3A_187, %get3A_188] {strides = array<i32>} : memref<80x128xf32, #tpu.memory_space<vmem>>, vector<1x16xf32>,
          %get3A_190 = vector.shape_cast %get3A_189 : vector<1x16xf32> to vector<16xf32>
          %add3A_191 = arith.addf %get3A_186, %get3A_190 : vector<16xf32>
          %bitcast_convert_type3A_192 = tpu.bitcast %add3A_191 : vector<16xf32> -> vector<16xi32>
          %add3A_193 = arith.constant 32767 : i32
          %add3A_194 = vector.broadcast %add3A_193 : i32 to vector<16xi32>
          %add3A_195 = arith.addi %bitcast_convert_type3A_182, %add3A_194 : vector<16xi32>
          %shift_right_logical3A_196 = arith.constant 16 : i32
          %shift_right_logical3A_197 = vector.broadcast %shift_right_logical3A_196 : i32 to vector<16xi32>
          %shift_right_logical3A_198 = arith.shrui %bitcast_convert_type3A_182, %shift_right_logical3A_197 : vector<16xi32>
          %and3A_199 = arith.constant 1 : i32
          %and3A_200 = vector.broadcast %and3A_199 : i32 to vector<16xi32>
          %and3A_201 = arith.andi %shift_right_logical3A_198, %and3A_200 : vector<16xi32>
          %add3A_202 = arith.addi %add3A_195, %and3A_201 : vector<16xi32>
          %shift_right_logical3A_203 = arith.constant 16 : i32
          %shift_right_logical3A_204 = vector.broadcast %shift_right_logical3A_203 : i32 to vector<16xi32>
          %shift_right_logical3A_205 = arith.shrui %add3A_202, %shift_right_logical3A_204 : vector<16xi32>
          %add3A_206 = arith.constant 32767 : i32
          %add3A_207 = vector.broadcast %add3A_206 : i32 to vector<16xi32>
          %add3A_208 = arith.addi %bitcast_convert_type3A_192, %add3A_207 : vector<16xi32>
          %shift_right_logical3A_209 = arith.constant 16 : i32
          %shift_right_logical3A_210 = vector.broadcast %shift_right_logical3A_209 : i32 to vector<16xi32>
          %shift_right_logical3A_211 = arith.shrui %bitcast_convert_type3A_192, %shift_right_logical3A_210 : vector<16xi32>
          %and3A_212 = arith.constant 1 : i32
          %and3A_213 = vector.broadcast %and3A_212 : i32 to vector<16xi32>
          %and3A_214 = arith.andi %shift_right_logical3A_211, %and3A_213 : vector<16xi32>
          %add3A_215 = arith.addi %add3A_208, %and3A_214 : vector<16xi32>
          %shift_right_logical3A_216 = arith.constant 16 : i32
          %shift_right_logical3A_217 = vector.broadcast %shift_right_logical3A_216 : i32 to vector<16xi32>
          %shift_right_logical3A_218 = arith.shrui %add3A_215, %shift_right_logical3A_217 : vector<16xi32>
          %shift_left3A_219 = arith.constant 16 : i32
          %shift_left3A_220 = vector.broadcast %shift_left3A_219 : i32 to vector<16xi32>
          %shift_left3A_221 = arith.shli %shift_right_logical3A_218, %shift_left3A_220 : vector<16xi32>
          %or3A_222 = arith.ori %shift_right_logical3A_205, %shift_left3A_221 : vector<16xi32>
          %swap3A_223 = arith.index_cast %scan3A_69 : i32 to index
          %swap3A_224 = arith.constant 32 : index
          %swap3A_225 = tpu.vector_load %arg14[%swap3A_223, %swap3A_224] {strides = array<i32>} : memref<80x64xi32, #tpu.memory_space<vmem>>, vector<1x16xi32>,
          %swap3A_226 = vector.shape_cast %swap3A_225 : vector<1x16xi32> to vector<16xi32>
          %swap3A_227 = vector.shape_cast %or3A_222 : vector<16xi32> to vector<1x16xi32>
          tpu.vector_store %arg14[%swap3A_223, %swap3A_224], %swap3A_227 {strides = array<i32>} : memref<80x64xi32, #tpu.memory_space<vmem>>, vector<1x16xi32>,
          %get3A_228 = arith.index_cast %scan3A_69 : i32 to index
          %get3A_229 = arith.constant 96 : index
          %get3A_230 = tpu.vector_load %arg10[%get3A_228, %get3A_229] {strides = array<i32>} : memref<80x128xf32, #tpu.memory_space<vmem>>, vector<1x16xf32>,
          %get3A_231 = vector.shape_cast %get3A_230 : vector<1x16xf32> to vector<16xf32>
          %get3A_232 = arith.index_cast %scan3A_69 : i32 to index
          %get3A_233 = arith.constant 96 : index
          %get3A_234 = tpu.vector_load %arg12[%get3A_232, %get3A_233] {strides = array<i32>} : memref<80x128xf32, #tpu.memory_space<vmem>>, vector<1x16xf32>,
          %get3A_235 = vector.shape_cast %get3A_234 : vector<1x16xf32> to vector<16xf32>
          %add3A_236 = arith.addf %get3A_231, %get3A_235 : vector<16xf32>
          %bitcast_convert_type3A_237 = tpu.bitcast %add3A_236 : vector<16xf32> -> vector<16xi32>
          %get3A_238 = arith.index_cast %scan3A_69 : i32 to index
          %get3A_239 = arith.constant 112 : index
          %get3A_240 = tpu.vector_load %arg10[%get3A_238, %get3A_239] {strides = array<i32>} : memref<80x128xf32, #tpu.memory_space<vmem>>, vector<1x16xf32>,
          %get3A_241 = vector.shape_cast %get3A_240 : vector<1x16xf32> to vector<16xf32>
          %get3A_242 = arith.index_cast %scan3A_69 : i32 to index
          %get3A_243 = arith.constant 112 : index
          %get3A_244 = tpu.vector_load %arg12[%get3A_242, %get3A_243] {strides = array<i32>} : memref<80x128xf32, #tpu.memory_space<vmem>>, vector<1x16xf32>,
          %get3A_245 = vector.shape_cast %get3A_244 : vector<1x16xf32> to vector<16xf32>
          %add3A_246 = arith.addf %get3A_241, %get3A_245 : vector<16xf32>
          %bitcast_convert_type3A_247 = tpu.bitcast %add3A_246 : vector<16xf32> -> vector<16xi32>
          %add3A_248 = arith.constant 32767 : i32
          %add3A_249 = vector.broadcast %add3A_248 : i32 to vector<16xi32>
          %add3A_250 = arith.addi %bitcast_convert_type3A_237, %add3A_249 : vector<16xi32>
          %shift_right_logical3A_251 = arith.constant 16 : i32
          %shift_right_logical3A_252 = vector.broadcast %shift_right_logical3A_251 : i32 to vector<16xi32>
          %shift_right_logical3A_253 = arith.shrui %bitcast_convert_type3A_237, %shift_right_logical3A_252 : vector<16xi32>
          %and3A_254 = arith.constant 1 : i32
          %and3A_255 = vector.broadcast %and3A_254 : i32 to vector<16xi32>
          %and3A_256 = arith.andi %shift_right_logical3A_253, %and3A_255 : vector<16xi32>
          %add3A_257 = arith.addi %add3A_250, %and3A_256 : vector<16xi32>
          %shift_right_logical3A_258 = arith.constant 16 : i32
          %shift_right_logical3A_259 = vector.broadcast %shift_right_logical3A_258 : i32 to vector<16xi32>
          %shift_right_logical3A_260 = arith.shrui %add3A_257, %shift_right_logical3A_259 : vector<16xi32>
          %add3A_261 = arith.constant 32767 : i32
          %add3A_262 = vector.broadcast %add3A_261 : i32 to vector<16xi32>
          %add3A_263 = arith.addi %bitcast_convert_type3A_247, %add3A_262 : vector<16xi32>
          %shift_right_logical3A_264 = arith.constant 16 : i32
          %shift_right_logical3A_265 = vector.broadcast %shift_right_logical3A_264 : i32 to vector<16xi32>
          %shift_right_logical3A_266 = arith.shrui %bitcast_convert_type3A_247, %shift_right_logical3A_265 : vector<16xi32>
          %and3A_267 = arith.constant 1 : i32
          %and3A_268 = vector.broadcast %and3A_267 : i32 to vector<16xi32>
          %and3A_269 = arith.andi %shift_right_logical3A_266, %and3A_268 : vector<16xi32>
          %add3A_270 = arith.addi %add3A_263, %and3A_269 : vector<16xi32>
          %shift_right_logical3A_271 = arith.constant 16 : i32
          %shift_right_logical3A_272 = vector.broadcast %shift_right_logical3A_271 : i32 to vector<16xi32>
          %shift_right_logical3A_273 = arith.shrui %add3A_270, %shift_right_logical3A_272 : vector<16xi32>
          %shift_left3A_274 = arith.constant 16 : i32
          %shift_left3A_275 = vector.broadcast %shift_left3A_274 : i32 to vector<16xi32>
          %shift_left3A_276 = arith.shli %shift_right_logical3A_273, %shift_left3A_275 : vector<16xi32>
          %or3A_277 = arith.ori %shift_right_logical3A_260, %shift_left3A_276 : vector<16xi32>
          %swap3A_278 = arith.index_cast %scan3A_69 : i32 to index
          %swap3A_279 = arith.constant 48 : index
          %swap3A_280 = tpu.vector_load %arg14[%swap3A_278, %swap3A_279] {strides = array<i32>} : memref<80x64xi32, #tpu.memory_space<vmem>>, vector<1x16xi32>,
          %swap3A_281 = vector.shape_cast %swap3A_280 : vector<1x16xi32> to vector<16xi32>
          %swap3A_282 = vector.shape_cast %or3A_277 : vector<16xi32> to vector<1x16xi32>
          tpu.vector_store %arg14[%swap3A_278, %swap3A_279], %swap3A_282 {strides = array<i32>} : memref<80x64xi32, #tpu.memory_space<vmem>>, vector<1x16xi32>,
        }
        %scan3A_65 = arith.constant 80 : i32
        %mul3A_66 = arith.constant 80 : i32
        %mul3A_67 = arith.muli %add3A_37, %mul3A_66 : i32
        %add3A_68 = arith.addi %mul3A_2, %mul3A_67 : i32
        "tpu.region"() ({
          %run_scoped3A = tpu.sem_alloc : memref<!tpu.dma_semaphore, #tpu.memory_space<semaphore_mem>>
          %dma_start3A_69 = arith.constant 0 : i32
          %dma_start3A_70 = tpu.memref_slice %arg6[%add3A_68, %dma_start3A_69] : memref<64000x64xi32, #tpu.memory_space<hbm>> -> memref<80x64xi32, #tpu.memory_space<hbm>>
          %dma_start3A_71 = arith.constant 0 : i32
          %dma_start3A_72 = tpu.memref_slice %arg6[%add3A_68, %dma_start3A_71] : memref<64000x64xi32, #tpu.memory_space<hbm>> -> memref<80x64xi32, #tpu.memory_space<hbm>>
          tpu.enqueue_dma source(%arg14 : memref<80x64xi32, #tpu.memory_space<vmem>>) target(%dma_start3A_72 : memref<80x64xi32, #tpu.memory_space<hbm>>) target_semaphore(%run_scoped3A : memref<!tpu.dma_semaphore, #tpu.memory_space<semaphore_mem>>)
          %dma_wait3A_73 = arith.constant 0 : i32
          %dma_wait3A_74 = tpu.memref_slice %arg6[%add3A_68, %dma_wait3A_73] : memref<64000x64xi32, #tpu.memory_space<hbm>> -> memref<80x64xi32, #tpu.memory_space<hbm>>
          %dma_wait3A_75 = arith.constant 0 : i32
          %dma_wait3A_76 = tpu.memref_slice %arg6[%add3A_68, %dma_wait3A_75] : memref<64000x64xi32, #tpu.memory_space<hbm>> -> memref<80x64xi32, #tpu.memory_space<hbm>>
          tpu.wait_dma2 semaphore(%run_scoped3A : memref<!tpu.dma_semaphore, #tpu.memory_space<semaphore_mem>>) src(%arg14 : memref<80x64xi32, #tpu.memory_space<vmem>>) dst(%dma_wait3A_76 : memref<80x64xi32, #tpu.memory_space<hbm>>)
          tpu.yield
        }) : () -> ()
      } else {
      }
    }
    %scan3A_19 = arith.constant 13 : i32
    return
  }
}

module attributes {stable_mosaic.version = 14 : i64} {
  func.func @_node_proj_body(%arg0: i32, %arg1: memref<2000x128xf32, #tpu.memory_space<vmem>>, %arg2: memref<128x128xf32, #tpu.memory_space<vmem>>, %arg3: memref<128x128xf32, #tpu.memory_space<vmem>>, %arg4: memref<1x128xf32, #tpu.memory_space<vmem>>, %arg5: memref<2000x128xf32, #tpu.memory_space<vmem>>, %arg6: memref<2000x128xf32, #tpu.memory_space<vmem>>) attributes {dimension_semantics = [#tpu.dimension_semantics<arbitrary>], iteration_bounds = array<i64: 5>, scalar_prefetch = 0 : i64, scratch_operands = 0 : i64, tpu.core_type = #tpu.core_type<tc>, window_params = [{transform_indices = @transform_0, window_bounds = array<i64: 2000, 128>}, {pipeline_mode = #tpu.pipeline_mode<synchronous>, transform_indices = @transform_1, window_bounds = array<i64: 128, 128>}, {pipeline_mode = #tpu.pipeline_mode<synchronous>, transform_indices = @transform_2, window_bounds = array<i64: 128, 128>}, {pipeline_mode = #tpu.pipeline_mode<synchronous>, transform_indices = @transform_3, window_bounds = array<i64: 1, 128>}, {transform_indices = @transform_4, window_bounds = array<i64: 2000, 128>}, {transform_indices = @transform_5, window_bounds = array<i64: 2000, 128>}]} {
    %get3A = arith.constant 0 : index
    %get3A_0 = arith.constant 0 : index
    %get3A_1 = vector.load %arg1[%get3A, %get3A_0] : memref<2000x128xf32, #tpu.memory_space<vmem>>, vector<2000x128xf32>
    %get3A_2 = arith.constant 0 : index
    %get3A_3 = arith.constant 0 : index
    %get3A_4 = vector.load %arg2[%get3A_2, %get3A_3] : memref<128x128xf32, #tpu.memory_space<vmem>>, vector<128x128xf32>
    %dot_general3A = arith.constant dense<0.000000e+00> : vector<2000x128xf32>
    %dot_general3A_5 = tpu.matmul %get3A_1, %get3A_4, %dot_general3A {dimension_numbers = #tpu.dot_dimension_numbers<[1], [1], [0], [0], [0, 0, 1, 0], [], []>, transpose_lhs_hint = false} : vector<2000x128xf32>, vector<128x128xf32>, vector<2000x128xf32> -> vector<2000x128xf32>
    %swap3A = arith.constant 0 : index
    %swap3A_6 = arith.constant 0 : index
    %swap3A_7 = vector.load %arg5[%swap3A, %swap3A_6] : memref<2000x128xf32, #tpu.memory_space<vmem>>, vector<2000x128xf32>
    tpu.vector_store %arg5[%swap3A, %swap3A_6], %dot_general3A_5 {strides = array<i32>} : memref<2000x128xf32, #tpu.memory_space<vmem>>, vector<2000x128xf32>,
    %get3A_8 = arith.constant 0 : index
    %get3A_9 = arith.constant 0 : index
    %get3A_10 = vector.load %arg3[%get3A_8, %get3A_9] : memref<128x128xf32, #tpu.memory_space<vmem>>, vector<128x128xf32>
    %dot_general3A_11 = arith.constant dense<0.000000e+00> : vector<2000x128xf32>
    %dot_general3A_12 = tpu.matmul %get3A_1, %get3A_10, %dot_general3A_11 {dimension_numbers = #tpu.dot_dimension_numbers<[1], [1], [0], [0], [0, 0, 1, 0], [], []>, transpose_lhs_hint = false} : vector<2000x128xf32>, vector<128x128xf32>, vector<2000x128xf32> -> vector<2000x128xf32>
    %get3A_13 = arith.constant 0 : index
    %get3A_14 = arith.constant 0 : index
    %get3A_15 = vector.load %arg4[%get3A_13, %get3A_14] : memref<1x128xf32, #tpu.memory_space<vmem>>, vector<1x128xf32>
    %add3A = vector.broadcast %get3A_15 : vector<1x128xf32> to vector<2000x128xf32>
    %add3A_16 = arith.addf %dot_general3A_12, %add3A : vector<2000x128xf32>
    %swap3A_17 = arith.constant 0 : index
    %swap3A_18 = arith.constant 0 : index
    %swap3A_19 = vector.load %arg6[%swap3A_17, %swap3A_18] : memref<2000x128xf32, #tpu.memory_space<vmem>>, vector<2000x128xf32>
    tpu.vector_store %arg6[%swap3A_17, %swap3A_18], %add3A_16 {strides = array<i32>} : memref<2000x128xf32, #tpu.memory_space<vmem>>, vector<2000x128xf32>,
    return
  }
  func.func @transform_0(%arg0: i32) -> (i32, i32) {
    %c0_i32 = arith.constant 0 : i32
    %c0_i32_0 = arith.constant 0 : i32
    return %arg0, %c0_i32 : i32, i32
  }
  func.func @transform_1(%arg0: i32) -> (i32, i32) {
    %c0_i32 = arith.constant 0 : i32
    %c0_i32_0 = arith.constant 0 : i32
    %c0_i32_1 = arith.constant 0 : i32
    return %c0_i32, %c0_i32_0 : i32, i32
  }
  func.func @transform_2(%arg0: i32) -> (i32, i32) {
    %c0_i32 = arith.constant 0 : i32
    %c0_i32_0 = arith.constant 0 : i32
    %c0_i32_1 = arith.constant 0 : i32
    return %c0_i32, %c0_i32_0 : i32, i32
  }
  func.func @transform_3(%arg0: i32) -> (i32, i32) {
    %c0_i32 = arith.constant 0 : i32
    %c0_i32_0 = arith.constant 0 : i32
    %c0_i32_1 = arith.constant 0 : i32
    return %c0_i32, %c0_i32_0 : i32, i32
  }
  func.func @transform_4(%arg0: i32) -> (i32, i32) {
    %c0_i32 = arith.constant 0 : i32
    %c0_i32_0 = arith.constant 0 : i32
    return %arg0, %c0_i32 : i32, i32
  }
  func.func @transform_5(%arg0: i32) -> (i32, i32) {
    %c0_i32 = arith.constant 0 : i32
    %c0_i32_0 = arith.constant 0 : i32
    return %arg0, %c0_i32 : i32, i32
  }
}

module attributes {stable_mosaic.version = 14 : i64} {
  func.func @_edge_mlp_body_acc(%arg0: i32, %arg1: memref<2560x128xf32, #tpu.memory_space<vmem>>, %arg2: memref<2560x64xi32, #tpu.memory_space<vmem>>, %arg3: memref<128x128xf32, #tpu.memory_space<vmem>>, %arg4: memref<128x128xf32, #tpu.memory_space<vmem>>, %arg5: memref<1x128xf32, #tpu.memory_space<vmem>>, %arg6: memref<8x128xf32, #tpu.memory_space<vmem>>, %arg7: memref<2560x128xf32, #tpu.memory_space<vmem>>) attributes {dimension_semantics = [#tpu.dimension_semantics<arbitrary>], iteration_bounds = array<i64: 25>, scalar_prefetch = 0 : i64, scratch_operands = 0 : i64, tpu.core_type = #tpu.core_type<tc>, window_params = [{transform_indices = @transform_0, window_bounds = array<i64: 2560, 128>}, {transform_indices = @transform_1, window_bounds = array<i64: 2560, 64>}, {pipeline_mode = #tpu.pipeline_mode<synchronous>, transform_indices = @transform_2, window_bounds = array<i64: 128, 128>}, {pipeline_mode = #tpu.pipeline_mode<synchronous>, transform_indices = @transform_3, window_bounds = array<i64: 128, 128>}, {pipeline_mode = #tpu.pipeline_mode<synchronous>, transform_indices = @transform_4, window_bounds = array<i64: 1, 128>}, {transform_indices = @transform_5, window_bounds = array<i64: 8, 128>}, {transform_indices = @transform_6, window_bounds = array<i64: 2560, 128>}]} {
    %get3A = arith.constant 0 : index
    %get3A_0 = arith.constant 0 : index
    %get3A_1 = vector.load %arg1[%get3A, %get3A_0] : memref<2560x128xf32, #tpu.memory_space<vmem>>, vector<2560x128xf32>
    %get3A_2 = arith.constant 0 : index
    %get3A_3 = arith.constant 0 : index
    %get3A_4 = vector.load %arg3[%get3A_2, %get3A_3] : memref<128x128xf32, #tpu.memory_space<vmem>>, vector<128x128xf32>
    %dot_general3A = arith.constant dense<0.000000e+00> : vector<2560x128xf32>
    %dot_general3A_5 = tpu.matmul %get3A_1, %get3A_4, %dot_general3A {dimension_numbers = #tpu.dot_dimension_numbers<[1], [1], [0], [0], [0, 0, 1, 0], [], []>, transpose_lhs_hint = false} : vector<2560x128xf32>, vector<128x128xf32>, vector<2560x128xf32> -> vector<2560x128xf32>
    %get3A_6 = arith.constant 0 : index
    %get3A_7 = arith.constant 0 : index
    %get3A_8 = vector.load %arg2[%get3A_6, %get3A_7] : memref<2560x64xi32, #tpu.memory_space<vmem>>, vector<2560x64xi32>
    %shift_left3A = arith.constant 16 : i32
    %shift_left3A_9 = vector.broadcast %shift_left3A : i32 to vector<2560x64xi32>
    %shift_left3A_10 = arith.shli %get3A_8, %shift_left3A_9 : vector<2560x64xi32>
    %bitcast_convert_type3A = tpu.bitcast %shift_left3A_10 : vector<2560x64xi32> -> vector<2560x64xf32>
    %and3A = arith.constant -65536 : i32
    %and3A_11 = vector.broadcast %and3A : i32 to vector<2560x64xi32>
    %and3A_12 = arith.andi %get3A_8, %and3A_11 : vector<2560x64xi32>
    %bitcast_convert_type3A_13 = tpu.bitcast %and3A_12 : vector<2560x64xi32> -> vector<2560x64xf32>
    %concatenate3A = tpu.concatenate %bitcast_convert_type3A, %bitcast_convert_type3A_13 in 1 : vector<2560x64xf32>, vector<2560x64xf32> -> vector<2560x128xf32>
    %add3A = arith.addf %dot_general3A_5, %concatenate3A : vector<2560x128xf32>
    %max3A = arith.constant 0.000000e+00 : f32
    %max3A_14 = vector.broadcast %max3A : f32 to vector<2560x128xf32>
    %max3A_15 = arith.maximumf %add3A, %max3A_14 : vector<2560x128xf32>
    %get3A_16 = arith.constant 0 : index
    %get3A_17 = arith.constant 0 : index
    %get3A_18 = vector.load %arg4[%get3A_16, %get3A_17] : memref<128x128xf32, #tpu.memory_space<vmem>>, vector<128x128xf32>
    %dot_general3A_19 = arith.constant dense<0.000000e+00> : vector<2560x128xf32>
    %dot_general3A_20 = tpu.matmul %max3A_15, %get3A_18, %dot_general3A_19 {dimension_numbers = #tpu.dot_dimension_numbers<[1], [1], [0], [0], [0, 0, 1, 0], [], []>, transpose_lhs_hint = false} : vector<2560x128xf32>, vector<128x128xf32>, vector<2560x128xf32> -> vector<2560x128xf32>
    %get3A_21 = arith.constant 0 : index
    %get3A_22 = arith.constant 0 : index
    %get3A_23 = vector.load %arg5[%get3A_21, %get3A_22] : memref<1x128xf32, #tpu.memory_space<vmem>>, vector<1x128xf32>
    %add3A_24 = vector.broadcast %get3A_23 : vector<1x128xf32> to vector<2560x128xf32>
    %add3A_25 = arith.addf %dot_general3A_20, %add3A_24 : vector<2560x128xf32>
    %swap3A = arith.constant 0 : index
    %swap3A_26 = arith.constant 0 : index
    %swap3A_27 = vector.load %arg7[%swap3A, %swap3A_26] : memref<2560x128xf32, #tpu.memory_space<vmem>>, vector<2560x128xf32>
    tpu.vector_store %arg7[%swap3A, %swap3A_26], %add3A_25 {strides = array<i32>} : memref<2560x128xf32, #tpu.memory_space<vmem>>, vector<2560x128xf32>,
    return
  }
  func.func @transform_0(%arg0: i32) -> (i32, i32) {
    %add3A = arith.constant 25 : i32
    %add3A_0 = arith.addi %add3A, %arg0 : i32
    %c0_i32 = arith.constant 0 : i32
    %c0_i32_1 = arith.constant 0 : i32
    return %add3A_0, %c0_i32 : i32, i32
  }
  func.func @transform_1(%arg0: i32) -> (i32, i32) {
    %c0_i32 = arith.constant 0 : i32
    %c0_i32_0 = arith.constant 0 : i32
    return %arg0, %c0_i32 : i32, i32
  }
  func.func @transform_2(%arg0: i32) -> (i32, i32) {
    %c0_i32 = arith.constant 0 : i32
    %c0_i32_0 = arith.constant 0 : i32
    %c0_i32_1 = arith.constant 0 : i32
    return %c0_i32, %c0_i32_0 : i32, i32
  }
  func.func @transform_3(%arg0: i32) -> (i32, i32) {
    %c0_i32 = arith.constant 0 : i32
    %c0_i32_0 = arith.constant 0 : i32
    %c0_i32_1 = arith.constant 0 : i32
    return %c0_i32, %c0_i32_0 : i32, i32
  }
  func.func @transform_4(%arg0: i32) -> (i32, i32) {
    %c0_i32 = arith.constant 0 : i32
    %c0_i32_0 = arith.constant 0 : i32
    %c0_i32_1 = arith.constant 0 : i32
    return %c0_i32, %c0_i32_0 : i32, i32
  }
  func.func @transform_5(%arg0: i32) -> (i32, i32) {
    %c0_i32 = arith.constant 0 : i32
    %c0_i32_0 = arith.constant 0 : i32
    %c0_i32_1 = arith.constant 0 : i32
    return %c0_i32, %c0_i32_0 : i32, i32
  }
  func.func @transform_6(%arg0: i32) -> (i32, i32) {
    %add3A = arith.constant 25 : i32
    %add3A_0 = arith.addi %add3A, %arg0 : i32
    %c0_i32 = arith.constant 0 : i32
    %c0_i32_1 = arith.constant 0 : i32
    return %add3A_0, %c0_i32 : i32, i32
  }
}

module attributes {stable_mosaic.version = 14 : i64} {
  func.func @_edge_mlp_body(%arg0: i32, %arg1: memref<2560x128xf32, #tpu.memory_space<vmem>>, %arg2: memref<2560x64xi32, #tpu.memory_space<vmem>>, %arg3: memref<128x128xf32, #tpu.memory_space<vmem>>, %arg4: memref<128x128xf32, #tpu.memory_space<vmem>>, %arg5: memref<1x128xf32, #tpu.memory_space<vmem>>, %arg6: memref<2560x128xf32, #tpu.memory_space<vmem>>) attributes {dimension_semantics = [#tpu.dimension_semantics<arbitrary>], iteration_bounds = array<i64: 25>, scalar_prefetch = 0 : i64, scratch_operands = 0 : i64, tpu.core_type = #tpu.core_type<tc>, window_params = [{transform_indices = @transform_0, window_bounds = array<i64: 2560, 128>}, {transform_indices = @transform_1, window_bounds = array<i64: 2560, 64>}, {pipeline_mode = #tpu.pipeline_mode<synchronous>, transform_indices = @transform_2, window_bounds = array<i64: 128, 128>}, {pipeline_mode = #tpu.pipeline_mode<synchronous>, transform_indices = @transform_3, window_bounds = array<i64: 128, 128>}, {pipeline_mode = #tpu.pipeline_mode<synchronous>, transform_indices = @transform_4, window_bounds = array<i64: 1, 128>}, {transform_indices = @transform_5, window_bounds = array<i64: 2560, 128>}]} {
    %get3A = arith.constant 0 : index
    %get3A_0 = arith.constant 0 : index
    %get3A_1 = vector.load %arg1[%get3A, %get3A_0] : memref<2560x128xf32, #tpu.memory_space<vmem>>, vector<2560x128xf32>
    %get3A_2 = arith.constant 0 : index
    %get3A_3 = arith.constant 0 : index
    %get3A_4 = vector.load %arg3[%get3A_2, %get3A_3] : memref<128x128xf32, #tpu.memory_space<vmem>>, vector<128x128xf32>
    %dot_general3A = arith.constant dense<0.000000e+00> : vector<2560x128xf32>
    %dot_general3A_5 = tpu.matmul %get3A_1, %get3A_4, %dot_general3A {dimension_numbers = #tpu.dot_dimension_numbers<[1], [1], [0], [0], [0, 0, 1, 0], [], []>, transpose_lhs_hint = false} : vector<2560x128xf32>, vector<128x128xf32>, vector<2560x128xf32> -> vector<2560x128xf32>
    %get3A_6 = arith.constant 0 : index
    %get3A_7 = arith.constant 0 : index
    %get3A_8 = vector.load %arg2[%get3A_6, %get3A_7] : memref<2560x64xi32, #tpu.memory_space<vmem>>, vector<2560x64xi32>
    %shift_left3A = arith.constant 16 : i32
    %shift_left3A_9 = vector.broadcast %shift_left3A : i32 to vector<2560x64xi32>
    %shift_left3A_10 = arith.shli %get3A_8, %shift_left3A_9 : vector<2560x64xi32>
    %bitcast_convert_type3A = tpu.bitcast %shift_left3A_10 : vector<2560x64xi32> -> vector<2560x64xf32>
    %and3A = arith.constant -65536 : i32
    %and3A_11 = vector.broadcast %and3A : i32 to vector<2560x64xi32>
    %and3A_12 = arith.andi %get3A_8, %and3A_11 : vector<2560x64xi32>
    %bitcast_convert_type3A_13 = tpu.bitcast %and3A_12 : vector<2560x64xi32> -> vector<2560x64xf32>
    %concatenate3A = tpu.concatenate %bitcast_convert_type3A, %bitcast_convert_type3A_13 in 1 : vector<2560x64xf32>, vector<2560x64xf32> -> vector<2560x128xf32>
    %add3A = arith.addf %dot_general3A_5, %concatenate3A : vector<2560x128xf32>
    %max3A = arith.constant 0.000000e+00 : f32
    %max3A_14 = vector.broadcast %max3A : f32 to vector<2560x128xf32>
    %max3A_15 = arith.maximumf %add3A, %max3A_14 : vector<2560x128xf32>
    %get3A_16 = arith.constant 0 : index
    %get3A_17 = arith.constant 0 : index
    %get3A_18 = vector.load %arg4[%get3A_16, %get3A_17] : memref<128x128xf32, #tpu.memory_space<vmem>>, vector<128x128xf32>
    %dot_general3A_19 = arith.constant dense<0.000000e+00> : vector<2560x128xf32>
    %dot_general3A_20 = tpu.matmul %max3A_15, %get3A_18, %dot_general3A_19 {dimension_numbers = #tpu.dot_dimension_numbers<[1], [1], [0], [0], [0, 0, 1, 0], [], []>, transpose_lhs_hint = false} : vector<2560x128xf32>, vector<128x128xf32>, vector<2560x128xf32> -> vector<2560x128xf32>
    %get3A_21 = arith.constant 0 : index
    %get3A_22 = arith.constant 0 : index
    %get3A_23 = vector.load %arg5[%get3A_21, %get3A_22] : memref<1x128xf32, #tpu.memory_space<vmem>>, vector<1x128xf32>
    %add3A_24 = vector.broadcast %get3A_23 : vector<1x128xf32> to vector<2560x128xf32>
    %add3A_25 = arith.addf %dot_general3A_20, %add3A_24 : vector<2560x128xf32>
    %swap3A = arith.constant 0 : index
    %swap3A_26 = arith.constant 0 : index
    %swap3A_27 = vector.load %arg6[%swap3A, %swap3A_26] : memref<2560x128xf32, #tpu.memory_space<vmem>>, vector<2560x128xf32>
    tpu.vector_store %arg6[%swap3A, %swap3A_26], %add3A_25 {strides = array<i32>} : memref<2560x128xf32, #tpu.memory_space<vmem>>, vector<2560x128xf32>,
    return
  }
  func.func @transform_0(%arg0: i32) -> (i32, i32) {
    %add3A = arith.constant 0 : i32
    %add3A_0 = arith.addi %add3A, %arg0 : i32
    %c0_i32 = arith.constant 0 : i32
    %c0_i32_1 = arith.constant 0 : i32
    return %add3A_0, %c0_i32 : i32, i32
  }
  func.func @transform_1(%arg0: i32) -> (i32, i32) {
    %c0_i32 = arith.constant 0 : i32
    %c0_i32_0 = arith.constant 0 : i32
    return %arg0, %c0_i32 : i32, i32
  }
  func.func @transform_2(%arg0: i32) -> (i32, i32) {
    %c0_i32 = arith.constant 0 : i32
    %c0_i32_0 = arith.constant 0 : i32
    %c0_i32_1 = arith.constant 0 : i32
    return %c0_i32, %c0_i32_0 : i32, i32
  }
  func.func @transform_3(%arg0: i32) -> (i32, i32) {
    %c0_i32 = arith.constant 0 : i32
    %c0_i32_0 = arith.constant 0 : i32
    %c0_i32_1 = arith.constant 0 : i32
    return %c0_i32, %c0_i32_0 : i32, i32
  }
  func.func @transform_4(%arg0: i32) -> (i32, i32) {
    %c0_i32 = arith.constant 0 : i32
    %c0_i32_0 = arith.constant 0 : i32
    %c0_i32_1 = arith.constant 0 : i32
    return %c0_i32, %c0_i32_0 : i32, i32
  }
  func.func @transform_5(%arg0: i32) -> (i32, i32) {
    %add3A = arith.constant 0 : i32
    %add3A_0 = arith.addi %add3A, %arg0 : i32
    %c0_i32 = arith.constant 0 : i32
    %c0_i32_1 = arith.constant 0 : i32
    return %add3A_0, %c0_i32 : i32, i32
  }
}

module attributes {stable_mosaic.version = 14 : i64} {
  func.func @_edge_mlp_body_acc(%arg0: i32, %arg1: memref<2560x128xf32, #tpu.memory_space<vmem>>, %arg2: memref<2560x64xi32, #tpu.memory_space<vmem>>, %arg3: memref<128x128xf32, #tpu.memory_space<vmem>>, %arg4: memref<128x128xf32, #tpu.memory_space<vmem>>, %arg5: memref<1x128xf32, #tpu.memory_space<vmem>>, %arg6: memref<8x128xf32, #tpu.memory_space<vmem>>, %arg7: memref<2560x128xf32, #tpu.memory_space<vmem>>) attributes {dimension_semantics = [#tpu.dimension_semantics<arbitrary>], iteration_bounds = array<i64: 25>, scalar_prefetch = 0 : i64, scratch_operands = 0 : i64, tpu.core_type = #tpu.core_type<tc>, window_params = [{transform_indices = @transform_0, window_bounds = array<i64: 2560, 128>}, {transform_indices = @transform_1, window_bounds = array<i64: 2560, 64>}, {pipeline_mode = #tpu.pipeline_mode<synchronous>, transform_indices = @transform_2, window_bounds = array<i64: 128, 128>}, {pipeline_mode = #tpu.pipeline_mode<synchronous>, transform_indices = @transform_3, window_bounds = array<i64: 128, 128>}, {pipeline_mode = #tpu.pipeline_mode<synchronous>, transform_indices = @transform_4, window_bounds = array<i64: 1, 128>}, {transform_indices = @transform_5, window_bounds = array<i64: 8, 128>}, {transform_indices = @transform_6, window_bounds = array<i64: 2560, 128>}]} {
    %get3A = arith.constant 0 : index
    %get3A_0 = arith.constant 0 : index
    %get3A_1 = vector.load %arg1[%get3A, %get3A_0] : memref<2560x128xf32, #tpu.memory_space<vmem>>, vector<2560x128xf32>
    %get3A_2 = arith.constant 0 : index
    %get3A_3 = arith.constant 0 : index
    %get3A_4 = vector.load %arg3[%get3A_2, %get3A_3] : memref<128x128xf32, #tpu.memory_space<vmem>>, vector<128x128xf32>
    %dot_general3A = arith.constant dense<0.000000e+00> : vector<2560x128xf32>
    %dot_general3A_5 = tpu.matmul %get3A_1, %get3A_4, %dot_general3A {dimension_numbers = #tpu.dot_dimension_numbers<[1], [1], [0], [0], [0, 0, 1, 0], [], []>, transpose_lhs_hint = false} : vector<2560x128xf32>, vector<128x128xf32>, vector<2560x128xf32> -> vector<2560x128xf32>
    %get3A_6 = arith.constant 0 : index
    %get3A_7 = arith.constant 0 : index
    %get3A_8 = vector.load %arg2[%get3A_6, %get3A_7] : memref<2560x64xi32, #tpu.memory_space<vmem>>, vector<2560x64xi32>
    %shift_left3A = arith.constant 16 : i32
    %shift_left3A_9 = vector.broadcast %shift_left3A : i32 to vector<2560x64xi32>
    %shift_left3A_10 = arith.shli %get3A_8, %shift_left3A_9 : vector<2560x64xi32>
    %bitcast_convert_type3A = tpu.bitcast %shift_left3A_10 : vector<2560x64xi32> -> vector<2560x64xf32>
    %and3A = arith.constant -65536 : i32
    %and3A_11 = vector.broadcast %and3A : i32 to vector<2560x64xi32>
    %and3A_12 = arith.andi %get3A_8, %and3A_11 : vector<2560x64xi32>
    %bitcast_convert_type3A_13 = tpu.bitcast %and3A_12 : vector<2560x64xi32> -> vector<2560x64xf32>
    %concatenate3A = tpu.concatenate %bitcast_convert_type3A, %bitcast_convert_type3A_13 in 1 : vector<2560x64xf32>, vector<2560x64xf32> -> vector<2560x128xf32>
    %add3A = arith.addf %dot_general3A_5, %concatenate3A : vector<2560x128xf32>
    %max3A = arith.constant 0.000000e+00 : f32
    %max3A_14 = vector.broadcast %max3A : f32 to vector<2560x128xf32>
    %max3A_15 = arith.maximumf %add3A, %max3A_14 : vector<2560x128xf32>
    %get3A_16 = arith.constant 0 : index
    %get3A_17 = arith.constant 0 : index
    %get3A_18 = vector.load %arg4[%get3A_16, %get3A_17] : memref<128x128xf32, #tpu.memory_space<vmem>>, vector<128x128xf32>
    %dot_general3A_19 = arith.constant dense<0.000000e+00> : vector<2560x128xf32>
    %dot_general3A_20 = tpu.matmul %max3A_15, %get3A_18, %dot_general3A_19 {dimension_numbers = #tpu.dot_dimension_numbers<[1], [1], [0], [0], [0, 0, 1, 0], [], []>, transpose_lhs_hint = false} : vector<2560x128xf32>, vector<128x128xf32>, vector<2560x128xf32> -> vector<2560x128xf32>
    %get3A_21 = arith.constant 0 : index
    %get3A_22 = arith.constant 0 : index
    %get3A_23 = vector.load %arg5[%get3A_21, %get3A_22] : memref<1x128xf32, #tpu.memory_space<vmem>>, vector<1x128xf32>
    %add3A_24 = vector.broadcast %get3A_23 : vector<1x128xf32> to vector<2560x128xf32>
    %add3A_25 = arith.addf %dot_general3A_20, %add3A_24 : vector<2560x128xf32>
    %swap3A = arith.constant 0 : index
    %swap3A_26 = arith.constant 0 : index
    %swap3A_27 = vector.load %arg7[%swap3A, %swap3A_26] : memref<2560x128xf32, #tpu.memory_space<vmem>>, vector<2560x128xf32>
    tpu.vector_store %arg7[%swap3A, %swap3A_26], %add3A_25 {strides = array<i32>} : memref<2560x128xf32, #tpu.memory_space<vmem>>, vector<2560x128xf32>,
    return
  }
  func.func @transform_0(%arg0: i32) -> (i32, i32) {
    %add3A = arith.constant 50 : i32
    %add3A_0 = arith.addi %add3A, %arg0 : i32
    %c0_i32 = arith.constant 0 : i32
    %c0_i32_1 = arith.constant 0 : i32
    return %add3A_0, %c0_i32 : i32, i32
  }
  func.func @transform_1(%arg0: i32) -> (i32, i32) {
    %c0_i32 = arith.constant 0 : i32
    %c0_i32_0 = arith.constant 0 : i32
    return %arg0, %c0_i32 : i32, i32
  }
  func.func @transform_2(%arg0: i32) -> (i32, i32) {
    %c0_i32 = arith.constant 0 : i32
    %c0_i32_0 = arith.constant 0 : i32
    %c0_i32_1 = arith.constant 0 : i32
    return %c0_i32, %c0_i32_0 : i32, i32
  }
  func.func @transform_3(%arg0: i32) -> (i32, i32) {
    %c0_i32 = arith.constant 0 : i32
    %c0_i32_0 = arith.constant 0 : i32
    %c0_i32_1 = arith.constant 0 : i32
    return %c0_i32, %c0_i32_0 : i32, i32
  }
  func.func @transform_4(%arg0: i32) -> (i32, i32) {
    %c0_i32 = arith.constant 0 : i32
    %c0_i32_0 = arith.constant 0 : i32
    %c0_i32_1 = arith.constant 0 : i32
    return %c0_i32, %c0_i32_0 : i32, i32
  }
  func.func @transform_5(%arg0: i32) -> (i32, i32) {
    %c0_i32 = arith.constant 0 : i32
    %c0_i32_0 = arith.constant 0 : i32
    %c0_i32_1 = arith.constant 0 : i32
    return %c0_i32, %c0_i32_0 : i32, i32
  }
  func.func @transform_6(%arg0: i32) -> (i32, i32) {
    %add3A = arith.constant 50 : i32
    %add3A_0 = arith.addi %add3A, %arg0 : i32
    %c0_i32 = arith.constant 0 : i32
    %c0_i32_1 = arith.constant 0 : i32
    return %add3A_0, %c0_i32 : i32, i32
  }
}

module attributes {stable_mosaic.version = 14 : i64} {
  func.func @_edge_mlp_body_acc(%arg0: i32, %arg1: memref<2560x128xf32, #tpu.memory_space<vmem>>, %arg2: memref<2560x64xi32, #tpu.memory_space<vmem>>, %arg3: memref<128x128xf32, #tpu.memory_space<vmem>>, %arg4: memref<128x128xf32, #tpu.memory_space<vmem>>, %arg5: memref<1x128xf32, #tpu.memory_space<vmem>>, %arg6: memref<8x128xf32, #tpu.memory_space<vmem>>, %arg7: memref<2560x128xf32, #tpu.memory_space<vmem>>) attributes {dimension_semantics = [#tpu.dimension_semantics<arbitrary>], iteration_bounds = array<i64: 25>, scalar_prefetch = 0 : i64, scratch_operands = 0 : i64, tpu.core_type = #tpu.core_type<tc>, window_params = [{transform_indices = @transform_0, window_bounds = array<i64: 2560, 128>}, {transform_indices = @transform_1, window_bounds = array<i64: 2560, 64>}, {pipeline_mode = #tpu.pipeline_mode<synchronous>, transform_indices = @transform_2, window_bounds = array<i64: 128, 128>}, {pipeline_mode = #tpu.pipeline_mode<synchronous>, transform_indices = @transform_3, window_bounds = array<i64: 128, 128>}, {pipeline_mode = #tpu.pipeline_mode<synchronous>, transform_indices = @transform_4, window_bounds = array<i64: 1, 128>}, {transform_indices = @transform_5, window_bounds = array<i64: 8, 128>}, {transform_indices = @transform_6, window_bounds = array<i64: 2560, 128>}]} {
    %get3A = arith.constant 0 : index
    %get3A_0 = arith.constant 0 : index
    %get3A_1 = vector.load %arg1[%get3A, %get3A_0] : memref<2560x128xf32, #tpu.memory_space<vmem>>, vector<2560x128xf32>
    %get3A_2 = arith.constant 0 : index
    %get3A_3 = arith.constant 0 : index
    %get3A_4 = vector.load %arg3[%get3A_2, %get3A_3] : memref<128x128xf32, #tpu.memory_space<vmem>>, vector<128x128xf32>
    %dot_general3A = arith.constant dense<0.000000e+00> : vector<2560x128xf32>
    %dot_general3A_5 = tpu.matmul %get3A_1, %get3A_4, %dot_general3A {dimension_numbers = #tpu.dot_dimension_numbers<[1], [1], [0], [0], [0, 0, 1, 0], [], []>, transpose_lhs_hint = false} : vector<2560x128xf32>, vector<128x128xf32>, vector<2560x128xf32> -> vector<2560x128xf32>
    %get3A_6 = arith.constant 0 : index
    %get3A_7 = arith.constant 0 : index
    %get3A_8 = vector.load %arg2[%get3A_6, %get3A_7] : memref<2560x64xi32, #tpu.memory_space<vmem>>, vector<2560x64xi32>
    %shift_left3A = arith.constant 16 : i32
    %shift_left3A_9 = vector.broadcast %shift_left3A : i32 to vector<2560x64xi32>
    %shift_left3A_10 = arith.shli %get3A_8, %shift_left3A_9 : vector<2560x64xi32>
    %bitcast_convert_type3A = tpu.bitcast %shift_left3A_10 : vector<2560x64xi32> -> vector<2560x64xf32>
    %and3A = arith.constant -65536 : i32
    %and3A_11 = vector.broadcast %and3A : i32 to vector<2560x64xi32>
    %and3A_12 = arith.andi %get3A_8, %and3A_11 : vector<2560x64xi32>
    %bitcast_convert_type3A_13 = tpu.bitcast %and3A_12 : vector<2560x64xi32> -> vector<2560x64xf32>
    %concatenate3A = tpu.concatenate %bitcast_convert_type3A, %bitcast_convert_type3A_13 in 1 : vector<2560x64xf32>, vector<2560x64xf32> -> vector<2560x128xf32>
    %add3A = arith.addf %dot_general3A_5, %concatenate3A : vector<2560x128xf32>
    %max3A = arith.constant 0.000000e+00 : f32
    %max3A_14 = vector.broadcast %max3A : f32 to vector<2560x128xf32>
    %max3A_15 = arith.maximumf %add3A, %max3A_14 : vector<2560x128xf32>
    %get3A_16 = arith.constant 0 : index
    %get3A_17 = arith.constant 0 : index
    %get3A_18 = vector.load %arg4[%get3A_16, %get3A_17] : memref<128x128xf32, #tpu.memory_space<vmem>>, vector<128x128xf32>
    %dot_general3A_19 = arith.constant dense<0.000000e+00> : vector<2560x128xf32>
    %dot_general3A_20 = tpu.matmul %max3A_15, %get3A_18, %dot_general3A_19 {dimension_numbers = #tpu.dot_dimension_numbers<[1], [1], [0], [0], [0, 0, 1, 0], [], []>, transpose_lhs_hint = false} : vector<2560x128xf32>, vector<128x128xf32>, vector<2560x128xf32> -> vector<2560x128xf32>
    %get3A_21 = arith.constant 0 : index
    %get3A_22 = arith.constant 0 : index
    %get3A_23 = vector.load %arg5[%get3A_21, %get3A_22] : memref<1x128xf32, #tpu.memory_space<vmem>>, vector<1x128xf32>
    %add3A_24 = vector.broadcast %get3A_23 : vector<1x128xf32> to vector<2560x128xf32>
    %add3A_25 = arith.addf %dot_general3A_20, %add3A_24 : vector<2560x128xf32>
    %swap3A = arith.constant 0 : index
    %swap3A_26 = arith.constant 0 : index
    %swap3A_27 = vector.load %arg7[%swap3A, %swap3A_26] : memref<2560x128xf32, #tpu.memory_space<vmem>>, vector<2560x128xf32>
    tpu.vector_store %arg7[%swap3A, %swap3A_26], %add3A_25 {strides = array<i32>} : memref<2560x128xf32, #tpu.memory_space<vmem>>, vector<2560x128xf32>,
    return
  }
  func.func @transform_0(%arg0: i32) -> (i32, i32) {
    %add3A = arith.constant 75 : i32
    %add3A_0 = arith.addi %add3A, %arg0 : i32
    %c0_i32 = arith.constant 0 : i32
    %c0_i32_1 = arith.constant 0 : i32
    return %add3A_0, %c0_i32 : i32, i32
  }
  func.func @transform_1(%arg0: i32) -> (i32, i32) {
    %c0_i32 = arith.constant 0 : i32
    %c0_i32_0 = arith.constant 0 : i32
    return %arg0, %c0_i32 : i32, i32
  }
  func.func @transform_2(%arg0: i32) -> (i32, i32) {
    %c0_i32 = arith.constant 0 : i32
    %c0_i32_0 = arith.constant 0 : i32
    %c0_i32_1 = arith.constant 0 : i32
    return %c0_i32, %c0_i32_0 : i32, i32
  }
  func.func @transform_3(%arg0: i32) -> (i32, i32) {
    %c0_i32 = arith.constant 0 : i32
    %c0_i32_0 = arith.constant 0 : i32
    %c0_i32_1 = arith.constant 0 : i32
    return %c0_i32, %c0_i32_0 : i32, i32
  }
  func.func @transform_4(%arg0: i32) -> (i32, i32) {
    %c0_i32 = arith.constant 0 : i32
    %c0_i32_0 = arith.constant 0 : i32
    %c0_i32_1 = arith.constant 0 : i32
    return %c0_i32, %c0_i32_0 : i32, i32
  }
  func.func @transform_5(%arg0: i32) -> (i32, i32) {
    %c0_i32 = arith.constant 0 : i32
    %c0_i32_0 = arith.constant 0 : i32
    %c0_i32_1 = arith.constant 0 : i32
    return %c0_i32, %c0_i32_0 : i32, i32
  }
  func.func @transform_6(%arg0: i32) -> (i32, i32) {
    %add3A = arith.constant 75 : i32
    %add3A_0 = arith.addi %add3A, %arg0 : i32
    %c0_i32 = arith.constant 0 : i32
    %c0_i32_1 = arith.constant 0 : i32
    return %add3A_0, %c0_i32 : i32, i32
  }
}

module attributes {stable_mosaic.version = 14 : i64} {
  func.func @_edge_mlp_body_acc(%arg0: i32, %arg1: memref<2560x128xf32, #tpu.memory_space<vmem>>, %arg2: memref<2560x64xi32, #tpu.memory_space<vmem>>, %arg3: memref<128x128xf32, #tpu.memory_space<vmem>>, %arg4: memref<128x128xf32, #tpu.memory_space<vmem>>, %arg5: memref<1x128xf32, #tpu.memory_space<vmem>>, %arg6: memref<8x128xf32, #tpu.memory_space<vmem>>, %arg7: memref<2560x128xf32, #tpu.memory_space<vmem>>) attributes {dimension_semantics = [#tpu.dimension_semantics<arbitrary>], iteration_bounds = array<i64: 25>, scalar_prefetch = 0 : i64, scratch_operands = 0 : i64, tpu.core_type = #tpu.core_type<tc>, window_params = [{transform_indices = @transform_0, window_bounds = array<i64: 2560, 128>}, {transform_indices = @transform_1, window_bounds = array<i64: 2560, 64>}, {pipeline_mode = #tpu.pipeline_mode<synchronous>, transform_indices = @transform_2, window_bounds = array<i64: 128, 128>}, {pipeline_mode = #tpu.pipeline_mode<synchronous>, transform_indices = @transform_3, window_bounds = array<i64: 128, 128>}, {pipeline_mode = #tpu.pipeline_mode<synchronous>, transform_indices = @transform_4, window_bounds = array<i64: 1, 128>}, {transform_indices = @transform_5, window_bounds = array<i64: 8, 128>}, {transform_indices = @transform_6, window_bounds = array<i64: 2560, 128>}]} {
    %get3A = arith.constant 0 : index
    %get3A_0 = arith.constant 0 : index
    %get3A_1 = vector.load %arg1[%get3A, %get3A_0] : memref<2560x128xf32, #tpu.memory_space<vmem>>, vector<2560x128xf32>
    %get3A_2 = arith.constant 0 : index
    %get3A_3 = arith.constant 0 : index
    %get3A_4 = vector.load %arg3[%get3A_2, %get3A_3] : memref<128x128xf32, #tpu.memory_space<vmem>>, vector<128x128xf32>
    %dot_general3A = arith.constant dense<0.000000e+00> : vector<2560x128xf32>
    %dot_general3A_5 = tpu.matmul %get3A_1, %get3A_4, %dot_general3A {dimension_numbers = #tpu.dot_dimension_numbers<[1], [1], [0], [0], [0, 0, 1, 0], [], []>, transpose_lhs_hint = false} : vector<2560x128xf32>, vector<128x128xf32>, vector<2560x128xf32> -> vector<2560x128xf32>
    %get3A_6 = arith.constant 0 : index
    %get3A_7 = arith.constant 0 : index
    %get3A_8 = vector.load %arg2[%get3A_6, %get3A_7] : memref<2560x64xi32, #tpu.memory_space<vmem>>, vector<2560x64xi32>
    %shift_left3A = arith.constant 16 : i32
    %shift_left3A_9 = vector.broadcast %shift_left3A : i32 to vector<2560x64xi32>
    %shift_left3A_10 = arith.shli %get3A_8, %shift_left3A_9 : vector<2560x64xi32>
    %bitcast_convert_type3A = tpu.bitcast %shift_left3A_10 : vector<2560x64xi32> -> vector<2560x64xf32>
    %and3A = arith.constant -65536 : i32
    %and3A_11 = vector.broadcast %and3A : i32 to vector<2560x64xi32>
    %and3A_12 = arith.andi %get3A_8, %and3A_11 : vector<2560x64xi32>
    %bitcast_convert_type3A_13 = tpu.bitcast %and3A_12 : vector<2560x64xi32> -> vector<2560x64xf32>
    %concatenate3A = tpu.concatenate %bitcast_convert_type3A, %bitcast_convert_type3A_13 in 1 : vector<2560x64xf32>, vector<2560x64xf32> -> vector<2560x128xf32>
    %add3A = arith.addf %dot_general3A_5, %concatenate3A : vector<2560x128xf32>
    %max3A = arith.constant 0.000000e+00 : f32
    %max3A_14 = vector.broadcast %max3A : f32 to vector<2560x128xf32>
    %max3A_15 = arith.maximumf %add3A, %max3A_14 : vector<2560x128xf32>
    %get3A_16 = arith.constant 0 : index
    %get3A_17 = arith.constant 0 : index
    %get3A_18 = vector.load %arg4[%get3A_16, %get3A_17] : memref<128x128xf32, #tpu.memory_space<vmem>>, vector<128x128xf32>
    %dot_general3A_19 = arith.constant dense<0.000000e+00> : vector<2560x128xf32>
    %dot_general3A_20 = tpu.matmul %max3A_15, %get3A_18, %dot_general3A_19 {dimension_numbers = #tpu.dot_dimension_numbers<[1], [1], [0], [0], [0, 0, 1, 0], [], []>, transpose_lhs_hint = false} : vector<2560x128xf32>, vector<128x128xf32>, vector<2560x128xf32> -> vector<2560x128xf32>
    %get3A_21 = arith.constant 0 : index
    %get3A_22 = arith.constant 0 : index
    %get3A_23 = vector.load %arg5[%get3A_21, %get3A_22] : memref<1x128xf32, #tpu.memory_space<vmem>>, vector<1x128xf32>
    %add3A_24 = vector.broadcast %get3A_23 : vector<1x128xf32> to vector<2560x128xf32>
    %add3A_25 = arith.addf %dot_general3A_20, %add3A_24 : vector<2560x128xf32>
    %swap3A = arith.constant 0 : index
    %swap3A_26 = arith.constant 0 : index
    %swap3A_27 = vector.load %arg7[%swap3A, %swap3A_26] : memref<2560x128xf32, #tpu.memory_space<vmem>>, vector<2560x128xf32>
    tpu.vector_store %arg7[%swap3A, %swap3A_26], %add3A_25 {strides = array<i32>} : memref<2560x128xf32, #tpu.memory_space<vmem>>, vector<2560x128xf32>,
    return
  }
  func.func @transform_0(%arg0: i32) -> (i32, i32) {
    %add3A = arith.constant 100 : i32
    %add3A_0 = arith.addi %add3A, %arg0 : i32
    %c0_i32 = arith.constant 0 : i32
    %c0_i32_1 = arith.constant 0 : i32
    return %add3A_0, %c0_i32 : i32, i32
  }
  func.func @transform_1(%arg0: i32) -> (i32, i32) {
    %c0_i32 = arith.constant 0 : i32
    %c0_i32_0 = arith.constant 0 : i32
    return %arg0, %c0_i32 : i32, i32
  }
  func.func @transform_2(%arg0: i32) -> (i32, i32) {
    %c0_i32 = arith.constant 0 : i32
    %c0_i32_0 = arith.constant 0 : i32
    %c0_i32_1 = arith.constant 0 : i32
    return %c0_i32, %c0_i32_0 : i32, i32
  }
  func.func @transform_3(%arg0: i32) -> (i32, i32) {
    %c0_i32 = arith.constant 0 : i32
    %c0_i32_0 = arith.constant 0 : i32
    %c0_i32_1 = arith.constant 0 : i32
    return %c0_i32, %c0_i32_0 : i32, i32
  }
  func.func @transform_4(%arg0: i32) -> (i32, i32) {
    %c0_i32 = arith.constant 0 : i32
    %c0_i32_0 = arith.constant 0 : i32
    %c0_i32_1 = arith.constant 0 : i32
    return %c0_i32, %c0_i32_0 : i32, i32
  }
  func.func @transform_5(%arg0: i32) -> (i32, i32) {
    %c0_i32 = arith.constant 0 : i32
    %c0_i32_0 = arith.constant 0 : i32
    %c0_i32_1 = arith.constant 0 : i32
    return %c0_i32, %c0_i32_0 : i32, i32
  }
  func.func @transform_6(%arg0: i32) -> (i32, i32) {
    %add3A = arith.constant 100 : i32
    %add3A_0 = arith.addi %add3A, %arg0 : i32
    %c0_i32 = arith.constant 0 : i32
    %c0_i32_1 = arith.constant 0 : i32
    return %add3A_0, %c0_i32 : i32, i32
  }
}

</mosaic_0001>

<sc_bundles>
// kernel: kernel.13.cloned.1.call-start
scs
__scs_entry_jumppad:
0x0: {  	(pc) =	sbr.rel $0x88, $3  }
0x1: {  	(tag) =	ssettag $0x0;
	lr =	simm.s32 $0x1  }
0x2: {  	[smem:$0x3F98] =	sst lr;
	_ =	strace $0xD0000000  }
0x3: {  	_ = 	snop  }
0x4: {  	_ = 	snop  }
0x5: {  	_ = 	snop  }
0x6: {  	_ = 	snop  }
0x7: {  	_ = 	snop  }
__scs_overlays_trampoline_lowered:
0x8: {  	[smem:$0x3FA7] =	sst s0  }
0x9: {  	[smem:$0x3FA8] =	sst s1  }
0xa: {  	[smem:$0x3FA9] =	sst s2  }
0xb: {  	[smem:$0x3FAA] =	sst s3  }
0xc: {  	[smem:$0x3FAB] =	sst s4  }
0xd: {  	[smem:$0x3FAC] =	sst s5  }
0xe: {  	[smem:$0x3FAD] =	sst s6  }
0xf: {  	[smem:$0x3FAE] =	sst s7  }
0x10: {  	[smem:$0x3FAF] =	sst s8  }
0x11: {  	[smem:$0x3FB0] =	sst s9;
	s0 =	simm.s32 @!p0 $0x0  }
0x12: {  	s1 =	sld [smem:$0x3F96];
	s0 =	simm.s32 @p0 $0x1  }
0x13: {  	[smem:$0x3FB1] =	sst s0;
	s0 =	simm.s32 @!p1 $0x0  }
0x14: {  	s2 =	sld [smem:$0x3F95];
	s0 =	simm.s32 @p1 $0x1  }
0x15: {  	[smem:$0x3FB2] =	sst s0;
	s0 =	simm.s32 @!p2 $0x0  }
0x16: {  	s3 =	sld [smem:$0x3FDB];
	s0 =	simm.s32 @p2 $0x1  }
0x17: {  	s4 =	simm.s32 $0x1BF5;
	[smem:$0x3FB4] =	sst s0  }
0x18: {  	s0 =	sld [smem:$0x3F97];
	_ =	swait.ge [sflag:s4], $0x0  }
0x19: {  	s7 =	sld [smem:$0x3F98]  }
0x1a: {  	s8 =	sadd.s32 $0xFFFFE003, lr  }
0x1b: {  	s9 =	sadd.s32 $0xFFFFFEF7, lr;
	s5 =	simm.s32 $0xFFFFFFFF;
	p2 =	slt.u32 s8, $0xFFFFF086  }
0x1c: {  	p1 =	slt.u32 s9, $0xF7A;
	s5 =	simm.s32 @!p2 $0x0  }
0x1d: {  	s5 =	simm.s32 @p1 $0x1;
	p0 =	seq.s32 s7, s2  }
0x1e: {  	s7 =	smul.u32 @!p0 $0xF7A, s2;
	p2 =	seq.s32 @!p0 s5, $0x0  }
0x1f: {  	s9 =	smul.u32 $0xF7A, s1;
	s8 =	simm.s32 @!p0 $0x1BF5;
	p2 =	por !p2, p0  }
0x20: {  	[sflag:s8] =	ssyncset.s32 @!p0 $0xFFFFF086;
	s6 =	sadd.s32 @!p0 s3, s7;
	s7 =	simm.s32 @!p0 $0x108  }
0x21: {  	s3 =	sadd.s32 s3, s9;
	s6 =	sadd.s32 @!p0 $0x88, s6;
	s7 =	simm.s32 @p2 $0x1082  }
0x22: {  	[simem:s7], [sflag:s8] =	dma.local @!p0 [hbm:s6], $0xF7A  }
0x23: {  	s9 =	sor.u32 $0xD0000000, s2;
	s6 =	simm.s32 $0x108;
	_ =	swait.ge @!p0 [sflag:s8], $0x0  }
0x24: {  	s3 =	sadd.s32 $0x88, s3;
	s6 =	simm.s32 @!p1 $0x1082;
	[sflag:s4] =	ssyncset.s32 $0xFFFFF086  }
0x25: {  	[simem:s6], [sflag:s4] =	dma.local [hbm:s3], $0xF7A  }
0x26: {  	[smem:$0x3F98] =	sst s1;
	(tag) =	ssettag s2;
	_ =	strace s9  }
0x27: {  	s1 =	sld [smem:$0x3FA8]  }
0x28: {  	s2 =	sld [smem:$0x3FA9]  }
0x29: {  	s4 =	sld [smem:$0x3FAB]  }
0x2a: {  	p0 =	seq.s32 s5, $0x0;
	s5 =	sld [smem:$0x3FAC]  }
0x2b: {  	s6 =	sld [smem:$0x3FAD]  }
0x2c: {  	s7 =	sld [smem:$0x3FAE]  }
0x2d: {  	s3 =	simm.s32 $0x108;
	s8 =	sld [smem:$0x3FAF]  }
0x2e: {  	s3 =	simm.s32 @!p0 $0x1082;
	s9 =	sld [smem:$0x3FB0]  }
0x2f: {  	lr =	sadd.s32 s0, s3;
	s0 =	sld [smem:$0x3FA7]  }
0x30: {  	s3 =	sld [smem:$0x3FAA]  }
0x31: {  	[smem:$0x3FB3] =	sst s10  }
0x32: {  	s10 =	sld [smem:$0x3FB1];
	_ =	sdelay $0x3  }
0x33: {  	p0 =	seq.s32 s10, $0x1;
	s10 =	sld [smem:$0x3FB3];
	_ =	sdelay $0x3  }
0x34: {  	[smem:$0x3FB3] =	sst s10  }
0x35: {  	s10 =	sld [smem:$0x3FB2];
	_ =	sdelay $0x3  }
0x36: {  	p1 =	seq.s32 s10, $0x1;
	s10 =	sld [smem:$0x3FB3];
	_ =	sdelay $0x3  }
0x37: {  	[smem:$0x3FB3] =	sst s10  }
0x38: {  	s10 =	sld [smem:$0x3FB4]  }
0x39: {  	_ = 	snop;
	(pc) =	sbr.ind lr, $3  }
0x3a: {  	_ = 	snop  }
0x3b: {  	_ = 	snop  }
0x3c: {  	p2 =	seq.s32 s10, $0x1;
	s10 =	sld [smem:$0x3FB3]  }
0x3d: {  	_ =	shalt  }
0x3e: {  	_ =	shalt  }
0x3f: {  	_ =	shalt  }
0x40: {  	_ =	shalt  }
0x41: {  	_ =	shalt  }
0x42: {  	_ =	shalt  }
0x43: {  	_ =	shalt  }
0x44: {  	_ =	shalt  }
0x45: {  	_ =	shalt  }
0x46: {  	_ =	shalt  }
0x47: {  	_ =	shalt  }
0x48: {  	_ =	shalt  }
0x49: {  	_ =	shalt  }
0x4a: {  	_ =	shalt  }
0x4b: {  	_ =	shalt  }
0x4c: {  	_ =	shalt  }
0x4d: {  	_ =	shalt  }
0x4e: {  	_ =	shalt  }
0x4f: {  	_ =	shalt  }
0x50: {  	_ =	shalt  }
0x51: {  	_ =	shalt  }
0x52: {  	_ =	shalt  }
0x53: {  	_ =	shalt  }
0x54: {  	_ =	shalt  }
0x55: {  	_ =	shalt  }
0x56: {  	_ =	shalt  }
0x57: {  	_ =	shalt  }
0x58: {  	_ =	shalt  }
0x59: {  	_ =	shalt  }
0x5a: {  	_ =	shalt  }
0x5b: {  	_ =	shalt  }
0x5c: {  	_ =	shalt  }
0x5d: {  	_ =	shalt  }
0x5e: {  	_ =	shalt  }
0x5f: {  	_ =	shalt  }
0x60: {  	_ =	shalt  }
0x61: {  	_ =	shalt  }
0x62: {  	_ =	shalt  }
0x63: {  	_ =	shalt  }
0x64: {  	_ =	shalt  }
0x65: {  	_ =	shalt  }
0x66: {  	_ =	shalt  }
0x67: {  	_ =	shalt  }
0x68: {  	_ =	shalt  }
0x69: {  	_ =	shalt  }
0x6a: {  	_ =	shalt  }
0x6b: {  	_ =	shalt  }
0x6c: {  	_ =	shalt  }
0x6d: {  	_ =	shalt  }
0x6e: {  	_ =	shalt  }
0x6f: {  	_ =	shalt  }
0x70: {  	_ =	shalt  }
0x71: {  	_ =	shalt  }
0x72: {  	_ =	shalt  }
0x73: {  	_ =	shalt  }
0x74: {  	_ =	shalt  }
0x75: {  	_ =	shalt  }
0x76: {  	_ =	shalt  }
0x77: {  	_ =	shalt  }
0x78: {  	_ =	shalt  }
0x79: {  	_ =	shalt  }
0x7a: {  	_ =	shalt  }
0x7b: {  	_ =	shalt  }
0x7c: {  	_ =	shalt  }
0x7d: {  	_ =	shalt  }
0x7e: {  	_ =	shalt  }
0x7f: {  	_ =	shalt  }
0x80: {  	_ =	shalt  }
0x81: {  	_ =	shalt  }
0x82: {  	_ =	shalt  }
0x83: {  	_ =	shalt  }
0x84: {  	_ =	shalt  }
0x85: {  	_ =	shalt  }
0x86: {  	_ =	shalt  }
0x87: {  	_ =	shalt  }
.Lfunc_end0:
.L_simem_size_0:
called_computation_lowered:
.L_overlay_start_0:
0x88: {  	s2 =	sld [smem:$0x3FD9]  }
0x89: {  	s3 =	sld [smem:$0x3FFE];
	_ =	sdelay $0x1  }
0x8a: {  	s1 =	srdreg.scid  }
0x8b: {  	s0 =	sand.u32 $0x1, s1  }
0x8c: {  	s16 =	sshll.u32 s0, $0xA;
	s2 =	sadd.s32 s3, s2  }
0x8d: {  	s2 =	sadd.s32 s2, s16  }
0x8e: {  	[smem:$0x3FBF] =	sst s2  }
0x8f: {  	_ = 	snop  }
0x90: {  	(tm) =	ssettm $0x1  }
0x91: {  	s17 =	sld [smem:$0x3FFB];
	_ =	sdelay $0x3  }
0x92: {  	_ =	strace s17  }
0x93: {  	s2 =	sld [smem:$0x3FFC];
	_ =	sdelay $0x3  }
0x94: {  	_ =	strace s2  }
0x95: {  	s2 =	sld [smem:$0x3FFD];
	_ =	sdelay $0x3  }
0x96: {  	_ =	strace s2  }
0x97: {  	_ =	strace $0x8FFFFFFF  }
0x98: {  	s18 =	sld [smem:$0x3FDB];
	_ =	sdelay $0x1  }
0x99: {  	s19 =	simm.s32 $_scs_section_size  }
0x9a: {  	s4 =	simm.s32 $_size__tile_overlayer_lowered;
	s5 =	simm.s32 $_tile_overlayer_lowered  }
0x9b: {  	s22 =	simm.s32 $0x1BFF;
	s21 =	sshll.u32 s5, $0x1;
	s2 =	sadd.s32 s19, s18  }
0x9c: {  	s6 =	simm.s32 $0x0;
	s20 =	sshll.u32 s4, $0x1;
	s4 =	sadd.s32 s21, s2  }
0x9d: {  	[timem:s6], [sflag:s22] =	dma.local [hbm:s4], s20  }
0x9e: {  	_ =	swait.ge [sflag:s22], s20  }
0x9f: {  	s3 =	ssub.s32 $0x0, s20;
	[sflag:s22] =	ssyncset.done $0x0  }
0xa0: {  	[sflag:s22] =	ssyncadd.s32 s3;
	_ =	sdelay $0x1  }
0xa1: {  	s23 =	simm.s32 $0x1B8B  }
0xa2: {  	_ =	swait.ge [sflag:s23], $0x1  }
0xa3: {  	[sflag:s23] =	ssyncset.done $0x0  }
0xa4: {  	s25 =	simm.s32 $0x1B8E;
	s24 =	sld [smem:$0x3FFE];
	[sflag:s23] =	ssyncadd.s32 $0xFFFFFFFF  }
0xa5: {  	s26 =	simm.s32 $execute0_lowered;
	[smem:$0x3FD2] =	sst s25  }
0xa6: {  	s4 =	sshll.u32 s26, $0x1;
	_ =	strace $0x80000046;
	[dreg:$0x1] =	wrdreg $0xFFFFFFFF  }
0xa7: {  	s28 =	simm.s32 $_size_execute0_lowered;
	s2 =	sadd.s32 s2, s4;
	[dreg:$0x0] =	wrdreg $0x0  }
0xa8: {  	s4 =	sshll.u32 s28, $0x1;
	[dreg:$0x2] =	wrdreg s2  }
0xa9: {  	[dreg:$0x3] =	wrdreg s4  }
0xaa: {  	[dreg:$0x4] =	wrdreg $0xC0  }
0xab: {  	_ =	task [dreg:s6], $0x5FFFF  }
0xac: {  	[dreg:$0x1] =	wrdreg $0xFFFFFFFF  }
0xad: {  	[dreg:$0x0] =	wrdreg $0x60  }
0xae: {  	[dreg:$0x2] =	wrdreg s24  }
0xaf: {  	[dreg:$0x3] =	wrdreg $0x9  }
0xb0: {  	_ =	task.clear_ibuf [dreg:s6], $0x4FFFF;
	_ =	strace $0x90000046  }
0xb1: {  	s29 =	simm.s32 $0x9;
	_ =	strace $0x80000048  }
0xb2: {  	_ =	swait.ge [sflag:s29], $0x1  }
0xb3: {  	[sflag:s29] =	ssyncadd.s32 $0xFFFFFFFF  }
0xb4: {  	_ =	strace $0x90000048  }
0xb5: {  	_ =	sfence  }
0xb6: {  	s30 =	sld [smem:$0x0];
	_ =	sdelay $0x2  }
0xb7: {  	s31 =	sshll.u32 s1, $0xD;
	s1 =	sshrl.u32 s1, $0x2  }
0xb8: {  	s3 =	sand.u32 $0x4000, s31;
	s1 =	sadd.s32 s1, s30  }
0xb9: {  	s0 =	sor.u32 s3, s0;
	s1 =	sshll.u32 s1, $0x11  }
0xba: {  	s0 =	sor.u32 s1, s0  }
0xbb: {  	s0 =	sadd.s32 $0x8F2B, s0  }
0xbc: {  	[sflag:s0] =	ssyncadd.remote.s32 $0x1  }
0xbd: {  	_ =	sfence.sel $0xFFFF  }
0xbe: {  	[dreg:$0x0] =	wrdreg $0xFFFFFFFF;
	(pc) =	sbr.abs _section_cstart, $3  }
0xbf: {  	[dreg:$0x1] =	wrdreg $0xFFFFFFFF  }
0xc0: {  	_ =	task.clear_ibuf [dreg:s6], $0x2FFFF;
	_ =	strace $0x9FFFFFFF  }
0xc1: {  	(tm) =	ssettm $0x7FFFFFFF  }
tec
execute0_lowered:
.L_overlay_start_1:
0x0: {  	(tag) =	ssettag $0x1  }
0x1: {  	s1 =	srdreg.scid  }
0x2: {  	s0 =	stileid.u32;
	s6 =	rddreg [dreg:$0x0]  }
0x3: {  	s2 =	simm.s32 $0x0;
	s11 =	simm.s32 $0x800;
	s12 =	simm.s32 $0x50  }
0x4: {  	s13 =	simm.s32 $0x1000;
	s14 =	simm.s32 $0x6000;
	s15 =	simm.s32 $0x1  }
0x5: {  	s16 =	simm.s32 $0x3;
	s17 =	simm.s32 $0xB000;
	s18 =	simm.s32 $0x6  }
0x6: {  	s19 =	simm.s32 $0x2;
	s5 =	sand.u32 $0x1, s1;
	s3 =	sshll.u32 s0, $0x1  }
0x7: {  	s20 =	simm.s32 $0x4;
	s21 =	simm.s32 $0xD800;
	s3 =	sor.u32 s5, s3  }
0x8: {  	s22 =	simm.s32 $0x0;
	s1 =	rddreg [dreg:$0x1];
	s3 =	smul.u32 $0x7D0, s3  }
.Ltmp0:
0x9: {  	[smem:$0x7FF] =	sst s2;
	s4 =	sadd.s32 $0x16400, s6;
	(pc) =	sbr.rel .LBB2_1-.Ltmp0, $4  }
0xa: {  	_ =	strace $0x80000047;
	s8 =	ssub.s32 $0x2, s5;
	s7 =	sshrl.u32 s3, $0x3  }
0xb: {  	s5 =	sadd.s32 $0x3D600, s6;
	s31 =	sshrl.u32 s8, $0x1;
	s9 =	sadd.s32 s7, s6  }
0xc: {  	s10 =	ssub.s32 s8, s31;
	s6 =	sadd.s32 $0x64800, s6;
	s7 =	sadd.s32 $0xC600, s9  }
0xd: {  	s8 =	sadd.s32 $0x2800, s9;
	s9 =	smax.u32 s10, $0x1;
	s10 =	simm.s32 $0x5  }
.LBB2_9:
0xe: {  	s22 =	sadd.s32 $0x1, s22  }
0xf: {  	p0 =	sne.s32 s22, s9  }
.Ltmp1:
0x10: {  	_ = 	snop;
	(pc) =	sbr.rel @!p0 .LBB2_10-.Ltmp1, $1  }
0x11: {  	_ =	sdelay $0x3  }
.LBB2_1:
0x12: {  	[tilespmem:s2], [sflag:$0x5] =	stream.linear.gather [hbm4b:s7+s2], $0x7D0, $0x38;
	[tilespmem:$0x10000] =	vst v63  }
0x13: {  	_ =	swait.ge [sflag:s10], $0x7D0  }
0x14: {  	[sflag:s10] =	ssyncset.done $0x0  }
0x15: {  	[sflag:s10] =	ssyncadd.s32 $0xFFFFF830  }
0x16: {  	[tilespmem:s11], [sflag:$0x5] =	stream.linear.gather [hbm4b:s8+s2], $0x7D0, $0x38;
	[tilespmem:$0x10000] =	vst v63  }
0x17: {  	_ =	swait.ge [sflag:s10], $0x7D0  }
.Ltmp2:
0x18: {  	[sflag:s10] =	ssyncset.done $0x0;
	(pc) =	sbr.rel .LBB2_2-.Ltmp2, $4  }
0x19: {  	[sflag:s10] =	ssyncadd.s32 $0xFFFFF830  }
0x1a: {  	[tilespmem:s13], [sflag:$0x1] =	stream.indirect.gather [hbm4b:s4+s12], $0x80, s2, s12, $0xb8;
	[tilespmem:$0x10000] =	vst v63  }
0x1b: {  	s23 =	simm.s32 $0x0  }
0x1c: {  	[tilespmem:s14], [sflag:$0x3] =	stream.indirect.gather [hbm4b:s5+s12], $0x80, s11, s12, $0xb8;
	[tilespmem:$0x10000] =	vst v63  }
.LBB2_8:
0x1d: {  	s23 =	sadd.s32 $0x1, s23  }
0x1e: {  	p0 =	sne.s32 s23, $0xD  }
.Ltmp3:
0x1f: {  	_ = 	snop;
	(pc) =	sbr.rel @!p0 .LBB2_9-.Ltmp3, $1  }
0x20: {  	_ =	sdelay $0x3  }
.LBB2_2:
0x21: {  	s24 =	sshllo.u32 s23, $0x1  }
0x22: {  	p0 =	sgt.u32 s24, $0x18  }
0x23: {  	s25 =	smul.u32 @!p0 $0x50, s24  }
0x24: {  	s26 =	simm.s32 @!p0 $0x50;
	s28 =	simm.s32 @!p0 $0x3800  }
0x25: {  	[tilespmem:s28], [sflag:$0x2] =	stream.indirect.gather @!p0 [hbm4b:s4+s26], $0x80, s25, s26, $0xb8;
	[tilespmem:$0x10000] =	vst v63  }
0x26: {  	s25 =	sadd.s32 @!p0 $0x800, s25;
	s28 =	simm.s32 @!p0 $0x8800  }
0x27: {  	[tilespmem:s28], [sflag:$0x4] =	stream.indirect.gather @!p0 [hbm4b:s5+s26], $0x80, s25, s26, $0xb8;
	[tilespmem:$0x10000] =	vst v63  }
0x28: {  	_ =	swait.ge [sflag:s15], $0x2800  }
0x29: {  	[sflag:s15] =	ssyncset.done $0x0  }
0x2a: {  	[sflag:s15] =	ssyncadd.s32 $0xFFFFD800  }
0x2b: {  	_ =	swait.ge [sflag:s16], $0x2800  }
0x2c: {  	[sflag:s16] =	ssyncset.done $0x0  }
0x2d: {  	s25 =	simm.s32 $0x0;
	[sflag:s16] =	ssyncadd.s32 $0xFFFFD800  }
0x2e: {  	v0 =	vld [tilespmem:s25+$0x1060]  }
0x2f: {  	v1 =	vld [tilespmem:s25+$0x6060]  }
0x30: {  	v2 =	vld [tilespmem:s25+$0x1070]  }
0x31: {  	v3 =	vld [tilespmem:s25+$0x6070]  }
0x32: {  	v4 =	vld [tilespmem:s25+$0x1000]  }
0x33: {  	v5 =	vld [tilespmem:s25+$0x6000]  }
0x34: {  	v6 =	vld [tilespmem:s25+$0x1010]  }
0x35: {  	v7 =	vld [tilespmem:s25+$0x6010]  }
0x36: {  	v8 =	vld [tilespmem:s25+$0x1020]  }
0x37: {  	v0 =	vadd.f32 v1, v0;
	v1 =	vadd.f32 v3, v2;
	v2 =	vld [tilespmem:s25+$0x6020]  }
0x38: {  	v3 =	vld [tilespmem:s25+$0x1030]  }
0x39: {  	v4 =	vadd.f32 v5, v4;
	v5 =	vld [tilespmem:s25+$0x6030];
	v9 =	vshrl.u32 v0, $0x10;
	v10 =	vshrl.u32 v1, $0x10  }
0x3a: {  	v9 =	vand.u32 $0x1, v9;
	v10 =	vand.u32 $0x1, v10  }
0x3b: {  	v6 =	vadd.f32 v7, v6;
	v7 =	vld [tilespmem:s25+$0x1040];
	v0 =	vadd.s32 v9, v0;
	v1 =	vadd.s32 v10, v1  }
0x3c: {  	v9 =	vshrl.u32 v4, $0x10;
	v10 =	vld [tilespmem:s25+$0x6040];
	v0 =	vadd.s32 $0x7FFF, v0;
	v1 =	vadd.s32 $0x7FFF, v1  }
0x3d: {  	v11 =	vld [tilespmem:s25+$0x1050];
	v2 =	vadd.f32 v2, v8;
	v8 =	vand.u32 $0x1, v9;
	v9 =	vshrl.u32 v6, $0x10  }
0x3e: {  	v12 =	vld [tilespmem:s25+$0x6050];
	v3 =	vadd.f32 v5, v3;
	v0 =	vshrl.u32 v0, $0x10;
	v1 =	vand.u32 $0xFFFF0000, v1  }
0x3f: {  	v0 =	vor.u32 v0, v1;
	v1 =	vand.u32 $0x1, v9;
	v5 =	vshrl.u32 v2, $0x10  }
0x40: {  	s26 =	simm.s32 $0x80;
	v8 =	vadd.s32 v8, v4;
	[tilespmem:s25+$0xB030] =	vst v0;
	v9 =	vadd.s32 v1, v6;
	v1 =	vand.u32 $0x1, v5  }
0x41: {  	v0 =	vld [tilespmem:s26+$0x1060];
	v6 =	vadd.s32 v1, v2;
	v2 =	vshrl.u32 v3, $0x10;
	v4 =	vadd.f32 v10, v7  }
0x42: {  	v1 =	vld [tilespmem:s26+$0x6060];
	v7 =	vadd.s32 $0x7FFF, v8;
	v5 =	vadd.s32 $0x7FFF, v9;
	v8 =	vand.u32 $0x1, v2  }
0x43: {  	s28 =	simm.s32 $0x400;
	v2 =	vld [tilespmem:s26+$0x1070];
	v8 =	vadd.s32 v8, v3;
	v3 =	vadd.f32 v12, v11;
	v9 =	vshrl.u32 v4, $0x10  }
.LBB2_3:
0x44: {  	p1 =	sne.s32 s28, $0x9E00;
	v10 =	vld [tilespmem:s26+$0x6070];
	v6 =	vadd.s32 $0x7FFF, v6;
	v8 =	vadd.s32 $0x7FFF, v8;
	v9 =	vand.u32 $0x1, v9  }
0x45: {  	v7 =	vshrl.u32 v7, $0x10;
	v11 =	vld [tilespmem:s26+$0x1000];
	v4 =	vadd.s32 v9, v4;
	v9 =	vshrl.u32 v3, $0x10  }
0x46: {  	v5 =	vand.u32 $0xFFFF0000, v5;
	v12 =	vld [tilespmem:s26+$0x6000];
	v4 =	vadd.s32 $0x7FFF, v4;
	v9 =	vand.u32 $0x1, v9  }
0x47: {  	v6 =	vshrl.u32 v6, $0x10;
	v8 =	vand.u32 $0xFFFF0000, v8;
	v13 =	vld [tilespmem:s26+$0x1010];
	v3 =	vadd.s32 v9, v3  }
0x48: {  	v5 =	vor.u32 v7, v5;
	v4 =	vshrl.u32 v4, $0x10;
	v9 =	vld [tilespmem:s26+$0x6010];
	v3 =	vadd.s32 $0x7FFF, v3  }
0x49: {  	v0 =	vadd.f32 v1, v0;
	v7 =	vld [tilespmem:s26+$0x1020];
	v1 =	vadd.f32 v10, v2;
	[tilespmem:s25+$0xB000] =	vst v5;
	v2 =	vand.u32 $0xFFFF0000, v3  }
0x4a: {  	v5 =	vor.u32 v6, v8;
	v3 =	vld [tilespmem:s26+$0x6020];
	v2 =	vor.u32 v4, v2  }
0x4b: {  	v8 =	vshrl.u32 v0, $0x10;
	v4 =	vadd.f32 v12, v11;
	v6 =	vld [tilespmem:s26+$0x1030];
	v10 =	vshrl.u32 v1, $0x10;
	[tilespmem:s25+$0xB010] =	vst v5  }
0x4c: {  	v8 =	vand.u32 $0x1, v8;
	v5 =	vld [tilespmem:s26+$0x6030];
	v10 =	vand.u32 $0x1, v10;
	[tilespmem:s25+$0xB020] =	vst v2;
	s25 =	smov.u32 s26  }
0x4d: {  	v0 =	vadd.s32 v8, v0;
	v2 =	vadd.f32 v9, v13;
	v9 =	vld [tilespmem:s25+$0x1040];
	v1 =	vadd.s32 v10, v1  }
0x4e: {  	v0 =	vadd.s32 $0x7FFF, v0;
	v8 =	vshrl.u32 v4, $0x10;
	v10 =	vld [tilespmem:s25+$0x6040];
	v1 =	vadd.s32 $0x7FFF, v1  }
0x4f: {  	v0 =	vshrl.u32 v0, $0x10;
	v3 =	vadd.f32 v3, v7;
	v11 =	vld [tilespmem:s25+$0x1050];
	v1 =	vand.u32 $0xFFFF0000, v1  }
0x50: {  	v7 =	vand.u32 $0x1, v8;
	v8 =	vshrl.u32 v2, $0x10;
	v12 =	vld [tilespmem:s25+$0x6050];
	v0 =	vor.u32 v0, v1  }
.Ltmp4:
0x51: {  	v1 =	vand.u32 $0x1, v8;
	v8 =	vadd.f32 v5, v6;
	v5 =	vshrl.u32 v3, $0x10;
	[tilespmem:s25+$0xB030] =	vst v0;
	(pc) =	sbr.rel @p1 .LBB2_3-.Ltmp4, $4  }
0x52: {  	s26 =	sshra.s32 s28, $0x2;
	v7 =	vadd.s32 v7, v4;
	v2 =	vadd.s32 v1, v2;
	v1 =	vand.u32 $0x1, v5  }
0x53: {  	v0 =	vld [tilespmem:s26+$0x1060];
	v6 =	vadd.s32 v1, v3;
	v3 =	vshrl.u32 v8, $0x10;
	v4 =	vadd.f32 v10, v9  }
0x54: {  	v7 =	vadd.s32 $0x7FFF, v7;
	v5 =	vadd.s32 $0x7FFF, v2;
	v1 =	vld [tilespmem:s26+$0x6060];
	v3 =	vand.u32 $0x1, v3  }
0x55: {  	s28 =	sadd.s32 $0x200, s28;
	v2 =	vld [tilespmem:s26+$0x1070];
	v8 =	vadd.s32 v3, v8;
	v3 =	vadd.f32 v12, v11;
	v9 =	vshrl.u32 v4, $0x10  }
0x56: {  	v10 =	vld [tilespmem:s26+$0x6070]  }
0x57: {  	v11 =	vld [tilespmem:s26+$0x1000];
	v6 =	vadd.s32 $0x7FFF, v6  }
0x58: {  	v12 =	vld [tilespmem:s26+$0x6000];
	v9 =	vand.u32 $0x1, v9;
	v7 =	vshrl.u32 v7, $0x10;
	v5 =	vand.u32 $0xFFFF0000, v5  }
0x59: {  	v13 =	vld [tilespmem:s26+$0x1010];
	v34 =	vadd.s32 $0x7FFF, v8;
	v4 =	vadd.s32 v9, v4;
	v32 =	vshrl.u32 v3, $0x10  }
0x5a: {  	v14 =	vld [tilespmem:s26+$0x6010];
	v5 =	vor.u32 v7, v5;
	v6 =	vshrl.u32 v6, $0x10;
	v35 =	vand.u32 $0x1, v32  }
0x5b: {  	v33 =	vld [tilespmem:s26+$0x1020];
	[tilespmem:s25+$0xB000] =	vst v5;
	v4 =	vadd.s32 $0x7FFF, v4;
	v5 =	vand.u32 $0xFFFF0000, v34;
	v36 =	vadd.s32 v35, v3  }
0x5c: {  	v0 =	vadd.f32 v1, v0;
	v38 =	vor.u32 v6, v5;
	v3 =	vadd.s32 $0x7FFF, v36  }
0x5d: {  	v37 =	vld [tilespmem:s26+$0x6020];
	v4 =	vshrl.u32 v4, $0x10;
	v2 =	vadd.f32 v10, v2;
	v3 =	vand.u32 $0xFFFF0000, v3  }
0x5e: {  	v39 =	vld [tilespmem:s26+$0x1030];
	[tilespmem:s25+$0xB010] =	vst v38;
	v41 =	vshrl.u32 v0, $0x10;
	v43 =	vadd.f32 v12, v11;
	v40 =	vor.u32 v4, v3  }
0x5f: {  	v42 =	vld [tilespmem:s26+$0x6030];
	v46 =	vadd.f32 v14, v13;
	v3 =	vand.u32 $0x1, v41;
	[tilespmem:s25+$0xB020] =	vst v40  }
0x60: {  	v44 =	vshrl.u32 v2, $0x10;
	v0 =	vadd.s32 v3, v0;
	v48 =	vshrl.u32 v43, $0x10;
	v47 =	vld [tilespmem:s26+$0x1040]  }
0x61: {  	v51 =	vshrl.u32 v46, $0x10;
	v45 =	vand.u32 $0x1, v44;
	v49 =	vld [tilespmem:s26+$0x6040];
	v0 =	vadd.s32 $0x7FFF, v0  }
0x62: {  	v7 =	vadd.f32 v37, v33;
	v50 =	vld [tilespmem:s26+$0x1050];
	v55 =	vand.u32 $0x1, v51;
	v1 =	vadd.s32 v45, v2  }
0x63: {  	v52 =	vld [tilespmem:s26+$0x6050];
	v0 =	vshrl.u32 v0, $0x10;
	v2 =	vand.u32 $0x1, v48;
	v5 =	vadd.s32 v55, v46  }
0x64: {  	v1 =	vadd.s32 $0x7FFF, v1;
	v53 =	vadd.f32 v42, v39;
	v54 =	vshrl.u32 v7, $0x10  }
0x65: {  	v2 =	vadd.s32 v2, v43;
	v5 =	vadd.s32 $0x7FFF, v5;
	v1 =	vand.u32 $0xFFFF0000, v1  }
0x66: {  	v4 =	vand.u32 $0x1, v54;
	v2 =	vadd.s32 $0x7FFF, v2;
	v5 =	vand.u32 $0xFFFF0000, v5  }
0x67: {  	v0 =	vor.u32 v0, v1;
	v4 =	vadd.s32 v4, v7;
	v56 =	vshrl.u32 v53, $0x10  }
0x68: {  	v2 =	vshrl.u32 v2, $0x10;
	v3 =	vadd.f32 v49, v47;
	v57 =	vadd.f32 v52, v50  }
0x69: {  	v6 =	vand.u32 $0x1, v56;
	v4 =	vadd.s32 $0x7FFF, v4;
	v61 =	vor.u32 v2, v5  }
0x6a: {  	v1 =	vadd.s32 v6, v53;
	v58 =	vshrl.u32 v3, $0x10;
	v8 =	vshrl.u32 v57, $0x10  }
0x6b: {  	v4 =	vshrl.u32 v4, $0x10;
	v7 =	vand.u32 $0x1, v58;
	v59 =	vand.u32 $0x1, v8  }
0x6c: {  	s25 =	smul.u32 $0xA0, s23;
	v1 =	vadd.s32 $0x7FFF, v1;
	v3 =	vadd.s32 v7, v3;
	v6 =	vadd.s32 v59, v57  }
0x6d: {  	[tilespmem:s26+$0xB030] =	vst v0;
	v60 =	vand.u32 $0xFFFF0000, v1;
	v3 =	vadd.s32 $0x7FFF, v3;
	v62 =	vadd.s32 $0x7FFF, v6  }
0x6e: {  	s28 =	sadd.s32 s3, s25;
	[tilespmem:s26+$0xB000] =	vst v61;
	v0 =	vor.u32 v4, v60;
	v3 =	vshrl.u32 v3, $0x10;
	v63 =	vand.u32 $0xFFFF0000, v62  }
0x6f: {  	s28 =	sshll.u32 s28, $0x4;
	[tilespmem:s26+$0xB010] =	vst v0;
	v1 =	vor.u32 v3, v63  }
0x70: {  	s31 =	sadd.s32 s6, s28;
	[tilespmem:s26+$0xB020] =	vst v1  }
0x71: {  	[hbm4b:s31+s2] =	stream.linear.scatter [tilespmem:s17], [sflag:$0x6], $0x2800, $0x38;
	[tilespmem:$0x10000] =	vst v63  }
0x72: {  	p1 =	seq.s32 s23, $0xC;
	_ =	swait.ge [sflag:s18], $0x2800  }
.Ltmp5:
0x73: {  	s29 =	simm.s32 @!p1 $0x1000;
	[sflag:s18] =	ssyncset.done $0x0;
	(pc) =	sbr.rel @p0 .LBB2_8-.Ltmp5, $4  }
0x74: {  	s28 =	simm.s32 @!p1 $0x50;
	s26 =	sadd.s32 @!p1 $0xA0, s25;
	[sflag:s18] =	ssyncadd.s32 $0xFFFFD800  }
0x75: {  	[tilespmem:s29], [sflag:$0x1] =	stream.indirect.gather @!p1 [hbm4b:s4+s28], $0x80, s26, s28, $0xb8;
	[tilespmem:$0x10000] =	vst v63  }
0x76: {  	s25 =	sadd.s32 @!p1 $0x8A0, s25;
	s26 =	simm.s32 @!p1 $0x6000  }
0x77: {  	[tilespmem:s26], [sflag:$0x3] =	stream.indirect.gather @!p1 [hbm4b:s5+s28], $0x80, s25, s28, $0xb8;
	[tilespmem:$0x10000] =	vst v63  }
0x78: {  	_ =	swait.ge [sflag:s19], $0x2800  }
0x79: {  	[sflag:s19] =	ssyncset.done $0x0  }
0x7a: {  	[sflag:s19] =	ssyncadd.s32 $0xFFFFD800  }
0x7b: {  	_ =	swait.ge [sflag:s20], $0x2800  }
0x7c: {  	[sflag:s20] =	ssyncset.done $0x0  }
0x7d: {  	s25 =	simm.s32 $0x0;
	[sflag:s20] =	ssyncadd.s32 $0xFFFFD800  }
0x7e: {  	v0 =	vld [tilespmem:s25+$0x3860]  }
0x7f: {  	v1 =	vld [tilespmem:s25+$0x8860]  }
0x80: {  	v2 =	vld [tilespmem:s25+$0x3870]  }
0x81: {  	v3 =	vld [tilespmem:s25+$0x8870]  }
0x82: {  	v4 =	vld [tilespmem:s25+$0x3800]  }
0x83: {  	v5 =	vld [tilespmem:s25+$0x8800]  }
0x84: {  	v6 =	vld [tilespmem:s25+$0x3810]  }
0x85: {  	v7 =	vld [tilespmem:s25+$0x8810]  }
0x86: {  	v8 =	vld [tilespmem:s25+$0x3820]  }
0x87: {  	v0 =	vadd.f32 v1, v0;
	v1 =	vadd.f32 v3, v2;
	v2 =	vld [tilespmem:s25+$0x8820]  }
0x88: {  	v3 =	vld [tilespmem:s25+$0x3830]  }
0x89: {  	v4 =	vadd.f32 v5, v4;
	v5 =	vld [tilespmem:s25+$0x8830];
	v9 =	vshrl.u32 v0, $0x10;
	v10 =	vshrl.u32 v1, $0x10  }
0x8a: {  	v9 =	vand.u32 $0x1, v9;
	v10 =	vand.u32 $0x1, v10  }
0x8b: {  	v6 =	vadd.f32 v7, v6;
	v7 =	vld [tilespmem:s25+$0x3840];
	v0 =	vadd.s32 v9, v0;
	v1 =	vadd.s32 v10, v1  }
0x8c: {  	v9 =	vshrl.u32 v4, $0x10;
	v10 =	vld [tilespmem:s25+$0x8840];
	v0 =	vadd.s32 $0x7FFF, v0;
	v1 =	vadd.s32 $0x7FFF, v1  }
0x8d: {  	v11 =	vld [tilespmem:s25+$0x3850];
	v2 =	vadd.f32 v2, v8;
	v8 =	vand.u32 $0x1, v9;
	v9 =	vshrl.u32 v6, $0x10  }
0x8e: {  	v12 =	vld [tilespmem:s25+$0x8850];
	v3 =	vadd.f32 v5, v3;
	v0 =	vshrl.u32 v0, $0x10;
	v1 =	vand.u32 $0xFFFF0000, v1  }
0x8f: {  	v0 =	vor.u32 v0, v1;
	v1 =	vand.u32 $0x1, v9;
	v5 =	vshrl.u32 v2, $0x10  }
0x90: {  	s26 =	simm.s32 $0x80;
	v8 =	vadd.s32 v8, v4;
	[tilespmem:s25+$0xD830] =	vst v0;
	v9 =	vadd.s32 v1, v6;
	v1 =	vand.u32 $0x1, v5  }
0x91: {  	v0 =	vld [tilespmem:s26+$0x3860];
	v6 =	vadd.s32 v1, v2;
	v2 =	vshrl.u32 v3, $0x10;
	v4 =	vadd.f32 v10, v7  }
0x92: {  	v1 =	vld [tilespmem:s26+$0x8860];
	v7 =	vadd.s32 $0x7FFF, v8;
	v5 =	vadd.s32 $0x7FFF, v9;
	v8 =	vand.u32 $0x1, v2  }
0x93: {  	s28 =	simm.s32 $0x400;
	v2 =	vld [tilespmem:s26+$0x3870];
	v8 =	vadd.s32 v8, v3;
	v3 =	vadd.f32 v12, v11;
	v9 =	vshrl.u32 v4, $0x10  }
.LBB2_6:
0x94: {  	p0 =	sne.s32 s28, $0x9E00;
	v10 =	vld [tilespmem:s26+$0x8870];
	v6 =	vadd.s32 $0x7FFF, v6;
	v8 =	vadd.s32 $0x7FFF, v8;
	v9 =	vand.u32 $0x1, v9  }
0x95: {  	v7 =	vshrl.u32 v7, $0x10;
	v11 =	vld [tilespmem:s26+$0x3800];
	v4 =	vadd.s32 v9, v4;
	v9 =	vshrl.u32 v3, $0x10  }
0x96: {  	v5 =	vand.u32 $0xFFFF0000, v5;
	v12 =	vld [tilespmem:s26+$0x8800];
	v4 =	vadd.s32 $0x7FFF, v4;
	v9 =	vand.u32 $0x1, v9  }
0x97: {  	v6 =	vshrl.u32 v6, $0x10;
	v8 =	vand.u32 $0xFFFF0000, v8;
	v13 =	vld [tilespmem:s26+$0x3810];
	v3 =	vadd.s32 v9, v3  }
0x98: {  	v5 =	vor.u32 v7, v5;
	v4 =	vshrl.u32 v4, $0x10;
	v9 =	vld [tilespmem:s26+$0x8810];
	v3 =	vadd.s32 $0x7FFF, v3  }
0x99: {  	v0 =	vadd.f32 v1, v0;
	v7 =	vld [tilespmem:s26+$0x3820];
	v1 =	vadd.f32 v10, v2;
	[tilespmem:s25+$0xD800] =	vst v5;
	v2 =	vand.u32 $0xFFFF0000, v3  }
0x9a: {  	v5 =	vor.u32 v6, v8;
	v3 =	vld [tilespmem:s26+$0x8820];
	v2 =	vor.u32 v4, v2  }
0x9b: {  	v8 =	vshrl.u32 v0, $0x10;
	v4 =	vadd.f32 v12, v11;
	v6 =	vld [tilespmem:s26+$0x3830];
	v10 =	vshrl.u32 v1, $0x10;
	[tilespmem:s25+$0xD810] =	vst v5  }
0x9c: {  	v8 =	vand.u32 $0x1, v8;
	v5 =	vld [tilespmem:s26+$0x8830];
	v10 =	vand.u32 $0x1, v10;
	[tilespmem:s25+$0xD820] =	vst v2;
	s25 =	smov.u32 s26  }
0x9d: {  	v0 =	vadd.s32 v8, v0;
	v2 =	vadd.f32 v9, v13;
	v9 =	vld [tilespmem:s25+$0x3840];
	v1 =	vadd.s32 v10, v1  }
0x9e: {  	v0 =	vadd.s32 $0x7FFF, v0;
	v8 =	vshrl.u32 v4, $0x10;
	v10 =	vld [tilespmem:s25+$0x8840];
	v1 =	vadd.s32 $0x7FFF, v1  }
0x9f: {  	v0 =	vshrl.u32 v0, $0x10;
	v3 =	vadd.f32 v3, v7;
	v11 =	vld [tilespmem:s25+$0x3850];
	v1 =	vand.u32 $0xFFFF0000, v1  }
0xa0: {  	v7 =	vand.u32 $0x1, v8;
	v8 =	vshrl.u32 v2, $0x10;
	v12 =	vld [tilespmem:s25+$0x8850];
	v0 =	vor.u32 v0, v1  }
.Ltmp6:
0xa1: {  	v1 =	vand.u32 $0x1, v8;
	v8 =	vadd.f32 v5, v6;
	v5 =	vshrl.u32 v3, $0x10;
	[tilespmem:s25+$0xD830] =	vst v0;
	(pc) =	sbr.rel @p0 .LBB2_6-.Ltmp6, $4  }
0xa2: {  	s26 =	sshra.s32 s28, $0x2;
	v7 =	vadd.s32 v7, v4;
	v2 =	vadd.s32 v1, v2;
	v1 =	vand.u32 $0x1, v5  }
0xa3: {  	v0 =	vld [tilespmem:s26+$0x3860];
	v6 =	vadd.s32 v1, v3;
	v3 =	vshrl.u32 v8, $0x10;
	v4 =	vadd.f32 v10, v9  }
0xa4: {  	v7 =	vadd.s32 $0x7FFF, v7;
	v5 =	vadd.s32 $0x7FFF, v2;
	v1 =	vld [tilespmem:s26+$0x8860];
	v3 =	vand.u32 $0x1, v3  }
0xa5: {  	s28 =	sadd.s32 $0x200, s28;
	v2 =	vld [tilespmem:s26+$0x3870];
	v8 =	vadd.s32 v3, v8;
	v3 =	vadd.f32 v12, v11;
	v9 =	vshrl.u32 v4, $0x10  }
0xa6: {  	v10 =	vld [tilespmem:s26+$0x8870]  }
0xa7: {  	v11 =	vld [tilespmem:s26+$0x3800];
	v6 =	vadd.s32 $0x7FFF, v6  }
0xa8: {  	v12 =	vld [tilespmem:s26+$0x8800];
	v9 =	vand.u32 $0x1, v9;
	v7 =	vshrl.u32 v7, $0x10;
	v5 =	vand.u32 $0xFFFF0000, v5  }
0xa9: {  	v13 =	vld [tilespmem:s26+$0x3810];
	v34 =	vadd.s32 $0x7FFF, v8;
	v4 =	vadd.s32 v9, v4;
	v32 =	vshrl.u32 v3, $0x10  }
0xaa: {  	v14 =	vld [tilespmem:s26+$0x8810];
	v5 =	vor.u32 v7, v5;
	v6 =	vshrl.u32 v6, $0x10;
	v35 =	vand.u32 $0x1, v32  }
0xab: {  	v33 =	vld [tilespmem:s26+$0x3820];
	[tilespmem:s25+$0xD800] =	vst v5;
	v4 =	vadd.s32 $0x7FFF, v4;
	v5 =	vand.u32 $0xFFFF0000, v34;
	v36 =	vadd.s32 v35, v3  }
0xac: {  	v0 =	vadd.f32 v1, v0;
	v38 =	vor.u32 v6, v5;
	v3 =	vadd.s32 $0x7FFF, v36  }
0xad: {  	v37 =	vld [tilespmem:s26+$0x8820];
	v4 =	vshrl.u32 v4, $0x10;
	v2 =	vadd.f32 v10, v2;
	v3 =	vand.u32 $0xFFFF0000, v3  }
0xae: {  	v39 =	vld [tilespmem:s26+$0x3830];
	[tilespmem:s25+$0xD810] =	vst v38;
	v41 =	vshrl.u32 v0, $0x10;
	v43 =	vadd.f32 v12, v11;
	v40 =	vor.u32 v4, v3  }
0xaf: {  	v42 =	vld [tilespmem:s26+$0x8830];
	v46 =	vadd.f32 v14, v13;
	v3 =	vand.u32 $0x1, v41;
	[tilespmem:s25+$0xD820] =	vst v40  }
0xb0: {  	v44 =	vshrl.u32 v2, $0x10;
	v0 =	vadd.s32 v3, v0;
	v48 =	vshrl.u32 v43, $0x10;
	v47 =	vld [tilespmem:s26+$0x3840]  }
0xb1: {  	v51 =	vshrl.u32 v46, $0x10;
	v45 =	vand.u32 $0x1, v44;
	v49 =	vld [tilespmem:s26+$0x8840];
	v0 =	vadd.s32 $0x7FFF, v0  }
0xb2: {  	v7 =	vadd.f32 v37, v33;
	v50 =	vld [tilespmem:s26+$0x3850];
	v55 =	vand.u32 $0x1, v51;
	v1 =	vadd.s32 v45, v2  }
0xb3: {  	v52 =	vld [tilespmem:s26+$0x8850];
	v0 =	vshrl.u32 v0, $0x10;
	v2 =	vand.u32 $0x1, v48;
	v5 =	vadd.s32 v55, v46  }
0xb4: {  	v1 =	vadd.s32 $0x7FFF, v1;
	v53 =	vadd.f32 v42, v39;
	v54 =	vshrl.u32 v7, $0x10  }
0xb5: {  	v2 =	vadd.s32 v2, v43;
	v5 =	vadd.s32 $0x7FFF, v5;
	v1 =	vand.u32 $0xFFFF0000, v1  }
0xb6: {  	v4 =	vand.u32 $0x1, v54;
	v2 =	vadd.s32 $0x7FFF, v2;
	v5 =	vand.u32 $0xFFFF0000, v5  }
0xb7: {  	v0 =	vor.u32 v0, v1;
	v4 =	vadd.s32 v4, v7;
	v56 =	vshrl.u32 v53, $0x10  }
0xb8: {  	v2 =	vshrl.u32 v2, $0x10;
	v3 =	vadd.f32 v49, v47;
	v57 =	vadd.f32 v52, v50  }
0xb9: {  	v6 =	vand.u32 $0x1, v56;
	v4 =	vadd.s32 $0x7FFF, v4;
	v61 =	vor.u32 v2, v5  }
0xba: {  	v1 =	vadd.s32 v6, v53;
	v58 =	vshrl.u32 v3, $0x10;
	v8 =	vshrl.u32 v57, $0x10  }
0xbb: {  	v4 =	vshrl.u32 v4, $0x10;
	v7 =	vand.u32 $0x1, v58;
	v59 =	vand.u32 $0x1, v8  }
0xbc: {  	s24 =	smul.u32 $0x50, s24;
	v1 =	vadd.s32 $0x7FFF, v1;
	v3 =	vadd.s32 v7, v3;
	v6 =	vadd.s32 v59, v57  }
0xbd: {  	[tilespmem:s26+$0xD830] =	vst v0;
	v60 =	vand.u32 $0xFFFF0000, v1;
	v3 =	vadd.s32 $0x7FFF, v3;
	v62 =	vadd.s32 $0x7FFF, v6  }
0xbe: {  	s24 =	sadd.s32 s3, s24;
	[tilespmem:s26+$0xD800] =	vst v61;
	v0 =	vor.u32 v4, v60;
	v3 =	vshrl.u32 v3, $0x10;
	v63 =	vand.u32 $0xFFFF0000, v62  }
0xbf: {  	s24 =	sshll.u32 s24, $0x4;
	[tilespmem:s26+$0xD810] =	vst v0;
	v1 =	vor.u32 v3, v63  }
.Ltmp7:
0xc0: {  	s24 =	sadd.s32 s6, s24;
	[tilespmem:s26+$0xD820] =	vst v1;
	(pc) =	sbr.rel .LBB2_8-.Ltmp7, $4  }
0xc1: {  	[hbm4b:s24+s2] =	stream.linear.scatter [tilespmem:s21], [sflag:$0x5], $0x2800, $0x38;
	[tilespmem:$0x10000] =	vst v63  }
0xc2: {  	_ =	swait.ge [sflag:s10], $0x2800  }
0xc3: {  	[sflag:s10] =	ssyncset.done $0x0  }
0xc4: {  	[sflag:s10] =	ssyncadd.s32 $0xFFFFD800  }
.LBB2_10:
0xc5: {  	_ =	sfence.sel $0x180000  }
0xc6: {  	[bflag:$0x0] =	sbarrier.arrive $0xFFFF  }
0xc7: {  	p0 =	sne.s32 s0, $0x0;
	_ =	strace $0x90000047  }
0xc8: {  	s0 =	sadd.s32 @!p0 $0x100000, s1;
	[bflag:$0x2] =	sbarrier.arrive $0xFFFF  }
0xc9: {  	[sflag:s0] =	ssyncadd.tile.s32 @!p0 $0x1;
	_ =	shalt  }
.Lfunc_end2:
_tile_overlayer_lowered:
.L_overlay_start_2:
0xca: {  	(tag) =	ssettag $0x2  }
0xcb: {  	s0 =	rddreg [dreg:$0x0];
	s2 =	stileid.u32  }
0xcc: {  	s1 =	rddreg [dreg:$0x1];
	p0 =	sne.s32 s2, $0x0  }
0xcd: {  	s3 =	rddreg [dreg:$0x2];
	[bflag:$0x3] =	sbarrier.arrive $0xFFFF;
	s2 =	simm.s32 @!p0 $0x1C05  }
0xce: {  	[timem:s3], [sflag:s2] =	dma.local @!p0 [hbm:s0], s1  }
0xcf: {  	s0 =	simm.s32 @!p0 $0x5  }
0xd0: {  	_ =	swait.ge @!p0 [sflag:s0], s1  }
0xd1: {  	s1 =	ssub.s32 @!p0 $0x0, s1;
	[sflag:s0] =	ssyncset.done @!p0 $0x0  }
0xd2: {  	[sflag:s0] =	ssyncadd.s32 @!p0 s1  }
0xd3: {  	[bflag:$0x3] =	sbarrier.arrive $0xFFFF  }
0xd4: {  	_ =	shalt  }

// kernel: kernel.16.cloned.1.call-start
scs
__scs_entry_jumppad:
0x0: {  	(pc) =	sbr.rel $0x88, $3  }
0x1: {  	(tag) =	ssettag $0x0;
	lr =	simm.s32 $0x1  }
0x2: {  	[smem:$0x3F98] =	sst lr;
	_ =	strace $0xD0000000  }
0x3: {  	_ = 	snop  }
0x4: {  	_ = 	snop  }
0x5: {  	_ = 	snop  }
0x6: {  	_ = 	snop  }
0x7: {  	_ = 	snop  }
__scs_overlays_trampoline_lowered:
0x8: {  	[smem:$0x3FA7] =	sst s0  }
0x9: {  	[smem:$0x3FA8] =	sst s1  }
0xa: {  	[smem:$0x3FA9] =	sst s2  }
0xb: {  	[smem:$0x3FAA] =	sst s3  }
0xc: {  	[smem:$0x3FAB] =	sst s4  }
0xd: {  	[smem:$0x3FAC] =	sst s5  }
0xe: {  	[smem:$0x3FAD] =	sst s6  }
0xf: {  	[smem:$0x3FAE] =	sst s7  }
0x10: {  	[smem:$0x3FAF] =	sst s8  }
0x11: {  	[smem:$0x3FB0] =	sst s9;
	s0 =	simm.s32 @!p0 $0x0  }
0x12: {  	s1 =	sld [smem:$0x3F96];
	s0 =	simm.s32 @p0 $0x1  }
0x13: {  	[smem:$0x3FB1] =	sst s0;
	s0 =	simm.s32 @!p1 $0x0  }
0x14: {  	s2 =	sld [smem:$0x3F95];
	s0 =	simm.s32 @p1 $0x1  }
0x15: {  	[smem:$0x3FB2] =	sst s0;
	s0 =	simm.s32 @!p2 $0x0  }
0x16: {  	s3 =	sld [smem:$0x3FDB];
	s0 =	simm.s32 @p2 $0x1  }
0x17: {  	s4 =	simm.s32 $0x1BF5;
	[smem:$0x3FB4] =	sst s0  }
0x18: {  	s0 =	sld [smem:$0x3F97];
	_ =	swait.ge [sflag:s4], $0x0  }
0x19: {  	s7 =	sld [smem:$0x3F98]  }
0x1a: {  	s8 =	sadd.s32 $0xFFFFE003, lr  }
0x1b: {  	s9 =	sadd.s32 $0xFFFFFEF7, lr;
	s5 =	simm.s32 $0xFFFFFFFF;
	p2 =	slt.u32 s8, $0xFFFFF086  }
0x1c: {  	p1 =	slt.u32 s9, $0xF7A;
	s5 =	simm.s32 @!p2 $0x0  }
0x1d: {  	s5 =	simm.s32 @p1 $0x1;
	p0 =	seq.s32 s7, s2  }
0x1e: {  	s7 =	smul.u32 @!p0 $0xF7A, s2;
	p2 =	seq.s32 @!p0 s5, $0x0  }
0x1f: {  	s9 =	smul.u32 $0xF7A, s1;
	s8 =	simm.s32 @!p0 $0x1BF5;
	p2 =	por !p2, p0  }
0x20: {  	[sflag:s8] =	ssyncset.s32 @!p0 $0xFFFFF086;
	s6 =	sadd.s32 @!p0 s3, s7;
	s7 =	simm.s32 @!p0 $0x108  }
0x21: {  	s3 =	sadd.s32 s3, s9;
	s6 =	sadd.s32 @!p0 $0x88, s6;
	s7 =	simm.s32 @p2 $0x1082  }
0x22: {  	[simem:s7], [sflag:s8] =	dma.local @!p0 [hbm:s6], $0xF7A  }
0x23: {  	s9 =	sor.u32 $0xD0000000, s2;
	s6 =	simm.s32 $0x108;
	_ =	swait.ge @!p0 [sflag:s8], $0x0  }
0x24: {  	s3 =	sadd.s32 $0x88, s3;
	s6 =	simm.s32 @!p1 $0x1082;
	[sflag:s4] =	ssyncset.s32 $0xFFFFF086  }
0x25: {  	[simem:s6], [sflag:s4] =	dma.local [hbm:s3], $0xF7A  }
0x26: {  	[smem:$0x3F98] =	sst s1;
	(tag) =	ssettag s2;
	_ =	strace s9  }
0x27: {  	s1 =	sld [smem:$0x3FA8]  }
0x28: {  	s2 =	sld [smem:$0x3FA9]  }
0x29: {  	s4 =	sld [smem:$0x3FAB]  }
0x2a: {  	p0 =	seq.s32 s5, $0x0;
	s5 =	sld [smem:$0x3FAC]  }
0x2b: {  	s6 =	sld [smem:$0x3FAD]  }
0x2c: {  	s7 =	sld [smem:$0x3FAE]  }
0x2d: {  	s3 =	simm.s32 $0x108;
	s8 =	sld [smem:$0x3FAF]  }
0x2e: {  	s3 =	simm.s32 @!p0 $0x1082;
	s9 =	sld [smem:$0x3FB0]  }
0x2f: {  	lr =	sadd.s32 s0, s3;
	s0 =	sld [smem:$0x3FA7]  }
0x30: {  	s3 =	sld [smem:$0x3FAA]  }
0x31: {  	[smem:$0x3FB3] =	sst s10  }
0x32: {  	s10 =	sld [smem:$0x3FB1];
	_ =	sdelay $0x3  }
0x33: {  	p0 =	seq.s32 s10, $0x1;
	s10 =	sld [smem:$0x3FB3];
	_ =	sdelay $0x3  }
0x34: {  	[smem:$0x3FB3] =	sst s10  }
0x35: {  	s10 =	sld [smem:$0x3FB2];
	_ =	sdelay $0x3  }
0x36: {  	p1 =	seq.s32 s10, $0x1;
	s10 =	sld [smem:$0x3FB3];
	_ =	sdelay $0x3  }
0x37: {  	[smem:$0x3FB3] =	sst s10  }
0x38: {  	s10 =	sld [smem:$0x3FB4]  }
0x39: {  	_ = 	snop;
	(pc) =	sbr.ind lr, $3  }
0x3a: {  	_ = 	snop  }
0x3b: {  	_ = 	snop  }
0x3c: {  	p2 =	seq.s32 s10, $0x1;
	s10 =	sld [smem:$0x3FB3]  }
0x3d: {  	_ =	shalt  }
0x3e: {  	_ =	shalt  }
0x3f: {  	_ =	shalt  }
0x40: {  	_ =	shalt  }
0x41: {  	_ =	shalt  }
0x42: {  	_ =	shalt  }
0x43: {  	_ =	shalt  }
0x44: {  	_ =	shalt  }
0x45: {  	_ =	shalt  }
0x46: {  	_ =	shalt  }
0x47: {  	_ =	shalt  }
0x48: {  	_ =	shalt  }
0x49: {  	_ =	shalt  }
0x4a: {  	_ =	shalt  }
0x4b: {  	_ =	shalt  }
0x4c: {  	_ =	shalt  }
0x4d: {  	_ =	shalt  }
0x4e: {  	_ =	shalt  }
0x4f: {  	_ =	shalt  }
0x50: {  	_ =	shalt  }
0x51: {  	_ =	shalt  }
0x52: {  	_ =	shalt  }
0x53: {  	_ =	shalt  }
0x54: {  	_ =	shalt  }
0x55: {  	_ =	shalt  }
0x56: {  	_ =	shalt  }
0x57: {  	_ =	shalt  }
0x58: {  	_ =	shalt  }
0x59: {  	_ =	shalt  }
0x5a: {  	_ =	shalt  }
0x5b: {  	_ =	shalt  }
0x5c: {  	_ =	shalt  }
0x5d: {  	_ =	shalt  }
0x5e: {  	_ =	shalt  }
0x5f: {  	_ =	shalt  }
0x60: {  	_ =	shalt  }
0x61: {  	_ =	shalt  }
0x62: {  	_ =	shalt  }
0x63: {  	_ =	shalt  }
0x64: {  	_ =	shalt  }
0x65: {  	_ =	shalt  }
0x66: {  	_ =	shalt  }
0x67: {  	_ =	shalt  }
0x68: {  	_ =	shalt  }
0x69: {  	_ =	shalt  }
0x6a: {  	_ =	shalt  }
0x6b: {  	_ =	shalt  }
0x6c: {  	_ =	shalt  }
0x6d: {  	_ =	shalt  }
0x6e: {  	_ =	shalt  }
0x6f: {  	_ =	shalt  }
0x70: {  	_ =	shalt  }
0x71: {  	_ =	shalt  }
0x72: {  	_ =	shalt  }
0x73: {  	_ =	shalt  }
0x74: {  	_ =	shalt  }
0x75: {  	_ =	shalt  }
0x76: {  	_ =	shalt  }
0x77: {  	_ =	shalt  }
0x78: {  	_ =	shalt  }
0x79: {  	_ =	shalt  }
0x7a: {  	_ =	shalt  }
0x7b: {  	_ =	shalt  }
0x7c: {  	_ =	shalt  }
0x7d: {  	_ =	shalt  }
0x7e: {  	_ =	shalt  }
0x7f: {  	_ =	shalt  }
0x80: {  	_ =	shalt  }
0x81: {  	_ =	shalt  }
0x82: {  	_ =	shalt  }
0x83: {  	_ =	shalt  }
0x84: {  	_ =	shalt  }
0x85: {  	_ =	shalt  }
0x86: {  	_ =	shalt  }
0x87: {  	_ =	shalt  }
.Lfunc_end0:
.L_simem_size_0:
called_computation.1_lowered:
.L_overlay_start_0:
0x88: {  	s2 =	sld [smem:$0x3FD9]  }
0x89: {  	s3 =	sld [smem:$0x3FFE];
	_ =	sdelay $0x1  }
0x8a: {  	s1 =	srdreg.scid  }
0x8b: {  	s0 =	sand.u32 $0x1, s1  }
0x8c: {  	s17 =	sshll.u32 s0, $0xA;
	s2 =	sadd.s32 s3, s2  }
0x8d: {  	s2 =	sadd.s32 s2, s17  }
0x8e: {  	[smem:$0x3FBF] =	sst s2  }
0x8f: {  	_ = 	snop  }
0x90: {  	(tm) =	ssettm $0x1  }
0x91: {  	s18 =	sld [smem:$0x3FFB];
	_ =	sdelay $0x3  }
0x92: {  	_ =	strace s18  }
0x93: {  	s2 =	sld [smem:$0x3FFC];
	_ =	sdelay $0x3  }
0x94: {  	_ =	strace s2  }
0x95: {  	s2 =	sld [smem:$0x3FFD];
	_ =	sdelay $0x3  }
0x96: {  	_ =	strace s2  }
0x97: {  	_ =	strace $0x8FFFFFFF  }
0x98: {  	s19 =	sld [smem:$0x3FDB];
	_ =	sdelay $0x1  }
0x99: {  	s20 =	simm.s32 $_scs_section_size  }
0x9a: {  	s4 =	simm.s32 $_size__tile_overlayer_lowered;
	s5 =	simm.s32 $_tile_overlayer_lowered  }
0x9b: {  	s6 =	simm.s32 $0x1BFF;
	s21 =	sshll.u32 s5, $0x1;
	s3 =	sadd.s32 s20, s19  }
0x9c: {  	s22 =	simm.s32 $0x0;
	s4 =	sshll.u32 s4, $0x1;
	s5 =	sadd.s32 s21, s3  }
0x9d: {  	[timem:s22], [sflag:s6] =	dma.local [hbm:s5], s4  }
0x9e: {  	_ =	swait.ge [sflag:s6], s4  }
0x9f: {  	s4 =	ssub.s32 $0x0, s4;
	[sflag:s6] =	ssyncset.done $0x0  }
0xa0: {  	[sflag:s6] =	ssyncadd.s32 s4;
	_ =	sdelay $0x1  }
0xa1: {  	s23 =	simm.s32 $0x1B8B  }
0xa2: {  	_ =	swait.ge [sflag:s23], $0x1  }
0xa3: {  	[sflag:s23] =	ssyncset.done $0x0  }
0xa4: {  	[sflag:s23] =	ssyncadd.s32 $0xFFFFFFFF  }
0xa5: {  	s4 =	sld [smem:$0x0]  }
0xa6: {  	s5 =	sand.u32 $0xFFFFFFFE, s1  }
0xa7: {  	p0 =	sne.s32 s1, s5  }
0xa8: {  	s5 =	sshll.u32 @p0 s5, $0xE  }
0xa9: {  	s5 =	sadd.s32 @p0 $0x11B8D, s5;
	s6 =	sshll.u32 @p0 s4, $0x11  }
0xaa: {  	s5 =	sor.u32 @p0 s6, s5  }
0xab: {  	[sflag:s5] =	ssyncadd.remote.s32 @p0 $0x1;
	_ =	sdelay $0x1  }
0xac: {  	s5 =	simm.s32 @p0 $0x1B8D  }
0xad: {  	_ =	swait.eq @p0 [sflag:s5], $0x1  }
0xae: {  	[sflag:s5] =	ssyncadd.s32 @p0 $0xFFFFFFFF  }
0xaf: {  	s6 =	sshll.u32 @!p0 s1, $0xE  }
0xb0: {  	s6 =	sor.u32 @!p0 $0x4000, s6;
	s5 =	simm.s32 @!p0 $0x1B8D  }
0xb1: {  	s4 =	sshll.u32 @!p0 s4, $0x11;
	s6 =	sadd.s32 @!p0 $0x11B8D, s6;
	_ =	swait.eq @!p0 [sflag:s5], $0x1  }
0xb2: {  	s4 =	sor.u32 @!p0 s4, s6;
	[sflag:s5] =	ssyncadd.s32 @!p0 $0xFFFFFFFF  }
0xb3: {  	s25 =	simm.s32 $0x1B8E;
	s24 =	sld [smem:$0x3FFE];
	[sflag:s4] =	ssyncadd.remote.s32 @!p0 $0x1  }
0xb4: {  	s26 =	simm.s32 $execute0_lowered;
	[smem:$0x3FD2] =	sst s25  }
0xb5: {  	s5 =	sshll.u32 s26, $0x1;
	_ =	strace $0x80000049;
	[dreg:$0x1] =	wrdreg $0xFFFFFFFF  }
0xb6: {  	s28 =	simm.s32 $_size_execute0_lowered;
	s3 =	sadd.s32 s3, s5;
	[dreg:$0x0] =	wrdreg $0x0  }
0xb7: {  	s5 =	sshll.u32 s28, $0x1;
	[dreg:$0x2] =	wrdreg s3  }
0xb8: {  	[dreg:$0x3] =	wrdreg s5  }
0xb9: {  	[dreg:$0x4] =	wrdreg $0xC0  }
0xba: {  	_ =	task [dreg:s22], $0x5FFFF  }
0xbb: {  	[dreg:$0x1] =	wrdreg $0xFFFFFFFF  }
0xbc: {  	[dreg:$0x0] =	wrdreg $0x60  }
0xbd: {  	[dreg:$0x2] =	wrdreg s24  }
0xbe: {  	[dreg:$0x3] =	wrdreg $0xA  }
0xbf: {  	_ =	task.clear_ibuf [dreg:s22], $0x4FFFF;
	_ =	strace $0x90000049  }
0xc0: {  	s29 =	simm.s32 $0xA;
	_ =	strace $0x8000004B  }
0xc1: {  	_ =	swait.ge [sflag:s29], $0x1  }
0xc2: {  	[sflag:s29] =	ssyncadd.s32 $0xFFFFFFFF  }
0xc3: {  	_ =	strace $0x9000004B  }
0xc4: {  	_ =	sfence  }
0xc5: {  	s30 =	sld [smem:$0x0];
	_ =	sdelay $0x2  }
0xc6: {  	s31 =	sshll.u32 s1, $0xD;
	s1 =	sshrl.u32 s1, $0x2  }
0xc7: {  	s4 =	sand.u32 $0x4000, s31;
	s1 =	sadd.s32 s1, s30  }
0xc8: {  	s0 =	sor.u32 s4, s0;
	s1 =	sshll.u32 s1, $0x11  }
0xc9: {  	s0 =	sor.u32 s1, s0  }
0xca: {  	s0 =	sadd.s32 $0x8F2B, s0  }
0xcb: {  	[sflag:s0] =	ssyncadd.remote.s32 $0x1  }
0xcc: {  	_ =	sfence.sel $0xFFFF  }
0xcd: {  	[dreg:$0x0] =	wrdreg $0xFFFFFFFF;
	(pc) =	sbr.abs _section_cstart, $3  }
0xce: {  	[dreg:$0x1] =	wrdreg $0xFFFFFFFF  }
0xcf: {  	_ =	task.clear_ibuf [dreg:s22], $0x2FFFF;
	_ =	strace $0x9FFFFFFF  }
0xd0: {  	(tm) =	ssettm $0x7FFFFFFF  }
0xd1: {  	_ =	shalt  }
tec
execute0_lowered:
.L_overlay_start_1:
0x0: {  	(tag) =	ssettag $0x1  }
0x1: {  	s1 =	srdreg.scid  }
0x2: {  	s0 =	stileid.u32;
	s6 =	rddreg [dreg:$0x0]  }
0x3: {  	s2 =	simm.s32 $0x0;
	s10 =	simm.s32 $0x5;
	s11 =	simm.s32 $0x800  }
0x4: {  	s12 =	simm.s32 $0x50;
	s13 =	simm.s32 $0x1000;
	s14 =	simm.s32 $0x6000  }
0x5: {  	s15 =	simm.s32 $0x1;
	s16 =	simm.s32 $0x3;
	s17 =	simm.s32 $0xB000  }
0x6: {  	s18 =	simm.s32 $0x6;
	s5 =	sand.u32 $0x1, s1;
	s3 =	sshll.u32 s0, $0x1  }
0x7: {  	s19 =	simm.s32 $0x2;
	s20 =	simm.s32 $0x4;
	s3 =	sor.u32 s5, s3  }
0x8: {  	s21 =	simm.s32 $0xD800;
	s22 =	simm.s32 $0x0;
	s3 =	smul.u32 $0x7D0, s3  }
.Ltmp0:
0x9: {  	s1 =	rddreg [dreg:$0x1];
	s7 =	ssub.s32 $0x2, s5;
	(pc) =	sbr.rel .LBB2_1-.Ltmp0, $4  }
0xa: {  	[smem:$0x7FF] =	sst s2;
	s4 =	sadd.s32 $0x16400, s6;
	s9 =	sshrl.u32 s7, $0x1  }
0xb: {  	_ =	strace $0x8000004A;
	s9 =	ssub.s32 s7, s9;
	s8 =	sshrl.u32 s3, $0x3  }
0xc: {  	s5 =	sadd.s32 $0x3D600, s6;
	s9 =	smax.u32 s9, $0x1;
	s8 =	sadd.s32 s6, s8  }
0xd: {  	s6 =	sadd.s32 $0x15E800, s6;
	s7 =	sadd.s32 $0xE540, s8;
	s8 =	sadd.s32 $0x4740, s8  }
.LBB2_9:
0xe: {  	s22 =	sadd.s32 $0x1, s22  }
0xf: {  	p0 =	sne.s32 s22, s9  }
.Ltmp1:
0x10: {  	_ = 	snop;
	(pc) =	sbr.rel @!p0 .LBB2_10-.Ltmp1, $1  }
0x11: {  	_ =	sdelay $0x3  }
.LBB2_1:
0x12: {  	[tilespmem:s2], [sflag:$0x5] =	stream.linear.gather [hbm4b:s7+s2], $0x7D0, $0x38;
	[tilespmem:$0x10000] =	vst v63  }
0x13: {  	_ =	swait.ge [sflag:s10], $0x7D0  }
0x14: {  	[sflag:s10] =	ssyncset.done $0x0  }
0x15: {  	[sflag:s10] =	ssyncadd.s32 $0xFFFFF830  }
0x16: {  	[tilespmem:s11], [sflag:$0x5] =	stream.linear.gather [hbm4b:s8+s2], $0x7D0, $0x38;
	[tilespmem:$0x10000] =	vst v63  }
0x17: {  	_ =	swait.ge [sflag:s10], $0x7D0  }
.Ltmp2:
0x18: {  	[sflag:s10] =	ssyncset.done $0x0;
	(pc) =	sbr.rel .LBB2_2-.Ltmp2, $4  }
0x19: {  	[sflag:s10] =	ssyncadd.s32 $0xFFFFF830  }
0x1a: {  	[tilespmem:s13], [sflag:$0x1] =	stream.indirect.gather [hbm4b:s4+s12], $0x80, s2, s12, $0xb8;
	[tilespmem:$0x10000] =	vst v63  }
0x1b: {  	s23 =	simm.s32 $0x0  }
0x1c: {  	[tilespmem:s14], [sflag:$0x3] =	stream.indirect.gather [hbm4b:s5+s12], $0x80, s11, s12, $0xb8;
	[tilespmem:$0x10000] =	vst v63  }
.LBB2_8:
0x1d: {  	s23 =	sadd.s32 $0x1, s23  }
0x1e: {  	p0 =	sne.s32 s23, $0xD  }
.Ltmp3:
0x1f: {  	_ = 	snop;
	(pc) =	sbr.rel @!p0 .LBB2_9-.Ltmp3, $1  }
0x20: {  	_ =	sdelay $0x3  }
.LBB2_2:
0x21: {  	s24 =	sshllo.u32 s23, $0x1  }
0x22: {  	p0 =	sgt.u32 s24, $0x18  }
0x23: {  	s25 =	smul.u32 @!p0 $0x50, s24  }
0x24: {  	s26 =	simm.s32 @!p0 $0x50;
	s28 =	simm.s32 @!p0 $0x3800  }
0x25: {  	[tilespmem:s28], [sflag:$0x2] =	stream.indirect.gather @!p0 [hbm4b:s4+s26], $0x80, s25, s26, $0xb8;
	[tilespmem:$0x10000] =	vst v63  }
0x26: {  	s25 =	sadd.s32 @!p0 $0x800, s25;
	s28 =	simm.s32 @!p0 $0x8800  }
0x27: {  	[tilespmem:s28], [sflag:$0x4] =	stream.indirect.gather @!p0 [hbm4b:s5+s26], $0x80, s25, s26, $0xb8;
	[tilespmem:$0x10000] =	vst v63  }
0x28: {  	_ =	swait.ge [sflag:s15], $0x2800  }
0x29: {  	[sflag:s15] =	ssyncset.done $0x0  }
0x2a: {  	[sflag:s15] =	ssyncadd.s32 $0xFFFFD800  }
0x2b: {  	_ =	swait.ge [sflag:s16], $0x2800  }
0x2c: {  	[sflag:s16] =	ssyncset.done $0x0  }
0x2d: {  	s25 =	simm.s32 $0x0;
	[sflag:s16] =	ssyncadd.s32 $0xFFFFD800  }
0x2e: {  	v0 =	vld [tilespmem:s25+$0x1060]  }
0x2f: {  	v1 =	vld [tilespmem:s25+$0x6060]  }
0x30: {  	v2 =	vld [tilespmem:s25+$0x1070]  }
0x31: {  	v3 =	vld [tilespmem:s25+$0x6070]  }
0x32: {  	v4 =	vld [tilespmem:s25+$0x1000]  }
0x33: {  	v5 =	vld [tilespmem:s25+$0x6000]  }
0x34: {  	v6 =	vld [tilespmem:s25+$0x1010]  }
0x35: {  	v7 =	vld [tilespmem:s25+$0x6010]  }
0x36: {  	v8 =	vld [tilespmem:s25+$0x1020]  }
0x37: {  	v0 =	vadd.f32 v1, v0;
	v1 =	vadd.f32 v3, v2;
	v2 =	vld [tilespmem:s25+$0x6020]  }
0x38: {  	v3 =	vld [tilespmem:s25+$0x1030]  }
0x39: {  	v4 =	vadd.f32 v5, v4;
	v5 =	vld [tilespmem:s25+$0x6030];
	v9 =	vshrl.u32 v0, $0x10;
	v10 =	vshrl.u32 v1, $0x10  }
0x3a: {  	v9 =	vand.u32 $0x1, v9;
	v10 =	vand.u32 $0x1, v10  }
0x3b: {  	v6 =	vadd.f32 v7, v6;
	v7 =	vld [tilespmem:s25+$0x1040];
	v0 =	vadd.s32 v9, v0;
	v1 =	vadd.s32 v10, v1  }
0x3c: {  	v9 =	vshrl.u32 v4, $0x10;
	v10 =	vld [tilespmem:s25+$0x6040];
	v0 =	vadd.s32 $0x7FFF, v0;
	v1 =	vadd.s32 $0x7FFF, v1  }
0x3d: {  	v11 =	vld [tilespmem:s25+$0x1050];
	v2 =	vadd.f32 v2, v8;
	v8 =	vand.u32 $0x1, v9;
	v9 =	vshrl.u32 v6, $0x10  }
0x3e: {  	v12 =	vld [tilespmem:s25+$0x6050];
	v3 =	vadd.f32 v5, v3;
	v0 =	vshrl.u32 v0, $0x10;
	v1 =	vand.u32 $0xFFFF0000, v1  }
0x3f: {  	v0 =	vor.u32 v0, v1;
	v1 =	vand.u32 $0x1, v9;
	v5 =	vshrl.u32 v2, $0x10  }
0x40: {  	s26 =	simm.s32 $0x80;
	v8 =	vadd.s32 v8, v4;
	[tilespmem:s25+$0xB030] =	vst v0;
	v9 =	vadd.s32 v1, v6;
	v1 =	vand.u32 $0x1, v5  }
0x41: {  	v0 =	vld [tilespmem:s26+$0x1060];
	v6 =	vadd.s32 v1, v2;
	v2 =	vshrl.u32 v3, $0x10;
	v4 =	vadd.f32 v10, v7  }
0x42: {  	v1 =	vld [tilespmem:s26+$0x6060];
	v7 =	vadd.s32 $0x7FFF, v8;
	v5 =	vadd.s32 $0x7FFF, v9;
	v8 =	vand.u32 $0x1, v2  }
0x43: {  	s28 =	simm.s32 $0x400;
	v2 =	vld [tilespmem:s26+$0x1070];
	v8 =	vadd.s32 v8, v3;
	v3 =	vadd.f32 v12, v11;
	v9 =	vshrl.u32 v4, $0x10  }
.LBB2_3:
0x44: {  	p1 =	sne.s32 s28, $0x9E00;
	v10 =	vld [tilespmem:s26+$0x6070];
	v6 =	vadd.s32 $0x7FFF, v6;
	v8 =	vadd.s32 $0x7FFF, v8;
	v9 =	vand.u32 $0x1, v9  }
0x45: {  	v7 =	vshrl.u32 v7, $0x10;
	v11 =	vld [tilespmem:s26+$0x1000];
	v4 =	vadd.s32 v9, v4;
	v9 =	vshrl.u32 v3, $0x10  }
0x46: {  	v5 =	vand.u32 $0xFFFF0000, v5;
	v12 =	vld [tilespmem:s26+$0x6000];
	v4 =	vadd.s32 $0x7FFF, v4;
	v9 =	vand.u32 $0x1, v9  }
0x47: {  	v6 =	vshrl.u32 v6, $0x10;
	v8 =	vand.u32 $0xFFFF0000, v8;
	v13 =	vld [tilespmem:s26+$0x1010];
	v3 =	vadd.s32 v9, v3  }
0x48: {  	v5 =	vor.u32 v7, v5;
	v4 =	vshrl.u32 v4, $0x10;
	v9 =	vld [tilespmem:s26+$0x6010];
	v3 =	vadd.s32 $0x7FFF, v3  }
0x49: {  	v0 =	vadd.f32 v1, v0;
	v7 =	vld [tilespmem:s26+$0x1020];
	v1 =	vadd.f32 v10, v2;
	[tilespmem:s25+$0xB000] =	vst v5;
	v2 =	vand.u32 $0xFFFF0000, v3  }
0x4a: {  	v5 =	vor.u32 v6, v8;
	v3 =	vld [tilespmem:s26+$0x6020];
	v2 =	vor.u32 v4, v2  }
0x4b: {  	v8 =	vshrl.u32 v0, $0x10;
	v4 =	vadd.f32 v12, v11;
	v6 =	vld [tilespmem:s26+$0x1030];
	v10 =	vshrl.u32 v1, $0x10;
	[tilespmem:s25+$0xB010] =	vst v5  }
0x4c: {  	v8 =	vand.u32 $0x1, v8;
	v5 =	vld [tilespmem:s26+$0x6030];
	v10 =	vand.u32 $0x1, v10;
	[tilespmem:s25+$0xB020] =	vst v2;
	s25 =	smov.u32 s26  }
0x4d: {  	v0 =	vadd.s32 v8, v0;
	v2 =	vadd.f32 v9, v13;
	v9 =	vld [tilespmem:s25+$0x1040];
	v1 =	vadd.s32 v10, v1  }
0x4e: {  	v0 =	vadd.s32 $0x7FFF, v0;
	v8 =	vshrl.u32 v4, $0x10;
	v10 =	vld [tilespmem:s25+$0x6040];
	v1 =	vadd.s32 $0x7FFF, v1  }
0x4f: {  	v0 =	vshrl.u32 v0, $0x10;
	v3 =	vadd.f32 v3, v7;
	v11 =	vld [tilespmem:s25+$0x1050];
	v1 =	vand.u32 $0xFFFF0000, v1  }
0x50: {  	v7 =	vand.u32 $0x1, v8;
	v8 =	vshrl.u32 v2, $0x10;
	v12 =	vld [tilespmem:s25+$0x6050];
	v0 =	vor.u32 v0, v1  }
.Ltmp4:
0x51: {  	v1 =	vand.u32 $0x1, v8;
	v8 =	vadd.f32 v5, v6;
	v5 =	vshrl.u32 v3, $0x10;
	[tilespmem:s25+$0xB030] =	vst v0;
	(pc) =	sbr.rel @p1 .LBB2_3-.Ltmp4, $4  }
0x52: {  	s26 =	sshra.s32 s28, $0x2;
	v7 =	vadd.s32 v7, v4;
	v2 =	vadd.s32 v1, v2;
	v1 =	vand.u32 $0x1, v5  }
0x53: {  	v0 =	vld [tilespmem:s26+$0x1060];
	v6 =	vadd.s32 v1, v3;
	v3 =	vshrl.u32 v8, $0x10;
	v4 =	vadd.f32 v10, v9  }
0x54: {  	v7 =	vadd.s32 $0x7FFF, v7;
	v5 =	vadd.s32 $0x7FFF, v2;
	v1 =	vld [tilespmem:s26+$0x6060];
	v3 =	vand.u32 $0x1, v3  }
0x55: {  	s28 =	sadd.s32 $0x200, s28;
	v2 =	vld [tilespmem:s26+$0x1070];
	v8 =	vadd.s32 v3, v8;
	v3 =	vadd.f32 v12, v11;
	v9 =	vshrl.u32 v4, $0x10  }
0x56: {  	v10 =	vld [tilespmem:s26+$0x6070]  }
0x57: {  	v11 =	vld [tilespmem:s26+$0x1000];
	v6 =	vadd.s32 $0x7FFF, v6  }
0x58: {  	v12 =	vld [tilespmem:s26+$0x6000];
	v9 =	vand.u32 $0x1, v9;
	v7 =	vshrl.u32 v7, $0x10;
	v5 =	vand.u32 $0xFFFF0000, v5  }
0x59: {  	v13 =	vld [tilespmem:s26+$0x1010];
	v34 =	vadd.s32 $0x7FFF, v8;
	v4 =	vadd.s32 v9, v4;
	v32 =	vshrl.u32 v3, $0x10  }
0x5a: {  	v14 =	vld [tilespmem:s26+$0x6010];
	v5 =	vor.u32 v7, v5;
	v6 =	vshrl.u32 v6, $0x10;
	v35 =	vand.u32 $0x1, v32  }
0x5b: {  	v33 =	vld [tilespmem:s26+$0x1020];
	[tilespmem:s25+$0xB000] =	vst v5;
	v4 =	vadd.s32 $0x7FFF, v4;
	v5 =	vand.u32 $0xFFFF0000, v34;
	v36 =	vadd.s32 v35, v3  }
0x5c: {  	v0 =	vadd.f32 v1, v0;
	v38 =	vor.u32 v6, v5;
	v3 =	vadd.s32 $0x7FFF, v36  }
0x5d: {  	v37 =	vld [tilespmem:s26+$0x6020];
	v4 =	vshrl.u32 v4, $0x10;
	v2 =	vadd.f32 v10, v2;
	v3 =	vand.u32 $0xFFFF0000, v3  }
0x5e: {  	v39 =	vld [tilespmem:s26+$0x1030];
	[tilespmem:s25+$0xB010] =	vst v38;
	v41 =	vshrl.u32 v0, $0x10;
	v43 =	vadd.f32 v12, v11;
	v40 =	vor.u32 v4, v3  }
0x5f: {  	v42 =	vld [tilespmem:s26+$0x6030];
	v46 =	vadd.f32 v14, v13;
	v3 =	vand.u32 $0x1, v41;
	[tilespmem:s25+$0xB020] =	vst v40  }
0x60: {  	v44 =	vshrl.u32 v2, $0x10;
	v0 =	vadd.s32 v3, v0;
	v48 =	vshrl.u32 v43, $0x10;
	v47 =	vld [tilespmem:s26+$0x1040]  }
0x61: {  	v51 =	vshrl.u32 v46, $0x10;
	v45 =	vand.u32 $0x1, v44;
	v49 =	vld [tilespmem:s26+$0x6040];
	v0 =	vadd.s32 $0x7FFF, v0  }
0x62: {  	v7 =	vadd.f32 v37, v33;
	v50 =	vld [tilespmem:s26+$0x1050];
	v55 =	vand.u32 $0x1, v51;
	v1 =	vadd.s32 v45, v2  }
0x63: {  	v52 =	vld [tilespmem:s26+$0x6050];
	v0 =	vshrl.u32 v0, $0x10;
	v2 =	vand.u32 $0x1, v48;
	v5 =	vadd.s32 v55, v46  }
0x64: {  	v1 =	vadd.s32 $0x7FFF, v1;
	v53 =	vadd.f32 v42, v39;
	v54 =	vshrl.u32 v7, $0x10  }
0x65: {  	v2 =	vadd.s32 v2, v43;
	v5 =	vadd.s32 $0x7FFF, v5;
	v1 =	vand.u32 $0xFFFF0000, v1  }
0x66: {  	v4 =	vand.u32 $0x1, v54;
	v2 =	vadd.s32 $0x7FFF, v2;
	v5 =	vand.u32 $0xFFFF0000, v5  }
0x67: {  	v0 =	vor.u32 v0, v1;
	v4 =	vadd.s32 v4, v7;
	v56 =	vshrl.u32 v53, $0x10  }
0x68: {  	v2 =	vshrl.u32 v2, $0x10;
	v3 =	vadd.f32 v49, v47;
	v57 =	vadd.f32 v52, v50  }
0x69: {  	v6 =	vand.u32 $0x1, v56;
	v4 =	vadd.s32 $0x7FFF, v4;
	v61 =	vor.u32 v2, v5  }
0x6a: {  	v1 =	vadd.s32 v6, v53;
	v58 =	vshrl.u32 v3, $0x10;
	v8 =	vshrl.u32 v57, $0x10  }
0x6b: {  	v4 =	vshrl.u32 v4, $0x10;
	v7 =	vand.u32 $0x1, v58;
	v59 =	vand.u32 $0x1, v8  }
0x6c: {  	s25 =	smul.u32 $0xA0, s23;
	v1 =	vadd.s32 $0x7FFF, v1;
	v3 =	vadd.s32 v7, v3;
	v6 =	vadd.s32 v59, v57  }
0x6d: {  	[tilespmem:s26+$0xB030] =	vst v0;
	v60 =	vand.u32 $0xFFFF0000, v1;
	v3 =	vadd.s32 $0x7FFF, v3;
	v62 =	vadd.s32 $0x7FFF, v6  }
0x6e: {  	s28 =	sadd.s32 s3, s25;
	[tilespmem:s26+$0xB000] =	vst v61;
	v0 =	vor.u32 v4, v60;
	v3 =	vshrl.u32 v3, $0x10;
	v63 =	vand.u32 $0xFFFF0000, v62  }
0x6f: {  	s28 =	sshll.u32 s28, $0x4;
	[tilespmem:s26+$0xB010] =	vst v0;
	v1 =	vor.u32 v3, v63  }
0x70: {  	s31 =	sadd.s32 s6, s28;
	[tilespmem:s26+$0xB020] =	vst v1  }
0x71: {  	[hbm4b:s31+s2] =	stream.linear.scatter [tilespmem:s17], [sflag:$0x6], $0x2800, $0x38;
	[tilespmem:$0x10000] =	vst v63  }
0x72: {  	p1 =	seq.s32 s23, $0xC;
	_ =	swait.ge [sflag:s18], $0x2800  }
.Ltmp5:
0x73: {  	s29 =	simm.s32 @!p1 $0x1000;
	[sflag:s18] =	ssyncset.done $0x0;
	(pc) =	sbr.rel @p0 .LBB2_8-.Ltmp5, $4  }
0x74: {  	s28 =	simm.s32 @!p1 $0x50;
	s26 =	sadd.s32 @!p1 $0xA0, s25;
	[sflag:s18] =	ssyncadd.s32 $0xFFFFD800  }
0x75: {  	[tilespmem:s29], [sflag:$0x1] =	stream.indirect.gather @!p1 [hbm4b:s4+s28], $0x80, s26, s28, $0xb8;
	[tilespmem:$0x10000] =	vst v63  }
0x76: {  	s25 =	sadd.s32 @!p1 $0x8A0, s25;
	s26 =	simm.s32 @!p1 $0x6000  }
0x77: {  	[tilespmem:s26], [sflag:$0x3] =	stream.indirect.gather @!p1 [hbm4b:s5+s28], $0x80, s25, s28, $0xb8;
	[tilespmem:$0x10000] =	vst v63  }
0x78: {  	_ =	swait.ge [sflag:s19], $0x2800  }
0x79: {  	[sflag:s19] =	ssyncset.done $0x0  }
0x7a: {  	[sflag:s19] =	ssyncadd.s32 $0xFFFFD800  }
0x7b: {  	_ =	swait.ge [sflag:s20], $0x2800  }
0x7c: {  	[sflag:s20] =	ssyncset.done $0x0  }
0x7d: {  	s25 =	simm.s32 $0x0;
	[sflag:s20] =	ssyncadd.s32 $0xFFFFD800  }
0x7e: {  	v0 =	vld [tilespmem:s25+$0x3860]  }
0x7f: {  	v1 =	vld [tilespmem:s25+$0x8860]  }
0x80: {  	v2 =	vld [tilespmem:s25+$0x3870]  }
0x81: {  	v3 =	vld [tilespmem:s25+$0x8870]  }
0x82: {  	v4 =	vld [tilespmem:s25+$0x3800]  }
0x83: {  	v5 =	vld [tilespmem:s25+$0x8800]  }
0x84: {  	v6 =	vld [tilespmem:s25+$0x3810]  }
0x85: {  	v7 =	vld [tilespmem:s25+$0x8810]  }
0x86: {  	v8 =	vld [tilespmem:s25+$0x3820]  }
0x87: {  	v0 =	vadd.f32 v1, v0;
	v1 =	vadd.f32 v3, v2;
	v2 =	vld [tilespmem:s25+$0x8820]  }
0x88: {  	v3 =	vld [tilespmem:s25+$0x3830]  }
0x89: {  	v4 =	vadd.f32 v5, v4;
	v5 =	vld [tilespmem:s25+$0x8830];
	v9 =	vshrl.u32 v0, $0x10;
	v10 =	vshrl.u32 v1, $0x10  }
0x8a: {  	v9 =	vand.u32 $0x1, v9;
	v10 =	vand.u32 $0x1, v10  }
0x8b: {  	v6 =	vadd.f32 v7, v6;
	v7 =	vld [tilespmem:s25+$0x3840];
	v0 =	vadd.s32 v9, v0;
	v1 =	vadd.s32 v10, v1  }
0x8c: {  	v9 =	vshrl.u32 v4, $0x10;
	v10 =	vld [tilespmem:s25+$0x8840];
	v0 =	vadd.s32 $0x7FFF, v0;
	v1 =	vadd.s32 $0x7FFF, v1  }
0x8d: {  	v11 =	vld [tilespmem:s25+$0x3850];
	v2 =	vadd.f32 v2, v8;
	v8 =	vand.u32 $0x1, v9;
	v9 =	vshrl.u32 v6, $0x10  }
0x8e: {  	v12 =	vld [tilespmem:s25+$0x8850];
	v3 =	vadd.f32 v5, v3;
	v0 =	vshrl.u32 v0, $0x10;
	v1 =	vand.u32 $0xFFFF0000, v1  }
0x8f: {  	v0 =	vor.u32 v0, v1;
	v1 =	vand.u32 $0x1, v9;
	v5 =	vshrl.u32 v2, $0x10  }
0x90: {  	s26 =	simm.s32 $0x80;
	v8 =	vadd.s32 v8, v4;
	[tilespmem:s25+$0xD830] =	vst v0;
	v9 =	vadd.s32 v1, v6;
	v1 =	vand.u32 $0x1, v5  }
0x91: {  	v0 =	vld [tilespmem:s26+$0x3860];
	v6 =	vadd.s32 v1, v2;
	v2 =	vshrl.u32 v3, $0x10;
	v4 =	vadd.f32 v10, v7  }
0x92: {  	v1 =	vld [tilespmem:s26+$0x8860];
	v7 =	vadd.s32 $0x7FFF, v8;
	v5 =	vadd.s32 $0x7FFF, v9;
	v8 =	vand.u32 $0x1, v2  }
0x93: {  	s28 =	simm.s32 $0x400;
	v2 =	vld [tilespmem:s26+$0x3870];
	v8 =	vadd.s32 v8, v3;
	v3 =	vadd.f32 v12, v11;
	v9 =	vshrl.u32 v4, $0x10  }
.LBB2_6:
0x94: {  	p0 =	sne.s32 s28, $0x9E00;
	v10 =	vld [tilespmem:s26+$0x8870];
	v6 =	vadd.s32 $0x7FFF, v6;
	v8 =	vadd.s32 $0x7FFF, v8;
	v9 =	vand.u32 $0x1, v9  }
0x95: {  	v7 =	vshrl.u32 v7, $0x10;
	v11 =	vld [tilespmem:s26+$0x3800];
	v4 =	vadd.s32 v9, v4;
	v9 =	vshrl.u32 v3, $0x10  }
0x96: {  	v5 =	vand.u32 $0xFFFF0000, v5;
	v12 =	vld [tilespmem:s26+$0x8800];
	v4 =	vadd.s32 $0x7FFF, v4;
	v9 =	vand.u32 $0x1, v9  }
0x97: {  	v6 =	vshrl.u32 v6, $0x10;
	v8 =	vand.u32 $0xFFFF0000, v8;
	v13 =	vld [tilespmem:s26+$0x3810];
	v3 =	vadd.s32 v9, v3  }
0x98: {  	v5 =	vor.u32 v7, v5;
	v4 =	vshrl.u32 v4, $0x10;
	v9 =	vld [tilespmem:s26+$0x8810];
	v3 =	vadd.s32 $0x7FFF, v3  }
0x99: {  	v0 =	vadd.f32 v1, v0;
	v7 =	vld [tilespmem:s26+$0x3820];
	v1 =	vadd.f32 v10, v2;
	[tilespmem:s25+$0xD800] =	vst v5;
	v2 =	vand.u32 $0xFFFF0000, v3  }
0x9a: {  	v5 =	vor.u32 v6, v8;
	v3 =	vld [tilespmem:s26+$0x8820];
	v2 =	vor.u32 v4, v2  }
0x9b: {  	v8 =	vshrl.u32 v0, $0x10;
	v4 =	vadd.f32 v12, v11;
	v6 =	vld [tilespmem:s26+$0x3830];
	v10 =	vshrl.u32 v1, $0x10;
	[tilespmem:s25+$0xD810] =	vst v5  }
0x9c: {  	v8 =	vand.u32 $0x1, v8;
	v5 =	vld [tilespmem:s26+$0x8830];
	v10 =	vand.u32 $0x1, v10;
	[tilespmem:s25+$0xD820] =	vst v2;
	s25 =	smov.u32 s26  }
0x9d: {  	v0 =	vadd.s32 v8, v0;
	v2 =	vadd.f32 v9, v13;
	v9 =	vld [tilespmem:s25+$0x3840];
	v1 =	vadd.s32 v10, v1  }
0x9e: {  	v0 =	vadd.s32 $0x7FFF, v0;
	v8 =	vshrl.u32 v4, $0x10;
	v10 =	vld [tilespmem:s25+$0x8840];
	v1 =	vadd.s32 $0x7FFF, v1  }
0x9f: {  	v0 =	vshrl.u32 v0, $0x10;
	v3 =	vadd.f32 v3, v7;
	v11 =	vld [tilespmem:s25+$0x3850];
	v1 =	vand.u32 $0xFFFF0000, v1  }
0xa0: {  	v7 =	vand.u32 $0x1, v8;
	v8 =	vshrl.u32 v2, $0x10;
	v12 =	vld [tilespmem:s25+$0x8850];
	v0 =	vor.u32 v0, v1  }
.Ltmp6:
0xa1: {  	v1 =	vand.u32 $0x1, v8;
	v8 =	vadd.f32 v5, v6;
	v5 =	vshrl.u32 v3, $0x10;
	[tilespmem:s25+$0xD830] =	vst v0;
	(pc) =	sbr.rel @p0 .LBB2_6-.Ltmp6, $4  }
0xa2: {  	s26 =	sshra.s32 s28, $0x2;
	v7 =	vadd.s32 v7, v4;
	v2 =	vadd.s32 v1, v2;
	v1 =	vand.u32 $0x1, v5  }
0xa3: {  	v0 =	vld [tilespmem:s26+$0x3860];
	v6 =	vadd.s32 v1, v3;
	v3 =	vshrl.u32 v8, $0x10;
	v4 =	vadd.f32 v10, v9  }
0xa4: {  	v7 =	vadd.s32 $0x7FFF, v7;
	v5 =	vadd.s32 $0x7FFF, v2;
	v1 =	vld [tilespmem:s26+$0x8860];
	v3 =	vand.u32 $0x1, v3  }
0xa5: {  	s28 =	sadd.s32 $0x200, s28;
	v2 =	vld [tilespmem:s26+$0x3870];
	v8 =	vadd.s32 v3, v8;
	v3 =	vadd.f32 v12, v11;
	v9 =	vshrl.u32 v4, $0x10  }
0xa6: {  	v10 =	vld [tilespmem:s26+$0x8870]  }
0xa7: {  	v11 =	vld [tilespmem:s26+$0x3800];
	v6 =	vadd.s32 $0x7FFF, v6  }
0xa8: {  	v12 =	vld [tilespmem:s26+$0x8800];
	v9 =	vand.u32 $0x1, v9;
	v7 =	vshrl.u32 v7, $0x10;
	v5 =	vand.u32 $0xFFFF0000, v5  }
0xa9: {  	v13 =	vld [tilespmem:s26+$0x3810];
	v34 =	vadd.s32 $0x7FFF, v8;
	v4 =	vadd.s32 v9, v4;
	v32 =	vshrl.u32 v3, $0x10  }
0xaa: {  	v14 =	vld [tilespmem:s26+$0x8810];
	v5 =	vor.u32 v7, v5;
	v6 =	vshrl.u32 v6, $0x10;
	v35 =	vand.u32 $0x1, v32  }
0xab: {  	v33 =	vld [tilespmem:s26+$0x3820];
	[tilespmem:s25+$0xD800] =	vst v5;
	v4 =	vadd.s32 $0x7FFF, v4;
	v5 =	vand.u32 $0xFFFF0000, v34;
	v36 =	vadd.s32 v35, v3  }
0xac: {  	v0 =	vadd.f32 v1, v0;
	v38 =	vor.u32 v6, v5;
	v3 =	vadd.s32 $0x7FFF, v36  }
0xad: {  	v37 =	vld [tilespmem:s26+$0x8820];
	v4 =	vshrl.u32 v4, $0x10;
	v2 =	vadd.f32 v10, v2;
	v3 =	vand.u32 $0xFFFF0000, v3  }
0xae: {  	v39 =	vld [tilespmem:s26+$0x3830];
	[tilespmem:s25+$0xD810] =	vst v38;
	v41 =	vshrl.u32 v0, $0x10;
	v43 =	vadd.f32 v12, v11;
	v40 =	vor.u32 v4, v3  }
0xaf: {  	v42 =	vld [tilespmem:s26+$0x8830];
	v46 =	vadd.f32 v14, v13;
	v3 =	vand.u32 $0x1, v41;
	[tilespmem:s25+$0xD820] =	vst v40  }
0xb0: {  	v44 =	vshrl.u32 v2, $0x10;
	v0 =	vadd.s32 v3, v0;
	v48 =	vshrl.u32 v43, $0x10;
	v47 =	vld [tilespmem:s26+$0x3840]  }
0xb1: {  	v51 =	vshrl.u32 v46, $0x10;
	v45 =	vand.u32 $0x1, v44;
	v49 =	vld [tilespmem:s26+$0x8840];
	v0 =	vadd.s32 $0x7FFF, v0  }
0xb2: {  	v7 =	vadd.f32 v37, v33;
	v50 =	vld [tilespmem:s26+$0x3850];
	v55 =	vand.u32 $0x1, v51;
	v1 =	vadd.s32 v45, v2  }
0xb3: {  	v52 =	vld [tilespmem:s26+$0x8850];
	v0 =	vshrl.u32 v0, $0x10;
	v2 =	vand.u32 $0x1, v48;
	v5 =	vadd.s32 v55, v46  }
0xb4: {  	v1 =	vadd.s32 $0x7FFF, v1;
	v53 =	vadd.f32 v42, v39;
	v54 =	vshrl.u32 v7, $0x10  }
0xb5: {  	v2 =	vadd.s32 v2, v43;
	v5 =	vadd.s32 $0x7FFF, v5;
	v1 =	vand.u32 $0xFFFF0000, v1  }
0xb6: {  	v4 =	vand.u32 $0x1, v54;
	v2 =	vadd.s32 $0x7FFF, v2;
	v5 =	vand.u32 $0xFFFF0000, v5  }
0xb7: {  	v0 =	vor.u32 v0, v1;
	v4 =	vadd.s32 v4, v7;
	v56 =	vshrl.u32 v53, $0x10  }
0xb8: {  	v2 =	vshrl.u32 v2, $0x10;
	v3 =	vadd.f32 v49, v47;
	v57 =	vadd.f32 v52, v50  }
0xb9: {  	v6 =	vand.u32 $0x1, v56;
	v4 =	vadd.s32 $0x7FFF, v4;
	v61 =	vor.u32 v2, v5  }
0xba: {  	v1 =	vadd.s32 v6, v53;
	v58 =	vshrl.u32 v3, $0x10;
	v8 =	vshrl.u32 v57, $0x10  }
0xbb: {  	v4 =	vshrl.u32 v4, $0x10;
	v7 =	vand.u32 $0x1, v58;
	v59 =	vand.u32 $0x1, v8  }
0xbc: {  	s24 =	smul.u32 $0x50, s24;
	v1 =	vadd.s32 $0x7FFF, v1;
	v3 =	vadd.s32 v7, v3;
	v6 =	vadd.s32 v59, v57  }
0xbd: {  	[tilespmem:s26+$0xD830] =	vst v0;
	v60 =	vand.u32 $0xFFFF0000, v1;
	v3 =	vadd.s32 $0x7FFF, v3;
	v62 =	vadd.s32 $0x7FFF, v6  }
0xbe: {  	s24 =	sadd.s32 s3, s24;
	[tilespmem:s26+$0xD800] =	vst v61;
	v0 =	vor.u32 v4, v60;
	v3 =	vshrl.u32 v3, $0x10;
	v63 =	vand.u32 $0xFFFF0000, v62  }
0xbf: {  	s24 =	sshll.u32 s24, $0x4;
	[tilespmem:s26+$0xD810] =	vst v0;
	v1 =	vor.u32 v3, v63  }
.Ltmp7:
0xc0: {  	s24 =	sadd.s32 s6, s24;
	[tilespmem:s26+$0xD820] =	vst v1;
	(pc) =	sbr.rel .LBB2_8-.Ltmp7, $4  }
0xc1: {  	[hbm4b:s24+s2] =	stream.linear.scatter [tilespmem:s21], [sflag:$0x5], $0x2800, $0x38;
	[tilespmem:$0x10000] =	vst v63  }
0xc2: {  	_ =	swait.ge [sflag:s10], $0x2800  }
0xc3: {  	[sflag:s10] =	ssyncset.done $0x0  }
0xc4: {  	[sflag:s10] =	ssyncadd.s32 $0xFFFFD800  }
.LBB2_10:
0xc5: {  	_ =	sfence.sel $0x180000  }
0xc6: {  	[bflag:$0x0] =	sbarrier.arrive $0xFFFF  }
0xc7: {  	p0 =	sne.s32 s0, $0x0;
	_ =	strace $0x9000004A  }
0xc8: {  	s0 =	sadd.s32 @!p0 $0x100000, s1;
	[bflag:$0x2] =	sbarrier.arrive $0xFFFF  }
0xc9: {  	[sflag:s0] =	ssyncadd.tile.s32 @!p0 $0x1;
	_ =	shalt  }
.Lfunc_end2:
_tile_overlayer_lowered:
.L_overlay_start_2:
0xca: {  	(tag) =	ssettag $0x2  }
0xcb: {  	s0 =	rddreg [dreg:$0x0];
	s2 =	stileid.u32  }
0xcc: {  	s1 =	rddreg [dreg:$0x1];
	p0 =	sne.s32 s2, $0x0  }
0xcd: {  	s3 =	rddreg [dreg:$0x2];
	[bflag:$0x3] =	sbarrier.arrive $0xFFFF;
	s2 =	simm.s32 @!p0 $0x1C05  }
0xce: {  	[timem:s3], [sflag:s2] =	dma.local @!p0 [hbm:s0], s1  }
0xcf: {  	s0 =	simm.s32 @!p0 $0x5  }
0xd0: {  	_ =	swait.ge @!p0 [sflag:s0], s1  }
0xd1: {  	s1 =	ssub.s32 @!p0 $0x0, s1;
	[sflag:s0] =	ssyncset.done @!p0 $0x0  }
0xd2: {  	[sflag:s0] =	ssyncadd.s32 @!p0 s1  }
0xd3: {  	[bflag:$0x3] =	sbarrier.arrive $0xFFFF  }
0xd4: {  	_ =	shalt  }

// kernel: kernel.19.cloned.1.call-start
scs
__scs_entry_jumppad:
0x0: {  	(pc) =	sbr.rel $0x88, $3  }
0x1: {  	(tag) =	ssettag $0x0;
	lr =	simm.s32 $0x1  }
0x2: {  	[smem:$0x3F98] =	sst lr;
	_ =	strace $0xD0000000  }
0x3: {  	_ = 	snop  }
0x4: {  	_ = 	snop  }
0x5: {  	_ = 	snop  }
0x6: {  	_ = 	snop  }
0x7: {  	_ = 	snop  }
__scs_overlays_trampoline_lowered:
0x8: {  	[smem:$0x3FA7] =	sst s0  }
0x9: {  	[smem:$0x3FA8] =	sst s1  }
0xa: {  	[smem:$0x3FA9] =	sst s2  }
0xb: {  	[smem:$0x3FAA] =	sst s3  }
0xc: {  	[smem:$0x3FAB] =	sst s4  }
0xd: {  	[smem:$0x3FAC] =	sst s5  }
0xe: {  	[smem:$0x3FAD] =	sst s6  }
0xf: {  	[smem:$0x3FAE] =	sst s7  }
0x10: {  	[smem:$0x3FAF] =	sst s8  }
0x11: {  	[smem:$0x3FB0] =	sst s9;
	s0 =	simm.s32 @!p0 $0x0  }
0x12: {  	s1 =	sld [smem:$0x3F96];
	s0 =	simm.s32 @p0 $0x1  }
0x13: {  	[smem:$0x3FB1] =	sst s0;
	s0 =	simm.s32 @!p1 $0x0  }
0x14: {  	s2 =	sld [smem:$0x3F95];
	s0 =	simm.s32 @p1 $0x1  }
0x15: {  	[smem:$0x3FB2] =	sst s0;
	s0 =	simm.s32 @!p2 $0x0  }
0x16: {  	s3 =	sld [smem:$0x3FDB];
	s0 =	simm.s32 @p2 $0x1  }
0x17: {  	s4 =	simm.s32 $0x1BF5;
	[smem:$0x3FB4] =	sst s0  }
0x18: {  	s0 =	sld [smem:$0x3F97];
	_ =	swait.ge [sflag:s4], $0x0  }
0x19: {  	s7 =	sld [smem:$0x3F98]  }
0x1a: {  	s8 =	sadd.s32 $0xFFFFE003, lr  }
0x1b: {  	s9 =	sadd.s32 $0xFFFFFEF7, lr;
	s5 =	simm.s32 $0xFFFFFFFF;
	p2 =	slt.u32 s8, $0xFFFFF086  }
0x1c: {  	p1 =	slt.u32 s9, $0xF7A;
	s5 =	simm.s32 @!p2 $0x0  }
0x1d: {  	s5 =	simm.s32 @p1 $0x1;
	p0 =	seq.s32 s7, s2  }
0x1e: {  	s7 =	smul.u32 @!p0 $0xF7A, s2;
	p2 =	seq.s32 @!p0 s5, $0x0  }
0x1f: {  	s9 =	smul.u32 $0xF7A, s1;
	s8 =	simm.s32 @!p0 $0x1BF5;
	p2 =	por !p2, p0  }
0x20: {  	[sflag:s8] =	ssyncset.s32 @!p0 $0xFFFFF086;
	s6 =	sadd.s32 @!p0 s3, s7;
	s7 =	simm.s32 @!p0 $0x108  }
0x21: {  	s3 =	sadd.s32 s3, s9;
	s6 =	sadd.s32 @!p0 $0x88, s6;
	s7 =	simm.s32 @p2 $0x1082  }
0x22: {  	[simem:s7], [sflag:s8] =	dma.local @!p0 [hbm:s6], $0xF7A  }
0x23: {  	s9 =	sor.u32 $0xD0000000, s2;
	s6 =	simm.s32 $0x108;
	_ =	swait.ge @!p0 [sflag:s8], $0x0  }
0x24: {  	s3 =	sadd.s32 $0x88, s3;
	s6 =	simm.s32 @!p1 $0x1082;
	[sflag:s4] =	ssyncset.s32 $0xFFFFF086  }
0x25: {  	[simem:s6], [sflag:s4] =	dma.local [hbm:s3], $0xF7A  }
0x26: {  	[smem:$0x3F98] =	sst s1;
	(tag) =	ssettag s2;
	_ =	strace s9  }
0x27: {  	s1 =	sld [smem:$0x3FA8]  }
0x28: {  	s2 =	sld [smem:$0x3FA9]  }
0x29: {  	s4 =	sld [smem:$0x3FAB]  }
0x2a: {  	p0 =	seq.s32 s5, $0x0;
	s5 =	sld [smem:$0x3FAC]  }
0x2b: {  	s6 =	sld [smem:$0x3FAD]  }
0x2c: {  	s7 =	sld [smem:$0x3FAE]  }
0x2d: {  	s3 =	simm.s32 $0x108;
	s8 =	sld [smem:$0x3FAF]  }
0x2e: {  	s3 =	simm.s32 @!p0 $0x1082;
	s9 =	sld [smem:$0x3FB0]  }
0x2f: {  	lr =	sadd.s32 s0, s3;
	s0 =	sld [smem:$0x3FA7]  }
0x30: {  	s3 =	sld [smem:$0x3FAA]  }
0x31: {  	[smem:$0x3FB3] =	sst s10  }
0x32: {  	s10 =	sld [smem:$0x3FB1];
	_ =	sdelay $0x3  }
0x33: {  	p0 =	seq.s32 s10, $0x1;
	s10 =	sld [smem:$0x3FB3];
	_ =	sdelay $0x3  }
0x34: {  	[smem:$0x3FB3] =	sst s10  }
0x35: {  	s10 =	sld [smem:$0x3FB2];
	_ =	sdelay $0x3  }
0x36: {  	p1 =	seq.s32 s10, $0x1;
	s10 =	sld [smem:$0x3FB3];
	_ =	sdelay $0x3  }
0x37: {  	[smem:$0x3FB3] =	sst s10  }
0x38: {  	s10 =	sld [smem:$0x3FB4]  }
0x39: {  	_ = 	snop;
	(pc) =	sbr.ind lr, $3  }
0x3a: {  	_ = 	snop  }
0x3b: {  	_ = 	snop  }
0x3c: {  	p2 =	seq.s32 s10, $0x1;
	s10 =	sld [smem:$0x3FB3]  }
0x3d: {  	_ =	shalt  }
0x3e: {  	_ =	shalt  }
0x3f: {  	_ =	shalt  }
0x40: {  	_ =	shalt  }
0x41: {  	_ =	shalt  }
0x42: {  	_ =	shalt  }
0x43: {  	_ =	shalt  }
0x44: {  	_ =	shalt  }
0x45: {  	_ =	shalt  }
0x46: {  	_ =	shalt  }
0x47: {  	_ =	shalt  }
0x48: {  	_ =	shalt  }
0x49: {  	_ =	shalt  }
0x4a: {  	_ =	shalt  }
0x4b: {  	_ =	shalt  }
0x4c: {  	_ =	shalt  }
0x4d: {  	_ =	shalt  }
0x4e: {  	_ =	shalt  }
0x4f: {  	_ =	shalt  }
0x50: {  	_ =	shalt  }
0x51: {  	_ =	shalt  }
0x52: {  	_ =	shalt  }
0x53: {  	_ =	shalt  }
0x54: {  	_ =	shalt  }
0x55: {  	_ =	shalt  }
0x56: {  	_ =	shalt  }
0x57: {  	_ =	shalt  }
0x58: {  	_ =	shalt  }
0x59: {  	_ =	shalt  }
0x5a: {  	_ =	shalt  }
0x5b: {  	_ =	shalt  }
0x5c: {  	_ =	shalt  }
0x5d: {  	_ =	shalt  }
0x5e: {  	_ =	shalt  }
0x5f: {  	_ =	shalt  }
0x60: {  	_ =	shalt  }
0x61: {  	_ =	shalt  }
0x62: {  	_ =	shalt  }
0x63: {  	_ =	shalt  }
0x64: {  	_ =	shalt  }
0x65: {  	_ =	shalt  }
0x66: {  	_ =	shalt  }
0x67: {  	_ =	shalt  }
0x68: {  	_ =	shalt  }
0x69: {  	_ =	shalt  }
0x6a: {  	_ =	shalt  }
0x6b: {  	_ =	shalt  }
0x6c: {  	_ =	shalt  }
0x6d: {  	_ =	shalt  }
0x6e: {  	_ =	shalt  }
0x6f: {  	_ =	shalt  }
0x70: {  	_ =	shalt  }
0x71: {  	_ =	shalt  }
0x72: {  	_ =	shalt  }
0x73: {  	_ =	shalt  }
0x74: {  	_ =	shalt  }
0x75: {  	_ =	shalt  }
0x76: {  	_ =	shalt  }
0x77: {  	_ =	shalt  }
0x78: {  	_ =	shalt  }
0x79: {  	_ =	shalt  }
0x7a: {  	_ =	shalt  }
0x7b: {  	_ =	shalt  }
0x7c: {  	_ =	shalt  }
0x7d: {  	_ =	shalt  }
0x7e: {  	_ =	shalt  }
0x7f: {  	_ =	shalt  }
0x80: {  	_ =	shalt  }
0x81: {  	_ =	shalt  }
0x82: {  	_ =	shalt  }
0x83: {  	_ =	shalt  }
0x84: {  	_ =	shalt  }
0x85: {  	_ =	shalt  }
0x86: {  	_ =	shalt  }
0x87: {  	_ =	shalt  }
.Lfunc_end0:
.L_simem_size_0:
called_computation.2_lowered:
.L_overlay_start_0:
0x88: {  	s2 =	sld [smem:$0x3FD9]  }
0x89: {  	s3 =	sld [smem:$0x3FFE];
	_ =	sdelay $0x1  }
0x8a: {  	s1 =	srdreg.scid  }
0x8b: {  	s0 =	sand.u32 $0x1, s1  }
0x8c: {  	s17 =	sshll.u32 s0, $0xA;
	s2 =	sadd.s32 s3, s2  }
0x8d: {  	s2 =	sadd.s32 s2, s17  }
0x8e: {  	[smem:$0x3FBF] =	sst s2  }
0x8f: {  	_ = 	snop  }
0x90: {  	(tm) =	ssettm $0x1  }
0x91: {  	s18 =	sld [smem:$0x3FFB];
	_ =	sdelay $0x3  }
0x92: {  	_ =	strace s18  }
0x93: {  	s2 =	sld [smem:$0x3FFC];
	_ =	sdelay $0x3  }
0x94: {  	_ =	strace s2  }
0x95: {  	s2 =	sld [smem:$0x3FFD];
	_ =	sdelay $0x3  }
0x96: {  	_ =	strace s2  }
0x97: {  	_ =	strace $0x8FFFFFFF  }
0x98: {  	s19 =	sld [smem:$0x3FDB];
	_ =	sdelay $0x1  }
0x99: {  	s20 =	simm.s32 $_scs_section_size  }
0x9a: {  	s4 =	simm.s32 $_size__tile_overlayer_lowered;
	s5 =	simm.s32 $_tile_overlayer_lowered  }
0x9b: {  	s6 =	simm.s32 $0x1BFF;
	s21 =	sshll.u32 s5, $0x1;
	s3 =	sadd.s32 s20, s19  }
0x9c: {  	s22 =	simm.s32 $0x0;
	s4 =	sshll.u32 s4, $0x1;
	s5 =	sadd.s32 s21, s3  }
0x9d: {  	[timem:s22], [sflag:s6] =	dma.local [hbm:s5], s4  }
0x9e: {  	_ =	swait.ge [sflag:s6], s4  }
0x9f: {  	s4 =	ssub.s32 $0x0, s4;
	[sflag:s6] =	ssyncset.done $0x0  }
0xa0: {  	[sflag:s6] =	ssyncadd.s32 s4;
	_ =	sdelay $0x1  }
0xa1: {  	s23 =	simm.s32 $0x1B8B  }
0xa2: {  	_ =	swait.ge [sflag:s23], $0x1  }
0xa3: {  	[sflag:s23] =	ssyncset.done $0x0  }
0xa4: {  	[sflag:s23] =	ssyncadd.s32 $0xFFFFFFFF  }
0xa5: {  	s4 =	sld [smem:$0x0]  }
0xa6: {  	s5 =	sand.u32 $0xFFFFFFFE, s1  }
0xa7: {  	p0 =	sne.s32 s1, s5  }
0xa8: {  	s5 =	sshll.u32 @p0 s5, $0xE  }
0xa9: {  	s5 =	sadd.s32 @p0 $0x11B8D, s5;
	s6 =	sshll.u32 @p0 s4, $0x11  }
0xaa: {  	s5 =	sor.u32 @p0 s6, s5  }
0xab: {  	[sflag:s5] =	ssyncadd.remote.s32 @p0 $0x1;
	_ =	sdelay $0x1  }
0xac: {  	s5 =	simm.s32 @p0 $0x1B8D  }
0xad: {  	_ =	swait.eq @p0 [sflag:s5], $0x1  }
0xae: {  	[sflag:s5] =	ssyncadd.s32 @p0 $0xFFFFFFFF  }
0xaf: {  	s6 =	sshll.u32 @!p0 s1, $0xE  }
0xb0: {  	s6 =	sor.u32 @!p0 $0x4000, s6;
	s5 =	simm.s32 @!p0 $0x1B8D  }
0xb1: {  	s4 =	sshll.u32 @!p0 s4, $0x11;
	s6 =	sadd.s32 @!p0 $0x11B8D, s6;
	_ =	swait.eq @!p0 [sflag:s5], $0x1  }
0xb2: {  	s4 =	sor.u32 @!p0 s4, s6;
	[sflag:s5] =	ssyncadd.s32 @!p0 $0xFFFFFFFF  }
0xb3: {  	s25 =	simm.s32 $0x1B8E;
	s24 =	sld [smem:$0x3FFE];
	[sflag:s4] =	ssyncadd.remote.s32 @!p0 $0x1  }
0xb4: {  	s26 =	simm.s32 $execute0_lowered;
	[smem:$0x3FD2] =	sst s25  }
0xb5: {  	s5 =	sshll.u32 s26, $0x1;
	_ =	strace $0x8000004C;
	[dreg:$0x1] =	wrdreg $0xFFFFFFFF  }
0xb6: {  	s28 =	simm.s32 $_size_execute0_lowered;
	s3 =	sadd.s32 s3, s5;
	[dreg:$0x0] =	wrdreg $0x0  }
0xb7: {  	s5 =	sshll.u32 s28, $0x1;
	[dreg:$0x2] =	wrdreg s3  }
0xb8: {  	[dreg:$0x3] =	wrdreg s5  }
0xb9: {  	[dreg:$0x4] =	wrdreg $0xC0  }
0xba: {  	_ =	task [dreg:s22], $0x5FFFF  }
0xbb: {  	[dreg:$0x1] =	wrdreg $0xFFFFFFFF  }
0xbc: {  	[dreg:$0x0] =	wrdreg $0x60  }
0xbd: {  	[dreg:$0x2] =	wrdreg s24  }
0xbe: {  	[dreg:$0x3] =	wrdreg $0xB  }
0xbf: {  	_ =	task.clear_ibuf [dreg:s22], $0x4FFFF;
	_ =	strace $0x9000004C  }
0xc0: {  	s29 =	simm.s32 $0xB;
	_ =	strace $0x8000004E  }
0xc1: {  	_ =	swait.ge [sflag:s29], $0x1  }
0xc2: {  	[sflag:s29] =	ssyncadd.s32 $0xFFFFFFFF  }
0xc3: {  	_ =	strace $0x9000004E  }
0xc4: {  	_ =	sfence  }
0xc5: {  	s30 =	sld [smem:$0x0];
	_ =	sdelay $0x2  }
0xc6: {  	s31 =	sshll.u32 s1, $0xD;
	s1 =	sshrl.u32 s1, $0x2  }
0xc7: {  	s4 =	sand.u32 $0x4000, s31;
	s1 =	sadd.s32 s1, s30  }
0xc8: {  	s0 =	sor.u32 s4, s0;
	s1 =	sshll.u32 s1, $0x11  }
0xc9: {  	s0 =	sor.u32 s1, s0  }
0xca: {  	s0 =	sadd.s32 $0x8F2B, s0  }
0xcb: {  	[sflag:s0] =	ssyncadd.remote.s32 $0x1  }
0xcc: {  	_ =	sfence.sel $0xFFFF  }
0xcd: {  	[dreg:$0x0] =	wrdreg $0xFFFFFFFF;
	(pc) =	sbr.abs _section_cstart, $3  }
0xce: {  	[dreg:$0x1] =	wrdreg $0xFFFFFFFF  }
0xcf: {  	_ =	task.clear_ibuf [dreg:s22], $0x2FFFF;
	_ =	strace $0x9FFFFFFF  }
0xd0: {  	(tm) =	ssettm $0x7FFFFFFF  }
0xd1: {  	_ =	shalt  }
tec
execute0_lowered:
.L_overlay_start_1:
0x0: {  	(tag) =	ssettag $0x1  }
0x1: {  	s1 =	srdreg.scid  }
0x2: {  	s0 =	stileid.u32;
	s6 =	rddreg [dreg:$0x0]  }
0x3: {  	s2 =	simm.s32 $0x0;
	s10 =	simm.s32 $0x5;
	s11 =	simm.s32 $0x800  }
0x4: {  	s12 =	simm.s32 $0x50;
	s13 =	simm.s32 $0x1000;
	s14 =	simm.s32 $0x6000  }
0x5: {  	s15 =	simm.s32 $0x1;
	s16 =	simm.s32 $0x3;
	s17 =	simm.s32 $0xB000  }
0x6: {  	s18 =	simm.s32 $0x6;
	s5 =	sand.u32 $0x1, s1;
	s3 =	sshll.u32 s0, $0x1  }
0x7: {  	s19 =	simm.s32 $0x2;
	s20 =	simm.s32 $0x4;
	s3 =	sor.u32 s5, s3  }
0x8: {  	s21 =	simm.s32 $0xD800;
	s22 =	simm.s32 $0x0;
	s3 =	smul.u32 $0x7D0, s3  }
.Ltmp0:
0x9: {  	s1 =	rddreg [dreg:$0x1];
	s7 =	ssub.s32 $0x2, s5;
	(pc) =	sbr.rel .LBB2_1-.Ltmp0, $4  }
0xa: {  	[smem:$0x7FF] =	sst s2;
	s4 =	sadd.s32 $0x16400, s6;
	s9 =	sshrl.u32 s7, $0x1  }
0xb: {  	_ =	strace $0x8000004D;
	s9 =	ssub.s32 s7, s9;
	s8 =	sshrl.u32 s3, $0x3  }
0xc: {  	s5 =	sadd.s32 $0x3D600, s6;
	s9 =	smax.u32 s9, $0x1;
	s8 =	sadd.s32 s6, s8  }
0xd: {  	s6 =	sadd.s32 $0x258800, s6;
	s7 =	sadd.s32 $0x10480, s8;
	s8 =	sadd.s32 $0x6680, s8  }
.LBB2_9:
0xe: {  	s22 =	sadd.s32 $0x1, s22  }
0xf: {  	p0 =	sne.s32 s22, s9  }
.Ltmp1:
0x10: {  	_ = 	snop;
	(pc) =	sbr.rel @!p0 .LBB2_10-.Ltmp1, $1  }
0x11: {  	_ =	sdelay $0x3  }
.LBB2_1:
0x12: {  	[tilespmem:s2], [sflag:$0x5] =	stream.linear.gather [hbm4b:s7+s2], $0x7D0, $0x38;
	[tilespmem:$0x10000] =	vst v63  }
0x13: {  	_ =	swait.ge [sflag:s10], $0x7D0  }
0x14: {  	[sflag:s10] =	ssyncset.done $0x0  }
0x15: {  	[sflag:s10] =	ssyncadd.s32 $0xFFFFF830  }
0x16: {  	[tilespmem:s11], [sflag:$0x5] =	stream.linear.gather [hbm4b:s8+s2], $0x7D0, $0x38;
	[tilespmem:$0x10000] =	vst v63  }
0x17: {  	_ =	swait.ge [sflag:s10], $0x7D0  }
.Ltmp2:
0x18: {  	[sflag:s10] =	ssyncset.done $0x0;
	(pc) =	sbr.rel .LBB2_2-.Ltmp2, $4  }
0x19: {  	[sflag:s10] =	ssyncadd.s32 $0xFFFFF830  }
0x1a: {  	[tilespmem:s13], [sflag:$0x1] =	stream.indirect.gather [hbm4b:s4+s12], $0x80, s2, s12, $0xb8;
	[tilespmem:$0x10000] =	vst v63  }
0x1b: {  	s23 =	simm.s32 $0x0  }
0x1c: {  	[tilespmem:s14], [sflag:$0x3] =	stream.indirect.gather [hbm4b:s5+s12], $0x80, s11, s12, $0xb8;
	[tilespmem:$0x10000] =	vst v63  }
.LBB2_8:
0x1d: {  	s23 =	sadd.s32 $0x1, s23  }
0x1e: {  	p0 =	sne.s32 s23, $0xD  }
.Ltmp3:
0x1f: {  	_ = 	snop;
	(pc) =	sbr.rel @!p0 .LBB2_9-.Ltmp3, $1  }
0x20: {  	_ =	sdelay $0x3  }
.LBB2_2:
0x21: {  	s24 =	sshllo.u32 s23, $0x1  }
0x22: {  	p0 =	sgt.u32 s24, $0x18  }
0x23: {  	s25 =	smul.u32 @!p0 $0x50, s24  }
0x24: {  	s26 =	simm.s32 @!p0 $0x50;
	s28 =	simm.s32 @!p0 $0x3800  }
0x25: {  	[tilespmem:s28], [sflag:$0x2] =	stream.indirect.gather @!p0 [hbm4b:s4+s26], $0x80, s25, s26, $0xb8;
	[tilespmem:$0x10000] =	vst v63  }
0x26: {  	s25 =	sadd.s32 @!p0 $0x800, s25;
	s28 =	simm.s32 @!p0 $0x8800  }
0x27: {  	[tilespmem:s28], [sflag:$0x4] =	stream.indirect.gather @!p0 [hbm4b:s5+s26], $0x80, s25, s26, $0xb8;
	[tilespmem:$0x10000] =	vst v63  }
0x28: {  	_ =	swait.ge [sflag:s15], $0x2800  }
0x29: {  	[sflag:s15] =	ssyncset.done $0x0  }
0x2a: {  	[sflag:s15] =	ssyncadd.s32 $0xFFFFD800  }
0x2b: {  	_ =	swait.ge [sflag:s16], $0x2800  }
0x2c: {  	[sflag:s16] =	ssyncset.done $0x0  }
0x2d: {  	s25 =	simm.s32 $0x0;
	[sflag:s16] =	ssyncadd.s32 $0xFFFFD800  }
0x2e: {  	v0 =	vld [tilespmem:s25+$0x1060]  }
0x2f: {  	v1 =	vld [tilespmem:s25+$0x6060]  }
0x30: {  	v2 =	vld [tilespmem:s25+$0x1070]  }
0x31: {  	v3 =	vld [tilespmem:s25+$0x6070]  }
0x32: {  	v4 =	vld [tilespmem:s25+$0x1000]  }
0x33: {  	v5 =	vld [tilespmem:s25+$0x6000]  }
0x34: {  	v6 =	vld [tilespmem:s25+$0x1010]  }
0x35: {  	v7 =	vld [tilespmem:s25+$0x6010]  }
0x36: {  	v8 =	vld [tilespmem:s25+$0x1020]  }
0x37: {  	v0 =	vadd.f32 v1, v0;
	v1 =	vadd.f32 v3, v2;
	v2 =	vld [tilespmem:s25+$0x6020]  }
0x38: {  	v3 =	vld [tilespmem:s25+$0x1030]  }
0x39: {  	v4 =	vadd.f32 v5, v4;
	v5 =	vld [tilespmem:s25+$0x6030];
	v9 =	vshrl.u32 v0, $0x10;
	v10 =	vshrl.u32 v1, $0x10  }
0x3a: {  	v9 =	vand.u32 $0x1, v9;
	v10 =	vand.u32 $0x1, v10  }
0x3b: {  	v6 =	vadd.f32 v7, v6;
	v7 =	vld [tilespmem:s25+$0x1040];
	v0 =	vadd.s32 v9, v0;
	v1 =	vadd.s32 v10, v1  }
0x3c: {  	v9 =	vshrl.u32 v4, $0x10;
	v10 =	vld [tilespmem:s25+$0x6040];
	v0 =	vadd.s32 $0x7FFF, v0;
	v1 =	vadd.s32 $0x7FFF, v1  }
0x3d: {  	v11 =	vld [tilespmem:s25+$0x1050];
	v2 =	vadd.f32 v2, v8;
	v8 =	vand.u32 $0x1, v9;
	v9 =	vshrl.u32 v6, $0x10  }
0x3e: {  	v12 =	vld [tilespmem:s25+$0x6050];
	v3 =	vadd.f32 v5, v3;
	v0 =	vshrl.u32 v0, $0x10;
	v1 =	vand.u32 $0xFFFF0000, v1  }
0x3f: {  	v0 =	vor.u32 v0, v1;
	v1 =	vand.u32 $0x1, v9;
	v5 =	vshrl.u32 v2, $0x10  }
0x40: {  	s26 =	simm.s32 $0x80;
	v8 =	vadd.s32 v8, v4;
	[tilespmem:s25+$0xB030] =	vst v0;
	v9 =	vadd.s32 v1, v6;
	v1 =	vand.u32 $0x1, v5  }
0x41: {  	v0 =	vld [tilespmem:s26+$0x1060];
	v6 =	vadd.s32 v1, v2;
	v2 =	vshrl.u32 v3, $0x10;
	v4 =	vadd.f32 v10, v7  }
0x42: {  	v1 =	vld [tilespmem:s26+$0x6060];
	v7 =	vadd.s32 $0x7FFF, v8;
	v5 =	vadd.s32 $0x7FFF, v9;
	v8 =	vand.u32 $0x1, v2  }
0x43: {  	s28 =	simm.s32 $0x400;
	v2 =	vld [tilespmem:s26+$0x1070];
	v8 =	vadd.s32 v8, v3;
	v3 =	vadd.f32 v12, v11;
	v9 =	vshrl.u32 v4, $0x10  }
.LBB2_3:
0x44: {  	p1 =	sne.s32 s28, $0x9E00;
	v10 =	vld [tilespmem:s26+$0x6070];
	v6 =	vadd.s32 $0x7FFF, v6;
	v8 =	vadd.s32 $0x7FFF, v8;
	v9 =	vand.u32 $0x1, v9  }
0x45: {  	v7 =	vshrl.u32 v7, $0x10;
	v11 =	vld [tilespmem:s26+$0x1000];
	v4 =	vadd.s32 v9, v4;
	v9 =	vshrl.u32 v3, $0x10  }
0x46: {  	v5 =	vand.u32 $0xFFFF0000, v5;
	v12 =	vld [tilespmem:s26+$0x6000];
	v4 =	vadd.s32 $0x7FFF, v4;
	v9 =	vand.u32 $0x1, v9  }
0x47: {  	v6 =	vshrl.u32 v6, $0x10;
	v8 =	vand.u32 $0xFFFF0000, v8;
	v13 =	vld [tilespmem:s26+$0x1010];
	v3 =	vadd.s32 v9, v3  }
0x48: {  	v5 =	vor.u32 v7, v5;
	v4 =	vshrl.u32 v4, $0x10;
	v9 =	vld [tilespmem:s26+$0x6010];
	v3 =	vadd.s32 $0x7FFF, v3  }
0x49: {  	v0 =	vadd.f32 v1, v0;
	v7 =	vld [tilespmem:s26+$0x1020];
	v1 =	vadd.f32 v10, v2;
	[tilespmem:s25+$0xB000] =	vst v5;
	v2 =	vand.u32 $0xFFFF0000, v3  }
0x4a: {  	v5 =	vor.u32 v6, v8;
	v3 =	vld [tilespmem:s26+$0x6020];
	v2 =	vor.u32 v4, v2  }
0x4b: {  	v8 =	vshrl.u32 v0, $0x10;
	v4 =	vadd.f32 v12, v11;
	v6 =	vld [tilespmem:s26+$0x1030];
	v10 =	vshrl.u32 v1, $0x10;
	[tilespmem:s25+$0xB010] =	vst v5  }
0x4c: {  	v8 =	vand.u32 $0x1, v8;
	v5 =	vld [tilespmem:s26+$0x6030];
	v10 =	vand.u32 $0x1, v10;
	[tilespmem:s25+$0xB020] =	vst v2;
	s25 =	smov.u32 s26  }
0x4d: {  	v0 =	vadd.s32 v8, v0;
	v2 =	vadd.f32 v9, v13;
	v9 =	vld [tilespmem:s25+$0x1040];
	v1 =	vadd.s32 v10, v1  }
0x4e: {  	v0 =	vadd.s32 $0x7FFF, v0;
	v8 =	vshrl.u32 v4, $0x10;
	v10 =	vld [tilespmem:s25+$0x6040];
	v1 =	vadd.s32 $0x7FFF, v1  }
0x4f: {  	v0 =	vshrl.u32 v0, $0x10;
	v3 =	vadd.f32 v3, v7;
	v11 =	vld [tilespmem:s25+$0x1050];
	v1 =	vand.u32 $0xFFFF0000, v1  }
0x50: {  	v7 =	vand.u32 $0x1, v8;
	v8 =	vshrl.u32 v2, $0x10;
	v12 =	vld [tilespmem:s25+$0x6050];
	v0 =	vor.u32 v0, v1  }
.Ltmp4:
0x51: {  	v1 =	vand.u32 $0x1, v8;
	v8 =	vadd.f32 v5, v6;
	v5 =	vshrl.u32 v3, $0x10;
	[tilespmem:s25+$0xB030] =	vst v0;
	(pc) =	sbr.rel @p1 .LBB2_3-.Ltmp4, $4  }
0x52: {  	s26 =	sshra.s32 s28, $0x2;
	v7 =	vadd.s32 v7, v4;
	v2 =	vadd.s32 v1, v2;
	v1 =	vand.u32 $0x1, v5  }
0x53: {  	v0 =	vld [tilespmem:s26+$0x1060];
	v6 =	vadd.s32 v1, v3;
	v3 =	vshrl.u32 v8, $0x10;
	v4 =	vadd.f32 v10, v9  }
0x54: {  	v7 =	vadd.s32 $0x7FFF, v7;
	v5 =	vadd.s32 $0x7FFF, v2;
	v1 =	vld [tilespmem:s26+$0x6060];
	v3 =	vand.u32 $0x1, v3  }
0x55: {  	s28 =	sadd.s32 $0x200, s28;
	v2 =	vld [tilespmem:s26+$0x1070];
	v8 =	vadd.s32 v3, v8;
	v3 =	vadd.f32 v12, v11;
	v9 =	vshrl.u32 v4, $0x10  }
0x56: {  	v10 =	vld [tilespmem:s26+$0x6070]  }
0x57: {  	v11 =	vld [tilespmem:s26+$0x1000];
	v6 =	vadd.s32 $0x7FFF, v6  }
0x58: {  	v12 =	vld [tilespmem:s26+$0x6000];
	v9 =	vand.u32 $0x1, v9;
	v7 =	vshrl.u32 v7, $0x10;
	v5 =	vand.u32 $0xFFFF0000, v5  }
0x59: {  	v13 =	vld [tilespmem:s26+$0x1010];
	v34 =	vadd.s32 $0x7FFF, v8;
	v4 =	vadd.s32 v9, v4;
	v32 =	vshrl.u32 v3, $0x10  }
0x5a: {  	v14 =	vld [tilespmem:s26+$0x6010];
	v5 =	vor.u32 v7, v5;
	v6 =	vshrl.u32 v6, $0x10;
	v35 =	vand.u32 $0x1, v32  }
0x5b: {  	v33 =	vld [tilespmem:s26+$0x1020];
	[tilespmem:s25+$0xB000] =	vst v5;
	v4 =	vadd.s32 $0x7FFF, v4;
	v5 =	vand.u32 $0xFFFF0000, v34;
	v36 =	vadd.s32 v35, v3  }
0x5c: {  	v0 =	vadd.f32 v1, v0;
	v38 =	vor.u32 v6, v5;
	v3 =	vadd.s32 $0x7FFF, v36  }
0x5d: {  	v37 =	vld [tilespmem:s26+$0x6020];
	v4 =	vshrl.u32 v4, $0x10;
	v2 =	vadd.f32 v10, v2;
	v3 =	vand.u32 $0xFFFF0000, v3  }
0x5e: {  	v39 =	vld [tilespmem:s26+$0x1030];
	[tilespmem:s25+$0xB010] =	vst v38;
	v41 =	vshrl.u32 v0, $0x10;
	v43 =	vadd.f32 v12, v11;
	v40 =	vor.u32 v4, v3  }
0x5f: {  	v42 =	vld [tilespmem:s26+$0x6030];
	v46 =	vadd.f32 v14, v13;
	v3 =	vand.u32 $0x1, v41;
	[tilespmem:s25+$0xB020] =	vst v40  }
0x60: {  	v44 =	vshrl.u32 v2, $0x10;
	v0 =	vadd.s32 v3, v0;
	v48 =	vshrl.u32 v43, $0x10;
	v47 =	vld [tilespmem:s26+$0x1040]  }
0x61: {  	v51 =	vshrl.u32 v46, $0x10;
	v45 =	vand.u32 $0x1, v44;
	v49 =	vld [tilespmem:s26+$0x6040];
	v0 =	vadd.s32 $0x7FFF, v0  }
0x62: {  	v7 =	vadd.f32 v37, v33;
	v50 =	vld [tilespmem:s26+$0x1050];
	v55 =	vand.u32 $0x1, v51;
	v1 =	vadd.s32 v45, v2  }
0x63: {  	v52 =	vld [tilespmem:s26+$0x6050];
	v0 =	vshrl.u32 v0, $0x10;
	v2 =	vand.u32 $0x1, v48;
	v5 =	vadd.s32 v55, v46  }
0x64: {  	v1 =	vadd.s32 $0x7FFF, v1;
	v53 =	vadd.f32 v42, v39;
	v54 =	vshrl.u32 v7, $0x10  }
0x65: {  	v2 =	vadd.s32 v2, v43;
	v5 =	vadd.s32 $0x7FFF, v5;
	v1 =	vand.u32 $0xFFFF0000, v1  }
0x66: {  	v4 =	vand.u32 $0x1, v54;
	v2 =	vadd.s32 $0x7FFF, v2;
	v5 =	vand.u32 $0xFFFF0000, v5  }
0x67: {  	v0 =	vor.u32 v0, v1;
	v4 =	vadd.s32 v4, v7;
	v56 =	vshrl.u32 v53, $0x10  }
0x68: {  	v2 =	vshrl.u32 v2, $0x10;
	v3 =	vadd.f32 v49, v47;
	v57 =	vadd.f32 v52, v50  }
0x69: {  	v6 =	vand.u32 $0x1, v56;
	v4 =	vadd.s32 $0x7FFF, v4;
	v61 =	vor.u32 v2, v5  }
0x6a: {  	v1 =	vadd.s32 v6, v53;
	v58 =	vshrl.u32 v3, $0x10;
	v8 =	vshrl.u32 v57, $0x10  }
0x6b: {  	v4 =	vshrl.u32 v4, $0x10;
	v7 =	vand.u32 $0x1, v58;
	v59 =	vand.u32 $0x1, v8  }
0x6c: {  	s25 =	smul.u32 $0xA0, s23;
	v1 =	vadd.s32 $0x7FFF, v1;
	v3 =	vadd.s32 v7, v3;
	v6 =	vadd.s32 v59, v57  }
0x6d: {  	[tilespmem:s26+$0xB030] =	vst v0;
	v60 =	vand.u32 $0xFFFF0000, v1;
	v3 =	vadd.s32 $0x7FFF, v3;
	v62 =	vadd.s32 $0x7FFF, v6  }
0x6e: {  	s28 =	sadd.s32 s3, s25;
	[tilespmem:s26+$0xB000] =	vst v61;
	v0 =	vor.u32 v4, v60;
	v3 =	vshrl.u32 v3, $0x10;
	v63 =	vand.u32 $0xFFFF0000, v62  }
0x6f: {  	s28 =	sshll.u32 s28, $0x4;
	[tilespmem:s26+$0xB010] =	vst v0;
	v1 =	vor.u32 v3, v63  }
0x70: {  	s31 =	sadd.s32 s6, s28;
	[tilespmem:s26+$0xB020] =	vst v1  }
0x71: {  	[hbm4b:s31+s2] =	stream.linear.scatter [tilespmem:s17], [sflag:$0x6], $0x2800, $0x38;
	[tilespmem:$0x10000] =	vst v63  }
0x72: {  	p1 =	seq.s32 s23, $0xC;
	_ =	swait.ge [sflag:s18], $0x2800  }
.Ltmp5:
0x73: {  	s29 =	simm.s32 @!p1 $0x1000;
	[sflag:s18] =	ssyncset.done $0x0;
	(pc) =	sbr.rel @p0 .LBB2_8-.Ltmp5, $4  }
0x74: {  	s28 =	simm.s32 @!p1 $0x50;
	s26 =	sadd.s32 @!p1 $0xA0, s25;
	[sflag:s18] =	ssyncadd.s32 $0xFFFFD800  }
0x75: {  	[tilespmem:s29], [sflag:$0x1] =	stream.indirect.gather @!p1 [hbm4b:s4+s28], $0x80, s26, s28, $0xb8;
	[tilespmem:$0x10000] =	vst v63  }
0x76: {  	s25 =	sadd.s32 @!p1 $0x8A0, s25;
	s26 =	simm.s32 @!p1 $0x6000  }
0x77: {  	[tilespmem:s26], [sflag:$0x3] =	stream.indirect.gather @!p1 [hbm4b:s5+s28], $0x80, s25, s28, $0xb8;
	[tilespmem:$0x10000] =	vst v63  }
0x78: {  	_ =	swait.ge [sflag:s19], $0x2800  }
0x79: {  	[sflag:s19] =	ssyncset.done $0x0  }
0x7a: {  	[sflag:s19] =	ssyncadd.s32 $0xFFFFD800  }
0x7b: {  	_ =	swait.ge [sflag:s20], $0x2800  }
0x7c: {  	[sflag:s20] =	ssyncset.done $0x0  }
0x7d: {  	s25 =	simm.s32 $0x0;
	[sflag:s20] =	ssyncadd.s32 $0xFFFFD800  }
0x7e: {  	v0 =	vld [tilespmem:s25+$0x3860]  }
0x7f: {  	v1 =	vld [tilespmem:s25+$0x8860]  }
0x80: {  	v2 =	vld [tilespmem:s25+$0x3870]  }
0x81: {  	v3 =	vld [tilespmem:s25+$0x8870]  }
0x82: {  	v4 =	vld [tilespmem:s25+$0x3800]  }
0x83: {  	v5 =	vld [tilespmem:s25+$0x8800]  }
0x84: {  	v6 =	vld [tilespmem:s25+$0x3810]  }
0x85: {  	v7 =	vld [tilespmem:s25+$0x8810]  }
0x86: {  	v8 =	vld [tilespmem:s25+$0x3820]  }
0x87: {  	v0 =	vadd.f32 v1, v0;
	v1 =	vadd.f32 v3, v2;
	v2 =	vld [tilespmem:s25+$0x8820]  }
0x88: {  	v3 =	vld [tilespmem:s25+$0x3830]  }
0x89: {  	v4 =	vadd.f32 v5, v4;
	v5 =	vld [tilespmem:s25+$0x8830];
	v9 =	vshrl.u32 v0, $0x10;
	v10 =	vshrl.u32 v1, $0x10  }
0x8a: {  	v9 =	vand.u32 $0x1, v9;
	v10 =	vand.u32 $0x1, v10  }
0x8b: {  	v6 =	vadd.f32 v7, v6;
	v7 =	vld [tilespmem:s25+$0x3840];
	v0 =	vadd.s32 v9, v0;
	v1 =	vadd.s32 v10, v1  }
0x8c: {  	v9 =	vshrl.u32 v4, $0x10;
	v10 =	vld [tilespmem:s25+$0x8840];
	v0 =	vadd.s32 $0x7FFF, v0;
	v1 =	vadd.s32 $0x7FFF, v1  }
0x8d: {  	v11 =	vld [tilespmem:s25+$0x3850];
	v2 =	vadd.f32 v2, v8;
	v8 =	vand.u32 $0x1, v9;
	v9 =	vshrl.u32 v6, $0x10  }
0x8e: {  	v12 =	vld [tilespmem:s25+$0x8850];
	v3 =	vadd.f32 v5, v3;
	v0 =	vshrl.u32 v0, $0x10;
	v1 =	vand.u32 $0xFFFF0000, v1  }
0x8f: {  	v0 =	vor.u32 v0, v1;
	v1 =	vand.u32 $0x1, v9;
	v5 =	vshrl.u32 v2, $0x10  }
0x90: {  	s26 =	simm.s32 $0x80;
	v8 =	vadd.s32 v8, v4;
	[tilespmem:s25+$0xD830] =	vst v0;
	v9 =	vadd.s32 v1, v6;
	v1 =	vand.u32 $0x1, v5  }
0x91: {  	v0 =	vld [tilespmem:s26+$0x3860];
	v6 =	vadd.s32 v1, v2;
	v2 =	vshrl.u32 v3, $0x10;
	v4 =	vadd.f32 v10, v7  }
0x92: {  	v1 =	vld [tilespmem:s26+$0x8860];
	v7 =	vadd.s32 $0x7FFF, v8;
	v5 =	vadd.s32 $0x7FFF, v9;
	v8 =	vand.u32 $0x1, v2  }
0x93: {  	s28 =	simm.s32 $0x400;
	v2 =	vld [tilespmem:s26+$0x3870];
	v8 =	vadd.s32 v8, v3;
	v3 =	vadd.f32 v12, v11;
	v9 =	vshrl.u32 v4, $0x10  }
.LBB2_6:
0x94: {  	p0 =	sne.s32 s28, $0x9E00;
	v10 =	vld [tilespmem:s26+$0x8870];
	v6 =	vadd.s32 $0x7FFF, v6;
	v8 =	vadd.s32 $0x7FFF, v8;
	v9 =	vand.u32 $0x1, v9  }
0x95: {  	v7 =	vshrl.u32 v7, $0x10;
	v11 =	vld [tilespmem:s26+$0x3800];
	v4 =	vadd.s32 v9, v4;
	v9 =	vshrl.u32 v3, $0x10  }
0x96: {  	v5 =	vand.u32 $0xFFFF0000, v5;
	v12 =	vld [tilespmem:s26+$0x8800];
	v4 =	vadd.s32 $0x7FFF, v4;
	v9 =	vand.u32 $0x1, v9  }
0x97: {  	v6 =	vshrl.u32 v6, $0x10;
	v8 =	vand.u32 $0xFFFF0000, v8;
	v13 =	vld [tilespmem:s26+$0x3810];
	v3 =	vadd.s32 v9, v3  }
0x98: {  	v5 =	vor.u32 v7, v5;
	v4 =	vshrl.u32 v4, $0x10;
	v9 =	vld [tilespmem:s26+$0x8810];
	v3 =	vadd.s32 $0x7FFF, v3  }
0x99: {  	v0 =	vadd.f32 v1, v0;
	v7 =	vld [tilespmem:s26+$0x3820];
	v1 =	vadd.f32 v10, v2;
	[tilespmem:s25+$0xD800] =	vst v5;
	v2 =	vand.u32 $0xFFFF0000, v3  }
0x9a: {  	v5 =	vor.u32 v6, v8;
	v3 =	vld [tilespmem:s26+$0x8820];
	v2 =	vor.u32 v4, v2  }
0x9b: {  	v8 =	vshrl.u32 v0, $0x10;
	v4 =	vadd.f32 v12, v11;
	v6 =	vld [tilespmem:s26+$0x3830];
	v10 =	vshrl.u32 v1, $0x10;
	[tilespmem:s25+$0xD810] =	vst v5  }
0x9c: {  	v8 =	vand.u32 $0x1, v8;
	v5 =	vld [tilespmem:s26+$0x8830];
	v10 =	vand.u32 $0x1, v10;
	[tilespmem:s25+$0xD820] =	vst v2;
	s25 =	smov.u32 s26  }
0x9d: {  	v0 =	vadd.s32 v8, v0;
	v2 =	vadd.f32 v9, v13;
	v9 =	vld [tilespmem:s25+$0x3840];
	v1 =	vadd.s32 v10, v1  }
0x9e: {  	v0 =	vadd.s32 $0x7FFF, v0;
	v8 =	vshrl.u32 v4, $0x10;
	v10 =	vld [tilespmem:s25+$0x8840];
	v1 =	vadd.s32 $0x7FFF, v1  }
0x9f: {  	v0 =	vshrl.u32 v0, $0x10;
	v3 =	vadd.f32 v3, v7;
	v11 =	vld [tilespmem:s25+$0x3850];
	v1 =	vand.u32 $0xFFFF0000, v1  }
0xa0: {  	v7 =	vand.u32 $0x1, v8;
	v8 =	vshrl.u32 v2, $0x10;
	v12 =	vld [tilespmem:s25+$0x8850];
	v0 =	vor.u32 v0, v1  }
.Ltmp6:
0xa1: {  	v1 =	vand.u32 $0x1, v8;
	v8 =	vadd.f32 v5, v6;
	v5 =	vshrl.u32 v3, $0x10;
	[tilespmem:s25+$0xD830] =	vst v0;
	(pc) =	sbr.rel @p0 .LBB2_6-.Ltmp6, $4  }
0xa2: {  	s26 =	sshra.s32 s28, $0x2;
	v7 =	vadd.s32 v7, v4;
	v2 =	vadd.s32 v1, v2;
	v1 =	vand.u32 $0x1, v5  }
0xa3: {  	v0 =	vld [tilespmem:s26+$0x3860];
	v6 =	vadd.s32 v1, v3;
	v3 =	vshrl.u32 v8, $0x10;
	v4 =	vadd.f32 v10, v9  }
0xa4: {  	v7 =	vadd.s32 $0x7FFF, v7;
	v5 =	vadd.s32 $0x7FFF, v2;
	v1 =	vld [tilespmem:s26+$0x8860];
	v3 =	vand.u32 $0x1, v3  }
0xa5: {  	s28 =	sadd.s32 $0x200, s28;
	v2 =	vld [tilespmem:s26+$0x3870];
	v8 =	vadd.s32 v3, v8;
	v3 =	vadd.f32 v12, v11;
	v9 =	vshrl.u32 v4, $0x10  }
0xa6: {  	v10 =	vld [tilespmem:s26+$0x8870]  }
0xa7: {  	v11 =	vld [tilespmem:s26+$0x3800];
	v6 =	vadd.s32 $0x7FFF, v6  }
0xa8: {  	v12 =	vld [tilespmem:s26+$0x8800];
	v9 =	vand.u32 $0x1, v9;
	v7 =	vshrl.u32 v7, $0x10;
	v5 =	vand.u32 $0xFFFF0000, v5  }
0xa9: {  	v13 =	vld [tilespmem:s26+$0x3810];
	v34 =	vadd.s32 $0x7FFF, v8;
	v4 =	vadd.s32 v9, v4;
	v32 =	vshrl.u32 v3, $0x10  }
0xaa: {  	v14 =	vld [tilespmem:s26+$0x8810];
	v5 =	vor.u32 v7, v5;
	v6 =	vshrl.u32 v6, $0x10;
	v35 =	vand.u32 $0x1, v32  }
0xab: {  	v33 =	vld [tilespmem:s26+$0x3820];
	[tilespmem:s25+$0xD800] =	vst v5;
	v4 =	vadd.s32 $0x7FFF, v4;
	v5 =	vand.u32 $0xFFFF0000, v34;
	v36 =	vadd.s32 v35, v3  }
0xac: {  	v0 =	vadd.f32 v1, v0;
	v38 =	vor.u32 v6, v5;
	v3 =	vadd.s32 $0x7FFF, v36  }
0xad: {  	v37 =	vld [tilespmem:s26+$0x8820];
	v4 =	vshrl.u32 v4, $0x10;
	v2 =	vadd.f32 v10, v2;
	v3 =	vand.u32 $0xFFFF0000, v3  }
0xae: {  	v39 =	vld [tilespmem:s26+$0x3830];
	[tilespmem:s25+$0xD810] =	vst v38;
	v41 =	vshrl.u32 v0, $0x10;
	v43 =	vadd.f32 v12, v11;
	v40 =	vor.u32 v4, v3  }
0xaf: {  	v42 =	vld [tilespmem:s26+$0x8830];
	v46 =	vadd.f32 v14, v13;
	v3 =	vand.u32 $0x1, v41;
	[tilespmem:s25+$0xD820] =	vst v40  }
0xb0: {  	v44 =	vshrl.u32 v2, $0x10;
	v0 =	vadd.s32 v3, v0;
	v48 =	vshrl.u32 v43, $0x10;
	v47 =	vld [tilespmem:s26+$0x3840]  }
0xb1: {  	v51 =	vshrl.u32 v46, $0x10;
	v45 =	vand.u32 $0x1, v44;
	v49 =	vld [tilespmem:s26+$0x8840];
	v0 =	vadd.s32 $0x7FFF, v0  }
0xb2: {  	v7 =	vadd.f32 v37, v33;
	v50 =	vld [tilespmem:s26+$0x3850];
	v55 =	vand.u32 $0x1, v51;
	v1 =	vadd.s32 v45, v2  }
0xb3: {  	v52 =	vld [tilespmem:s26+$0x8850];
	v0 =	vshrl.u32 v0, $0x10;
	v2 =	vand.u32 $0x1, v48;
	v5 =	vadd.s32 v55, v46  }
0xb4: {  	v1 =	vadd.s32 $0x7FFF, v1;
	v53 =	vadd.f32 v42, v39;
	v54 =	vshrl.u32 v7, $0x10  }
0xb5: {  	v2 =	vadd.s32 v2, v43;
	v5 =	vadd.s32 $0x7FFF, v5;
	v1 =	vand.u32 $0xFFFF0000, v1  }
0xb6: {  	v4 =	vand.u32 $0x1, v54;
	v2 =	vadd.s32 $0x7FFF, v2;
	v5 =	vand.u32 $0xFFFF0000, v5  }
0xb7: {  	v0 =	vor.u32 v0, v1;
	v4 =	vadd.s32 v4, v7;
	v56 =	vshrl.u32 v53, $0x10  }
0xb8: {  	v2 =	vshrl.u32 v2, $0x10;
	v3 =	vadd.f32 v49, v47;
	v57 =	vadd.f32 v52, v50  }
0xb9: {  	v6 =	vand.u32 $0x1, v56;
	v4 =	vadd.s32 $0x7FFF, v4;
	v61 =	vor.u32 v2, v5  }
0xba: {  	v1 =	vadd.s32 v6, v53;
	v58 =	vshrl.u32 v3, $0x10;
	v8 =	vshrl.u32 v57, $0x10  }
0xbb: {  	v4 =	vshrl.u32 v4, $0x10;
	v7 =	vand.u32 $0x1, v58;
	v59 =	vand.u32 $0x1, v8  }
0xbc: {  	s24 =	smul.u32 $0x50, s24;
	v1 =	vadd.s32 $0x7FFF, v1;
	v3 =	vadd.s32 v7, v3;
	v6 =	vadd.s32 v59, v57  }
0xbd: {  	[tilespmem:s26+$0xD830] =	vst v0;
	v60 =	vand.u32 $0xFFFF0000, v1;
	v3 =	vadd.s32 $0x7FFF, v3;
	v62 =	vadd.s32 $0x7FFF, v6  }
0xbe: {  	s24 =	sadd.s32 s3, s24;
	[tilespmem:s26+$0xD800] =	vst v61;
	v0 =	vor.u32 v4, v60;
	v3 =	vshrl.u32 v3, $0x10;
	v63 =	vand.u32 $0xFFFF0000, v62  }
0xbf: {  	s24 =	sshll.u32 s24, $0x4;
	[tilespmem:s26+$0xD810] =	vst v0;
	v1 =	vor.u32 v3, v63  }
.Ltmp7:
0xc0: {  	s24 =	sadd.s32 s6, s24;
	[tilespmem:s26+$0xD820] =	vst v1;
	(pc) =	sbr.rel .LBB2_8-.Ltmp7, $4  }
0xc1: {  	[hbm4b:s24+s2] =	stream.linear.scatter [tilespmem:s21], [sflag:$0x5], $0x2800, $0x38;
	[tilespmem:$0x10000] =	vst v63  }
0xc2: {  	_ =	swait.ge [sflag:s10], $0x2800  }
0xc3: {  	[sflag:s10] =	ssyncset.done $0x0  }
0xc4: {  	[sflag:s10] =	ssyncadd.s32 $0xFFFFD800  }
.LBB2_10:
0xc5: {  	_ =	sfence.sel $0x180000  }
0xc6: {  	[bflag:$0x0] =	sbarrier.arrive $0xFFFF  }
0xc7: {  	p0 =	sne.s32 s0, $0x0;
	_ =	strace $0x9000004D  }
0xc8: {  	s0 =	sadd.s32 @!p0 $0x100000, s1;
	[bflag:$0x2] =	sbarrier.arrive $0xFFFF  }
0xc9: {  	[sflag:s0] =	ssyncadd.tile.s32 @!p0 $0x1;
	_ =	shalt  }
.Lfunc_end2:
_tile_overlayer_lowered:
.L_overlay_start_2:
0xca: {  	(tag) =	ssettag $0x2  }
0xcb: {  	s0 =	rddreg [dreg:$0x0];
	s2 =	stileid.u32  }
0xcc: {  	s1 =	rddreg [dreg:$0x1];
	p0 =	sne.s32 s2, $0x0  }
0xcd: {  	s3 =	rddreg [dreg:$0x2];
	[bflag:$0x3] =	sbarrier.arrive $0xFFFF;
	s2 =	simm.s32 @!p0 $0x1C05  }
0xce: {  	[timem:s3], [sflag:s2] =	dma.local @!p0 [hbm:s0], s1  }
0xcf: {  	s0 =	simm.s32 @!p0 $0x5  }
0xd0: {  	_ =	swait.ge @!p0 [sflag:s0], s1  }
0xd1: {  	s1 =	ssub.s32 @!p0 $0x0, s1;
	[sflag:s0] =	ssyncset.done @!p0 $0x0  }
0xd2: {  	[sflag:s0] =	ssyncadd.s32 @!p0 s1  }
0xd3: {  	[bflag:$0x3] =	sbarrier.arrive $0xFFFF  }
0xd4: {  	_ =	shalt  }

// kernel: kernel.22.cloned.1.call-start
scs
__scs_entry_jumppad:
0x0: {  	(pc) =	sbr.rel $0x88, $3  }
0x1: {  	(tag) =	ssettag $0x0;
	lr =	simm.s32 $0x1  }
0x2: {  	[smem:$0x3F98] =	sst lr;
	_ =	strace $0xD0000000  }
0x3: {  	_ = 	snop  }
0x4: {  	_ = 	snop  }
0x5: {  	_ = 	snop  }
0x6: {  	_ = 	snop  }
0x7: {  	_ = 	snop  }
__scs_overlays_trampoline_lowered:
0x8: {  	[smem:$0x3FA7] =	sst s0  }
0x9: {  	[smem:$0x3FA8] =	sst s1  }
0xa: {  	[smem:$0x3FA9] =	sst s2  }
0xb: {  	[smem:$0x3FAA] =	sst s3  }
0xc: {  	[smem:$0x3FAB] =	sst s4  }
0xd: {  	[smem:$0x3FAC] =	sst s5  }
0xe: {  	[smem:$0x3FAD] =	sst s6  }
0xf: {  	[smem:$0x3FAE] =	sst s7  }
0x10: {  	[smem:$0x3FAF] =	sst s8  }
0x11: {  	[smem:$0x3FB0] =	sst s9;
	s0 =	simm.s32 @!p0 $0x0  }
0x12: {  	s1 =	sld [smem:$0x3F96];
	s0 =	simm.s32 @p0 $0x1  }
0x13: {  	[smem:$0x3FB1] =	sst s0;
	s0 =	simm.s32 @!p1 $0x0  }
0x14: {  	s2 =	sld [smem:$0x3F95];
	s0 =	simm.s32 @p1 $0x1  }
0x15: {  	[smem:$0x3FB2] =	sst s0;
	s0 =	simm.s32 @!p2 $0x0  }
0x16: {  	s3 =	sld [smem:$0x3FDB];
	s0 =	simm.s32 @p2 $0x1  }
0x17: {  	s4 =	simm.s32 $0x1BF5;
	[smem:$0x3FB4] =	sst s0  }
0x18: {  	s0 =	sld [smem:$0x3F97];
	_ =	swait.ge [sflag:s4], $0x0  }
0x19: {  	s7 =	sld [smem:$0x3F98]  }
0x1a: {  	s8 =	sadd.s32 $0xFFFFE003, lr  }
0x1b: {  	s9 =	sadd.s32 $0xFFFFFEF7, lr;
	s5 =	simm.s32 $0xFFFFFFFF;
	p2 =	slt.u32 s8, $0xFFFFF086  }
0x1c: {  	p1 =	slt.u32 s9, $0xF7A;
	s5 =	simm.s32 @!p2 $0x0  }
0x1d: {  	s5 =	simm.s32 @p1 $0x1;
	p0 =	seq.s32 s7, s2  }
0x1e: {  	s7 =	smul.u32 @!p0 $0xF7A, s2;
	p2 =	seq.s32 @!p0 s5, $0x0  }
0x1f: {  	s9 =	smul.u32 $0xF7A, s1;
	s8 =	simm.s32 @!p0 $0x1BF5;
	p2 =	por !p2, p0  }
0x20: {  	[sflag:s8] =	ssyncset.s32 @!p0 $0xFFFFF086;
	s6 =	sadd.s32 @!p0 s3, s7;
	s7 =	simm.s32 @!p0 $0x108  }
0x21: {  	s3 =	sadd.s32 s3, s9;
	s6 =	sadd.s32 @!p0 $0x88, s6;
	s7 =	simm.s32 @p2 $0x1082  }
0x22: {  	[simem:s7], [sflag:s8] =	dma.local @!p0 [hbm:s6], $0xF7A  }
0x23: {  	s9 =	sor.u32 $0xD0000000, s2;
	s6 =	simm.s32 $0x108;
	_ =	swait.ge @!p0 [sflag:s8], $0x0  }
0x24: {  	s3 =	sadd.s32 $0x88, s3;
	s6 =	simm.s32 @!p1 $0x1082;
	[sflag:s4] =	ssyncset.s32 $0xFFFFF086  }
0x25: {  	[simem:s6], [sflag:s4] =	dma.local [hbm:s3], $0xF7A  }
0x26: {  	[smem:$0x3F98] =	sst s1;
	(tag) =	ssettag s2;
	_ =	strace s9  }
0x27: {  	s1 =	sld [smem:$0x3FA8]  }
0x28: {  	s2 =	sld [smem:$0x3FA9]  }
0x29: {  	s4 =	sld [smem:$0x3FAB]  }
0x2a: {  	p0 =	seq.s32 s5, $0x0;
	s5 =	sld [smem:$0x3FAC]  }
0x2b: {  	s6 =	sld [smem:$0x3FAD]  }
0x2c: {  	s7 =	sld [smem:$0x3FAE]  }
0x2d: {  	s3 =	simm.s32 $0x108;
	s8 =	sld [smem:$0x3FAF]  }
0x2e: {  	s3 =	simm.s32 @!p0 $0x1082;
	s9 =	sld [smem:$0x3FB0]  }
0x2f: {  	lr =	sadd.s32 s0, s3;
	s0 =	sld [smem:$0x3FA7]  }
0x30: {  	s3 =	sld [smem:$0x3FAA]  }
0x31: {  	[smem:$0x3FB3] =	sst s10  }
0x32: {  	s10 =	sld [smem:$0x3FB1];
	_ =	sdelay $0x3  }
0x33: {  	p0 =	seq.s32 s10, $0x1;
	s10 =	sld [smem:$0x3FB3];
	_ =	sdelay $0x3  }
0x34: {  	[smem:$0x3FB3] =	sst s10  }
0x35: {  	s10 =	sld [smem:$0x3FB2];
	_ =	sdelay $0x3  }
0x36: {  	p1 =	seq.s32 s10, $0x1;
	s10 =	sld [smem:$0x3FB3];
	_ =	sdelay $0x3  }
0x37: {  	[smem:$0x3FB3] =	sst s10  }
0x38: {  	s10 =	sld [smem:$0x3FB4]  }
0x39: {  	_ = 	snop;
	(pc) =	sbr.ind lr, $3  }
0x3a: {  	_ = 	snop  }
0x3b: {  	_ = 	snop  }
0x3c: {  	p2 =	seq.s32 s10, $0x1;
	s10 =	sld [smem:$0x3FB3]  }
0x3d: {  	_ =	shalt  }
0x3e: {  	_ =	shalt  }
0x3f: {  	_ =	shalt  }
0x40: {  	_ =	shalt  }
0x41: {  	_ =	shalt  }
0x42: {  	_ =	shalt  }
0x43: {  	_ =	shalt  }
0x44: {  	_ =	shalt  }
0x45: {  	_ =	shalt  }
0x46: {  	_ =	shalt  }
0x47: {  	_ =	shalt  }
0x48: {  	_ =	shalt  }
0x49: {  	_ =	shalt  }
0x4a: {  	_ =	shalt  }
0x4b: {  	_ =	shalt  }
0x4c: {  	_ =	shalt  }
0x4d: {  	_ =	shalt  }
0x4e: {  	_ =	shalt  }
0x4f: {  	_ =	shalt  }
0x50: {  	_ =	shalt  }
0x51: {  	_ =	shalt  }
0x52: {  	_ =	shalt  }
0x53: {  	_ =	shalt  }
0x54: {  	_ =	shalt  }
0x55: {  	_ =	shalt  }
0x56: {  	_ =	shalt  }
0x57: {  	_ =	shalt  }
0x58: {  	_ =	shalt  }
0x59: {  	_ =	shalt  }
0x5a: {  	_ =	shalt  }
0x5b: {  	_ =	shalt  }
0x5c: {  	_ =	shalt  }
0x5d: {  	_ =	shalt  }
0x5e: {  	_ =	shalt  }
0x5f: {  	_ =	shalt  }
0x60: {  	_ =	shalt  }
0x61: {  	_ =	shalt  }
0x62: {  	_ =	shalt  }
0x63: {  	_ =	shalt  }
0x64: {  	_ =	shalt  }
0x65: {  	_ =	shalt  }
0x66: {  	_ =	shalt  }
0x67: {  	_ =	shalt  }
0x68: {  	_ =	shalt  }
0x69: {  	_ =	shalt  }
0x6a: {  	_ =	shalt  }
0x6b: {  	_ =	shalt  }
0x6c: {  	_ =	shalt  }
0x6d: {  	_ =	shalt  }
0x6e: {  	_ =	shalt  }
0x6f: {  	_ =	shalt  }
0x70: {  	_ =	shalt  }
0x71: {  	_ =	shalt  }
0x72: {  	_ =	shalt  }
0x73: {  	_ =	shalt  }
0x74: {  	_ =	shalt  }
0x75: {  	_ =	shalt  }
0x76: {  	_ =	shalt  }
0x77: {  	_ =	shalt  }
0x78: {  	_ =	shalt  }
0x79: {  	_ =	shalt  }
0x7a: {  	_ =	shalt  }
0x7b: {  	_ =	shalt  }
0x7c: {  	_ =	shalt  }
0x7d: {  	_ =	shalt  }
0x7e: {  	_ =	shalt  }
0x7f: {  	_ =	shalt  }
0x80: {  	_ =	shalt  }
0x81: {  	_ =	shalt  }
0x82: {  	_ =	shalt  }
0x83: {  	_ =	shalt  }
0x84: {  	_ =	shalt  }
0x85: {  	_ =	shalt  }
0x86: {  	_ =	shalt  }
0x87: {  	_ =	shalt  }
.Lfunc_end0:
.L_simem_size_0:
called_computation.3_lowered:
.L_overlay_start_0:
0x88: {  	s2 =	sld [smem:$0x3FD9]  }
0x89: {  	s3 =	sld [smem:$0x3FFE];
	_ =	sdelay $0x1  }
0x8a: {  	s1 =	srdreg.scid  }
0x8b: {  	s0 =	sand.u32 $0x1, s1  }
0x8c: {  	s17 =	sshll.u32 s0, $0xA;
	s2 =	sadd.s32 s3, s2  }
0x8d: {  	s2 =	sadd.s32 s2, s17  }
0x8e: {  	[smem:$0x3FBF] =	sst s2  }
0x8f: {  	_ = 	snop  }
0x90: {  	(tm) =	ssettm $0x1  }
0x91: {  	s18 =	sld [smem:$0x3FFB];
	_ =	sdelay $0x3  }
0x92: {  	_ =	strace s18  }
0x93: {  	s2 =	sld [smem:$0x3FFC];
	_ =	sdelay $0x3  }
0x94: {  	_ =	strace s2  }
0x95: {  	s2 =	sld [smem:$0x3FFD];
	_ =	sdelay $0x3  }
0x96: {  	_ =	strace s2  }
0x97: {  	_ =	strace $0x8FFFFFFF  }
0x98: {  	s19 =	sld [smem:$0x3FDB];
	_ =	sdelay $0x1  }
0x99: {  	s20 =	simm.s32 $_scs_section_size  }
0x9a: {  	s4 =	simm.s32 $_size__tile_overlayer_lowered;
	s5 =	simm.s32 $_tile_overlayer_lowered  }
0x9b: {  	s6 =	simm.s32 $0x1BFF;
	s21 =	sshll.u32 s5, $0x1;
	s3 =	sadd.s32 s20, s19  }
0x9c: {  	s22 =	simm.s32 $0x0;
	s4 =	sshll.u32 s4, $0x1;
	s5 =	sadd.s32 s21, s3  }
0x9d: {  	[timem:s22], [sflag:s6] =	dma.local [hbm:s5], s4  }
0x9e: {  	_ =	swait.ge [sflag:s6], s4  }
0x9f: {  	s4 =	ssub.s32 $0x0, s4;
	[sflag:s6] =	ssyncset.done $0x0  }
0xa0: {  	[sflag:s6] =	ssyncadd.s32 s4;
	_ =	sdelay $0x1  }
0xa1: {  	s23 =	simm.s32 $0x1B8B  }
0xa2: {  	_ =	swait.ge [sflag:s23], $0x1  }
0xa3: {  	[sflag:s23] =	ssyncset.done $0x0  }
0xa4: {  	[sflag:s23] =	ssyncadd.s32 $0xFFFFFFFF  }
0xa5: {  	s4 =	sld [smem:$0x0]  }
0xa6: {  	s5 =	sand.u32 $0xFFFFFFFE, s1  }
0xa7: {  	p0 =	sne.s32 s1, s5  }
0xa8: {  	s5 =	sshll.u32 @p0 s5, $0xE  }
0xa9: {  	s5 =	sadd.s32 @p0 $0x11B8D, s5;
	s6 =	sshll.u32 @p0 s4, $0x11  }
0xaa: {  	s5 =	sor.u32 @p0 s6, s5  }
0xab: {  	[sflag:s5] =	ssyncadd.remote.s32 @p0 $0x1;
	_ =	sdelay $0x1  }
0xac: {  	s5 =	simm.s32 @p0 $0x1B8D  }
0xad: {  	_ =	swait.eq @p0 [sflag:s5], $0x1  }
0xae: {  	[sflag:s5] =	ssyncadd.s32 @p0 $0xFFFFFFFF  }
0xaf: {  	s6 =	sshll.u32 @!p0 s1, $0xE  }
0xb0: {  	s6 =	sor.u32 @!p0 $0x4000, s6;
	s5 =	simm.s32 @!p0 $0x1B8D  }
0xb1: {  	s4 =	sshll.u32 @!p0 s4, $0x11;
	s6 =	sadd.s32 @!p0 $0x11B8D, s6;
	_ =	swait.eq @!p0 [sflag:s5], $0x1  }
0xb2: {  	s4 =	sor.u32 @!p0 s4, s6;
	[sflag:s5] =	ssyncadd.s32 @!p0 $0xFFFFFFFF  }
0xb3: {  	s25 =	simm.s32 $0x1B8E;
	s24 =	sld [smem:$0x3FFE];
	[sflag:s4] =	ssyncadd.remote.s32 @!p0 $0x1  }
0xb4: {  	s26 =	simm.s32 $execute0_lowered;
	[smem:$0x3FD2] =	sst s25  }
0xb5: {  	s5 =	sshll.u32 s26, $0x1;
	_ =	strace $0x8000004F;
	[dreg:$0x1] =	wrdreg $0xFFFFFFFF  }
0xb6: {  	s28 =	simm.s32 $_size_execute0_lowered;
	s3 =	sadd.s32 s3, s5;
	[dreg:$0x0] =	wrdreg $0x0  }
0xb7: {  	s5 =	sshll.u32 s28, $0x1;
	[dreg:$0x2] =	wrdreg s3  }
0xb8: {  	[dreg:$0x3] =	wrdreg s5  }
0xb9: {  	[dreg:$0x4] =	wrdreg $0xC0  }
0xba: {  	_ =	task [dreg:s22], $0x5FFFF  }
0xbb: {  	[dreg:$0x1] =	wrdreg $0xFFFFFFFF  }
0xbc: {  	[dreg:$0x0] =	wrdreg $0x60  }
0xbd: {  	[dreg:$0x2] =	wrdreg s24  }
0xbe: {  	[dreg:$0x3] =	wrdreg $0xC  }
0xbf: {  	_ =	task.clear_ibuf [dreg:s22], $0x4FFFF;
	_ =	strace $0x9000004F  }
0xc0: {  	s29 =	simm.s32 $0xC;
	_ =	strace $0x80000051  }
0xc1: {  	_ =	swait.ge [sflag:s29], $0x1  }
0xc2: {  	[sflag:s29] =	ssyncadd.s32 $0xFFFFFFFF  }
0xc3: {  	_ =	strace $0x90000051  }
0xc4: {  	_ =	sfence  }
0xc5: {  	s30 =	sld [smem:$0x0];
	_ =	sdelay $0x2  }
0xc6: {  	s31 =	sshll.u32 s1, $0xD;
	s1 =	sshrl.u32 s1, $0x2  }
0xc7: {  	s4 =	sand.u32 $0x4000, s31;
	s1 =	sadd.s32 s1, s30  }
0xc8: {  	s0 =	sor.u32 s4, s0;
	s1 =	sshll.u32 s1, $0x11  }
0xc9: {  	s0 =	sor.u32 s1, s0  }
0xca: {  	s0 =	sadd.s32 $0x8F2B, s0  }
0xcb: {  	[sflag:s0] =	ssyncadd.remote.s32 $0x1  }
0xcc: {  	_ =	sfence.sel $0xFFFF  }
0xcd: {  	[dreg:$0x0] =	wrdreg $0xFFFFFFFF;
	(pc) =	sbr.abs _section_cstart, $3  }
0xce: {  	[dreg:$0x1] =	wrdreg $0xFFFFFFFF  }
0xcf: {  	_ =	task.clear_ibuf [dreg:s22], $0x2FFFF;
	_ =	strace $0x9FFFFFFF  }
0xd0: {  	(tm) =	ssettm $0x7FFFFFFF  }
0xd1: {  	_ =	shalt  }
tec
execute0_lowered:
.L_overlay_start_1:
0x0: {  	(tag) =	ssettag $0x1  }
0x1: {  	s1 =	srdreg.scid  }
0x2: {  	s0 =	stileid.u32;
	s6 =	rddreg [dreg:$0x0]  }
0x3: {  	s2 =	simm.s32 $0x0;
	s10 =	simm.s32 $0x5;
	s11 =	simm.s32 $0x800  }
0x4: {  	s12 =	simm.s32 $0x50;
	s13 =	simm.s32 $0x1000;
	s14 =	simm.s32 $0x6000  }
0x5: {  	s15 =	simm.s32 $0x1;
	s16 =	simm.s32 $0x3;
	s17 =	simm.s32 $0xB000  }
0x6: {  	s18 =	simm.s32 $0x6;
	s5 =	sand.u32 $0x1, s1;
	s3 =	sshll.u32 s0, $0x1  }
0x7: {  	s19 =	simm.s32 $0x2;
	s20 =	simm.s32 $0x4;
	s3 =	sor.u32 s5, s3  }
0x8: {  	s21 =	simm.s32 $0xD800;
	s22 =	simm.s32 $0x0;
	s3 =	smul.u32 $0x7D0, s3  }
.Ltmp0:
0x9: {  	s1 =	rddreg [dreg:$0x1];
	s7 =	ssub.s32 $0x2, s5;
	(pc) =	sbr.rel .LBB2_1-.Ltmp0, $4  }
0xa: {  	[smem:$0x7FF] =	sst s2;
	s4 =	sadd.s32 $0x16400, s6;
	s9 =	sshrl.u32 s7, $0x1  }
0xb: {  	_ =	strace $0x80000050;
	s9 =	ssub.s32 s7, s9;
	s8 =	sshrl.u32 s3, $0x3  }
0xc: {  	s5 =	sadd.s32 $0x3D600, s6;
	s9 =	smax.u32 s9, $0x1;
	s8 =	sadd.s32 s6, s8  }
0xd: {  	s6 =	sadd.s32 $0x352800, s6;
	s7 =	sadd.s32 $0x123C0, s8;
	s8 =	sadd.s32 $0x85C0, s8  }
.LBB2_9:
0xe: {  	s22 =	sadd.s32 $0x1, s22  }
0xf: {  	p0 =	sne.s32 s22, s9  }
.Ltmp1:
0x10: {  	_ = 	snop;
	(pc) =	sbr.rel @!p0 .LBB2_10-.Ltmp1, $1  }
0x11: {  	_ =	sdelay $0x3  }
.LBB2_1:
0x12: {  	[tilespmem:s2], [sflag:$0x5] =	stream.linear.gather [hbm4b:s7+s2], $0x7D0, $0x38;
	[tilespmem:$0x10000] =	vst v63  }
0x13: {  	_ =	swait.ge [sflag:s10], $0x7D0  }
0x14: {  	[sflag:s10] =	ssyncset.done $0x0  }
0x15: {  	[sflag:s10] =	ssyncadd.s32 $0xFFFFF830  }
0x16: {  	[tilespmem:s11], [sflag:$0x5] =	stream.linear.gather [hbm4b:s8+s2], $0x7D0, $0x38;
	[tilespmem:$0x10000] =	vst v63  }
0x17: {  	_ =	swait.ge [sflag:s10], $0x7D0  }
.Ltmp2:
0x18: {  	[sflag:s10] =	ssyncset.done $0x0;
	(pc) =	sbr.rel .LBB2_2-.Ltmp2, $4  }
0x19: {  	[sflag:s10] =	ssyncadd.s32 $0xFFFFF830  }
0x1a: {  	[tilespmem:s13], [sflag:$0x1] =	stream.indirect.gather [hbm4b:s4+s12], $0x80, s2, s12, $0xb8;
	[tilespmem:$0x10000] =	vst v63  }
0x1b: {  	s23 =	simm.s32 $0x0  }
0x1c: {  	[tilespmem:s14], [sflag:$0x3] =	stream.indirect.gather [hbm4b:s5+s12], $0x80, s11, s12, $0xb8;
	[tilespmem:$0x10000] =	vst v63  }
.LBB2_8:
0x1d: {  	s23 =	sadd.s32 $0x1, s23  }
0x1e: {  	p0 =	sne.s32 s23, $0xD  }
.Ltmp3:
0x1f: {  	_ = 	snop;
	(pc) =	sbr.rel @!p0 .LBB2_9-.Ltmp3, $1  }
0x20: {  	_ =	sdelay $0x3  }
.LBB2_2:
0x21: {  	s24 =	sshllo.u32 s23, $0x1  }
0x22: {  	p0 =	sgt.u32 s24, $0x18  }
0x23: {  	s25 =	smul.u32 @!p0 $0x50, s24  }
0x24: {  	s26 =	simm.s32 @!p0 $0x50;
	s28 =	simm.s32 @!p0 $0x3800  }
0x25: {  	[tilespmem:s28], [sflag:$0x2] =	stream.indirect.gather @!p0 [hbm4b:s4+s26], $0x80, s25, s26, $0xb8;
	[tilespmem:$0x10000] =	vst v63  }
0x26: {  	s25 =	sadd.s32 @!p0 $0x800, s25;
	s28 =	simm.s32 @!p0 $0x8800  }
0x27: {  	[tilespmem:s28], [sflag:$0x4] =	stream.indirect.gather @!p0 [hbm4b:s5+s26], $0x80, s25, s26, $0xb8;
	[tilespmem:$0x10000] =	vst v63  }
0x28: {  	_ =	swait.ge [sflag:s15], $0x2800  }
0x29: {  	[sflag:s15] =	ssyncset.done $0x0  }
0x2a: {  	[sflag:s15] =	ssyncadd.s32 $0xFFFFD800  }
0x2b: {  	_ =	swait.ge [sflag:s16], $0x2800  }
0x2c: {  	[sflag:s16] =	ssyncset.done $0x0  }
0x2d: {  	s25 =	simm.s32 $0x0;
	[sflag:s16] =	ssyncadd.s32 $0xFFFFD800  }
0x2e: {  	v0 =	vld [tilespmem:s25+$0x1060]  }
0x2f: {  	v1 =	vld [tilespmem:s25+$0x6060]  }
0x30: {  	v2 =	vld [tilespmem:s25+$0x1070]  }
0x31: {  	v3 =	vld [tilespmem:s25+$0x6070]  }
0x32: {  	v4 =	vld [tilespmem:s25+$0x1000]  }
0x33: {  	v5 =	vld [tilespmem:s25+$0x6000]  }
0x34: {  	v6 =	vld [tilespmem:s25+$0x1010]  }
0x35: {  	v7 =	vld [tilespmem:s25+$0x6010]  }
0x36: {  	v8 =	vld [tilespmem:s25+$0x1020]  }
0x37: {  	v0 =	vadd.f32 v1, v0;
	v1 =	vadd.f32 v3, v2;
	v2 =	vld [tilespmem:s25+$0x6020]  }
0x38: {  	v3 =	vld [tilespmem:s25+$0x1030]  }
0x39: {  	v4 =	vadd.f32 v5, v4;
	v5 =	vld [tilespmem:s25+$0x6030];
	v9 =	vshrl.u32 v0, $0x10;
	v10 =	vshrl.u32 v1, $0x10  }
0x3a: {  	v9 =	vand.u32 $0x1, v9;
	v10 =	vand.u32 $0x1, v10  }
0x3b: {  	v6 =	vadd.f32 v7, v6;
	v7 =	vld [tilespmem:s25+$0x1040];
	v0 =	vadd.s32 v9, v0;
	v1 =	vadd.s32 v10, v1  }
0x3c: {  	v9 =	vshrl.u32 v4, $0x10;
	v10 =	vld [tilespmem:s25+$0x6040];
	v0 =	vadd.s32 $0x7FFF, v0;
	v1 =	vadd.s32 $0x7FFF, v1  }
0x3d: {  	v11 =	vld [tilespmem:s25+$0x1050];
	v2 =	vadd.f32 v2, v8;
	v8 =	vand.u32 $0x1, v9;
	v9 =	vshrl.u32 v6, $0x10  }
0x3e: {  	v12 =	vld [tilespmem:s25+$0x6050];
	v3 =	vadd.f32 v5, v3;
	v0 =	vshrl.u32 v0, $0x10;
	v1 =	vand.u32 $0xFFFF0000, v1  }
0x3f: {  	v0 =	vor.u32 v0, v1;
	v1 =	vand.u32 $0x1, v9;
	v5 =	vshrl.u32 v2, $0x10  }
0x40: {  	s26 =	simm.s32 $0x80;
	v8 =	vadd.s32 v8, v4;
	[tilespmem:s25+$0xB030] =	vst v0;
	v9 =	vadd.s32 v1, v6;
	v1 =	vand.u32 $0x1, v5  }
0x41: {  	v0 =	vld [tilespmem:s26+$0x1060];
	v6 =	vadd.s32 v1, v2;
	v2 =	vshrl.u32 v3, $0x10;
	v4 =	vadd.f32 v10, v7  }
0x42: {  	v1 =	vld [tilespmem:s26+$0x6060];
	v7 =	vadd.s32 $0x7FFF, v8;
	v5 =	vadd.s32 $0x7FFF, v9;
	v8 =	vand.u32 $0x1, v2  }
0x43: {  	s28 =	simm.s32 $0x400;
	v2 =	vld [tilespmem:s26+$0x1070];
	v8 =	vadd.s32 v8, v3;
	v3 =	vadd.f32 v12, v11;
	v9 =	vshrl.u32 v4, $0x10  }
.LBB2_3:
0x44: {  	p1 =	sne.s32 s28, $0x9E00;
	v10 =	vld [tilespmem:s26+$0x6070];
	v6 =	vadd.s32 $0x7FFF, v6;
	v8 =	vadd.s32 $0x7FFF, v8;
	v9 =	vand.u32 $0x1, v9  }
0x45: {  	v7 =	vshrl.u32 v7, $0x10;
	v11 =	vld [tilespmem:s26+$0x1000];
	v4 =	vadd.s32 v9, v4;
	v9 =	vshrl.u32 v3, $0x10  }
0x46: {  	v5 =	vand.u32 $0xFFFF0000, v5;
	v12 =	vld [tilespmem:s26+$0x6000];
	v4 =	vadd.s32 $0x7FFF, v4;
	v9 =	vand.u32 $0x1, v9  }
0x47: {  	v6 =	vshrl.u32 v6, $0x10;
	v8 =	vand.u32 $0xFFFF0000, v8;
	v13 =	vld [tilespmem:s26+$0x1010];
	v3 =	vadd.s32 v9, v3  }
0x48: {  	v5 =	vor.u32 v7, v5;
	v4 =	vshrl.u32 v4, $0x10;
	v9 =	vld [tilespmem:s26+$0x6010];
	v3 =	vadd.s32 $0x7FFF, v3  }
0x49: {  	v0 =	vadd.f32 v1, v0;
	v7 =	vld [tilespmem:s26+$0x1020];
	v1 =	vadd.f32 v10, v2;
	[tilespmem:s25+$0xB000] =	vst v5;
	v2 =	vand.u32 $0xFFFF0000, v3  }
0x4a: {  	v5 =	vor.u32 v6, v8;
	v3 =	vld [tilespmem:s26+$0x6020];
	v2 =	vor.u32 v4, v2  }
0x4b: {  	v8 =	vshrl.u32 v0, $0x10;
	v4 =	vadd.f32 v12, v11;
	v6 =	vld [tilespmem:s26+$0x1030];
	v10 =	vshrl.u32 v1, $0x10;
	[tilespmem:s25+$0xB010] =	vst v5  }
0x4c: {  	v8 =	vand.u32 $0x1, v8;
	v5 =	vld [tilespmem:s26+$0x6030];
	v10 =	vand.u32 $0x1, v10;
	[tilespmem:s25+$0xB020] =	vst v2;
	s25 =	smov.u32 s26  }
0x4d: {  	v0 =	vadd.s32 v8, v0;
	v2 =	vadd.f32 v9, v13;
	v9 =	vld [tilespmem:s25+$0x1040];
	v1 =	vadd.s32 v10, v1  }
0x4e: {  	v0 =	vadd.s32 $0x7FFF, v0;
	v8 =	vshrl.u32 v4, $0x10;
	v10 =	vld [tilespmem:s25+$0x6040];
	v1 =	vadd.s32 $0x7FFF, v1  }
0x4f: {  	v0 =	vshrl.u32 v0, $0x10;
	v3 =	vadd.f32 v3, v7;
	v11 =	vld [tilespmem:s25+$0x1050];
	v1 =	vand.u32 $0xFFFF0000, v1  }
0x50: {  	v7 =	vand.u32 $0x1, v8;
	v8 =	vshrl.u32 v2, $0x10;
	v12 =	vld [tilespmem:s25+$0x6050];
	v0 =	vor.u32 v0, v1  }
.Ltmp4:
0x51: {  	v1 =	vand.u32 $0x1, v8;
	v8 =	vadd.f32 v5, v6;
	v5 =	vshrl.u32 v3, $0x10;
	[tilespmem:s25+$0xB030] =	vst v0;
	(pc) =	sbr.rel @p1 .LBB2_3-.Ltmp4, $4  }
0x52: {  	s26 =	sshra.s32 s28, $0x2;
	v7 =	vadd.s32 v7, v4;
	v2 =	vadd.s32 v1, v2;
	v1 =	vand.u32 $0x1, v5  }
0x53: {  	v0 =	vld [tilespmem:s26+$0x1060];
	v6 =	vadd.s32 v1, v3;
	v3 =	vshrl.u32 v8, $0x10;
	v4 =	vadd.f32 v10, v9  }
0x54: {  	v7 =	vadd.s32 $0x7FFF, v7;
	v5 =	vadd.s32 $0x7FFF, v2;
	v1 =	vld [tilespmem:s26+$0x6060];
	v3 =	vand.u32 $0x1, v3  }
0x55: {  	s28 =	sadd.s32 $0x200, s28;
	v2 =	vld [tilespmem:s26+$0x1070];
	v8 =	vadd.s32 v3, v8;
	v3 =	vadd.f32 v12, v11;
	v9 =	vshrl.u32 v4, $0x10  }
0x56: {  	v10 =	vld [tilespmem:s26+$0x6070]  }
0x57: {  	v11 =	vld [tilespmem:s26+$0x1000];
	v6 =	vadd.s32 $0x7FFF, v6  }
0x58: {  	v12 =	vld [tilespmem:s26+$0x6000];
	v9 =	vand.u32 $0x1, v9;
	v7 =	vshrl.u32 v7, $0x10;
	v5 =	vand.u32 $0xFFFF0000, v5  }
0x59: {  	v13 =	vld [tilespmem:s26+$0x1010];
	v34 =	vadd.s32 $0x7FFF, v8;
	v4 =	vadd.s32 v9, v4;
	v32 =	vshrl.u32 v3, $0x10  }
0x5a: {  	v14 =	vld [tilespmem:s26+$0x6010];
	v5 =	vor.u32 v7, v5;
	v6 =	vshrl.u32 v6, $0x10;
	v35 =	vand.u32 $0x1, v32  }
0x5b: {  	v33 =	vld [tilespmem:s26+$0x1020];
	[tilespmem:s25+$0xB000] =	vst v5;
	v4 =	vadd.s32 $0x7FFF, v4;
	v5 =	vand.u32 $0xFFFF0000, v34;
	v36 =	vadd.s32 v35, v3  }
0x5c: {  	v0 =	vadd.f32 v1, v0;
	v38 =	vor.u32 v6, v5;
	v3 =	vadd.s32 $0x7FFF, v36  }
0x5d: {  	v37 =	vld [tilespmem:s26+$0x6020];
	v4 =	vshrl.u32 v4, $0x10;
	v2 =	vadd.f32 v10, v2;
	v3 =	vand.u32 $0xFFFF0000, v3  }
0x5e: {  	v39 =	vld [tilespmem:s26+$0x1030];
	[tilespmem:s25+$0xB010] =	vst v38;
	v41 =	vshrl.u32 v0, $0x10;
	v43 =	vadd.f32 v12, v11;
	v40 =	vor.u32 v4, v3  }
0x5f: {  	v42 =	vld [tilespmem:s26+$0x6030];
	v46 =	vadd.f32 v14, v13;
	v3 =	vand.u32 $0x1, v41;
	[tilespmem:s25+$0xB020] =	vst v40  }
0x60: {  	v44 =	vshrl.u32 v2, $0x10;
	v0 =	vadd.s32 v3, v0;
	v48 =	vshrl.u32 v43, $0x10;
	v47 =	vld [tilespmem:s26+$0x1040]  }
0x61: {  	v51 =	vshrl.u32 v46, $0x10;
	v45 =	vand.u32 $0x1, v44;
	v49 =	vld [tilespmem:s26+$0x6040];
	v0 =	vadd.s32 $0x7FFF, v0  }
0x62: {  	v7 =	vadd.f32 v37, v33;
	v50 =	vld [tilespmem:s26+$0x1050];
	v55 =	vand.u32 $0x1, v51;
	v1 =	vadd.s32 v45, v2  }
0x63: {  	v52 =	vld [tilespmem:s26+$0x6050];
	v0 =	vshrl.u32 v0, $0x10;
	v2 =	vand.u32 $0x1, v48;
	v5 =	vadd.s32 v55, v46  }
0x64: {  	v1 =	vadd.s32 $0x7FFF, v1;
	v53 =	vadd.f32 v42, v39;
	v54 =	vshrl.u32 v7, $0x10  }
0x65: {  	v2 =	vadd.s32 v2, v43;
	v5 =	vadd.s32 $0x7FFF, v5;
	v1 =	vand.u32 $0xFFFF0000, v1  }
0x66: {  	v4 =	vand.u32 $0x1, v54;
	v2 =	vadd.s32 $0x7FFF, v2;
	v5 =	vand.u32 $0xFFFF0000, v5  }
0x67: {  	v0 =	vor.u32 v0, v1;
	v4 =	vadd.s32 v4, v7;
	v56 =	vshrl.u32 v53, $0x10  }
0x68: {  	v2 =	vshrl.u32 v2, $0x10;
	v3 =	vadd.f32 v49, v47;
	v57 =	vadd.f32 v52, v50  }
0x69: {  	v6 =	vand.u32 $0x1, v56;
	v4 =	vadd.s32 $0x7FFF, v4;
	v61 =	vor.u32 v2, v5  }
0x6a: {  	v1 =	vadd.s32 v6, v53;
	v58 =	vshrl.u32 v3, $0x10;
	v8 =	vshrl.u32 v57, $0x10  }
0x6b: {  	v4 =	vshrl.u32 v4, $0x10;
	v7 =	vand.u32 $0x1, v58;
	v59 =	vand.u32 $0x1, v8  }
0x6c: {  	s25 =	smul.u32 $0xA0, s23;
	v1 =	vadd.s32 $0x7FFF, v1;
	v3 =	vadd.s32 v7, v3;
	v6 =	vadd.s32 v59, v57  }
0x6d: {  	[tilespmem:s26+$0xB030] =	vst v0;
	v60 =	vand.u32 $0xFFFF0000, v1;
	v3 =	vadd.s32 $0x7FFF, v3;
	v62 =	vadd.s32 $0x7FFF, v6  }
0x6e: {  	s28 =	sadd.s32 s3, s25;
	[tilespmem:s26+$0xB000] =	vst v61;
	v0 =	vor.u32 v4, v60;
	v3 =	vshrl.u32 v3, $0x10;
	v63 =	vand.u32 $0xFFFF0000, v62  }
0x6f: {  	s28 =	sshll.u32 s28, $0x4;
	[tilespmem:s26+$0xB010] =	vst v0;
	v1 =	vor.u32 v3, v63  }
0x70: {  	s31 =	sadd.s32 s6, s28;
	[tilespmem:s26+$0xB020] =	vst v1  }
0x71: {  	[hbm4b:s31+s2] =	stream.linear.scatter [tilespmem:s17], [sflag:$0x6], $0x2800, $0x38;
	[tilespmem:$0x10000] =	vst v63  }
0x72: {  	p1 =	seq.s32 s23, $0xC;
	_ =	swait.ge [sflag:s18], $0x2800  }
.Ltmp5:
0x73: {  	s29 =	simm.s32 @!p1 $0x1000;
	[sflag:s18] =	ssyncset.done $0x0;
	(pc) =	sbr.rel @p0 .LBB2_8-.Ltmp5, $4  }
0x74: {  	s28 =	simm.s32 @!p1 $0x50;
	s26 =	sadd.s32 @!p1 $0xA0, s25;
	[sflag:s18] =	ssyncadd.s32 $0xFFFFD800  }
0x75: {  	[tilespmem:s29], [sflag:$0x1] =	stream.indirect.gather @!p1 [hbm4b:s4+s28], $0x80, s26, s28, $0xb8;
	[tilespmem:$0x10000] =	vst v63  }
0x76: {  	s25 =	sadd.s32 @!p1 $0x8A0, s25;
	s26 =	simm.s32 @!p1 $0x6000  }
0x77: {  	[tilespmem:s26], [sflag:$0x3] =	stream.indirect.gather @!p1 [hbm4b:s5+s28], $0x80, s25, s28, $0xb8;
	[tilespmem:$0x10000] =	vst v63  }
0x78: {  	_ =	swait.ge [sflag:s19], $0x2800  }
0x79: {  	[sflag:s19] =	ssyncset.done $0x0  }
0x7a: {  	[sflag:s19] =	ssyncadd.s32 $0xFFFFD800  }
0x7b: {  	_ =	swait.ge [sflag:s20], $0x2800  }
0x7c: {  	[sflag:s20] =	ssyncset.done $0x0  }
0x7d: {  	s25 =	simm.s32 $0x0;
	[sflag:s20] =	ssyncadd.s32 $0xFFFFD800  }
0x7e: {  	v0 =	vld [tilespmem:s25+$0x3860]  }
0x7f: {  	v1 =	vld [tilespmem:s25+$0x8860]  }
0x80: {  	v2 =	vld [tilespmem:s25+$0x3870]  }
0x81: {  	v3 =	vld [tilespmem:s25+$0x8870]  }
0x82: {  	v4 =	vld [tilespmem:s25+$0x3800]  }
0x83: {  	v5 =	vld [tilespmem:s25+$0x8800]  }
0x84: {  	v6 =	vld [tilespmem:s25+$0x3810]  }
0x85: {  	v7 =	vld [tilespmem:s25+$0x8810]  }
0x86: {  	v8 =	vld [tilespmem:s25+$0x3820]  }
0x87: {  	v0 =	vadd.f32 v1, v0;
	v1 =	vadd.f32 v3, v2;
	v2 =	vld [tilespmem:s25+$0x8820]  }
0x88: {  	v3 =	vld [tilespmem:s25+$0x3830]  }
0x89: {  	v4 =	vadd.f32 v5, v4;
	v5 =	vld [tilespmem:s25+$0x8830];
	v9 =	vshrl.u32 v0, $0x10;
	v10 =	vshrl.u32 v1, $0x10  }
0x8a: {  	v9 =	vand.u32 $0x1, v9;
	v10 =	vand.u32 $0x1, v10  }
0x8b: {  	v6 =	vadd.f32 v7, v6;
	v7 =	vld [tilespmem:s25+$0x3840];
	v0 =	vadd.s32 v9, v0;
	v1 =	vadd.s32 v10, v1  }
0x8c: {  	v9 =	vshrl.u32 v4, $0x10;
	v10 =	vld [tilespmem:s25+$0x8840];
	v0 =	vadd.s32 $0x7FFF, v0;
	v1 =	vadd.s32 $0x7FFF, v1  }
0x8d: {  	v11 =	vld [tilespmem:s25+$0x3850];
	v2 =	vadd.f32 v2, v8;
	v8 =	vand.u32 $0x1, v9;
	v9 =	vshrl.u32 v6, $0x10  }
0x8e: {  	v12 =	vld [tilespmem:s25+$0x8850];
	v3 =	vadd.f32 v5, v3;
	v0 =	vshrl.u32 v0, $0x10;
	v1 =	vand.u32 $0xFFFF0000, v1  }
0x8f: {  	v0 =	vor.u32 v0, v1;
	v1 =	vand.u32 $0x1, v9;
	v5 =	vshrl.u32 v2, $0x10  }
0x90: {  	s26 =	simm.s32 $0x80;
	v8 =	vadd.s32 v8, v4;
	[tilespmem:s25+$0xD830] =	vst v0;
	v9 =	vadd.s32 v1, v6;
	v1 =	vand.u32 $0x1, v5  }
0x91: {  	v0 =	vld [tilespmem:s26+$0x3860];
	v6 =	vadd.s32 v1, v2;
	v2 =	vshrl.u32 v3, $0x10;
	v4 =	vadd.f32 v10, v7  }
0x92: {  	v1 =	vld [tilespmem:s26+$0x8860];
	v7 =	vadd.s32 $0x7FFF, v8;
	v5 =	vadd.s32 $0x7FFF, v9;
	v8 =	vand.u32 $0x1, v2  }
0x93: {  	s28 =	simm.s32 $0x400;
	v2 =	vld [tilespmem:s26+$0x3870];
	v8 =	vadd.s32 v8, v3;
	v3 =	vadd.f32 v12, v11;
	v9 =	vshrl.u32 v4, $0x10  }
.LBB2_6:
0x94: {  	p0 =	sne.s32 s28, $0x9E00;
	v10 =	vld [tilespmem:s26+$0x8870];
	v6 =	vadd.s32 $0x7FFF, v6;
	v8 =	vadd.s32 $0x7FFF, v8;
	v9 =	vand.u32 $0x1, v9  }
0x95: {  	v7 =	vshrl.u32 v7, $0x10;
	v11 =	vld [tilespmem:s26+$0x3800];
	v4 =	vadd.s32 v9, v4;
	v9 =	vshrl.u32 v3, $0x10  }
0x96: {  	v5 =	vand.u32 $0xFFFF0000, v5;
	v12 =	vld [tilespmem:s26+$0x8800];
	v4 =	vadd.s32 $0x7FFF, v4;
	v9 =	vand.u32 $0x1, v9  }
0x97: {  	v6 =	vshrl.u32 v6, $0x10;
	v8 =	vand.u32 $0xFFFF0000, v8;
	v13 =	vld [tilespmem:s26+$0x3810];
	v3 =	vadd.s32 v9, v3  }
0x98: {  	v5 =	vor.u32 v7, v5;
	v4 =	vshrl.u32 v4, $0x10;
	v9 =	vld [tilespmem:s26+$0x8810];
	v3 =	vadd.s32 $0x7FFF, v3  }
0x99: {  	v0 =	vadd.f32 v1, v0;
	v7 =	vld [tilespmem:s26+$0x3820];
	v1 =	vadd.f32 v10, v2;
	[tilespmem:s25+$0xD800] =	vst v5;
	v2 =	vand.u32 $0xFFFF0000, v3  }
0x9a: {  	v5 =	vor.u32 v6, v8;
	v3 =	vld [tilespmem:s26+$0x8820];
	v2 =	vor.u32 v4, v2  }
0x9b: {  	v8 =	vshrl.u32 v0, $0x10;
	v4 =	vadd.f32 v12, v11;
	v6 =	vld [tilespmem:s26+$0x3830];
	v10 =	vshrl.u32 v1, $0x10;
	[tilespmem:s25+$0xD810] =	vst v5  }
0x9c: {  	v8 =	vand.u32 $0x1, v8;
	v5 =	vld [tilespmem:s26+$0x8830];
	v10 =	vand.u32 $0x1, v10;
	[tilespmem:s25+$0xD820] =	vst v2;
	s25 =	smov.u32 s26  }
0x9d: {  	v0 =	vadd.s32 v8, v0;
	v2 =	vadd.f32 v9, v13;
	v9 =	vld [tilespmem:s25+$0x3840];
	v1 =	vadd.s32 v10, v1  }
0x9e: {  	v0 =	vadd.s32 $0x7FFF, v0;
	v8 =	vshrl.u32 v4, $0x10;
	v10 =	vld [tilespmem:s25+$0x8840];
	v1 =	vadd.s32 $0x7FFF, v1  }
0x9f: {  	v0 =	vshrl.u32 v0, $0x10;
	v3 =	vadd.f32 v3, v7;
	v11 =	vld [tilespmem:s25+$0x3850];
	v1 =	vand.u32 $0xFFFF0000, v1  }
0xa0: {  	v7 =	vand.u32 $0x1, v8;
	v8 =	vshrl.u32 v2, $0x10;
	v12 =	vld [tilespmem:s25+$0x8850];
	v0 =	vor.u32 v0, v1  }
.Ltmp6:
0xa1: {  	v1 =	vand.u32 $0x1, v8;
	v8 =	vadd.f32 v5, v6;
	v5 =	vshrl.u32 v3, $0x10;
	[tilespmem:s25+$0xD830] =	vst v0;
	(pc) =	sbr.rel @p0 .LBB2_6-.Ltmp6, $4  }
0xa2: {  	s26 =	sshra.s32 s28, $0x2;
	v7 =	vadd.s32 v7, v4;
	v2 =	vadd.s32 v1, v2;
	v1 =	vand.u32 $0x1, v5  }
0xa3: {  	v0 =	vld [tilespmem:s26+$0x3860];
	v6 =	vadd.s32 v1, v3;
	v3 =	vshrl.u32 v8, $0x10;
	v4 =	vadd.f32 v10, v9  }
0xa4: {  	v7 =	vadd.s32 $0x7FFF, v7;
	v5 =	vadd.s32 $0x7FFF, v2;
	v1 =	vld [tilespmem:s26+$0x8860];
	v3 =	vand.u32 $0x1, v3  }
0xa5: {  	s28 =	sadd.s32 $0x200, s28;
	v2 =	vld [tilespmem:s26+$0x3870];
	v8 =	vadd.s32 v3, v8;
	v3 =	vadd.f32 v12, v11;
	v9 =	vshrl.u32 v4, $0x10  }
0xa6: {  	v10 =	vld [tilespmem:s26+$0x8870]  }
0xa7: {  	v11 =	vld [tilespmem:s26+$0x3800];
	v6 =	vadd.s32 $0x7FFF, v6  }
0xa8: {  	v12 =	vld [tilespmem:s26+$0x8800];
	v9 =	vand.u32 $0x1, v9;
	v7 =	vshrl.u32 v7, $0x10;
	v5 =	vand.u32 $0xFFFF0000, v5  }
0xa9: {  	v13 =	vld [tilespmem:s26+$0x3810];
	v34 =	vadd.s32 $0x7FFF, v8;
	v4 =	vadd.s32 v9, v4;
	v32 =	vshrl.u32 v3, $0x10  }
0xaa: {  	v14 =	vld [tilespmem:s26+$0x8810];
	v5 =	vor.u32 v7, v5;
	v6 =	vshrl.u32 v6, $0x10;
	v35 =	vand.u32 $0x1, v32  }
0xab: {  	v33 =	vld [tilespmem:s26+$0x3820];
	[tilespmem:s25+$0xD800] =	vst v5;
	v4 =	vadd.s32 $0x7FFF, v4;
	v5 =	vand.u32 $0xFFFF0000, v34;
	v36 =	vadd.s32 v35, v3  }
0xac: {  	v0 =	vadd.f32 v1, v0;
	v38 =	vor.u32 v6, v5;
	v3 =	vadd.s32 $0x7FFF, v36  }
0xad: {  	v37 =	vld [tilespmem:s26+$0x8820];
	v4 =	vshrl.u32 v4, $0x10;
	v2 =	vadd.f32 v10, v2;
	v3 =	vand.u32 $0xFFFF0000, v3  }
0xae: {  	v39 =	vld [tilespmem:s26+$0x3830];
	[tilespmem:s25+$0xD810] =	vst v38;
	v41 =	vshrl.u32 v0, $0x10;
	v43 =	vadd.f32 v12, v11;
	v40 =	vor.u32 v4, v3  }
0xaf: {  	v42 =	vld [tilespmem:s26+$0x8830];
	v46 =	vadd.f32 v14, v13;
	v3 =	vand.u32 $0x1, v41;
	[tilespmem:s25+$0xD820] =	vst v40  }
0xb0: {  	v44 =	vshrl.u32 v2, $0x10;
	v0 =	vadd.s32 v3, v0;
	v48 =	vshrl.u32 v43, $0x10;
	v47 =	vld [tilespmem:s26+$0x3840]  }
0xb1: {  	v51 =	vshrl.u32 v46, $0x10;
	v45 =	vand.u32 $0x1, v44;
	v49 =	vld [tilespmem:s26+$0x8840];
	v0 =	vadd.s32 $0x7FFF, v0  }
0xb2: {  	v7 =	vadd.f32 v37, v33;
	v50 =	vld [tilespmem:s26+$0x3850];
	v55 =	vand.u32 $0x1, v51;
	v1 =	vadd.s32 v45, v2  }
0xb3: {  	v52 =	vld [tilespmem:s26+$0x8850];
	v0 =	vshrl.u32 v0, $0x10;
	v2 =	vand.u32 $0x1, v48;
	v5 =	vadd.s32 v55, v46  }
0xb4: {  	v1 =	vadd.s32 $0x7FFF, v1;
	v53 =	vadd.f32 v42, v39;
	v54 =	vshrl.u32 v7, $0x10  }
0xb5: {  	v2 =	vadd.s32 v2, v43;
	v5 =	vadd.s32 $0x7FFF, v5;
	v1 =	vand.u32 $0xFFFF0000, v1  }
0xb6: {  	v4 =	vand.u32 $0x1, v54;
	v2 =	vadd.s32 $0x7FFF, v2;
	v5 =	vand.u32 $0xFFFF0000, v5  }
0xb7: {  	v0 =	vor.u32 v0, v1;
	v4 =	vadd.s32 v4, v7;
	v56 =	vshrl.u32 v53, $0x10  }
0xb8: {  	v2 =	vshrl.u32 v2, $0x10;
	v3 =	vadd.f32 v49, v47;
	v57 =	vadd.f32 v52, v50  }
0xb9: {  	v6 =	vand.u32 $0x1, v56;
	v4 =	vadd.s32 $0x7FFF, v4;
	v61 =	vor.u32 v2, v5  }
0xba: {  	v1 =	vadd.s32 v6, v53;
	v58 =	vshrl.u32 v3, $0x10;
	v8 =	vshrl.u32 v57, $0x10  }
0xbb: {  	v4 =	vshrl.u32 v4, $0x10;
	v7 =	vand.u32 $0x1, v58;
	v59 =	vand.u32 $0x1, v8  }
0xbc: {  	s24 =	smul.u32 $0x50, s24;
	v1 =	vadd.s32 $0x7FFF, v1;
	v3 =	vadd.s32 v7, v3;
	v6 =	vadd.s32 v59, v57  }
0xbd: {  	[tilespmem:s26+$0xD830] =	vst v0;
	v60 =	vand.u32 $0xFFFF0000, v1;
	v3 =	vadd.s32 $0x7FFF, v3;
	v62 =	vadd.s32 $0x7FFF, v6  }
0xbe: {  	s24 =	sadd.s32 s3, s24;
	[tilespmem:s26+$0xD800] =	vst v61;
	v0 =	vor.u32 v4, v60;
	v3 =	vshrl.u32 v3, $0x10;
	v63 =	vand.u32 $0xFFFF0000, v62  }
0xbf: {  	s24 =	sshll.u32 s24, $0x4;
	[tilespmem:s26+$0xD810] =	vst v0;
	v1 =	vor.u32 v3, v63  }
.Ltmp7:
0xc0: {  	s24 =	sadd.s32 s6, s24;
	[tilespmem:s26+$0xD820] =	vst v1;
	(pc) =	sbr.rel .LBB2_8-.Ltmp7, $4  }
0xc1: {  	[hbm4b:s24+s2] =	stream.linear.scatter [tilespmem:s21], [sflag:$0x5], $0x2800, $0x38;
	[tilespmem:$0x10000] =	vst v63  }
0xc2: {  	_ =	swait.ge [sflag:s10], $0x2800  }
0xc3: {  	[sflag:s10] =	ssyncset.done $0x0  }
0xc4: {  	[sflag:s10] =	ssyncadd.s32 $0xFFFFD800  }
.LBB2_10:
0xc5: {  	_ =	sfence.sel $0x180000  }
0xc6: {  	[bflag:$0x0] =	sbarrier.arrive $0xFFFF  }
0xc7: {  	p0 =	sne.s32 s0, $0x0;
	_ =	strace $0x90000050  }
0xc8: {  	s0 =	sadd.s32 @!p0 $0x100000, s1;
	[bflag:$0x2] =	sbarrier.arrive $0xFFFF  }
0xc9: {  	[sflag:s0] =	ssyncadd.tile.s32 @!p0 $0x1;
	_ =	shalt  }
.Lfunc_end2:
_tile_overlayer_lowered:
.L_overlay_start_2:
0xca: {  	(tag) =	ssettag $0x2  }
0xcb: {  	s0 =	rddreg [dreg:$0x0];
	s2 =	stileid.u32  }
0xcc: {  	s1 =	rddreg [dreg:$0x1];
	p0 =	sne.s32 s2, $0x0  }
0xcd: {  	s3 =	rddreg [dreg:$0x2];
	[bflag:$0x3] =	sbarrier.arrive $0xFFFF;
	s2 =	simm.s32 @!p0 $0x1C05  }
0xce: {  	[timem:s3], [sflag:s2] =	dma.local @!p0 [hbm:s0], s1  }
0xcf: {  	s0 =	simm.s32 @!p0 $0x5  }
0xd0: {  	_ =	swait.ge @!p0 [sflag:s0], s1  }
0xd1: {  	s1 =	ssub.s32 @!p0 $0x0, s1;
	[sflag:s0] =	ssyncset.done @!p0 $0x0  }
0xd2: {  	[sflag:s0] =	ssyncadd.s32 @!p0 s1  }
0xd3: {  	[bflag:$0x3] =	sbarrier.arrive $0xFFFF  }
0xd4: {  	_ =	shalt  }

// kernel: kernel.25.cloned.1.call-start
scs
__scs_entry_jumppad:
0x0: {  	(pc) =	sbr.rel $0x88, $3  }
0x1: {  	(tag) =	ssettag $0x0;
	lr =	simm.s32 $0x1  }
0x2: {  	[smem:$0x3F98] =	sst lr;
	_ =	strace $0xD0000000  }
0x3: {  	_ = 	snop  }
0x4: {  	_ = 	snop  }
0x5: {  	_ = 	snop  }
0x6: {  	_ = 	snop  }
0x7: {  	_ = 	snop  }
__scs_overlays_trampoline_lowered:
0x8: {  	[smem:$0x3FA7] =	sst s0  }
0x9: {  	[smem:$0x3FA8] =	sst s1  }
0xa: {  	[smem:$0x3FA9] =	sst s2  }
0xb: {  	[smem:$0x3FAA] =	sst s3  }
0xc: {  	[smem:$0x3FAB] =	sst s4  }
0xd: {  	[smem:$0x3FAC] =	sst s5  }
0xe: {  	[smem:$0x3FAD] =	sst s6  }
0xf: {  	[smem:$0x3FAE] =	sst s7  }
0x10: {  	[smem:$0x3FAF] =	sst s8  }
0x11: {  	[smem:$0x3FB0] =	sst s9;
	s0 =	simm.s32 @!p0 $0x0  }
0x12: {  	s1 =	sld [smem:$0x3F96];
	s0 =	simm.s32 @p0 $0x1  }
0x13: {  	[smem:$0x3FB1] =	sst s0;
	s0 =	simm.s32 @!p1 $0x0  }
0x14: {  	s2 =	sld [smem:$0x3F95];
	s0 =	simm.s32 @p1 $0x1  }
0x15: {  	[smem:$0x3FB2] =	sst s0;
	s0 =	simm.s32 @!p2 $0x0  }
0x16: {  	s3 =	sld [smem:$0x3FDB];
	s0 =	simm.s32 @p2 $0x1  }
0x17: {  	s4 =	simm.s32 $0x1BF5;
	[smem:$0x3FB4] =	sst s0  }
0x18: {  	s0 =	sld [smem:$0x3F97];
	_ =	swait.ge [sflag:s4], $0x0  }
0x19: {  	s7 =	sld [smem:$0x3F98]  }
0x1a: {  	s8 =	sadd.s32 $0xFFFFE003, lr  }
0x1b: {  	s9 =	sadd.s32 $0xFFFFFEF7, lr;
	s5 =	simm.s32 $0xFFFFFFFF;
	p2 =	slt.u32 s8, $0xFFFFF086  }
0x1c: {  	p1 =	slt.u32 s9, $0xF7A;
	s5 =	simm.s32 @!p2 $0x0  }
0x1d: {  	s5 =	simm.s32 @p1 $0x1;
	p0 =	seq.s32 s7, s2  }
0x1e: {  	s7 =	smul.u32 @!p0 $0xF7A, s2;
	p2 =	seq.s32 @!p0 s5, $0x0  }
0x1f: {  	s9 =	smul.u32 $0xF7A, s1;
	s8 =	simm.s32 @!p0 $0x1BF5;
	p2 =	por !p2, p0  }
0x20: {  	[sflag:s8] =	ssyncset.s32 @!p0 $0xFFFFF086;
	s6 =	sadd.s32 @!p0 s3, s7;
	s7 =	simm.s32 @!p0 $0x108  }
0x21: {  	s3 =	sadd.s32 s3, s9;
	s6 =	sadd.s32 @!p0 $0x88, s6;
	s7 =	simm.s32 @p2 $0x1082  }
0x22: {  	[simem:s7], [sflag:s8] =	dma.local @!p0 [hbm:s6], $0xF7A  }
0x23: {  	s9 =	sor.u32 $0xD0000000, s2;
	s6 =	simm.s32 $0x108;
	_ =	swait.ge @!p0 [sflag:s8], $0x0  }
0x24: {  	s3 =	sadd.s32 $0x88, s3;
	s6 =	simm.s32 @!p1 $0x1082;
	[sflag:s4] =	ssyncset.s32 $0xFFFFF086  }
0x25: {  	[simem:s6], [sflag:s4] =	dma.local [hbm:s3], $0xF7A  }
0x26: {  	[smem:$0x3F98] =	sst s1;
	(tag) =	ssettag s2;
	_ =	strace s9  }
0x27: {  	s1 =	sld [smem:$0x3FA8]  }
0x28: {  	s2 =	sld [smem:$0x3FA9]  }
0x29: {  	s4 =	sld [smem:$0x3FAB]  }
0x2a: {  	p0 =	seq.s32 s5, $0x0;
	s5 =	sld [smem:$0x3FAC]  }
0x2b: {  	s6 =	sld [smem:$0x3FAD]  }
0x2c: {  	s7 =	sld [smem:$0x3FAE]  }
0x2d: {  	s3 =	simm.s32 $0x108;
	s8 =	sld [smem:$0x3FAF]  }
0x2e: {  	s3 =	simm.s32 @!p0 $0x1082;
	s9 =	sld [smem:$0x3FB0]  }
0x2f: {  	lr =	sadd.s32 s0, s3;
	s0 =	sld [smem:$0x3FA7]  }
0x30: {  	s3 =	sld [smem:$0x3FAA]  }
0x31: {  	[smem:$0x3FB3] =	sst s10  }
0x32: {  	s10 =	sld [smem:$0x3FB1];
	_ =	sdelay $0x3  }
0x33: {  	p0 =	seq.s32 s10, $0x1;
	s10 =	sld [smem:$0x3FB3];
	_ =	sdelay $0x3  }
0x34: {  	[smem:$0x3FB3] =	sst s10  }
0x35: {  	s10 =	sld [smem:$0x3FB2];
	_ =	sdelay $0x3  }
0x36: {  	p1 =	seq.s32 s10, $0x1;
	s10 =	sld [smem:$0x3FB3];
	_ =	sdelay $0x3  }
0x37: {  	[smem:$0x3FB3] =	sst s10  }
0x38: {  	s10 =	sld [smem:$0x3FB4]  }
0x39: {  	_ = 	snop;
	(pc) =	sbr.ind lr, $3  }
0x3a: {  	_ = 	snop  }
0x3b: {  	_ = 	snop  }
0x3c: {  	p2 =	seq.s32 s10, $0x1;
	s10 =	sld [smem:$0x3FB3]  }
0x3d: {  	_ =	shalt  }
0x3e: {  	_ =	shalt  }
0x3f: {  	_ =	shalt  }
0x40: {  	_ =	shalt  }
0x41: {  	_ =	shalt  }
0x42: {  	_ =	shalt  }
0x43: {  	_ =	shalt  }
0x44: {  	_ =	shalt  }
0x45: {  	_ =	shalt  }
0x46: {  	_ =	shalt  }
0x47: {  	_ =	shalt  }
0x48: {  	_ =	shalt  }
0x49: {  	_ =	shalt  }
0x4a: {  	_ =	shalt  }
0x4b: {  	_ =	shalt  }
0x4c: {  	_ =	shalt  }
0x4d: {  	_ =	shalt  }
0x4e: {  	_ =	shalt  }
0x4f: {  	_ =	shalt  }
0x50: {  	_ =	shalt  }
0x51: {  	_ =	shalt  }
0x52: {  	_ =	shalt  }
0x53: {  	_ =	shalt  }
0x54: {  	_ =	shalt  }
0x55: {  	_ =	shalt  }
0x56: {  	_ =	shalt  }
0x57: {  	_ =	shalt  }
0x58: {  	_ =	shalt  }
0x59: {  	_ =	shalt  }
0x5a: {  	_ =	shalt  }
0x5b: {  	_ =	shalt  }
0x5c: {  	_ =	shalt  }
0x5d: {  	_ =	shalt  }
0x5e: {  	_ =	shalt  }
0x5f: {  	_ =	shalt  }
0x60: {  	_ =	shalt  }
0x61: {  	_ =	shalt  }
0x62: {  	_ =	shalt  }
0x63: {  	_ =	shalt  }
0x64: {  	_ =	shalt  }
0x65: {  	_ =	shalt  }
0x66: {  	_ =	shalt  }
0x67: {  	_ =	shalt  }
0x68: {  	_ =	shalt  }
0x69: {  	_ =	shalt  }
0x6a: {  	_ =	shalt  }
0x6b: {  	_ =	shalt  }
0x6c: {  	_ =	shalt  }
0x6d: {  	_ =	shalt  }
0x6e: {  	_ =	shalt  }
0x6f: {  	_ =	shalt  }
0x70: {  	_ =	shalt  }
0x71: {  	_ =	shalt  }
0x72: {  	_ =	shalt  }
0x73: {  	_ =	shalt  }
0x74: {  	_ =	shalt  }
0x75: {  	_ =	shalt  }
0x76: {  	_ =	shalt  }
0x77: {  	_ =	shalt  }
0x78: {  	_ =	shalt  }
0x79: {  	_ =	shalt  }
0x7a: {  	_ =	shalt  }
0x7b: {  	_ =	shalt  }
0x7c: {  	_ =	shalt  }
0x7d: {  	_ =	shalt  }
0x7e: {  	_ =	shalt  }
0x7f: {  	_ =	shalt  }
0x80: {  	_ =	shalt  }
0x81: {  	_ =	shalt  }
0x82: {  	_ =	shalt  }
0x83: {  	_ =	shalt  }
0x84: {  	_ =	shalt  }
0x85: {  	_ =	shalt  }
0x86: {  	_ =	shalt  }
0x87: {  	_ =	shalt  }
.Lfunc_end0:
.L_simem_size_0:
called_computation.4_lowered:
.L_overlay_start_0:
0x88: {  	s2 =	sld [smem:$0x3FD9]  }
0x89: {  	s3 =	sld [smem:$0x3FFE];
	_ =	sdelay $0x1  }
0x8a: {  	s1 =	srdreg.scid  }
0x8b: {  	s0 =	sand.u32 $0x1, s1  }
0x8c: {  	s17 =	sshll.u32 s0, $0xA;
	s2 =	sadd.s32 s3, s2  }
0x8d: {  	s2 =	sadd.s32 s2, s17  }
0x8e: {  	[smem:$0x3FBF] =	sst s2  }
0x8f: {  	_ = 	snop  }
0x90: {  	(tm) =	ssettm $0x1  }
0x91: {  	s18 =	sld [smem:$0x3FFB];
	_ =	sdelay $0x3  }
0x92: {  	_ =	strace s18  }
0x93: {  	s2 =	sld [smem:$0x3FFC];
	_ =	sdelay $0x3  }
0x94: {  	_ =	strace s2  }
0x95: {  	s2 =	sld [smem:$0x3FFD];
	_ =	sdelay $0x3  }
0x96: {  	_ =	strace s2  }
0x97: {  	_ =	strace $0x8FFFFFFF  }
0x98: {  	s19 =	sld [smem:$0x3FDB];
	_ =	sdelay $0x1  }
0x99: {  	s20 =	simm.s32 $_scs_section_size  }
0x9a: {  	s4 =	simm.s32 $_size__tile_overlayer_lowered;
	s5 =	simm.s32 $_tile_overlayer_lowered  }
0x9b: {  	s6 =	simm.s32 $0x1BFF;
	s21 =	sshll.u32 s5, $0x1;
	s3 =	sadd.s32 s20, s19  }
0x9c: {  	s22 =	simm.s32 $0x0;
	s4 =	sshll.u32 s4, $0x1;
	s5 =	sadd.s32 s21, s3  }
0x9d: {  	[timem:s22], [sflag:s6] =	dma.local [hbm:s5], s4  }
0x9e: {  	_ =	swait.ge [sflag:s6], s4  }
0x9f: {  	s4 =	ssub.s32 $0x0, s4;
	[sflag:s6] =	ssyncset.done $0x0  }
0xa0: {  	[sflag:s6] =	ssyncadd.s32 s4;
	_ =	sdelay $0x1  }
0xa1: {  	s23 =	simm.s32 $0x1B8B  }
0xa2: {  	_ =	swait.ge [sflag:s23], $0x1  }
0xa3: {  	[sflag:s23] =	ssyncset.done $0x0  }
0xa4: {  	[sflag:s23] =	ssyncadd.s32 $0xFFFFFFFF  }
0xa5: {  	s4 =	sld [smem:$0x0]  }
0xa6: {  	s5 =	sand.u32 $0xFFFFFFFE, s1  }
0xa7: {  	p0 =	sne.s32 s1, s5  }
0xa8: {  	s5 =	sshll.u32 @p0 s5, $0xE  }
0xa9: {  	s5 =	sadd.s32 @p0 $0x11B8D, s5;
	s6 =	sshll.u32 @p0 s4, $0x11  }
0xaa: {  	s5 =	sor.u32 @p0 s6, s5  }
0xab: {  	[sflag:s5] =	ssyncadd.remote.s32 @p0 $0x1;
	_ =	sdelay $0x1  }
0xac: {  	s5 =	simm.s32 @p0 $0x1B8D  }
0xad: {  	_ =	swait.eq @p0 [sflag:s5], $0x1  }
0xae: {  	[sflag:s5] =	ssyncadd.s32 @p0 $0xFFFFFFFF  }
0xaf: {  	s6 =	sshll.u32 @!p0 s1, $0xE  }
0xb0: {  	s6 =	sor.u32 @!p0 $0x4000, s6;
	s5 =	simm.s32 @!p0 $0x1B8D  }
0xb1: {  	s4 =	sshll.u32 @!p0 s4, $0x11;
	s6 =	sadd.s32 @!p0 $0x11B8D, s6;
	_ =	swait.eq @!p0 [sflag:s5], $0x1  }
0xb2: {  	s4 =	sor.u32 @!p0 s4, s6;
	[sflag:s5] =	ssyncadd.s32 @!p0 $0xFFFFFFFF  }
0xb3: {  	s25 =	simm.s32 $0x1B8E;
	s24 =	sld [smem:$0x3FFE];
	[sflag:s4] =	ssyncadd.remote.s32 @!p0 $0x1  }
0xb4: {  	s26 =	simm.s32 $execute0_lowered;
	[smem:$0x3FD2] =	sst s25  }
0xb5: {  	s5 =	sshll.u32 s26, $0x1;
	_ =	strace $0x80000052;
	[dreg:$0x1] =	wrdreg $0xFFFFFFFF  }
0xb6: {  	s28 =	simm.s32 $_size_execute0_lowered;
	s3 =	sadd.s32 s3, s5;
	[dreg:$0x0] =	wrdreg $0x0  }
0xb7: {  	s5 =	sshll.u32 s28, $0x1;
	[dreg:$0x2] =	wrdreg s3  }
0xb8: {  	[dreg:$0x3] =	wrdreg s5  }
0xb9: {  	[dreg:$0x4] =	wrdreg $0xC0  }
0xba: {  	_ =	task [dreg:s22], $0x5FFFF  }
0xbb: {  	[dreg:$0x1] =	wrdreg $0xFFFFFFFF  }
0xbc: {  	[dreg:$0x0] =	wrdreg $0x60  }
0xbd: {  	[dreg:$0x2] =	wrdreg s24  }
0xbe: {  	[dreg:$0x3] =	wrdreg $0xD  }
0xbf: {  	_ =	task.clear_ibuf [dreg:s22], $0x4FFFF;
	_ =	strace $0x90000052  }
0xc0: {  	s29 =	simm.s32 $0xD;
	_ =	strace $0x80000054  }
0xc1: {  	_ =	swait.ge [sflag:s29], $0x1  }
0xc2: {  	[sflag:s29] =	ssyncadd.s32 $0xFFFFFFFF  }
0xc3: {  	_ =	strace $0x90000054  }
0xc4: {  	_ =	sfence  }
0xc5: {  	s30 =	sld [smem:$0x0];
	_ =	sdelay $0x2  }
0xc6: {  	s31 =	sshll.u32 s1, $0xD;
	s1 =	sshrl.u32 s1, $0x2  }
0xc7: {  	s4 =	sand.u32 $0x4000, s31;
	s1 =	sadd.s32 s1, s30  }
0xc8: {  	s0 =	sor.u32 s4, s0;
	s1 =	sshll.u32 s1, $0x11  }
0xc9: {  	s0 =	sor.u32 s1, s0  }
0xca: {  	s0 =	sadd.s32 $0x8F2B, s0  }
0xcb: {  	[sflag:s0] =	ssyncadd.remote.s32 $0x1  }
0xcc: {  	_ =	sfence.sel $0xFFFF  }
0xcd: {  	[dreg:$0x0] =	wrdreg $0xFFFFFFFF;
	(pc) =	sbr.abs _section_cstart, $3  }
0xce: {  	[dreg:$0x1] =	wrdreg $0xFFFFFFFF  }
0xcf: {  	_ =	task.clear_ibuf [dreg:s22], $0x2FFFF;
	_ =	strace $0x9FFFFFFF  }
0xd0: {  	(tm) =	ssettm $0x7FFFFFFF  }
0xd1: {  	_ =	shalt  }
tec
execute0_lowered:
.L_overlay_start_1:
0x0: {  	(tag) =	ssettag $0x1  }
0x1: {  	s1 =	srdreg.scid  }
0x2: {  	s0 =	stileid.u32;
	s6 =	rddreg [dreg:$0x0]  }
0x3: {  	s2 =	simm.s32 $0x0;
	s10 =	simm.s32 $0x5;
	s11 =	simm.s32 $0x800  }
0x4: {  	s12 =	simm.s32 $0x50;
	s13 =	simm.s32 $0x1000;
	s14 =	simm.s32 $0x6000  }
0x5: {  	s15 =	simm.s32 $0x1;
	s16 =	simm.s32 $0x3;
	s17 =	simm.s32 $0xB000  }
0x6: {  	s18 =	simm.s32 $0x6;
	s5 =	sand.u32 $0x1, s1;
	s3 =	sshll.u32 s0, $0x1  }
0x7: {  	s19 =	simm.s32 $0x2;
	s20 =	simm.s32 $0x4;
	s3 =	sor.u32 s5, s3  }
0x8: {  	s21 =	simm.s32 $0xD800;
	s22 =	simm.s32 $0x0;
	s3 =	smul.u32 $0x7D0, s3  }
.Ltmp0:
0x9: {  	s1 =	rddreg [dreg:$0x1];
	s7 =	ssub.s32 $0x2, s5;
	(pc) =	sbr.rel .LBB2_1-.Ltmp0, $4  }
0xa: {  	[smem:$0x7FF] =	sst s2;
	s4 =	sadd.s32 $0x16400, s6;
	s9 =	sshrl.u32 s7, $0x1  }
0xb: {  	_ =	strace $0x80000053;
	s9 =	ssub.s32 s7, s9;
	s8 =	sshrl.u32 s3, $0x3  }
0xc: {  	s5 =	sadd.s32 $0x3D600, s6;
	s9 =	smax.u32 s9, $0x1;
	s8 =	sadd.s32 s6, s8  }
0xd: {  	s6 =	sadd.s32 $0x44C800, s6;
	s7 =	sadd.s32 $0x14300, s8;
	s8 =	sadd.s32 $0xA500, s8  }
.LBB2_9:
0xe: {  	s22 =	sadd.s32 $0x1, s22  }
0xf: {  	p0 =	sne.s32 s22, s9  }
.Ltmp1:
0x10: {  	_ = 	snop;
	(pc) =	sbr.rel @!p0 .LBB2_10-.Ltmp1, $1  }
0x11: {  	_ =	sdelay $0x3  }
.LBB2_1:
0x12: {  	[tilespmem:s2], [sflag:$0x5] =	stream.linear.gather [hbm4b:s7+s2], $0x7D0, $0x38;
	[tilespmem:$0x10000] =	vst v63  }
0x13: {  	_ =	swait.ge [sflag:s10], $0x7D0  }
0x14: {  	[sflag:s10] =	ssyncset.done $0x0  }
0x15: {  	[sflag:s10] =	ssyncadd.s32 $0xFFFFF830  }
0x16: {  	[tilespmem:s11], [sflag:$0x5] =	stream.linear.gather [hbm4b:s8+s2], $0x7D0, $0x38;
	[tilespmem:$0x10000] =	vst v63  }
0x17: {  	_ =	swait.ge [sflag:s10], $0x7D0  }
.Ltmp2:
0x18: {  	[sflag:s10] =	ssyncset.done $0x0;
	(pc) =	sbr.rel .LBB2_2-.Ltmp2, $4  }
0x19: {  	[sflag:s10] =	ssyncadd.s32 $0xFFFFF830  }
0x1a: {  	[tilespmem:s13], [sflag:$0x1] =	stream.indirect.gather [hbm4b:s4+s12], $0x80, s2, s12, $0xb8;
	[tilespmem:$0x10000] =	vst v63  }
0x1b: {  	s23 =	simm.s32 $0x0  }
0x1c: {  	[tilespmem:s14], [sflag:$0x3] =	stream.indirect.gather [hbm4b:s5+s12], $0x80, s11, s12, $0xb8;
	[tilespmem:$0x10000] =	vst v63  }
.LBB2_8:
0x1d: {  	s23 =	sadd.s32 $0x1, s23  }
0x1e: {  	p0 =	sne.s32 s23, $0xD  }
.Ltmp3:
0x1f: {  	_ = 	snop;
	(pc) =	sbr.rel @!p0 .LBB2_9-.Ltmp3, $1  }
0x20: {  	_ =	sdelay $0x3  }
.LBB2_2:
0x21: {  	s24 =	sshllo.u32 s23, $0x1  }
0x22: {  	p0 =	sgt.u32 s24, $0x18  }
0x23: {  	s25 =	smul.u32 @!p0 $0x50, s24  }
0x24: {  	s26 =	simm.s32 @!p0 $0x50;
	s28 =	simm.s32 @!p0 $0x3800  }
0x25: {  	[tilespmem:s28], [sflag:$0x2] =	stream.indirect.gather @!p0 [hbm4b:s4+s26], $0x80, s25, s26, $0xb8;
	[tilespmem:$0x10000] =	vst v63  }
0x26: {  	s25 =	sadd.s32 @!p0 $0x800, s25;
	s28 =	simm.s32 @!p0 $0x8800  }
0x27: {  	[tilespmem:s28], [sflag:$0x4] =	stream.indirect.gather @!p0 [hbm4b:s5+s26], $0x80, s25, s26, $0xb8;
	[tilespmem:$0x10000] =	vst v63  }
0x28: {  	_ =	swait.ge [sflag:s15], $0x2800  }
0x29: {  	[sflag:s15] =	ssyncset.done $0x0  }
0x2a: {  	[sflag:s15] =	ssyncadd.s32 $0xFFFFD800  }
0x2b: {  	_ =	swait.ge [sflag:s16], $0x2800  }
0x2c: {  	[sflag:s16] =	ssyncset.done $0x0  }
0x2d: {  	s25 =	simm.s32 $0x0;
	[sflag:s16] =	ssyncadd.s32 $0xFFFFD800  }
0x2e: {  	v0 =	vld [tilespmem:s25+$0x1060]  }
0x2f: {  	v1 =	vld [tilespmem:s25+$0x6060]  }
0x30: {  	v2 =	vld [tilespmem:s25+$0x1070]  }
0x31: {  	v3 =	vld [tilespmem:s25+$0x6070]  }
0x32: {  	v4 =	vld [tilespmem:s25+$0x1000]  }
0x33: {  	v5 =	vld [tilespmem:s25+$0x6000]  }
0x34: {  	v6 =	vld [tilespmem:s25+$0x1010]  }
0x35: {  	v7 =	vld [tilespmem:s25+$0x6010]  }
0x36: {  	v8 =	vld [tilespmem:s25+$0x1020]  }
0x37: {  	v0 =	vadd.f32 v1, v0;
	v1 =	vadd.f32 v3, v2;
	v2 =	vld [tilespmem:s25+$0x6020]  }
0x38: {  	v3 =	vld [tilespmem:s25+$0x1030]  }
0x39: {  	v4 =	vadd.f32 v5, v4;
	v5 =	vld [tilespmem:s25+$0x6030];
	v9 =	vshrl.u32 v0, $0x10;
	v10 =	vshrl.u32 v1, $0x10  }
0x3a: {  	v9 =	vand.u32 $0x1, v9;
	v10 =	vand.u32 $0x1, v10  }
0x3b: {  	v6 =	vadd.f32 v7, v6;
	v7 =	vld [tilespmem:s25+$0x1040];
	v0 =	vadd.s32 v9, v0;
	v1 =	vadd.s32 v10, v1  }
0x3c: {  	v9 =	vshrl.u32 v4, $0x10;
	v10 =	vld [tilespmem:s25+$0x6040];
	v0 =	vadd.s32 $0x7FFF, v0;
	v1 =	vadd.s32 $0x7FFF, v1  }
0x3d: {  	v11 =	vld [tilespmem:s25+$0x1050];
	v2 =	vadd.f32 v2, v8;
	v8 =	vand.u32 $0x1, v9;
	v9 =	vshrl.u32 v6, $0x10  }
0x3e: {  	v12 =	vld [tilespmem:s25+$0x6050];
	v3 =	vadd.f32 v5, v3;
	v0 =	vshrl.u32 v0, $0x10;
	v1 =	vand.u32 $0xFFFF0000, v1  }
0x3f: {  	v0 =	vor.u32 v0, v1;
	v1 =	vand.u32 $0x1, v9;
	v5 =	vshrl.u32 v2, $0x10  }
0x40: {  	s26 =	simm.s32 $0x80;
	v8 =	vadd.s32 v8, v4;
	[tilespmem:s25+$0xB030] =	vst v0;
	v9 =	vadd.s32 v1, v6;
	v1 =	vand.u32 $0x1, v5  }
0x41: {  	v0 =	vld [tilespmem:s26+$0x1060];
	v6 =	vadd.s32 v1, v2;
	v2 =	vshrl.u32 v3, $0x10;
	v4 =	vadd.f32 v10, v7  }
0x42: {  	v1 =	vld [tilespmem:s26+$0x6060];
	v7 =	vadd.s32 $0x7FFF, v8;
	v5 =	vadd.s32 $0x7FFF, v9;
	v8 =	vand.u32 $0x1, v2  }
0x43: {  	s28 =	simm.s32 $0x400;
	v2 =	vld [tilespmem:s26+$0x1070];
	v8 =	vadd.s32 v8, v3;
	v3 =	vadd.f32 v12, v11;
	v9 =	vshrl.u32 v4, $0x10  }
.LBB2_3:
0x44: {  	p1 =	sne.s32 s28, $0x9E00;
	v10 =	vld [tilespmem:s26+$0x6070];
	v6 =	vadd.s32 $0x7FFF, v6;
	v8 =	vadd.s32 $0x7FFF, v8;
	v9 =	vand.u32 $0x1, v9  }
0x45: {  	v7 =	vshrl.u32 v7, $0x10;
	v11 =	vld [tilespmem:s26+$0x1000];
	v4 =	vadd.s32 v9, v4;
	v9 =	vshrl.u32 v3, $0x10  }
0x46: {  	v5 =	vand.u32 $0xFFFF0000, v5;
	v12 =	vld [tilespmem:s26+$0x6000];
	v4 =	vadd.s32 $0x7FFF, v4;
	v9 =	vand.u32 $0x1, v9  }
0x47: {  	v6 =	vshrl.u32 v6, $0x10;
	v8 =	vand.u32 $0xFFFF0000, v8;
	v13 =	vld [tilespmem:s26+$0x1010];
	v3 =	vadd.s32 v9, v3  }
0x48: {  	v5 =	vor.u32 v7, v5;
	v4 =	vshrl.u32 v4, $0x10;
	v9 =	vld [tilespmem:s26+$0x6010];
	v3 =	vadd.s32 $0x7FFF, v3  }
0x49: {  	v0 =	vadd.f32 v1, v0;
	v7 =	vld [tilespmem:s26+$0x1020];
	v1 =	vadd.f32 v10, v2;
	[tilespmem:s25+$0xB000] =	vst v5;
	v2 =	vand.u32 $0xFFFF0000, v3  }
0x4a: {  	v5 =	vor.u32 v6, v8;
	v3 =	vld [tilespmem:s26+$0x6020];
	v2 =	vor.u32 v4, v2  }
0x4b: {  	v8 =	vshrl.u32 v0, $0x10;
	v4 =	vadd.f32 v12, v11;
	v6 =	vld [tilespmem:s26+$0x1030];
	v10 =	vshrl.u32 v1, $0x10;
	[tilespmem:s25+$0xB010] =	vst v5  }
0x4c: {  	v8 =	vand.u32 $0x1, v8;
	v5 =	vld [tilespmem:s26+$0x6030];
	v10 =	vand.u32 $0x1, v10;
	[tilespmem:s25+$0xB020] =	vst v2;
	s25 =	smov.u32 s26  }
0x4d: {  	v0 =	vadd.s32 v8, v0;
	v2 =	vadd.f32 v9, v13;
	v9 =	vld [tilespmem:s25+$0x1040];
	v1 =	vadd.s32 v10, v1  }
0x4e: {  	v0 =	vadd.s32 $0x7FFF, v0;
	v8 =	vshrl.u32 v4, $0x10;
	v10 =	vld [tilespmem:s25+$0x6040];
	v1 =	vadd.s32 $0x7FFF, v1  }
0x4f: {  	v0 =	vshrl.u32 v0, $0x10;
	v3 =	vadd.f32 v3, v7;
	v11 =	vld [tilespmem:s25+$0x1050];
	v1 =	vand.u32 $0xFFFF0000, v1  }
0x50: {  	v7 =	vand.u32 $0x1, v8;
	v8 =	vshrl.u32 v2, $0x10;
	v12 =	vld [tilespmem:s25+$0x6050];
	v0 =	vor.u32 v0, v1  }
.Ltmp4:
0x51: {  	v1 =	vand.u32 $0x1, v8;
	v8 =	vadd.f32 v5, v6;
	v5 =	vshrl.u32 v3, $0x10;
	[tilespmem:s25+$0xB030] =	vst v0;
	(pc) =	sbr.rel @p1 .LBB2_3-.Ltmp4, $4  }
0x52: {  	s26 =	sshra.s32 s28, $0x2;
	v7 =	vadd.s32 v7, v4;
	v2 =	vadd.s32 v1, v2;
	v1 =	vand.u32 $0x1, v5  }
0x53: {  	v0 =	vld [tilespmem:s26+$0x1060];
	v6 =	vadd.s32 v1, v3;
	v3 =	vshrl.u32 v8, $0x10;
	v4 =	vadd.f32 v10, v9  }
0x54: {  	v7 =	vadd.s32 $0x7FFF, v7;
	v5 =	vadd.s32 $0x7FFF, v2;
	v1 =	vld [tilespmem:s26+$0x6060];
	v3 =	vand.u32 $0x1, v3  }
0x55: {  	s28 =	sadd.s32 $0x200, s28;
	v2 =	vld [tilespmem:s26+$0x1070];
	v8 =	vadd.s32 v3, v8;
	v3 =	vadd.f32 v12, v11;
	v9 =	vshrl.u32 v4, $0x10  }
0x56: {  	v10 =	vld [tilespmem:s26+$0x6070]  }
0x57: {  	v11 =	vld [tilespmem:s26+$0x1000];
	v6 =	vadd.s32 $0x7FFF, v6  }
0x58: {  	v12 =	vld [tilespmem:s26+$0x6000];
	v9 =	vand.u32 $0x1, v9;
	v7 =	vshrl.u32 v7, $0x10;
	v5 =	vand.u32 $0xFFFF0000, v5  }
0x59: {  	v13 =	vld [tilespmem:s26+$0x1010];
	v34 =	vadd.s32 $0x7FFF, v8;
	v4 =	vadd.s32 v9, v4;
	v32 =	vshrl.u32 v3, $0x10  }
0x5a: {  	v14 =	vld [tilespmem:s26+$0x6010];
	v5 =	vor.u32 v7, v5;
	v6 =	vshrl.u32 v6, $0x10;
	v35 =	vand.u32 $0x1, v32  }
0x5b: {  	v33 =	vld [tilespmem:s26+$0x1020];
	[tilespmem:s25+$0xB000] =	vst v5;
	v4 =	vadd.s32 $0x7FFF, v4;
	v5 =	vand.u32 $0xFFFF0000, v34;
	v36 =	vadd.s32 v35, v3  }
0x5c: {  	v0 =	vadd.f32 v1, v0;
	v38 =	vor.u32 v6, v5;
	v3 =	vadd.s32 $0x7FFF, v36  }
0x5d: {  	v37 =	vld [tilespmem:s26+$0x6020];
	v4 =	vshrl.u32 v4, $0x10;
	v2 =	vadd.f32 v10, v2;
	v3 =	vand.u32 $0xFFFF0000, v3  }
0x5e: {  	v39 =	vld [tilespmem:s26+$0x1030];
	[tilespmem:s25+$0xB010] =	vst v38;
	v41 =	vshrl.u32 v0, $0x10;
	v43 =	vadd.f32 v12, v11;
	v40 =	vor.u32 v4, v3  }
0x5f: {  	v42 =	vld [tilespmem:s26+$0x6030];
	v46 =	vadd.f32 v14, v13;
	v3 =	vand.u32 $0x1, v41;
	[tilespmem:s25+$0xB020] =	vst v40  }
0x60: {  	v44 =	vshrl.u32 v2, $0x10;
	v0 =	vadd.s32 v3, v0;
	v48 =	vshrl.u32 v43, $0x10;
	v47 =	vld [tilespmem:s26+$0x1040]  }
0x61: {  	v51 =	vshrl.u32 v46, $0x10;
	v45 =	vand.u32 $0x1, v44;
	v49 =	vld [tilespmem:s26+$0x6040];
	v0 =	vadd.s32 $0x7FFF, v0  }
0x62: {  	v7 =	vadd.f32 v37, v33;
	v50 =	vld [tilespmem:s26+$0x1050];
	v55 =	vand.u32 $0x1, v51;
	v1 =	vadd.s32 v45, v2  }
0x63: {  	v52 =	vld [tilespmem:s26+$0x6050];
	v0 =	vshrl.u32 v0, $0x10;
	v2 =	vand.u32 $0x1, v48;
	v5 =	vadd.s32 v55, v46  }
0x64: {  	v1 =	vadd.s32 $0x7FFF, v1;
	v53 =	vadd.f32 v42, v39;
	v54 =	vshrl.u32 v7, $0x10  }
0x65: {  	v2 =	vadd.s32 v2, v43;
	v5 =	vadd.s32 $0x7FFF, v5;
	v1 =	vand.u32 $0xFFFF0000, v1  }
0x66: {  	v4 =	vand.u32 $0x1, v54;
	v2 =	vadd.s32 $0x7FFF, v2;
	v5 =	vand.u32 $0xFFFF0000, v5  }
0x67: {  	v0 =	vor.u32 v0, v1;
	v4 =	vadd.s32 v4, v7;
	v56 =	vshrl.u32 v53, $0x10  }
0x68: {  	v2 =	vshrl.u32 v2, $0x10;
	v3 =	vadd.f32 v49, v47;
	v57 =	vadd.f32 v52, v50  }
0x69: {  	v6 =	vand.u32 $0x1, v56;
	v4 =	vadd.s32 $0x7FFF, v4;
	v61 =	vor.u32 v2, v5  }
0x6a: {  	v1 =	vadd.s32 v6, v53;
	v58 =	vshrl.u32 v3, $0x10;
	v8 =	vshrl.u32 v57, $0x10  }
0x6b: {  	v4 =	vshrl.u32 v4, $0x10;
	v7 =	vand.u32 $0x1, v58;
	v59 =	vand.u32 $0x1, v8  }
0x6c: {  	s25 =	smul.u32 $0xA0, s23;
	v1 =	vadd.s32 $0x7FFF, v1;
	v3 =	vadd.s32 v7, v3;
	v6 =	vadd.s32 v59, v57  }
0x6d: {  	[tilespmem:s26+$0xB030] =	vst v0;
	v60 =	vand.u32 $0xFFFF0000, v1;
	v3 =	vadd.s32 $0x7FFF, v3;
	v62 =	vadd.s32 $0x7FFF, v6  }
0x6e: {  	s28 =	sadd.s32 s3, s25;
	[tilespmem:s26+$0xB000] =	vst v61;
	v0 =	vor.u32 v4, v60;
	v3 =	vshrl.u32 v3, $0x10;
	v63 =	vand.u32 $0xFFFF0000, v62  }
0x6f: {  	s28 =	sshll.u32 s28, $0x4;
	[tilespmem:s26+$0xB010] =	vst v0;
	v1 =	vor.u32 v3, v63  }
0x70: {  	s31 =	sadd.s32 s6, s28;
	[tilespmem:s26+$0xB020] =	vst v1  }
0x71: {  	[hbm4b:s31+s2] =	stream.linear.scatter [tilespmem:s17], [sflag:$0x6], $0x2800, $0x38;
	[tilespmem:$0x10000] =	vst v63  }
0x72: {  	p1 =	seq.s32 s23, $0xC;
	_ =	swait.ge [sflag:s18], $0x2800  }
.Ltmp5:
0x73: {  	s29 =	simm.s32 @!p1 $0x1000;
	[sflag:s18] =	ssyncset.done $0x0;
	(pc) =	sbr.rel @p0 .LBB2_8-.Ltmp5, $4  }
0x74: {  	s28 =	simm.s32 @!p1 $0x50;
	s26 =	sadd.s32 @!p1 $0xA0, s25;
	[sflag:s18] =	ssyncadd.s32 $0xFFFFD800  }
0x75: {  	[tilespmem:s29], [sflag:$0x1] =	stream.indirect.gather @!p1 [hbm4b:s4+s28], $0x80, s26, s28, $0xb8;
	[tilespmem:$0x10000] =	vst v63  }
0x76: {  	s25 =	sadd.s32 @!p1 $0x8A0, s25;
	s26 =	simm.s32 @!p1 $0x6000  }
0x77: {  	[tilespmem:s26], [sflag:$0x3] =	stream.indirect.gather @!p1 [hbm4b:s5+s28], $0x80, s25, s28, $0xb8;
	[tilespmem:$0x10000] =	vst v63  }
0x78: {  	_ =	swait.ge [sflag:s19], $0x2800  }
0x79: {  	[sflag:s19] =	ssyncset.done $0x0  }
0x7a: {  	[sflag:s19] =	ssyncadd.s32 $0xFFFFD800  }
0x7b: {  	_ =	swait.ge [sflag:s20], $0x2800  }
0x7c: {  	[sflag:s20] =	ssyncset.done $0x0  }
0x7d: {  	s25 =	simm.s32 $0x0;
	[sflag:s20] =	ssyncadd.s32 $0xFFFFD800  }
0x7e: {  	v0 =	vld [tilespmem:s25+$0x3860]  }
0x7f: {  	v1 =	vld [tilespmem:s25+$0x8860]  }
0x80: {  	v2 =	vld [tilespmem:s25+$0x3870]  }
0x81: {  	v3 =	vld [tilespmem:s25+$0x8870]  }
0x82: {  	v4 =	vld [tilespmem:s25+$0x3800]  }
0x83: {  	v5 =	vld [tilespmem:s25+$0x8800]  }
0x84: {  	v6 =	vld [tilespmem:s25+$0x3810]  }
0x85: {  	v7 =	vld [tilespmem:s25+$0x8810]  }
0x86: {  	v8 =	vld [tilespmem:s25+$0x3820]  }
0x87: {  	v0 =	vadd.f32 v1, v0;
	v1 =	vadd.f32 v3, v2;
	v2 =	vld [tilespmem:s25+$0x8820]  }
0x88: {  	v3 =	vld [tilespmem:s25+$0x3830]  }
0x89: {  	v4 =	vadd.f32 v5, v4;
	v5 =	vld [tilespmem:s25+$0x8830];
	v9 =	vshrl.u32 v0, $0x10;
	v10 =	vshrl.u32 v1, $0x10  }
0x8a: {  	v9 =	vand.u32 $0x1, v9;
	v10 =	vand.u32 $0x1, v10  }
0x8b: {  	v6 =	vadd.f32 v7, v6;
	v7 =	vld [tilespmem:s25+$0x3840];
	v0 =	vadd.s32 v9, v0;
	v1 =	vadd.s32 v10, v1  }
0x8c: {  	v9 =	vshrl.u32 v4, $0x10;
	v10 =	vld [tilespmem:s25+$0x8840];
	v0 =	vadd.s32 $0x7FFF, v0;
	v1 =	vadd.s32 $0x7FFF, v1  }
0x8d: {  	v11 =	vld [tilespmem:s25+$0x3850];
	v2 =	vadd.f32 v2, v8;
	v8 =	vand.u32 $0x1, v9;
	v9 =	vshrl.u32 v6, $0x10  }
0x8e: {  	v12 =	vld [tilespmem:s25+$0x8850];
	v3 =	vadd.f32 v5, v3;
	v0 =	vshrl.u32 v0, $0x10;
	v1 =	vand.u32 $0xFFFF0000, v1  }
0x8f: {  	v0 =	vor.u32 v0, v1;
	v1 =	vand.u32 $0x1, v9;
	v5 =	vshrl.u32 v2, $0x10  }
0x90: {  	s26 =	simm.s32 $0x80;
	v8 =	vadd.s32 v8, v4;
	[tilespmem:s25+$0xD830] =	vst v0;
	v9 =	vadd.s32 v1, v6;
	v1 =	vand.u32 $0x1, v5  }
0x91: {  	v0 =	vld [tilespmem:s26+$0x3860];
	v6 =	vadd.s32 v1, v2;
	v2 =	vshrl.u32 v3, $0x10;
	v4 =	vadd.f32 v10, v7  }
0x92: {  	v1 =	vld [tilespmem:s26+$0x8860];
	v7 =	vadd.s32 $0x7FFF, v8;
	v5 =	vadd.s32 $0x7FFF, v9;
	v8 =	vand.u32 $0x1, v2  }
0x93: {  	s28 =	simm.s32 $0x400;
	v2 =	vld [tilespmem:s26+$0x3870];
	v8 =	vadd.s32 v8, v3;
	v3 =	vadd.f32 v12, v11;
	v9 =	vshrl.u32 v4, $0x10  }
.LBB2_6:
0x94: {  	p0 =	sne.s32 s28, $0x9E00;
	v10 =	vld [tilespmem:s26+$0x8870];
	v6 =	vadd.s32 $0x7FFF, v6;
	v8 =	vadd.s32 $0x7FFF, v8;
	v9 =	vand.u32 $0x1, v9  }
0x95: {  	v7 =	vshrl.u32 v7, $0x10;
	v11 =	vld [tilespmem:s26+$0x3800];
	v4 =	vadd.s32 v9, v4;
	v9 =	vshrl.u32 v3, $0x10  }
0x96: {  	v5 =	vand.u32 $0xFFFF0000, v5;
	v12 =	vld [tilespmem:s26+$0x8800];
	v4 =	vadd.s32 $0x7FFF, v4;
	v9 =	vand.u32 $0x1, v9  }
0x97: {  	v6 =	vshrl.u32 v6, $0x10;
	v8 =	vand.u32 $0xFFFF0000, v8;
	v13 =	vld [tilespmem:s26+$0x3810];
	v3 =	vadd.s32 v9, v3  }
0x98: {  	v5 =	vor.u32 v7, v5;
	v4 =	vshrl.u32 v4, $0x10;
	v9 =	vld [tilespmem:s26+$0x8810];
	v3 =	vadd.s32 $0x7FFF, v3  }
0x99: {  	v0 =	vadd.f32 v1, v0;
	v7 =	vld [tilespmem:s26+$0x3820];
	v1 =	vadd.f32 v10, v2;
	[tilespmem:s25+$0xD800] =	vst v5;
	v2 =	vand.u32 $0xFFFF0000, v3  }
0x9a: {  	v5 =	vor.u32 v6, v8;
	v3 =	vld [tilespmem:s26+$0x8820];
	v2 =	vor.u32 v4, v2  }
0x9b: {  	v8 =	vshrl.u32 v0, $0x10;
	v4 =	vadd.f32 v12, v11;
	v6 =	vld [tilespmem:s26+$0x3830];
	v10 =	vshrl.u32 v1, $0x10;
	[tilespmem:s25+$0xD810] =	vst v5  }
0x9c: {  	v8 =	vand.u32 $0x1, v8;
	v5 =	vld [tilespmem:s26+$0x8830];
	v10 =	vand.u32 $0x1, v10;
	[tilespmem:s25+$0xD820] =	vst v2;
	s25 =	smov.u32 s26  }
0x9d: {  	v0 =	vadd.s32 v8, v0;
	v2 =	vadd.f32 v9, v13;
	v9 =	vld [tilespmem:s25+$0x3840];
	v1 =	vadd.s32 v10, v1  }
0x9e: {  	v0 =	vadd.s32 $0x7FFF, v0;
	v8 =	vshrl.u32 v4, $0x10;
	v10 =	vld [tilespmem:s25+$0x8840];
	v1 =	vadd.s32 $0x7FFF, v1  }
0x9f: {  	v0 =	vshrl.u32 v0, $0x10;
	v3 =	vadd.f32 v3, v7;
	v11 =	vld [tilespmem:s25+$0x3850];
	v1 =	vand.u32 $0xFFFF0000, v1  }
0xa0: {  	v7 =	vand.u32 $0x1, v8;
	v8 =	vshrl.u32 v2, $0x10;
	v12 =	vld [tilespmem:s25+$0x8850];
	v0 =	vor.u32 v0, v1  }
.Ltmp6:
0xa1: {  	v1 =	vand.u32 $0x1, v8;
	v8 =	vadd.f32 v5, v6;
	v5 =	vshrl.u32 v3, $0x10;
	[tilespmem:s25+$0xD830] =	vst v0;
	(pc) =	sbr.rel @p0 .LBB2_6-.Ltmp6, $4  }
0xa2: {  	s26 =	sshra.s32 s28, $0x2;
	v7 =	vadd.s32 v7, v4;
	v2 =	vadd.s32 v1, v2;
	v1 =	vand.u32 $0x1, v5  }
0xa3: {  	v0 =	vld [tilespmem:s26+$0x3860];
	v6 =	vadd.s32 v1, v3;
	v3 =	vshrl.u32 v8, $0x10;
	v4 =	vadd.f32 v10, v9  }
0xa4: {  	v7 =	vadd.s32 $0x7FFF, v7;
	v5 =	vadd.s32 $0x7FFF, v2;
	v1 =	vld [tilespmem:s26+$0x8860];
	v3 =	vand.u32 $0x1, v3  }
0xa5: {  	s28 =	sadd.s32 $0x200, s28;
	v2 =	vld [tilespmem:s26+$0x3870];
	v8 =	vadd.s32 v3, v8;
	v3 =	vadd.f32 v12, v11;
	v9 =	vshrl.u32 v4, $0x10  }
0xa6: {  	v10 =	vld [tilespmem:s26+$0x8870]  }
0xa7: {  	v11 =	vld [tilespmem:s26+$0x3800];
	v6 =	vadd.s32 $0x7FFF, v6  }
0xa8: {  	v12 =	vld [tilespmem:s26+$0x8800];
	v9 =	vand.u32 $0x1, v9;
	v7 =	vshrl.u32 v7, $0x10;
	v5 =	vand.u32 $0xFFFF0000, v5  }
0xa9: {  	v13 =	vld [tilespmem:s26+$0x3810];
	v34 =	vadd.s32 $0x7FFF, v8;
	v4 =	vadd.s32 v9, v4;
	v32 =	vshrl.u32 v3, $0x10  }
0xaa: {  	v14 =	vld [tilespmem:s26+$0x8810];
	v5 =	vor.u32 v7, v5;
	v6 =	vshrl.u32 v6, $0x10;
	v35 =	vand.u32 $0x1, v32  }
0xab: {  	v33 =	vld [tilespmem:s26+$0x3820];
	[tilespmem:s25+$0xD800] =	vst v5;
	v4 =	vadd.s32 $0x7FFF, v4;
	v5 =	vand.u32 $0xFFFF0000, v34;
	v36 =	vadd.s32 v35, v3  }
0xac: {  	v0 =	vadd.f32 v1, v0;
	v38 =	vor.u32 v6, v5;
	v3 =	vadd.s32 $0x7FFF, v36  }
0xad: {  	v37 =	vld [tilespmem:s26+$0x8820];
	v4 =	vshrl.u32 v4, $0x10;
	v2 =	vadd.f32 v10, v2;
	v3 =	vand.u32 $0xFFFF0000, v3  }
0xae: {  	v39 =	vld [tilespmem:s26+$0x3830];
	[tilespmem:s25+$0xD810] =	vst v38;
	v41 =	vshrl.u32 v0, $0x10;
	v43 =	vadd.f32 v12, v11;
	v40 =	vor.u32 v4, v3  }
0xaf: {  	v42 =	vld [tilespmem:s26+$0x8830];
	v46 =	vadd.f32 v14, v13;
	v3 =	vand.u32 $0x1, v41;
	[tilespmem:s25+$0xD820] =	vst v40  }
0xb0: {  	v44 =	vshrl.u32 v2, $0x10;
	v0 =	vadd.s32 v3, v0;
	v48 =	vshrl.u32 v43, $0x10;
	v47 =	vld [tilespmem:s26+$0x3840]  }
0xb1: {  	v51 =	vshrl.u32 v46, $0x10;
	v45 =	vand.u32 $0x1, v44;
	v49 =	vld [tilespmem:s26+$0x8840];
	v0 =	vadd.s32 $0x7FFF, v0  }
0xb2: {  	v7 =	vadd.f32 v37, v33;
	v50 =	vld [tilespmem:s26+$0x3850];
	v55 =	vand.u32 $0x1, v51;
	v1 =	vadd.s32 v45, v2  }
0xb3: {  	v52 =	vld [tilespmem:s26+$0x8850];
	v0 =	vshrl.u32 v0, $0x10;
	v2 =	vand.u32 $0x1, v48;
	v5 =	vadd.s32 v55, v46  }
0xb4: {  	v1 =	vadd.s32 $0x7FFF, v1;
	v53 =	vadd.f32 v42, v39;
	v54 =	vshrl.u32 v7, $0x10  }
0xb5: {  	v2 =	vadd.s32 v2, v43;
	v5 =	vadd.s32 $0x7FFF, v5;
	v1 =	vand.u32 $0xFFFF0000, v1  }
0xb6: {  	v4 =	vand.u32 $0x1, v54;
	v2 =	vadd.s32 $0x7FFF, v2;
	v5 =	vand.u32 $0xFFFF0000, v5  }
0xb7: {  	v0 =	vor.u32 v0, v1;
	v4 =	vadd.s32 v4, v7;
	v56 =	vshrl.u32 v53, $0x10  }
0xb8: {  	v2 =	vshrl.u32 v2, $0x10;
	v3 =	vadd.f32 v49, v47;
	v57 =	vadd.f32 v52, v50  }
0xb9: {  	v6 =	vand.u32 $0x1, v56;
	v4 =	vadd.s32 $0x7FFF, v4;
	v61 =	vor.u32 v2, v5  }
0xba: {  	v1 =	vadd.s32 v6, v53;
	v58 =	vshrl.u32 v3, $0x10;
	v8 =	vshrl.u32 v57, $0x10  }
0xbb: {  	v4 =	vshrl.u32 v4, $0x10;
	v7 =	vand.u32 $0x1, v58;
	v59 =	vand.u32 $0x1, v8  }
0xbc: {  	s24 =	smul.u32 $0x50, s24;
	v1 =	vadd.s32 $0x7FFF, v1;
	v3 =	vadd.s32 v7, v3;
	v6 =	vadd.s32 v59, v57  }
0xbd: {  	[tilespmem:s26+$0xD830] =	vst v0;
	v60 =	vand.u32 $0xFFFF0000, v1;
	v3 =	vadd.s32 $0x7FFF, v3;
	v62 =	vadd.s32 $0x7FFF, v6  }
0xbe: {  	s24 =	sadd.s32 s3, s24;
	[tilespmem:s26+$0xD800] =	vst v61;
	v0 =	vor.u32 v4, v60;
	v3 =	vshrl.u32 v3, $0x10;
	v63 =	vand.u32 $0xFFFF0000, v62  }
0xbf: {  	s24 =	sshll.u32 s24, $0x4;
	[tilespmem:s26+$0xD810] =	vst v0;
	v1 =	vor.u32 v3, v63  }
.Ltmp7:
0xc0: {  	s24 =	sadd.s32 s6, s24;
	[tilespmem:s26+$0xD820] =	vst v1;
	(pc) =	sbr.rel .LBB2_8-.Ltmp7, $4  }
0xc1: {  	[hbm4b:s24+s2] =	stream.linear.scatter [tilespmem:s21], [sflag:$0x5], $0x2800, $0x38;
	[tilespmem:$0x10000] =	vst v63  }
0xc2: {  	_ =	swait.ge [sflag:s10], $0x2800  }
0xc3: {  	[sflag:s10] =	ssyncset.done $0x0  }
0xc4: {  	[sflag:s10] =	ssyncadd.s32 $0xFFFFD800  }
.LBB2_10:
0xc5: {  	_ =	sfence.sel $0x180000  }
0xc6: {  	[bflag:$0x0] =	sbarrier.arrive $0xFFFF  }
0xc7: {  	p0 =	sne.s32 s0, $0x0;
	_ =	strace $0x90000053  }
0xc8: {  	s0 =	sadd.s32 @!p0 $0x100000, s1;
	[bflag:$0x2] =	sbarrier.arrive $0xFFFF  }
0xc9: {  	[sflag:s0] =	ssyncadd.tile.s32 @!p0 $0x1;
	_ =	shalt  }
.Lfunc_end2:
_tile_overlayer_lowered:
.L_overlay_start_2:
0xca: {  	(tag) =	ssettag $0x2  }
0xcb: {  	s0 =	rddreg [dreg:$0x0];
	s2 =	stileid.u32  }
0xcc: {  	s1 =	rddreg [dreg:$0x1];
	p0 =	sne.s32 s2, $0x0  }
0xcd: {  	s3 =	rddreg [dreg:$0x2];
	[bflag:$0x3] =	sbarrier.arrive $0xFFFF;
	s2 =	simm.s32 @!p0 $0x1C05  }
0xce: {  	[timem:s3], [sflag:s2] =	dma.local @!p0 [hbm:s0], s1  }
0xcf: {  	s0 =	simm.s32 @!p0 $0x5  }
0xd0: {  	_ =	swait.ge @!p0 [sflag:s0], s1  }
0xd1: {  	s1 =	ssub.s32 @!p0 $0x0, s1;
	[sflag:s0] =	ssyncset.done @!p0 $0x0  }
0xd2: {  	[sflag:s0] =	ssyncadd.s32 @!p0 s1  }
0xd3: {  	[bflag:$0x3] =	sbarrier.arrive $0xFFFF  }
0xd4: {  	_ =	shalt  }

</sc_bundles>
